<compile_context>
chip_gen: v7x
topology: tpu7x:2x2x1
jax: 0.10.2.dev20260603
libtpu: 0.0.44.dev20260713+nightly
codegen_flags: <defaults>
</compile_context>

<pallas_src>
import functools

import jax
import jax.numpy as jnp
from jax import lax
from jax.experimental import pallas as pl
from jax.experimental.pallas import tpu as pltpu
from jax.experimental.pallas import tpu_sc as plsc

N = 10000
D = 128
NC = 2
NS = 16
L = 16
CH = 64

E1 = N + 160000
E2 = 160000


G = 6
GW = G * 2 * CH


def _chunks_per_tile(e):
    c = -(-e // (NS * CH))
    return c + (-c % 3)


C1 = _chunks_per_tile(E1)
C2 = _chunks_per_tile(E2)
E1P = NS * C1 * CH
E2P = NS * C2 * CH
RPT = 624
TAIL = N - NS * RPT

NP = 10240
RB = 1024
NRB = NP // RB


def _proj_body(feat_ref, wb_ref, ab_ref, wu_ref, au_ref, h1_ref, h2_ref, sc_ref):
    i = pl.program_id(0)
    fb = feat_ref[0]
    fu = feat_ref[1]
    wb = wb_ref[...]
    wu = wu_ref[...]
    hu1 = jnp.dot(fu, wu, preferred_element_type=jnp.float32)
    hu2 = jnp.dot(fb, wu, preferred_element_type=jnp.float32)
    hb1 = jnp.dot(fb, wb, preferred_element_type=jnp.float32)
    hb2 = jnp.dot(fu, wb, preferred_element_type=jnp.float32)
    h1_ref[0] = hu1
    h1_ref[1] = hb1
    h2_ref[0] = hu2
    h2_ref[1] = hb2
    au = au_ref[...]
    ab = ab_ref[...]
    col = pl.ds(i * RB, RB)
    sc_ref[0, 0, col] = jnp.dot(hu1, au[:D], preferred_element_type=jnp.float32)[:, 0]
    sc_ref[0, 1, col] = jnp.dot(hu1, au[D:], preferred_element_type=jnp.float32)[:, 0]
    sc_ref[0, 2, col] = jnp.dot(hu2, au[:D], preferred_element_type=jnp.float32)[:, 0]
    sc_ref[0, 3, col] = jnp.dot(hu2, au[D:], preferred_element_type=jnp.float32)[:, 0]
    sc_ref[1, 0, col] = jnp.dot(hb1, ab[:D], preferred_element_type=jnp.float32)[:, 0]
    sc_ref[1, 1, col] = jnp.dot(hb1, ab[D:], preferred_element_type=jnp.float32)[:, 0]
    sc_ref[1, 2, col] = jnp.dot(hb2, ab[:D], preferred_element_type=jnp.float32)[:, 0]
    sc_ref[1, 3, col] = jnp.dot(hb2, ab[D:], preferred_element_type=jnp.float32)[:, 0]


def _fin_body(acc_ref, den_ref, xb_ref, xu_ref):
    den_u = den_ref[0] + 1e-16
    den_b = den_ref[1] + 1e-16
    xu_ref[...] = acc_ref[0] / den_u[:, None]
    xb_ref[...] = acc_ref[1] / den_b[:, None]


def _edge_body(h1f, h2f, scal, e1, e2, zrows,
               acc_out, den_out,
               acc_sp, den_sp, tv, sv, idxf, rbuf, cbuf2, exv, rows, zbuf,
               si_sem, sd_sem, sg_sem, ss_sem):
    c = lax.axis_index("c")
    s = lax.axis_index("s")
    coff = c * NP

    def _zero_zbuf(i, _):
        zbuf[pl.ds(i * L, L)] = jnp.zeros((L,), jnp.float32)
        return 0

    lax.fori_loop(0, RPT // L, _zero_zbuf, 0, unroll=4)
    pltpu.sync_copy(zbuf, den_sp.at[pl.ds(s * RPT, RPT)])
    pltpu.sync_copy(zrows.at[pl.ds(s * RPT, RPT)], acc_sp.at[pl.ds(s * RPT, RPT)])

    @pl.when(s == 0)
    def _zero_tail():
        pltpu.sync_copy(zbuf.at[pl.ds(0, TAIL)],
                        den_sp.at[pl.ds(NS * RPT, TAIL)])
        pltpu.sync_copy(zrows.at[pl.ds(NS * RPT, TAIL)],
                        acc_sp.at[pl.ds(NS * RPT, TAIL)])

    plsc.subcore_barrier()

    def process(edges, set_idx, hf, n_chunks):
        pltpu.sync_copy(scal.at[pl.ds((c * 4 + 2 * set_idx) * NP, N)], tv)
        pltpu.sync_copy(scal.at[pl.ds((c * 4 + 2 * set_idx + 1) * NP, N)],
                        sv.at[pl.ds(0, N)])
        sv[pl.ds(N, L)] = jnp.full((L,), -1e30, jnp.float32)

        tile_base = s * n_chunks * 2 * CH

        def prep_a(jj, q):
            base = tile_base + jj * 2 * CH
            pltpu.async_copy(edges.at[pl.ds(base, 2 * CH)], idxf.at[q],
                             si_sem.at[q])

        def prep(jj, q):
            base = tile_base + jj * 2 * CH
            pltpu.make_async_copy(edges.at[pl.ds(base, 2 * CH)], idxf.at[q],
                                  si_sem.at[q]).wait()
            for g in range(CH // L):
                r16 = idxf[q, pl.ds(g * L, L)]
                c16 = idxf[q, pl.ds(CH + g * L, L)]
                t = plsc.load_gather(tv, [r16])
                sval = plsc.load_gather(sv, [c16])
                e = t + sval
                e = jnp.maximum(e, 0.2 * e)
                ex = jnp.exp(e)
                exv[q, pl.ds(g * L, L)] = ex
                rbuf[q, pl.ds(g * L, L)] = r16
                cbuf2[q, pl.ds(g * L, L)] = c16 + coff
            pltpu.async_copy(hf.at[cbuf2.at[q]], rows.at[q], sg_sem.at[q])
            pltpu.async_copy(exv.at[q], den_sp.at[rbuf.at[q]], sd_sem.at[q],
                             add=True)

        def finish(q):
            pltpu.make_async_copy(hf.at[cbuf2.at[q]], rows.at[q],
                                  sg_sem.at[q]).wait()

            @plsc.parallel_loop(0, CH, step=1, unroll=2)
            def rowb(k):
                exb = plsc.load_gather(exv.at[q], [jnp.zeros((L,), jnp.int32) + k])
                for f in range(D // L):
                    rows[q, k, pl.ds(f * L, L)] = rows[q, k, pl.ds(f * L, L)] * exb
            pltpu.async_copy(rows.at[q], acc_sp.at[rbuf.at[q]], ss_sem.at[q],
                             add=True)

        def wait_sc(q):
            pltpu.make_async_copy(rows.at[q], acc_sp.at[rbuf.at[q]],
                                  ss_sem.at[q]).wait()
            pltpu.make_async_copy(exv.at[q], den_sp.at[rbuf.at[q]],
                                  sd_sem.at[q]).wait()

        ntri = n_chunks // 3
        prep_a(0, 0)
        prep_a(1, 1)
        prep_a(2, 2)
        prep(0, 0)
        prep_a(3, 0)
        prep(1, 1)
        prep_a(4, 1)

        def tri(p, _):
            j = p * 3
            finish(0)

            @pl.when(p > 0)
            def _w2():
                wait_sc(2)

            prep(j + 2, 2)

            @pl.when(p + 1 < ntri)
            def _a2():
                prep_a(j + 5, 2)

            finish(1)
            wait_sc(0)

            @pl.when(p + 1 < ntri)
            def _p0():
                prep(j + 3, 0)

            @pl.when(p + 2 < ntri)
            def _a0():
                prep_a(j + 6, 0)

            finish(2)
            wait_sc(1)

            @pl.when(p + 1 < ntri)
            def _p1():
                prep(j + 4, 1)

            @pl.when(p + 2 < ntri)
            def _a1():
                prep_a(j + 7, 1)

            return 0

        lax.fori_loop(0, ntri, tri, 0)
        wait_sc(2)

    process(e1, 0, h1f, C1)
    process(e2, 1, h2f, C2)

    plsc.subcore_barrier()
    pltpu.sync_copy(den_sp.at[pl.ds(s * RPT, RPT)], zbuf)
    pltpu.sync_copy(zbuf, den_out.at[pl.ds(c * N + s * RPT, RPT)])
    pltpu.sync_copy(acc_sp.at[pl.ds(s * RPT, RPT)],
                    acc_out.at[c, pl.ds(s * RPT, RPT)])

    @pl.when(s == 0)
    def _copy_tail():
        pltpu.sync_copy(den_sp.at[pl.ds(NS * RPT, TAIL)],
                        zbuf.at[pl.ds(0, TAIL)])
        pltpu.sync_copy(zbuf.at[pl.ds(0, TAIL)],
                        den_out.at[pl.ds(c * N + NS * RPT, TAIL)])
        pltpu.sync_copy(acc_sp.at[pl.ds(NS * RPT, TAIL)],
                        acc_out.at[c, pl.ds(NS * RPT, TAIL)])


_edge_kernel = functools.partial(
    pl.kernel,
    out_type=[
        jax.ShapeDtypeStruct((NC, N, D), jnp.float32),
        jax.ShapeDtypeStruct((NC * N,), jnp.float32),
    ],
    mesh=plsc.VectorSubcoreMesh(
        core_axis_name="c", subcore_axis_name="s", num_cores=NC,
        num_subcores=NS),
    compiler_params=pltpu.CompilerParams(needs_layout_passes=False),
    scratch_types=[
        pltpu.VMEM_SHARED((N, D), jnp.float32),
        pltpu.VMEM_SHARED((N,), jnp.float32),
        pltpu.VMEM((N,), jnp.float32),
        pltpu.VMEM((N + L,), jnp.float32),
        pltpu.VMEM((3, 2 * CH), jnp.int32),
        pltpu.VMEM((3, CH), jnp.int32),
        pltpu.VMEM((3, CH), jnp.int32),
        pltpu.VMEM((3, CH), jnp.float32),
        pltpu.VMEM((3, CH, D), jnp.float32),
        pltpu.VMEM((RPT,), jnp.float32),
        pltpu.SemaphoreType.DMA((3,)),
        pltpu.SemaphoreType.DMA((3,)),
        pltpu.SemaphoreType.DMA((3,)),
        pltpu.SemaphoreType.DMA((3,)),
    ],
)(_edge_body)


def _pad_chunked(r, c, ep):
    r = jnp.pad(r.astype(jnp.int32), (0, ep - r.shape[0]))
    c = jnp.pad(c.astype(jnp.int32), (0, ep - c.shape[0]),
                constant_values=N)
    nch = ep // CH
    return jnp.stack([r.reshape(nch, CH), c.reshape(nch, CH)],
                     axis=1).reshape(-1)


@jax.jit
def kernel(nodes, adj_pos, adj_neg, feat_table, W_bal, a_bal, W_unbal, a_unbal):
    h1f, h2f, scal = pl.pallas_call(
        _proj_body,
        grid=(NRB,),
        in_specs=[
            pl.BlockSpec((2, RB, D), lambda i: (0, i, 0)),
            pl.BlockSpec((D, D), lambda i: (0, 0)),
            pl.BlockSpec((2 * D, 1), lambda i: (0, 0)),
            pl.BlockSpec((D, D), lambda i: (0, 0)),
            pl.BlockSpec((2 * D, 1), lambda i: (0, 0)),
        ],
        out_specs=[
            pl.BlockSpec((NC, RB, D), lambda i: (0, i, 0)),
            pl.BlockSpec((NC, RB, D), lambda i: (0, i, 0)),
            pl.BlockSpec((NC, 4, NP), lambda i: (0, 0, 0)),
        ],
        out_shape=[
            jax.ShapeDtypeStruct((NC, NP, D), jnp.float32),
            jax.ShapeDtypeStruct((NC, NP, D), jnp.float32),
            jax.ShapeDtypeStruct((NC, 4, NP), jnp.float32),
        ],
    )(jnp.pad(feat_table, ((0, 0), (0, NP - N), (0, 0))),
      W_bal, a_bal, W_unbal, a_unbal)

    rows_self = jnp.arange(N, dtype=jnp.int32)
    e1 = _pad_chunked(
        jnp.concatenate([rows_self, adj_pos[0].astype(jnp.int32)]),
        jnp.concatenate([nodes.astype(jnp.int32), adj_pos[1].astype(jnp.int32)]),
        E1P)
    e2 = _pad_chunked(adj_neg[0], adj_neg[1], E2P)

    zrows = jnp.zeros((N, D), jnp.float32)

    acc, den = _edge_kernel(
        h1f.reshape(NC * NP, D), h2f.reshape(NC * NP, D), scal.reshape(-1),
        e1, e2, zrows)
    den = den.reshape(NC, N)

    x_bal, x_unbal = pl.pallas_call(
        _fin_body,
        out_shape=[
            jax.ShapeDtypeStruct((N, D), jnp.float32),
            jax.ShapeDtypeStruct((N, D), jnp.float32),
        ],
    )(acc, den)
    return (x_bal, x_unbal)

# --- scband reference (transcript-rebuilt; emitter-appended) ---
"""Pipeline reference for scband-non-first-layer-aggregator-53429393162861 (READ-ONLY COPY).

The authoritative reference and input builder live on the scoring server;
editing this copy changes nothing except your own understanding.
"""

import jax, jax.numpy as jnp
import numpy as np

N_NODES = 10000
E_POS = 160000
E_NEG = 160000
D_IN = 128
D_OUT = 128


def setup_inputs(seed: int = 0) -> dict:
    key = jax.random.key(seed)
    ks = jax.random.split(key, 8)
    nodes = jnp.arange(N_NODES)
    adj_pos = jax.random.randint(ks[0], (2, E_POS), 0, N_NODES)
    adj_neg = jax.random.randint(ks[1], (2, E_NEG), 0, N_NODES)
    # self.features returns a stacked [2, U, d] tensor: row 0 = balanced embeds,
    # row 1 = unbalanced embeds (outputs of the previous signed-GAT layer).
    feat_table = jax.random.normal(ks[2], (2, N_NODES, D_IN), dtype=jnp.float32)
    W_bal = jax.random.normal(ks[3], (D_IN, D_OUT), dtype=jnp.float32) * 0.05
    a_bal = jax.random.normal(ks[4], (2 * D_OUT, 1), dtype=jnp.float32) * 0.05
    W_unbal = jax.random.normal(ks[5], (D_IN, D_OUT), dtype=jnp.float32) * 0.05
    a_unbal = jax.random.normal(ks[6], (2 * D_OUT, 1), dtype=jnp.float32) * 0.05
    return {
        "nodes": nodes,
        "adj_pos": adj_pos,
        "adj_neg": adj_neg,
        "feat_table": feat_table,
        "W_bal": W_bal,
        "a_bal": a_bal,
        "W_unbal": W_unbal,
        "a_unbal": a_unbal,
    }


def _sp_graph_attention(x1, adj1, x2, adj2, n_rows, W, a):
    """SpGraphAttentionLayer: sparse GAT-style attention over two signed edge sets.

    adj1 edges draw source features from x1 (self + balanced edges),
    adj2 edges draw source features from x2 (unbalanced edges).
    Rows index batch positions; segment softmax normalizes per destination row.
    """
    h1 = x1 @ W
    h2 = x2 @ W
    r = jnp.concatenate([adj1[0], adj2[0]])
    src = jnp.concatenate([jnp.take(h1, adj1[1], axis=0), jnp.take(h2, adj2[1], axis=0)], axis=0)
    tgt = jnp.concatenate([jnp.take(h1, adj1[0], axis=0), jnp.take(h2, adj2[0], axis=0)], axis=0)
    e = jax.nn.leaky_relu((jnp.concatenate([tgt, src], axis=1) @ a)[:, 0], negative_slope=0.2)
    m = jax.ops.segment_max(e, r, num_segments=n_rows)
    ex = jnp.exp(e - jnp.take(m, r, axis=0))
    denom = jax.ops.segment_sum(ex, r, num_segments=n_rows) + 1e-16
    out = jax.ops.segment_sum(ex[:, None] * src, r, num_segments=n_rows) / denom[:, None]
    return out


def reference(nodes, adj_pos, adj_neg, feat_table, W_bal, a_bal, W_unbal, a_unbal):
    B = nodes.shape[0]
    # unique_nodes_list covers all nodes here, so the remap is identity.
    embed_matrix_bal = feat_table[0]
    embed_matrix_unbal = feat_table[1]
    rows_self = jnp.arange(B)
    adj_self = jnp.stack([rows_self, nodes])
    adj1 = jnp.concatenate([adj_self, adj_pos], axis=1)  # cat((adj_self, adj_bal), dim=1)
    x_unbal = _sp_graph_attention(embed_matrix_unbal, adj1, embed_matrix_bal, adj_neg, B, W_unbal, a_unbal)
    x_bal = _sp_graph_attention(embed_matrix_bal, adj1, embed_matrix_unbal, adj_neg, B, W_bal, a_bal)
    return (x_bal, x_unbal)

if __name__ == "__main__":
    import jax
    _d = setup_inputs()
    print(jax.jit(kernel)(*tuple(_d.values())))

</pallas_src>

<mosaic_0001>
#map = affine_map<(d0, d1) -> (0, 0)>
#map1 = affine_map<(d0, d1) -> (0)>
#map2 = affine_map<(d0, d1) -> (0, 0, 0)>
module attributes {stable_mosaic.version = 14 : i64} {
  func.func @_edge_body(%arg0: i32, %arg1: i32, %arg2: memref<20480x128xf32, #tpu.memory_space<hbm>>, %arg3: memref<20480x128xf32, #tpu.memory_space<hbm>>, %arg4: memref<81920xf32, #tpu.memory_space<hbm>>, %arg5: memref<344064xi32, #tpu.memory_space<hbm>>, %arg6: memref<325632xi32, #tpu.memory_space<hbm>>, %arg7: memref<10000x128xf32, #tpu.memory_space<hbm>>, %arg8: memref<2x10000x128xf32, #tpu.memory_space<hbm>>, %arg9: memref<20000xf32, #tpu.memory_space<hbm>>, %arg10: memref<10000x128xf32, #tpu.memory_space<vmem_shared>>, %arg11: memref<10000xf32, #tpu.memory_space<vmem_shared>>, %arg12: memref<10000xf32, #tpu.memory_space<vmem>>, %arg13: memref<10016xf32, #tpu.memory_space<vmem>>, %arg14: memref<3x128xi32, #tpu.memory_space<vmem>>, %arg15: memref<3x64xi32, #tpu.memory_space<vmem>>, %arg16: memref<3x64xi32, #tpu.memory_space<vmem>>, %arg17: memref<3x64xf32, #tpu.memory_space<vmem>>, %arg18: memref<3x64x128xf32, #tpu.memory_space<vmem>>, %arg19: memref<624xf32, #tpu.memory_space<vmem>>, %arg20: memref<3x!tpu.dma_semaphore, #tpu.memory_space<semaphore_mem>>, %arg21: memref<3x!tpu.dma_semaphore, #tpu.memory_space<semaphore_mem>>, %arg22: memref<3x!tpu.dma_semaphore, #tpu.memory_space<semaphore_mem>>, %arg23: memref<3x!tpu.dma_semaphore, #tpu.memory_space<semaphore_mem>>) attributes {dimension_semantics = [#tpu.dimension_semantics<core_parallel>, #tpu.dimension_semantics<subcore_parallel>], iteration_bounds = array<i64: 2, 16>, scalar_prefetch = 0 : i64, scratch_operands = 14 : i64, tpu.core_type = #tpu.core_type<sc_vector_subcore>, window_params = [{transform_indices = #map}, {transform_indices = #map}, {transform_indices = #map1}, {transform_indices = #map1}, {transform_indices = #map1}, {transform_indices = #map}, {transform_indices = #map2}, {transform_indices = #map1}]} {
    %mul3A = arith.constant 10240 : i32
    %mul3A_0 = arith.muli %arg0, %mul3A : i32
    %scan3A = arith.constant 0 : i32
    %scan3A_1 = arith.constant 0 : i32
    %scan3A_2 = arith.constant 36 : i32
    %scan3A_3 = arith.addi %scan3A_1, %scan3A_2 : i32
    %scan3A_4 = arith.constant 4 : i32
    %scan3A_5 = scf.for %scan3A_956 = %scan3A_1 to %scan3A_3 step %scan3A_4 iter_args(%scan3A_957 = %scan3A) -> (i32)  : i32 {
      %broadcast_in_dim3A_958 = arith.constant 0.000000e+00 : f32
      %broadcast_in_dim3A_959 = vector.broadcast %broadcast_in_dim3A_958 : f32 to vector<16xf32>
      %mul3A_960 = arith.constant 16 : i32
      %mul3A_961 = arith.muli %scan3A_956, %mul3A_960 : i32
      %swap3A_962 = arith.index_cast %mul3A_961 : i32 to index
      %swap3A_963 = tpu.vector_load %arg19[%swap3A_962] {strides = array<i32>} : memref<624xf32, #tpu.memory_space<vmem>>, vector<16xf32>,
      tpu.vector_store %arg19[%swap3A_962], %broadcast_in_dim3A_959 {strides = array<i32>} : memref<624xf32, #tpu.memory_space<vmem>>, vector<16xf32>,
      %scan3A_964 = arith.constant 0 : i32
      %scan3A_965 = arith.constant 1 : i32
      %scan3A_966 = arith.addi %scan3A_956, %scan3A_965 : i32
      %broadcast_in_dim3A_967 = arith.constant 0.000000e+00 : f32
      %broadcast_in_dim3A_968 = vector.broadcast %broadcast_in_dim3A_967 : f32 to vector<16xf32>
      %mul3A_969 = arith.constant 16 : i32
      %mul3A_970 = arith.muli %scan3A_966, %mul3A_969 : i32
      %swap3A_971 = arith.index_cast %mul3A_970 : i32 to index
      %swap3A_972 = tpu.vector_load %arg19[%swap3A_971] {strides = array<i32>} : memref<624xf32, #tpu.memory_space<vmem>>, vector<16xf32>,
      tpu.vector_store %arg19[%swap3A_971], %broadcast_in_dim3A_968 {strides = array<i32>} : memref<624xf32, #tpu.memory_space<vmem>>, vector<16xf32>,
      %scan3A_973 = arith.constant 0 : i32
      %scan3A_974 = arith.constant 2 : i32
      %scan3A_975 = arith.addi %scan3A_956, %scan3A_974 : i32
      %broadcast_in_dim3A_976 = arith.constant 0.000000e+00 : f32
      %broadcast_in_dim3A_977 = vector.broadcast %broadcast_in_dim3A_976 : f32 to vector<16xf32>
      %mul3A_978 = arith.constant 16 : i32
      %mul3A_979 = arith.muli %scan3A_975, %mul3A_978 : i32
      %swap3A_980 = arith.index_cast %mul3A_979 : i32 to index
      %swap3A_981 = tpu.vector_load %arg19[%swap3A_980] {strides = array<i32>} : memref<624xf32, #tpu.memory_space<vmem>>, vector<16xf32>,
      tpu.vector_store %arg19[%swap3A_980], %broadcast_in_dim3A_977 {strides = array<i32>} : memref<624xf32, #tpu.memory_space<vmem>>, vector<16xf32>,
      %scan3A_982 = arith.constant 0 : i32
      %scan3A_983 = arith.constant 3 : i32
      %scan3A_984 = arith.addi %scan3A_956, %scan3A_983 : i32
      %broadcast_in_dim3A_985 = arith.constant 0.000000e+00 : f32
      %broadcast_in_dim3A_986 = vector.broadcast %broadcast_in_dim3A_985 : f32 to vector<16xf32>
      %mul3A_987 = arith.constant 16 : i32
      %mul3A_988 = arith.muli %scan3A_984, %mul3A_987 : i32
      %swap3A_989 = arith.index_cast %mul3A_988 : i32 to index
      %swap3A_990 = tpu.vector_load %arg19[%swap3A_989] {strides = array<i32>} : memref<624xf32, #tpu.memory_space<vmem>>, vector<16xf32>,
      tpu.vector_store %arg19[%swap3A_989], %broadcast_in_dim3A_986 {strides = array<i32>} : memref<624xf32, #tpu.memory_space<vmem>>, vector<16xf32>,
      %scan3A_991 = arith.constant 0 : i32
      scf.yield %scan3A_991 : i32
    }
    %scan3A_6 = arith.constant 36 : i32
    %scan3A_7 = arith.addi %scan3A_1, %scan3A_6 : i32
    %broadcast_in_dim3A = arith.constant 0.000000e+00 : f32
    %broadcast_in_dim3A_8 = vector.broadcast %broadcast_in_dim3A : f32 to vector<16xf32>
    %mul3A_9 = arith.constant 16 : i32
    %mul3A_10 = arith.muli %scan3A_7, %mul3A_9 : i32
    %swap3A = arith.index_cast %mul3A_10 : i32 to index
    %swap3A_11 = tpu.vector_load %arg19[%swap3A] {strides = array<i32>} : memref<624xf32, #tpu.memory_space<vmem>>, vector<16xf32>,
    tpu.vector_store %arg19[%swap3A], %broadcast_in_dim3A_8 {strides = array<i32>} : memref<624xf32, #tpu.memory_space<vmem>>, vector<16xf32>,
    %scan3A_12 = arith.constant 0 : i32
    %scan3A_13 = arith.constant 37 : i32
    %scan3A_14 = arith.addi %scan3A_1, %scan3A_13 : i32
    %broadcast_in_dim3A_15 = arith.constant 0.000000e+00 : f32
    %broadcast_in_dim3A_16 = vector.broadcast %broadcast_in_dim3A_15 : f32 to vector<16xf32>
    %mul3A_17 = arith.constant 16 : i32
    %mul3A_18 = arith.muli %scan3A_14, %mul3A_17 : i32
    %swap3A_19 = arith.index_cast %mul3A_18 : i32 to index
    %swap3A_20 = tpu.vector_load %arg19[%swap3A_19] {strides = array<i32>} : memref<624xf32, #tpu.memory_space<vmem>>, vector<16xf32>,
    tpu.vector_store %arg19[%swap3A_19], %broadcast_in_dim3A_16 {strides = array<i32>} : memref<624xf32, #tpu.memory_space<vmem>>, vector<16xf32>,
    %scan3A_21 = arith.constant 0 : i32
    %scan3A_22 = arith.constant 38 : i32
    %scan3A_23 = arith.addi %scan3A_1, %scan3A_22 : i32
    %broadcast_in_dim3A_24 = arith.constant 0.000000e+00 : f32
    %broadcast_in_dim3A_25 = vector.broadcast %broadcast_in_dim3A_24 : f32 to vector<16xf32>
    %mul3A_26 = arith.constant 16 : i32
    %mul3A_27 = arith.muli %scan3A_23, %mul3A_26 : i32
    %swap3A_28 = arith.index_cast %mul3A_27 : i32 to index
    %swap3A_29 = tpu.vector_load %arg19[%swap3A_28] {strides = array<i32>} : memref<624xf32, #tpu.memory_space<vmem>>, vector<16xf32>,
    tpu.vector_store %arg19[%swap3A_28], %broadcast_in_dim3A_25 {strides = array<i32>} : memref<624xf32, #tpu.memory_space<vmem>>, vector<16xf32>,
    %scan3A_30 = arith.constant 0 : i32
    %scan3A_31 = arith.constant 39 : i32
    %mul3A_32 = arith.constant 624 : i32
    %mul3A_33 = arith.muli %arg1, %mul3A_32 : i32
    "tpu.region"() ({
      %run_scoped3A = tpu.sem_alloc : memref<!tpu.dma_semaphore, #tpu.memory_space<semaphore_mem>>
      %dma_start3A_956 = tpu.memref_slice %arg11[%mul3A_33] : memref<10000xf32, #tpu.memory_space<vmem_shared>> -> memref<624xf32, #tpu.memory_space<vmem_shared>>
      %dma_start3A_957 = tpu.memref_slice %arg11[%mul3A_33] : memref<10000xf32, #tpu.memory_space<vmem_shared>> -> memref<624xf32, #tpu.memory_space<vmem_shared>>
      tpu.enqueue_dma source(%arg19 : memref<624xf32, #tpu.memory_space<vmem>>) target(%dma_start3A_957 : memref<624xf32, #tpu.memory_space<vmem_shared>>) target_semaphore(%run_scoped3A : memref<!tpu.dma_semaphore, #tpu.memory_space<semaphore_mem>>)
      %dma_wait3A_958 = tpu.memref_slice %arg11[%mul3A_33] : memref<10000xf32, #tpu.memory_space<vmem_shared>> -> memref<624xf32, #tpu.memory_space<vmem_shared>>
      %dma_wait3A_959 = tpu.memref_slice %arg11[%mul3A_33] : memref<10000xf32, #tpu.memory_space<vmem_shared>> -> memref<624xf32, #tpu.memory_space<vmem_shared>>
      tpu.wait_dma2 semaphore(%run_scoped3A : memref<!tpu.dma_semaphore, #tpu.memory_space<semaphore_mem>>) src(%arg19 : memref<624xf32, #tpu.memory_space<vmem>>) dst(%dma_wait3A_959 : memref<624xf32, #tpu.memory_space<vmem_shared>>)
      tpu.yield
    }) : () -> ()
    %mul3A_34 = arith.constant 624 : i32
    %mul3A_35 = arith.muli %arg1, %mul3A_34 : i32
    %mul3A_36 = arith.constant 624 : i32
    %mul3A_37 = arith.muli %arg1, %mul3A_36 : i32
    "tpu.region"() ({
      %run_scoped3A = tpu.sem_alloc : memref<!tpu.dma_semaphore, #tpu.memory_space<semaphore_mem>>
      %dma_start3A_956 = arith.constant 0 : i32
      %dma_start3A_957 = tpu.memref_slice %arg10[%mul3A_37, %dma_start3A_956] : memref<10000x128xf32, #tpu.memory_space<vmem_shared>> -> memref<624x128xf32, #tpu.memory_space<vmem_shared>>
      %dma_start3A_958 = arith.constant 0 : i32
      %dma_start3A_959 = tpu.memref_slice %arg7[%mul3A_35, %dma_start3A_958] : memref<10000x128xf32, #tpu.memory_space<hbm>> -> memref<624x128xf32, #tpu.memory_space<hbm>>
      tpu.enqueue_dma source(%dma_start3A_959 : memref<624x128xf32, #tpu.memory_space<hbm>>) target(%dma_start3A_957 : memref<624x128xf32, #tpu.memory_space<vmem_shared>>) target_semaphore(%run_scoped3A : memref<!tpu.dma_semaphore, #tpu.memory_space<semaphore_mem>>)
      %dma_wait3A_960 = arith.constant 0 : i32
      %dma_wait3A_961 = tpu.memref_slice %arg10[%mul3A_37, %dma_wait3A_960] : memref<10000x128xf32, #tpu.memory_space<vmem_shared>> -> memref<624x128xf32, #tpu.memory_space<vmem_shared>>
      %dma_wait3A_962 = arith.constant 0 : i32
      %dma_wait3A_963 = tpu.memref_slice %arg7[%mul3A_35, %dma_wait3A_962] : memref<10000x128xf32, #tpu.memory_space<hbm>> -> memref<624x128xf32, #tpu.memory_space<hbm>>
      tpu.wait_dma2 semaphore(%run_scoped3A : memref<!tpu.dma_semaphore, #tpu.memory_space<semaphore_mem>>) src(%dma_wait3A_963 : memref<624x128xf32, #tpu.memory_space<hbm>>) dst(%dma_wait3A_961 : memref<624x128xf32, #tpu.memory_space<vmem_shared>>)
      tpu.yield
    }) : () -> ()
    %eq3A = arith.constant 0 : i32
    %eq3A_38 = arith.cmpi eq, %arg1, %eq3A : i32
    %convert_element_type3A = arith.extui %eq3A_38 : i1 to i32
    %cond3A = arith.constant 0 : i32
    %cond3A_39 = arith.cmpi ne, %convert_element_type3A, %cond3A : i32
    scf.if %cond3A_39 {
      "tpu.region"() ({
        %run_scoped3A = tpu.sem_alloc : memref<!tpu.dma_semaphore, #tpu.memory_space<semaphore_mem>>
        %dma_start3A_956 = arith.constant 0 : i32
        %dma_start3A_957 = tpu.memref_slice %arg19[%dma_start3A_956] : memref<624xf32, #tpu.memory_space<vmem>> -> memref<16xf32, #tpu.memory_space<vmem>>
        %dma_start3A_958 = arith.constant 9984 : i32
        %dma_start3A_959 = tpu.memref_slice %arg11[%dma_start3A_958] : memref<10000xf32, #tpu.memory_space<vmem_shared>> -> memref<16xf32, #tpu.memory_space<vmem_shared>>
        %dma_start3A_960 = arith.constant 9984 : i32
        %dma_start3A_961 = tpu.memref_slice %arg11[%dma_start3A_960] : memref<10000xf32, #tpu.memory_space<vmem_shared>> -> memref<16xf32, #tpu.memory_space<vmem_shared>>
        %dma_start3A_962 = arith.constant 0 : i32
        %dma_start3A_963 = tpu.memref_slice %arg19[%dma_start3A_962] : memref<624xf32, #tpu.memory_space<vmem>> -> memref<16xf32, #tpu.memory_space<vmem>>
        tpu.enqueue_dma source(%dma_start3A_963 : memref<16xf32, #tpu.memory_space<vmem>>) target(%dma_start3A_961 : memref<16xf32, #tpu.memory_space<vmem_shared>>) target_semaphore(%run_scoped3A : memref<!tpu.dma_semaphore, #tpu.memory_space<semaphore_mem>>)
        %dma_wait3A_964 = arith.constant 0 : i32
        %dma_wait3A_965 = tpu.memref_slice %arg19[%dma_wait3A_964] : memref<624xf32, #tpu.memory_space<vmem>> -> memref<16xf32, #tpu.memory_space<vmem>>
        %dma_wait3A_966 = arith.constant 9984 : i32
        %dma_wait3A_967 = tpu.memref_slice %arg11[%dma_wait3A_966] : memref<10000xf32, #tpu.memory_space<vmem_shared>> -> memref<16xf32, #tpu.memory_space<vmem_shared>>
        %dma_wait3A_968 = arith.constant 9984 : i32
        %dma_wait3A_969 = tpu.memref_slice %arg11[%dma_wait3A_968] : memref<10000xf32, #tpu.memory_space<vmem_shared>> -> memref<16xf32, #tpu.memory_space<vmem_shared>>
        %dma_wait3A_970 = arith.constant 0 : i32
        %dma_wait3A_971 = tpu.memref_slice %arg19[%dma_wait3A_970] : memref<624xf32, #tpu.memory_space<vmem>> -> memref<16xf32, #tpu.memory_space<vmem>>
        tpu.wait_dma2 semaphore(%run_scoped3A : memref<!tpu.dma_semaphore, #tpu.memory_space<semaphore_mem>>) src(%dma_wait3A_971 : memref<16xf32, #tpu.memory_space<vmem>>) dst(%dma_wait3A_969 : memref<16xf32, #tpu.memory_space<vmem_shared>>)
        tpu.yield
      }) : () -> ()
      "tpu.region"() ({
        %run_scoped3A = tpu.sem_alloc : memref<!tpu.dma_semaphore, #tpu.memory_space<semaphore_mem>>
        %dma_start3A_956 = arith.constant 9984 : i32
        %dma_start3A_957 = arith.constant 0 : i32
        %dma_start3A_958 = tpu.memref_slice %arg10[%dma_start3A_956, %dma_start3A_957] : memref<10000x128xf32, #tpu.memory_space<vmem_shared>> -> memref<16x128xf32, #tpu.memory_space<vmem_shared>>
        %dma_start3A_959 = arith.constant 9984 : i32
        %dma_start3A_960 = arith.constant 0 : i32
        %dma_start3A_961 = tpu.memref_slice %arg7[%dma_start3A_959, %dma_start3A_960] : memref<10000x128xf32, #tpu.memory_space<hbm>> -> memref<16x128xf32, #tpu.memory_space<hbm>>
        tpu.enqueue_dma source(%dma_start3A_961 : memref<16x128xf32, #tpu.memory_space<hbm>>) target(%dma_start3A_958 : memref<16x128xf32, #tpu.memory_space<vmem_shared>>) target_semaphore(%run_scoped3A : memref<!tpu.dma_semaphore, #tpu.memory_space<semaphore_mem>>)
        %dma_wait3A_962 = arith.constant 9984 : i32
        %dma_wait3A_963 = arith.constant 0 : i32
        %dma_wait3A_964 = tpu.memref_slice %arg10[%dma_wait3A_962, %dma_wait3A_963] : memref<10000x128xf32, #tpu.memory_space<vmem_shared>> -> memref<16x128xf32, #tpu.memory_space<vmem_shared>>
        %dma_wait3A_965 = arith.constant 9984 : i32
        %dma_wait3A_966 = arith.constant 0 : i32
        %dma_wait3A_967 = tpu.memref_slice %arg7[%dma_wait3A_965, %dma_wait3A_966] : memref<10000x128xf32, #tpu.memory_space<hbm>> -> memref<16x128xf32, #tpu.memory_space<hbm>>
        tpu.wait_dma2 semaphore(%run_scoped3A : memref<!tpu.dma_semaphore, #tpu.memory_space<semaphore_mem>>) src(%dma_wait3A_967 : memref<16x128xf32, #tpu.memory_space<hbm>>) dst(%dma_wait3A_964 : memref<16x128xf32, #tpu.memory_space<vmem_shared>>)
        tpu.yield
      }) : () -> ()
    } else {
    }
    %barrier3A = arith.constant 0 : index
    tpu.barrier barrier_id(%barrier3A)
    %mul3A_40 = arith.constant 4 : i32
    %mul3A_41 = arith.muli %arg0, %mul3A_40 : i32
    %add3A = arith.constant 0 : i32
    %add3A_42 = arith.addi %mul3A_41, %add3A : i32
    %mul3A_43 = arith.constant 10240 : i32
    %mul3A_44 = arith.muli %add3A_42, %mul3A_43 : i32
    "tpu.region"() ({
      %run_scoped3A = tpu.sem_alloc : memref<!tpu.dma_semaphore, #tpu.memory_space<semaphore_mem>>
      %dma_start3A_956 = tpu.memref_slice %arg4[%mul3A_44] : memref<81920xf32, #tpu.memory_space<hbm>> -> memref<10000xf32, #tpu.memory_space<hbm>>
      %dma_start3A_957 = tpu.memref_slice %arg4[%mul3A_44] : memref<81920xf32, #tpu.memory_space<hbm>> -> memref<10000xf32, #tpu.memory_space<hbm>>
      tpu.enqueue_dma source(%dma_start3A_957 : memref<10000xf32, #tpu.memory_space<hbm>>) target(%arg12 : memref<10000xf32, #tpu.memory_space<vmem>>) target_semaphore(%run_scoped3A : memref<!tpu.dma_semaphore, #tpu.memory_space<semaphore_mem>>)
      %dma_wait3A_958 = tpu.memref_slice %arg4[%mul3A_44] : memref<81920xf32, #tpu.memory_space<hbm>> -> memref<10000xf32, #tpu.memory_space<hbm>>
      %dma_wait3A_959 = tpu.memref_slice %arg4[%mul3A_44] : memref<81920xf32, #tpu.memory_space<hbm>> -> memref<10000xf32, #tpu.memory_space<hbm>>
      tpu.wait_dma2 semaphore(%run_scoped3A : memref<!tpu.dma_semaphore, #tpu.memory_space<semaphore_mem>>) src(%dma_wait3A_959 : memref<10000xf32, #tpu.memory_space<hbm>>) dst(%arg12 : memref<10000xf32, #tpu.memory_space<vmem>>)
      tpu.yield
    }) : () -> ()
    %mul3A_45 = arith.constant 4 : i32
    %mul3A_46 = arith.muli %arg0, %mul3A_45 : i32
    %add3A_47 = arith.constant 0 : i32
    %add3A_48 = arith.addi %mul3A_46, %add3A_47 : i32
    %add3A_49 = arith.constant 1 : i32
    %add3A_50 = arith.addi %add3A_48, %add3A_49 : i32
    %mul3A_51 = arith.constant 10240 : i32
    %mul3A_52 = arith.muli %add3A_50, %mul3A_51 : i32
    "tpu.region"() ({
      %run_scoped3A = tpu.sem_alloc : memref<!tpu.dma_semaphore, #tpu.memory_space<semaphore_mem>>
      %dma_start3A_956 = arith.constant 0 : i32
      %dma_start3A_957 = tpu.memref_slice %arg13[%dma_start3A_956] : memref<10016xf32, #tpu.memory_space<vmem>> -> memref<10000xf32, #tpu.memory_space<vmem>>
      %dma_start3A_958 = tpu.memref_slice %arg4[%mul3A_52] : memref<81920xf32, #tpu.memory_space<hbm>> -> memref<10000xf32, #tpu.memory_space<hbm>>
      %dma_start3A_959 = arith.constant 0 : i32
      %dma_start3A_960 = tpu.memref_slice %arg13[%dma_start3A_959] : memref<10016xf32, #tpu.memory_space<vmem>> -> memref<10000xf32, #tpu.memory_space<vmem>>
      %dma_start3A_961 = tpu.memref_slice %arg4[%mul3A_52] : memref<81920xf32, #tpu.memory_space<hbm>> -> memref<10000xf32, #tpu.memory_space<hbm>>
      tpu.enqueue_dma source(%dma_start3A_961 : memref<10000xf32, #tpu.memory_space<hbm>>) target(%dma_start3A_960 : memref<10000xf32, #tpu.memory_space<vmem>>) target_semaphore(%run_scoped3A : memref<!tpu.dma_semaphore, #tpu.memory_space<semaphore_mem>>)
      %dma_wait3A_962 = arith.constant 0 : i32
      %dma_wait3A_963 = tpu.memref_slice %arg13[%dma_wait3A_962] : memref<10016xf32, #tpu.memory_space<vmem>> -> memref<10000xf32, #tpu.memory_space<vmem>>
      %dma_wait3A_964 = tpu.memref_slice %arg4[%mul3A_52] : memref<81920xf32, #tpu.memory_space<hbm>> -> memref<10000xf32, #tpu.memory_space<hbm>>
      %dma_wait3A_965 = arith.constant 0 : i32
      %dma_wait3A_966 = tpu.memref_slice %arg13[%dma_wait3A_965] : memref<10016xf32, #tpu.memory_space<vmem>> -> memref<10000xf32, #tpu.memory_space<vmem>>
      %dma_wait3A_967 = tpu.memref_slice %arg4[%mul3A_52] : memref<81920xf32, #tpu.memory_space<hbm>> -> memref<10000xf32, #tpu.memory_space<hbm>>
      tpu.wait_dma2 semaphore(%run_scoped3A : memref<!tpu.dma_semaphore, #tpu.memory_space<semaphore_mem>>) src(%dma_wait3A_967 : memref<10000xf32, #tpu.memory_space<hbm>>) dst(%dma_wait3A_966 : memref<10000xf32, #tpu.memory_space<vmem>>)
      tpu.yield
    }) : () -> ()
    %broadcast_in_dim3A_53 = arith.constant -1.000000e+30 : f32
    %broadcast_in_dim3A_54 = vector.broadcast %broadcast_in_dim3A_53 : f32 to vector<16xf32>
    %swap3A_55 = arith.constant 10000 : index
    %swap3A_56 = tpu.vector_load %arg13[%swap3A_55] {strides = array<i32>} : memref<10016xf32, #tpu.memory_space<vmem>>, vector<16xf32>,
    tpu.vector_store %arg13[%swap3A_55], %broadcast_in_dim3A_54 {strides = array<i32>} : memref<10016xf32, #tpu.memory_space<vmem>>, vector<16xf32>,
    %mul3A_57 = arith.constant 168 : i32
    %mul3A_58 = arith.muli %arg1, %mul3A_57 : i32
    %mul3A_59 = arith.constant 2 : i32
    %mul3A_60 = arith.muli %mul3A_58, %mul3A_59 : i32
    %mul3A_61 = arith.constant 64 : i32
    %mul3A_62 = arith.muli %mul3A_60, %mul3A_61 : i32
    %add3A_63 = arith.constant 0 : i32
    %add3A_64 = arith.addi %mul3A_62, %add3A_63 : i32
    %dma_start3A = arith.constant 0 : i32
    %dma_start3A_65 = arith.constant 0 : i32
    %dma_start3A_66 = arith.constant 0 : i32
    %dma_start3A_67 = tpu.memref_slice %arg14[%dma_start3A, %dma_start3A_66] : memref<3x128xi32, #tpu.memory_space<vmem>> -> memref<1x128xi32, #tpu.memory_space<vmem>>
    %dma_start3A_68 = tpu.memref_squeeze %dma_start3A_67 : memref<1x128xi32, #tpu.memory_space<vmem>> -> memref<128xi32, #tpu.memory_space<vmem>>
    %dma_start3A_69 = tpu.memref_slice %arg5[%add3A_64] : memref<344064xi32, #tpu.memory_space<hbm>> -> memref<128xi32, #tpu.memory_space<hbm>>
    %dma_start3A_70 = tpu.memref_slice %arg20[%dma_start3A_65] : memref<3x!tpu.dma_semaphore, #tpu.memory_space<semaphore_mem>> -> memref<1x!tpu.dma_semaphore, #tpu.memory_space<semaphore_mem>>
    %dma_start3A_71 = tpu.memref_squeeze %dma_start3A_70 : memref<1x!tpu.dma_semaphore, #tpu.memory_space<semaphore_mem>> -> memref<!tpu.dma_semaphore, #tpu.memory_space<semaphore_mem>>
    %dma_start3A_72 = arith.constant 0 : i32
    %dma_start3A_73 = tpu.memref_slice %arg14[%dma_start3A, %dma_start3A_72] : memref<3x128xi32, #tpu.memory_space<vmem>> -> memref<1x128xi32, #tpu.memory_space<vmem>>
    %dma_start3A_74 = tpu.memref_squeeze %dma_start3A_73 : memref<1x128xi32, #tpu.memory_space<vmem>> -> memref<128xi32, #tpu.memory_space<vmem>>
    %dma_start3A_75 = tpu.memref_slice %arg5[%add3A_64] : memref<344064xi32, #tpu.memory_space<hbm>> -> memref<128xi32, #tpu.memory_space<hbm>>
    tpu.enqueue_dma source(%dma_start3A_75 : memref<128xi32, #tpu.memory_space<hbm>>) target(%dma_start3A_74 : memref<128xi32, #tpu.memory_space<vmem>>) target_semaphore(%dma_start3A_71 : memref<!tpu.dma_semaphore, #tpu.memory_space<semaphore_mem>>)
    %add3A_76 = arith.constant 128 : i32
    %add3A_77 = arith.addi %mul3A_62, %add3A_76 : i32
    %dma_start3A_78 = arith.constant 1 : i32
    %dma_start3A_79 = arith.constant 1 : i32
    %dma_start3A_80 = arith.constant 0 : i32
    %dma_start3A_81 = tpu.memref_slice %arg14[%dma_start3A_78, %dma_start3A_80] : memref<3x128xi32, #tpu.memory_space<vmem>> -> memref<1x128xi32, #tpu.memory_space<vmem>>
    %dma_start3A_82 = tpu.memref_squeeze %dma_start3A_81 : memref<1x128xi32, #tpu.memory_space<vmem>> -> memref<128xi32, #tpu.memory_space<vmem>>
    %dma_start3A_83 = tpu.memref_slice %arg5[%add3A_77] : memref<344064xi32, #tpu.memory_space<hbm>> -> memref<128xi32, #tpu.memory_space<hbm>>
    %dma_start3A_84 = tpu.memref_slice %arg20[%dma_start3A_79] : memref<3x!tpu.dma_semaphore, #tpu.memory_space<semaphore_mem>> -> memref<1x!tpu.dma_semaphore, #tpu.memory_space<semaphore_mem>>
    %dma_start3A_85 = tpu.memref_squeeze %dma_start3A_84 : memref<1x!tpu.dma_semaphore, #tpu.memory_space<semaphore_mem>> -> memref<!tpu.dma_semaphore, #tpu.memory_space<semaphore_mem>>
    %dma_start3A_86 = arith.constant 0 : i32
    %dma_start3A_87 = tpu.memref_slice %arg14[%dma_start3A_78, %dma_start3A_86] : memref<3x128xi32, #tpu.memory_space<vmem>> -> memref<1x128xi32, #tpu.memory_space<vmem>>
    %dma_start3A_88 = tpu.memref_squeeze %dma_start3A_87 : memref<1x128xi32, #tpu.memory_space<vmem>> -> memref<128xi32, #tpu.memory_space<vmem>>
    %dma_start3A_89 = tpu.memref_slice %arg5[%add3A_77] : memref<344064xi32, #tpu.memory_space<hbm>> -> memref<128xi32, #tpu.memory_space<hbm>>
    tpu.enqueue_dma source(%dma_start3A_89 : memref<128xi32, #tpu.memory_space<hbm>>) target(%dma_start3A_88 : memref<128xi32, #tpu.memory_space<vmem>>) target_semaphore(%dma_start3A_85 : memref<!tpu.dma_semaphore, #tpu.memory_space<semaphore_mem>>)
    %add3A_90 = arith.constant 256 : i32
    %add3A_91 = arith.addi %mul3A_62, %add3A_90 : i32
    %dma_start3A_92 = arith.constant 2 : i32
    %dma_start3A_93 = arith.constant 2 : i32
    %dma_start3A_94 = arith.constant 0 : i32
    %dma_start3A_95 = tpu.memref_slice %arg14[%dma_start3A_92, %dma_start3A_94] : memref<3x128xi32, #tpu.memory_space<vmem>> -> memref<1x128xi32, #tpu.memory_space<vmem>>
    %dma_start3A_96 = tpu.memref_squeeze %dma_start3A_95 : memref<1x128xi32, #tpu.memory_space<vmem>> -> memref<128xi32, #tpu.memory_space<vmem>>
    %dma_start3A_97 = tpu.memref_slice %arg5[%add3A_91] : memref<344064xi32, #tpu.memory_space<hbm>> -> memref<128xi32, #tpu.memory_space<hbm>>
    %dma_start3A_98 = tpu.memref_slice %arg20[%dma_start3A_93] : memref<3x!tpu.dma_semaphore, #tpu.memory_space<semaphore_mem>> -> memref<1x!tpu.dma_semaphore, #tpu.memory_space<semaphore_mem>>
    %dma_start3A_99 = tpu.memref_squeeze %dma_start3A_98 : memref<1x!tpu.dma_semaphore, #tpu.memory_space<semaphore_mem>> -> memref<!tpu.dma_semaphore, #tpu.memory_space<semaphore_mem>>
    %dma_start3A_100 = arith.constant 0 : i32
    %dma_start3A_101 = tpu.memref_slice %arg14[%dma_start3A_92, %dma_start3A_100] : memref<3x128xi32, #tpu.memory_space<vmem>> -> memref<1x128xi32, #tpu.memory_space<vmem>>
    %dma_start3A_102 = tpu.memref_squeeze %dma_start3A_101 : memref<1x128xi32, #tpu.memory_space<vmem>> -> memref<128xi32, #tpu.memory_space<vmem>>
    %dma_start3A_103 = tpu.memref_slice %arg5[%add3A_91] : memref<344064xi32, #tpu.memory_space<hbm>> -> memref<128xi32, #tpu.memory_space<hbm>>
    tpu.enqueue_dma source(%dma_start3A_103 : memref<128xi32, #tpu.memory_space<hbm>>) target(%dma_start3A_102 : memref<128xi32, #tpu.memory_space<vmem>>) target_semaphore(%dma_start3A_99 : memref<!tpu.dma_semaphore, #tpu.memory_space<semaphore_mem>>)
    %add3A_104 = arith.constant 0 : i32
    %add3A_105 = arith.addi %mul3A_62, %add3A_104 : i32
    %dma_wait3A = arith.constant 0 : i32
    %dma_wait3A_106 = arith.constant 0 : i32
    %dma_wait3A_107 = arith.constant 0 : i32
    %dma_wait3A_108 = tpu.memref_slice %arg14[%dma_wait3A, %dma_wait3A_107] : memref<3x128xi32, #tpu.memory_space<vmem>> -> memref<1x128xi32, #tpu.memory_space<vmem>>
    %dma_wait3A_109 = tpu.memref_squeeze %dma_wait3A_108 : memref<1x128xi32, #tpu.memory_space<vmem>> -> memref<128xi32, #tpu.memory_space<vmem>>
    %dma_wait3A_110 = tpu.memref_slice %arg5[%add3A_105] : memref<344064xi32, #tpu.memory_space<hbm>> -> memref<128xi32, #tpu.memory_space<hbm>>
    %dma_wait3A_111 = tpu.memref_slice %arg20[%dma_wait3A_106] : memref<3x!tpu.dma_semaphore, #tpu.memory_space<semaphore_mem>> -> memref<1x!tpu.dma_semaphore, #tpu.memory_space<semaphore_mem>>
    %dma_wait3A_112 = tpu.memref_squeeze %dma_wait3A_111 : memref<1x!tpu.dma_semaphore, #tpu.memory_space<semaphore_mem>> -> memref<!tpu.dma_semaphore, #tpu.memory_space<semaphore_mem>>
    %dma_wait3A_113 = arith.constant 0 : i32
    %dma_wait3A_114 = tpu.memref_slice %arg14[%dma_wait3A, %dma_wait3A_113] : memref<3x128xi32, #tpu.memory_space<vmem>> -> memref<1x128xi32, #tpu.memory_space<vmem>>
    %dma_wait3A_115 = tpu.memref_squeeze %dma_wait3A_114 : memref<1x128xi32, #tpu.memory_space<vmem>> -> memref<128xi32, #tpu.memory_space<vmem>>
    %dma_wait3A_116 = tpu.memref_slice %arg5[%add3A_105] : memref<344064xi32, #tpu.memory_space<hbm>> -> memref<128xi32, #tpu.memory_space<hbm>>
    tpu.wait_dma2 semaphore(%dma_wait3A_112 : memref<!tpu.dma_semaphore, #tpu.memory_space<semaphore_mem>>) src(%dma_wait3A_116 : memref<128xi32, #tpu.memory_space<hbm>>) dst(%dma_wait3A_115 : memref<128xi32, #tpu.memory_space<vmem>>)
    %get3A = arith.constant 0 : i32
    %get3A_117 = arith.index_cast %get3A : i32 to index
    %get3A_118 = arith.constant 0 : index
    %get3A_119 = tpu.vector_load %arg14[%get3A_117, %get3A_118] {strides = array<i32>} : memref<3x128xi32, #tpu.memory_space<vmem>>, vector<16xi32>,
    %get3A_120 = arith.constant 0 : i32
    %get3A_121 = arith.index_cast %get3A_120 : i32 to index
    %get3A_122 = arith.constant 64 : index
    %get3A_123 = tpu.vector_load %arg14[%get3A_121, %get3A_122] {strides = array<i32>} : memref<3x128xi32, #tpu.memory_space<vmem>>, vector<16xi32>,
    %gather3A = tpu.vector_load_idx %arg12[%get3A_119] : memref<10000xf32, #tpu.memory_space<vmem>>[vector<16xi32>], vector<16xf32>,
    %gather3A_124 = tpu.vector_load_idx %arg13[%get3A_123] : memref<10016xf32, #tpu.memory_space<vmem>>[vector<16xi32>], vector<16xf32>,
    %add3A_125 = arith.addf %gather3A, %gather3A_124 : vector<16xf32>
    %mul3A_126 = arith.constant 2.000000e-01 : f32
    %mul3A_127 = vector.broadcast %mul3A_126 : f32 to vector<16xf32>
    %mul3A_128 = arith.mulf %mul3A_127, %add3A_125 : vector<16xf32>
    %max3A = arith.maximumf %add3A_125, %mul3A_128 : vector<16xf32>
    %exp3A = math.exp %max3A : vector<16xf32>
    %swap3A_129 = arith.constant 0 : i32
    %swap3A_130 = arith.index_cast %swap3A_129 : i32 to index
    %swap3A_131 = arith.constant 0 : index
    %swap3A_132 = tpu.vector_load %arg17[%swap3A_130, %swap3A_131] {strides = array<i32>} : memref<3x64xf32, #tpu.memory_space<vmem>>, vector<16xf32>,
    tpu.vector_store %arg17[%swap3A_130, %swap3A_131], %exp3A {strides = array<i32>} : memref<3x64xf32, #tpu.memory_space<vmem>>, vector<16xf32>,
    %swap3A_133 = arith.constant 0 : i32
    %swap3A_134 = arith.index_cast %swap3A_133 : i32 to index
    %swap3A_135 = arith.constant 0 : index
    %swap3A_136 = tpu.vector_load %arg15[%swap3A_134, %swap3A_135] {strides = array<i32>} : memref<3x64xi32, #tpu.memory_space<vmem>>, vector<16xi32>,
    tpu.vector_store %arg15[%swap3A_134, %swap3A_135], %get3A_119 {strides = array<i32>} : memref<3x64xi32, #tpu.memory_space<vmem>>, vector<16xi32>,
    %add3A_137 = vector.broadcast %mul3A_0 : i32 to vector<16xi32>
    %add3A_138 = arith.addi %get3A_123, %add3A_137 : vector<16xi32>
    %swap3A_139 = arith.constant 0 : i32
    %swap3A_140 = arith.index_cast %swap3A_139 : i32 to index
    %swap3A_141 = arith.constant 0 : index
    %swap3A_142 = tpu.vector_load %arg16[%swap3A_140, %swap3A_141] {strides = array<i32>} : memref<3x64xi32, #tpu.memory_space<vmem>>, vector<16xi32>,
    tpu.vector_store %arg16[%swap3A_140, %swap3A_141], %add3A_138 {strides = array<i32>} : memref<3x64xi32, #tpu.memory_space<vmem>>, vector<16xi32>,
    %get3A_143 = arith.constant 0 : i32
    %get3A_144 = arith.index_cast %get3A_143 : i32 to index
    %get3A_145 = arith.constant 16 : index
    %get3A_146 = tpu.vector_load %arg14[%get3A_144, %get3A_145] {strides = array<i32>} : memref<3x128xi32, #tpu.memory_space<vmem>>, vector<16xi32>,
    %get3A_147 = arith.constant 0 : i32
    %get3A_148 = arith.index_cast %get3A_147 : i32 to index
    %get3A_149 = arith.constant 80 : index
    %get3A_150 = tpu.vector_load %arg14[%get3A_148, %get3A_149] {strides = array<i32>} : memref<3x128xi32, #tpu.memory_space<vmem>>, vector<16xi32>,
    %gather3A_151 = tpu.vector_load_idx %arg12[%get3A_146] : memref<10000xf32, #tpu.memory_space<vmem>>[vector<16xi32>], vector<16xf32>,
    %gather3A_152 = tpu.vector_load_idx %arg13[%get3A_150] : memref<10016xf32, #tpu.memory_space<vmem>>[vector<16xi32>], vector<16xf32>,
    %add3A_153 = arith.addf %gather3A_151, %gather3A_152 : vector<16xf32>
    %mul3A_154 = arith.constant 2.000000e-01 : f32
    %mul3A_155 = vector.broadcast %mul3A_154 : f32 to vector<16xf32>
    %mul3A_156 = arith.mulf %mul3A_155, %add3A_153 : vector<16xf32>
    %max3A_157 = arith.maximumf %add3A_153, %mul3A_156 : vector<16xf32>
    %exp3A_158 = math.exp %max3A_157 : vector<16xf32>
    %swap3A_159 = arith.constant 0 : i32
    %swap3A_160 = arith.index_cast %swap3A_159 : i32 to index
    %swap3A_161 = arith.constant 16 : index
    %swap3A_162 = tpu.vector_load %arg17[%swap3A_160, %swap3A_161] {strides = array<i32>} : memref<3x64xf32, #tpu.memory_space<vmem>>, vector<16xf32>,
    tpu.vector_store %arg17[%swap3A_160, %swap3A_161], %exp3A_158 {strides = array<i32>} : memref<3x64xf32, #tpu.memory_space<vmem>>, vector<16xf32>,
    %swap3A_163 = arith.constant 0 : i32
    %swap3A_164 = arith.index_cast %swap3A_163 : i32 to index
    %swap3A_165 = arith.constant 16 : index
    %swap3A_166 = tpu.vector_load %arg15[%swap3A_164, %swap3A_165] {strides = array<i32>} : memref<3x64xi32, #tpu.memory_space<vmem>>, vector<16xi32>,
    tpu.vector_store %arg15[%swap3A_164, %swap3A_165], %get3A_146 {strides = array<i32>} : memref<3x64xi32, #tpu.memory_space<vmem>>, vector<16xi32>,
    %add3A_167 = vector.broadcast %mul3A_0 : i32 to vector<16xi32>
    %add3A_168 = arith.addi %get3A_150, %add3A_167 : vector<16xi32>
    %swap3A_169 = arith.constant 0 : i32
    %swap3A_170 = arith.index_cast %swap3A_169 : i32 to index
    %swap3A_171 = arith.constant 16 : index
    %swap3A_172 = tpu.vector_load %arg16[%swap3A_170, %swap3A_171] {strides = array<i32>} : memref<3x64xi32, #tpu.memory_space<vmem>>, vector<16xi32>,
    tpu.vector_store %arg16[%swap3A_170, %swap3A_171], %add3A_168 {strides = array<i32>} : memref<3x64xi32, #tpu.memory_space<vmem>>, vector<16xi32>,
    %get3A_173 = arith.constant 0 : i32
    %get3A_174 = arith.index_cast %get3A_173 : i32 to index
    %get3A_175 = arith.constant 32 : index
    %get3A_176 = tpu.vector_load %arg14[%get3A_174, %get3A_175] {strides = array<i32>} : memref<3x128xi32, #tpu.memory_space<vmem>>, vector<16xi32>,
    %get3A_177 = arith.constant 0 : i32
    %get3A_178 = arith.index_cast %get3A_177 : i32 to index
    %get3A_179 = arith.constant 96 : index
    %get3A_180 = tpu.vector_load %arg14[%get3A_178, %get3A_179] {strides = array<i32>} : memref<3x128xi32, #tpu.memory_space<vmem>>, vector<16xi32>,
    %gather3A_181 = tpu.vector_load_idx %arg12[%get3A_176] : memref<10000xf32, #tpu.memory_space<vmem>>[vector<16xi32>], vector<16xf32>,
    %gather3A_182 = tpu.vector_load_idx %arg13[%get3A_180] : memref<10016xf32, #tpu.memory_space<vmem>>[vector<16xi32>], vector<16xf32>,
    %add3A_183 = arith.addf %gather3A_181, %gather3A_182 : vector<16xf32>
    %mul3A_184 = arith.constant 2.000000e-01 : f32
    %mul3A_185 = vector.broadcast %mul3A_184 : f32 to vector<16xf32>
    %mul3A_186 = arith.mulf %mul3A_185, %add3A_183 : vector<16xf32>
    %max3A_187 = arith.maximumf %add3A_183, %mul3A_186 : vector<16xf32>
    %exp3A_188 = math.exp %max3A_187 : vector<16xf32>
    %swap3A_189 = arith.constant 0 : i32
    %swap3A_190 = arith.index_cast %swap3A_189 : i32 to index
    %swap3A_191 = arith.constant 32 : index
    %swap3A_192 = tpu.vector_load %arg17[%swap3A_190, %swap3A_191] {strides = array<i32>} : memref<3x64xf32, #tpu.memory_space<vmem>>, vector<16xf32>,
    tpu.vector_store %arg17[%swap3A_190, %swap3A_191], %exp3A_188 {strides = array<i32>} : memref<3x64xf32, #tpu.memory_space<vmem>>, vector<16xf32>,
    %swap3A_193 = arith.constant 0 : i32
    %swap3A_194 = arith.index_cast %swap3A_193 : i32 to index
    %swap3A_195 = arith.constant 32 : index
    %swap3A_196 = tpu.vector_load %arg15[%swap3A_194, %swap3A_195] {strides = array<i32>} : memref<3x64xi32, #tpu.memory_space<vmem>>, vector<16xi32>,
    tpu.vector_store %arg15[%swap3A_194, %swap3A_195], %get3A_176 {strides = array<i32>} : memref<3x64xi32, #tpu.memory_space<vmem>>, vector<16xi32>,
    %add3A_197 = vector.broadcast %mul3A_0 : i32 to vector<16xi32>
    %add3A_198 = arith.addi %get3A_180, %add3A_197 : vector<16xi32>
    %swap3A_199 = arith.constant 0 : i32
    %swap3A_200 = arith.index_cast %swap3A_199 : i32 to index
    %swap3A_201 = arith.constant 32 : index
    %swap3A_202 = tpu.vector_load %arg16[%swap3A_200, %swap3A_201] {strides = array<i32>} : memref<3x64xi32, #tpu.memory_space<vmem>>, vector<16xi32>,
    tpu.vector_store %arg16[%swap3A_200, %swap3A_201], %add3A_198 {strides = array<i32>} : memref<3x64xi32, #tpu.memory_space<vmem>>, vector<16xi32>,
    %get3A_203 = arith.constant 0 : i32
    %get3A_204 = arith.index_cast %get3A_203 : i32 to index
    %get3A_205 = arith.constant 48 : index
    %get3A_206 = tpu.vector_load %arg14[%get3A_204, %get3A_205] {strides = array<i32>} : memref<3x128xi32, #tpu.memory_space<vmem>>, vector<16xi32>,
    %get3A_207 = arith.constant 0 : i32
    %get3A_208 = arith.index_cast %get3A_207 : i32 to index
    %get3A_209 = arith.constant 112 : index
    %get3A_210 = tpu.vector_load %arg14[%get3A_208, %get3A_209] {strides = array<i32>} : memref<3x128xi32, #tpu.memory_space<vmem>>, vector<16xi32>,
    %gather3A_211 = tpu.vector_load_idx %arg12[%get3A_206] : memref<10000xf32, #tpu.memory_space<vmem>>[vector<16xi32>], vector<16xf32>,
    %gather3A_212 = tpu.vector_load_idx %arg13[%get3A_210] : memref<10016xf32, #tpu.memory_space<vmem>>[vector<16xi32>], vector<16xf32>,
    %add3A_213 = arith.addf %gather3A_211, %gather3A_212 : vector<16xf32>
    %mul3A_214 = arith.constant 2.000000e-01 : f32
    %mul3A_215 = vector.broadcast %mul3A_214 : f32 to vector<16xf32>
    %mul3A_216 = arith.mulf %mul3A_215, %add3A_213 : vector<16xf32>
    %max3A_217 = arith.maximumf %add3A_213, %mul3A_216 : vector<16xf32>
    %exp3A_218 = math.exp %max3A_217 : vector<16xf32>
    %swap3A_219 = arith.constant 0 : i32
    %swap3A_220 = arith.index_cast %swap3A_219 : i32 to index
    %swap3A_221 = arith.constant 48 : index
    %swap3A_222 = tpu.vector_load %arg17[%swap3A_220, %swap3A_221] {strides = array<i32>} : memref<3x64xf32, #tpu.memory_space<vmem>>, vector<16xf32>,
    tpu.vector_store %arg17[%swap3A_220, %swap3A_221], %exp3A_218 {strides = array<i32>} : memref<3x64xf32, #tpu.memory_space<vmem>>, vector<16xf32>,
    %swap3A_223 = arith.constant 0 : i32
    %swap3A_224 = arith.index_cast %swap3A_223 : i32 to index
    %swap3A_225 = arith.constant 48 : index
    %swap3A_226 = tpu.vector_load %arg15[%swap3A_224, %swap3A_225] {strides = array<i32>} : memref<3x64xi32, #tpu.memory_space<vmem>>, vector<16xi32>,
    tpu.vector_store %arg15[%swap3A_224, %swap3A_225], %get3A_206 {strides = array<i32>} : memref<3x64xi32, #tpu.memory_space<vmem>>, vector<16xi32>,
    %add3A_227 = vector.broadcast %mul3A_0 : i32 to vector<16xi32>
    %add3A_228 = arith.addi %get3A_210, %add3A_227 : vector<16xi32>
    %swap3A_229 = arith.constant 0 : i32
    %swap3A_230 = arith.index_cast %swap3A_229 : i32 to index
    %swap3A_231 = arith.constant 48 : index
    %swap3A_232 = tpu.vector_load %arg16[%swap3A_230, %swap3A_231] {strides = array<i32>} : memref<3x64xi32, #tpu.memory_space<vmem>>, vector<16xi32>,
    tpu.vector_store %arg16[%swap3A_230, %swap3A_231], %add3A_228 {strides = array<i32>} : memref<3x64xi32, #tpu.memory_space<vmem>>, vector<16xi32>,
    %dma_start3A_233 = arith.constant 0 : i32
    %dma_start3A_234 = arith.constant 0 : i32
    %dma_start3A_235 = arith.constant 0 : i32
    %dma_start3A_236 = arith.constant 0 : i32
    %dma_start3A_237 = arith.constant 0 : i32
    %dma_start3A_238 = tpu.memref_slice %arg18[%dma_start3A_234, %dma_start3A_236, %dma_start3A_237] : memref<3x64x128xf32, #tpu.memory_space<vmem>> -> memref<1x64x128xf32, #tpu.memory_space<vmem>>
    %dma_start3A_239 = tpu.memref_squeeze %dma_start3A_238 : memref<1x64x128xf32, #tpu.memory_space<vmem>> -> memref<64x128xf32, #tpu.memory_space<vmem>>
    %dma_start3A_240 = arith.constant 0 : i32
    %dma_start3A_241 = tpu.memref_slice %arg16[%dma_start3A_233, %dma_start3A_240] : memref<3x64xi32, #tpu.memory_space<vmem>> -> memref<1x64xi32, #tpu.memory_space<vmem>>
    %dma_start3A_242 = tpu.memref_squeeze %dma_start3A_241 : memref<1x64xi32, #tpu.memory_space<vmem>> -> memref<64xi32, #tpu.memory_space<vmem>>
    %dma_start3A_243 = arith.constant 0 : i32
    %dma_start3A_244 = arith.constant 0 : i32
    %dma_start3A_245 = tpu.memref_slice %arg2[%dma_start3A_243, %dma_start3A_244] : memref<20480x128xf32, #tpu.memory_space<hbm>> -> memref<20480x128xf32, #tpu.memory_space<hbm>>
    %dma_start3A_246 = tpu.memref_slice %arg22[%dma_start3A_235] : memref<3x!tpu.dma_semaphore, #tpu.memory_space<semaphore_mem>> -> memref<1x!tpu.dma_semaphore, #tpu.memory_space<semaphore_mem>>
    %dma_start3A_247 = tpu.memref_squeeze %dma_start3A_246 : memref<1x!tpu.dma_semaphore, #tpu.memory_space<semaphore_mem>> -> memref<!tpu.dma_semaphore, #tpu.memory_space<semaphore_mem>>
    tpu.enqueue_indirect_dma source(%dma_start3A_245 : memref<20480x128xf32, #tpu.memory_space<hbm>>) target(%dma_start3A_239 : memref<64x128xf32, #tpu.memory_space<vmem>>) offsets(%dma_start3A_242 : memref<64xi32, #tpu.memory_space<vmem>>) semaphore(%dma_start3A_247 : memref<!tpu.dma_semaphore, #tpu.memory_space<semaphore_mem>>)
    %dma_start3A_248 = arith.constant 0 : i32
    %dma_start3A_249 = arith.constant 0 : i32
    %dma_start3A_250 = arith.constant 0 : i32
    %dma_start3A_251 = arith.constant 0 : i32
    %dma_start3A_252 = tpu.memref_slice %arg17[%dma_start3A_248, %dma_start3A_251] : memref<3x64xf32, #tpu.memory_space<vmem>> -> memref<1x64xf32, #tpu.memory_space<vmem>>
    %dma_start3A_253 = tpu.memref_squeeze %dma_start3A_252 : memref<1x64xf32, #tpu.memory_space<vmem>> -> memref<64xf32, #tpu.memory_space<vmem>>
    %dma_start3A_254 = arith.constant 0 : i32
    %dma_start3A_255 = tpu.memref_slice %arg15[%dma_start3A_249, %dma_start3A_254] : memref<3x64xi32, #tpu.memory_space<vmem>> -> memref<1x64xi32, #tpu.memory_space<vmem>>
    %dma_start3A_256 = tpu.memref_squeeze %dma_start3A_255 : memref<1x64xi32, #tpu.memory_space<vmem>> -> memref<64xi32, #tpu.memory_space<vmem>>
    %dma_start3A_257 = arith.constant 0 : i32
    %dma_start3A_258 = tpu.memref_slice %arg11[%dma_start3A_257] : memref<10000xf32, #tpu.memory_space<vmem_shared>> -> memref<10000xf32, #tpu.memory_space<vmem_shared>>
    %dma_start3A_259 = tpu.memref_slice %arg21[%dma_start3A_250] : memref<3x!tpu.dma_semaphore, #tpu.memory_space<semaphore_mem>> -> memref<1x!tpu.dma_semaphore, #tpu.memory_space<semaphore_mem>>
    %dma_start3A_260 = tpu.memref_squeeze %dma_start3A_259 : memref<1x!tpu.dma_semaphore, #tpu.memory_space<semaphore_mem>> -> memref<!tpu.dma_semaphore, #tpu.memory_space<semaphore_mem>>
    tpu.enqueue_indirect_dma source(%dma_start3A_253 : memref<64xf32, #tpu.memory_space<vmem>>) target(%dma_start3A_258 : memref<10000xf32, #tpu.memory_space<vmem_shared>>) offsets(%dma_start3A_256 : memref<64xi32, #tpu.memory_space<vmem>>) semaphore(%dma_start3A_260 : memref<!tpu.dma_semaphore, #tpu.memory_space<semaphore_mem>>) {add = true}
    %add3A_261 = arith.constant 384 : i32
    %add3A_262 = arith.addi %mul3A_62, %add3A_261 : i32
    %dma_start3A_263 = arith.constant 0 : i32
    %dma_start3A_264 = arith.constant 0 : i32
    %dma_start3A_265 = arith.constant 0 : i32
    %dma_start3A_266 = tpu.memref_slice %arg14[%dma_start3A_263, %dma_start3A_265] : memref<3x128xi32, #tpu.memory_space<vmem>> -> memref<1x128xi32, #tpu.memory_space<vmem>>
    %dma_start3A_267 = tpu.memref_squeeze %dma_start3A_266 : memref<1x128xi32, #tpu.memory_space<vmem>> -> memref<128xi32, #tpu.memory_space<vmem>>
    %dma_start3A_268 = tpu.memref_slice %arg5[%add3A_262] : memref<344064xi32, #tpu.memory_space<hbm>> -> memref<128xi32, #tpu.memory_space<hbm>>
    %dma_start3A_269 = tpu.memref_slice %arg20[%dma_start3A_264] : memref<3x!tpu.dma_semaphore, #tpu.memory_space<semaphore_mem>> -> memref<1x!tpu.dma_semaphore, #tpu.memory_space<semaphore_mem>>
    %dma_start3A_270 = tpu.memref_squeeze %dma_start3A_269 : memref<1x!tpu.dma_semaphore, #tpu.memory_space<semaphore_mem>> -> memref<!tpu.dma_semaphore, #tpu.memory_space<semaphore_mem>>
    %dma_start3A_271 = arith.constant 0 : i32
    %dma_start3A_272 = tpu.memref_slice %arg14[%dma_start3A_263, %dma_start3A_271] : memref<3x128xi32, #tpu.memory_space<vmem>> -> memref<1x128xi32, #tpu.memory_space<vmem>>
    %dma_start3A_273 = tpu.memref_squeeze %dma_start3A_272 : memref<1x128xi32, #tpu.memory_space<vmem>> -> memref<128xi32, #tpu.memory_space<vmem>>
    %dma_start3A_274 = tpu.memref_slice %arg5[%add3A_262] : memref<344064xi32, #tpu.memory_space<hbm>> -> memref<128xi32, #tpu.memory_space<hbm>>
    tpu.enqueue_dma source(%dma_start3A_274 : memref<128xi32, #tpu.memory_space<hbm>>) target(%dma_start3A_273 : memref<128xi32, #tpu.memory_space<vmem>>) target_semaphore(%dma_start3A_270 : memref<!tpu.dma_semaphore, #tpu.memory_space<semaphore_mem>>)
    %add3A_275 = arith.constant 128 : i32
    %add3A_276 = arith.addi %mul3A_62, %add3A_275 : i32
    %dma_wait3A_277 = arith.constant 1 : i32
    %dma_wait3A_278 = arith.constant 1 : i32
    %dma_wait3A_279 = arith.constant 0 : i32
    %dma_wait3A_280 = tpu.memref_slice %arg14[%dma_wait3A_277, %dma_wait3A_279] : memref<3x128xi32, #tpu.memory_space<vmem>> -> memref<1x128xi32, #tpu.memory_space<vmem>>
    %dma_wait3A_281 = tpu.memref_squeeze %dma_wait3A_280 : memref<1x128xi32, #tpu.memory_space<vmem>> -> memref<128xi32, #tpu.memory_space<vmem>>
    %dma_wait3A_282 = tpu.memref_slice %arg5[%add3A_276] : memref<344064xi32, #tpu.memory_space<hbm>> -> memref<128xi32, #tpu.memory_space<hbm>>
    %dma_wait3A_283 = tpu.memref_slice %arg20[%dma_wait3A_278] : memref<3x!tpu.dma_semaphore, #tpu.memory_space<semaphore_mem>> -> memref<1x!tpu.dma_semaphore, #tpu.memory_space<semaphore_mem>>
    %dma_wait3A_284 = tpu.memref_squeeze %dma_wait3A_283 : memref<1x!tpu.dma_semaphore, #tpu.memory_space<semaphore_mem>> -> memref<!tpu.dma_semaphore, #tpu.memory_space<semaphore_mem>>
    %dma_wait3A_285 = arith.constant 0 : i32
    %dma_wait3A_286 = tpu.memref_slice %arg14[%dma_wait3A_277, %dma_wait3A_285] : memref<3x128xi32, #tpu.memory_space<vmem>> -> memref<1x128xi32, #tpu.memory_space<vmem>>
    %dma_wait3A_287 = tpu.memref_squeeze %dma_wait3A_286 : memref<1x128xi32, #tpu.memory_space<vmem>> -> memref<128xi32, #tpu.memory_space<vmem>>
    %dma_wait3A_288 = tpu.memref_slice %arg5[%add3A_276] : memref<344064xi32, #tpu.memory_space<hbm>> -> memref<128xi32, #tpu.memory_space<hbm>>
    tpu.wait_dma2 semaphore(%dma_wait3A_284 : memref<!tpu.dma_semaphore, #tpu.memory_space<semaphore_mem>>) src(%dma_wait3A_288 : memref<128xi32, #tpu.memory_space<hbm>>) dst(%dma_wait3A_287 : memref<128xi32, #tpu.memory_space<vmem>>)
    %get3A_289 = arith.constant 1 : i32
    %get3A_290 = arith.index_cast %get3A_289 : i32 to index
    %get3A_291 = arith.constant 0 : index
    %get3A_292 = tpu.vector_load %arg14[%get3A_290, %get3A_291] {strides = array<i32>} : memref<3x128xi32, #tpu.memory_space<vmem>>, vector<16xi32>,
    %get3A_293 = arith.constant 1 : i32
    %get3A_294 = arith.index_cast %get3A_293 : i32 to index
    %get3A_295 = arith.constant 64 : index
    %get3A_296 = tpu.vector_load %arg14[%get3A_294, %get3A_295] {strides = array<i32>} : memref<3x128xi32, #tpu.memory_space<vmem>>, vector<16xi32>,
    %gather3A_297 = tpu.vector_load_idx %arg12[%get3A_292] : memref<10000xf32, #tpu.memory_space<vmem>>[vector<16xi32>], vector<16xf32>,
    %gather3A_298 = tpu.vector_load_idx %arg13[%get3A_296] : memref<10016xf32, #tpu.memory_space<vmem>>[vector<16xi32>], vector<16xf32>,
    %add3A_299 = arith.addf %gather3A_297, %gather3A_298 : vector<16xf32>
    %mul3A_300 = arith.constant 2.000000e-01 : f32
    %mul3A_301 = vector.broadcast %mul3A_300 : f32 to vector<16xf32>
    %mul3A_302 = arith.mulf %mul3A_301, %add3A_299 : vector<16xf32>
    %max3A_303 = arith.maximumf %add3A_299, %mul3A_302 : vector<16xf32>
    %exp3A_304 = math.exp %max3A_303 : vector<16xf32>
    %swap3A_305 = arith.constant 1 : i32
    %swap3A_306 = arith.index_cast %swap3A_305 : i32 to index
    %swap3A_307 = arith.constant 0 : index
    %swap3A_308 = tpu.vector_load %arg17[%swap3A_306, %swap3A_307] {strides = array<i32>} : memref<3x64xf32, #tpu.memory_space<vmem>>, vector<16xf32>,
    tpu.vector_store %arg17[%swap3A_306, %swap3A_307], %exp3A_304 {strides = array<i32>} : memref<3x64xf32, #tpu.memory_space<vmem>>, vector<16xf32>,
    %swap3A_309 = arith.constant 1 : i32
    %swap3A_310 = arith.index_cast %swap3A_309 : i32 to index
    %swap3A_311 = arith.constant 0 : index
    %swap3A_312 = tpu.vector_load %arg15[%swap3A_310, %swap3A_311] {strides = array<i32>} : memref<3x64xi32, #tpu.memory_space<vmem>>, vector<16xi32>,
    tpu.vector_store %arg15[%swap3A_310, %swap3A_311], %get3A_292 {strides = array<i32>} : memref<3x64xi32, #tpu.memory_space<vmem>>, vector<16xi32>,
    %add3A_313 = vector.broadcast %mul3A_0 : i32 to vector<16xi32>
    %add3A_314 = arith.addi %get3A_296, %add3A_313 : vector<16xi32>
    %swap3A_315 = arith.constant 1 : i32
    %swap3A_316 = arith.index_cast %swap3A_315 : i32 to index
    %swap3A_317 = arith.constant 0 : index
    %swap3A_318 = tpu.vector_load %arg16[%swap3A_316, %swap3A_317] {strides = array<i32>} : memref<3x64xi32, #tpu.memory_space<vmem>>, vector<16xi32>,
    tpu.vector_store %arg16[%swap3A_316, %swap3A_317], %add3A_314 {strides = array<i32>} : memref<3x64xi32, #tpu.memory_space<vmem>>, vector<16xi32>,
    %get3A_319 = arith.constant 1 : i32
    %get3A_320 = arith.index_cast %get3A_319 : i32 to index
    %get3A_321 = arith.constant 16 : index
    %get3A_322 = tpu.vector_load %arg14[%get3A_320, %get3A_321] {strides = array<i32>} : memref<3x128xi32, #tpu.memory_space<vmem>>, vector<16xi32>,
    %get3A_323 = arith.constant 1 : i32
    %get3A_324 = arith.index_cast %get3A_323 : i32 to index
    %get3A_325 = arith.constant 80 : index
    %get3A_326 = tpu.vector_load %arg14[%get3A_324, %get3A_325] {strides = array<i32>} : memref<3x128xi32, #tpu.memory_space<vmem>>, vector<16xi32>,
    %gather3A_327 = tpu.vector_load_idx %arg12[%get3A_322] : memref<10000xf32, #tpu.memory_space<vmem>>[vector<16xi32>], vector<16xf32>,
    %gather3A_328 = tpu.vector_load_idx %arg13[%get3A_326] : memref<10016xf32, #tpu.memory_space<vmem>>[vector<16xi32>], vector<16xf32>,
    %add3A_329 = arith.addf %gather3A_327, %gather3A_328 : vector<16xf32>
    %mul3A_330 = arith.constant 2.000000e-01 : f32
    %mul3A_331 = vector.broadcast %mul3A_330 : f32 to vector<16xf32>
    %mul3A_332 = arith.mulf %mul3A_331, %add3A_329 : vector<16xf32>
    %max3A_333 = arith.maximumf %add3A_329, %mul3A_332 : vector<16xf32>
    %exp3A_334 = math.exp %max3A_333 : vector<16xf32>
    %swap3A_335 = arith.constant 1 : i32
    %swap3A_336 = arith.index_cast %swap3A_335 : i32 to index
    %swap3A_337 = arith.constant 16 : index
    %swap3A_338 = tpu.vector_load %arg17[%swap3A_336, %swap3A_337] {strides = array<i32>} : memref<3x64xf32, #tpu.memory_space<vmem>>, vector<16xf32>,
    tpu.vector_store %arg17[%swap3A_336, %swap3A_337], %exp3A_334 {strides = array<i32>} : memref<3x64xf32, #tpu.memory_space<vmem>>, vector<16xf32>,
    %swap3A_339 = arith.constant 1 : i32
    %swap3A_340 = arith.index_cast %swap3A_339 : i32 to index
    %swap3A_341 = arith.constant 16 : index
    %swap3A_342 = tpu.vector_load %arg15[%swap3A_340, %swap3A_341] {strides = array<i32>} : memref<3x64xi32, #tpu.memory_space<vmem>>, vector<16xi32>,
    tpu.vector_store %arg15[%swap3A_340, %swap3A_341], %get3A_322 {strides = array<i32>} : memref<3x64xi32, #tpu.memory_space<vmem>>, vector<16xi32>,
    %add3A_343 = vector.broadcast %mul3A_0 : i32 to vector<16xi32>
    %add3A_344 = arith.addi %get3A_326, %add3A_343 : vector<16xi32>
    %swap3A_345 = arith.constant 1 : i32
    %swap3A_346 = arith.index_cast %swap3A_345 : i32 to index
    %swap3A_347 = arith.constant 16 : index
    %swap3A_348 = tpu.vector_load %arg16[%swap3A_346, %swap3A_347] {strides = array<i32>} : memref<3x64xi32, #tpu.memory_space<vmem>>, vector<16xi32>,
    tpu.vector_store %arg16[%swap3A_346, %swap3A_347], %add3A_344 {strides = array<i32>} : memref<3x64xi32, #tpu.memory_space<vmem>>, vector<16xi32>,
    %get3A_349 = arith.constant 1 : i32
    %get3A_350 = arith.index_cast %get3A_349 : i32 to index
    %get3A_351 = arith.constant 32 : index
    %get3A_352 = tpu.vector_load %arg14[%get3A_350, %get3A_351] {strides = array<i32>} : memref<3x128xi32, #tpu.memory_space<vmem>>, vector<16xi32>,
    %get3A_353 = arith.constant 1 : i32
    %get3A_354 = arith.index_cast %get3A_353 : i32 to index
    %get3A_355 = arith.constant 96 : index
    %get3A_356 = tpu.vector_load %arg14[%get3A_354, %get3A_355] {strides = array<i32>} : memref<3x128xi32, #tpu.memory_space<vmem>>, vector<16xi32>,
    %gather3A_357 = tpu.vector_load_idx %arg12[%get3A_352] : memref<10000xf32, #tpu.memory_space<vmem>>[vector<16xi32>], vector<16xf32>,
    %gather3A_358 = tpu.vector_load_idx %arg13[%get3A_356] : memref<10016xf32, #tpu.memory_space<vmem>>[vector<16xi32>], vector<16xf32>,
    %add3A_359 = arith.addf %gather3A_357, %gather3A_358 : vector<16xf32>
    %mul3A_360 = arith.constant 2.000000e-01 : f32
    %mul3A_361 = vector.broadcast %mul3A_360 : f32 to vector<16xf32>
    %mul3A_362 = arith.mulf %mul3A_361, %add3A_359 : vector<16xf32>
    %max3A_363 = arith.maximumf %add3A_359, %mul3A_362 : vector<16xf32>
    %exp3A_364 = math.exp %max3A_363 : vector<16xf32>
    %swap3A_365 = arith.constant 1 : i32
    %swap3A_366 = arith.index_cast %swap3A_365 : i32 to index
    %swap3A_367 = arith.constant 32 : index
    %swap3A_368 = tpu.vector_load %arg17[%swap3A_366, %swap3A_367] {strides = array<i32>} : memref<3x64xf32, #tpu.memory_space<vmem>>, vector<16xf32>,
    tpu.vector_store %arg17[%swap3A_366, %swap3A_367], %exp3A_364 {strides = array<i32>} : memref<3x64xf32, #tpu.memory_space<vmem>>, vector<16xf32>,
    %swap3A_369 = arith.constant 1 : i32
    %swap3A_370 = arith.index_cast %swap3A_369 : i32 to index
    %swap3A_371 = arith.constant 32 : index
    %swap3A_372 = tpu.vector_load %arg15[%swap3A_370, %swap3A_371] {strides = array<i32>} : memref<3x64xi32, #tpu.memory_space<vmem>>, vector<16xi32>,
    tpu.vector_store %arg15[%swap3A_370, %swap3A_371], %get3A_352 {strides = array<i32>} : memref<3x64xi32, #tpu.memory_space<vmem>>, vector<16xi32>,
    %add3A_373 = vector.broadcast %mul3A_0 : i32 to vector<16xi32>
    %add3A_374 = arith.addi %get3A_356, %add3A_373 : vector<16xi32>
    %swap3A_375 = arith.constant 1 : i32
    %swap3A_376 = arith.index_cast %swap3A_375 : i32 to index
    %swap3A_377 = arith.constant 32 : index
    %swap3A_378 = tpu.vector_load %arg16[%swap3A_376, %swap3A_377] {strides = array<i32>} : memref<3x64xi32, #tpu.memory_space<vmem>>, vector<16xi32>,
    tpu.vector_store %arg16[%swap3A_376, %swap3A_377], %add3A_374 {strides = array<i32>} : memref<3x64xi32, #tpu.memory_space<vmem>>, vector<16xi32>,
    %get3A_379 = arith.constant 1 : i32
    %get3A_380 = arith.index_cast %get3A_379 : i32 to index
    %get3A_381 = arith.constant 48 : index
    %get3A_382 = tpu.vector_load %arg14[%get3A_380, %get3A_381] {strides = array<i32>} : memref<3x128xi32, #tpu.memory_space<vmem>>, vector<16xi32>,
    %get3A_383 = arith.constant 1 : i32
    %get3A_384 = arith.index_cast %get3A_383 : i32 to index
    %get3A_385 = arith.constant 112 : index
    %get3A_386 = tpu.vector_load %arg14[%get3A_384, %get3A_385] {strides = array<i32>} : memref<3x128xi32, #tpu.memory_space<vmem>>, vector<16xi32>,
    %gather3A_387 = tpu.vector_load_idx %arg12[%get3A_382] : memref<10000xf32, #tpu.memory_space<vmem>>[vector<16xi32>], vector<16xf32>,
    %gather3A_388 = tpu.vector_load_idx %arg13[%get3A_386] : memref<10016xf32, #tpu.memory_space<vmem>>[vector<16xi32>], vector<16xf32>,
    %add3A_389 = arith.addf %gather3A_387, %gather3A_388 : vector<16xf32>
    %mul3A_390 = arith.constant 2.000000e-01 : f32
    %mul3A_391 = vector.broadcast %mul3A_390 : f32 to vector<16xf32>
    %mul3A_392 = arith.mulf %mul3A_391, %add3A_389 : vector<16xf32>
    %max3A_393 = arith.maximumf %add3A_389, %mul3A_392 : vector<16xf32>
    %exp3A_394 = math.exp %max3A_393 : vector<16xf32>
    %swap3A_395 = arith.constant 1 : i32
    %swap3A_396 = arith.index_cast %swap3A_395 : i32 to index
    %swap3A_397 = arith.constant 48 : index
    %swap3A_398 = tpu.vector_load %arg17[%swap3A_396, %swap3A_397] {strides = array<i32>} : memref<3x64xf32, #tpu.memory_space<vmem>>, vector<16xf32>,
    tpu.vector_store %arg17[%swap3A_396, %swap3A_397], %exp3A_394 {strides = array<i32>} : memref<3x64xf32, #tpu.memory_space<vmem>>, vector<16xf32>,
    %swap3A_399 = arith.constant 1 : i32
    %swap3A_400 = arith.index_cast %swap3A_399 : i32 to index
    %swap3A_401 = arith.constant 48 : index
    %swap3A_402 = tpu.vector_load %arg15[%swap3A_400, %swap3A_401] {strides = array<i32>} : memref<3x64xi32, #tpu.memory_space<vmem>>, vector<16xi32>,
    tpu.vector_store %arg15[%swap3A_400, %swap3A_401], %get3A_382 {strides = array<i32>} : memref<3x64xi32, #tpu.memory_space<vmem>>, vector<16xi32>,
    %add3A_403 = vector.broadcast %mul3A_0 : i32 to vector<16xi32>
    %add3A_404 = arith.addi %get3A_386, %add3A_403 : vector<16xi32>
    %swap3A_405 = arith.constant 1 : i32
    %swap3A_406 = arith.index_cast %swap3A_405 : i32 to index
    %swap3A_407 = arith.constant 48 : index
    %swap3A_408 = tpu.vector_load %arg16[%swap3A_406, %swap3A_407] {strides = array<i32>} : memref<3x64xi32, #tpu.memory_space<vmem>>, vector<16xi32>,
    tpu.vector_store %arg16[%swap3A_406, %swap3A_407], %add3A_404 {strides = array<i32>} : memref<3x64xi32, #tpu.memory_space<vmem>>, vector<16xi32>,
    %dma_start3A_409 = arith.constant 1 : i32
    %dma_start3A_410 = arith.constant 1 : i32
    %dma_start3A_411 = arith.constant 1 : i32
    %dma_start3A_412 = arith.constant 0 : i32
    %dma_start3A_413 = arith.constant 0 : i32
    %dma_start3A_414 = tpu.memref_slice %arg18[%dma_start3A_410, %dma_start3A_412, %dma_start3A_413] : memref<3x64x128xf32, #tpu.memory_space<vmem>> -> memref<1x64x128xf32, #tpu.memory_space<vmem>>
    %dma_start3A_415 = tpu.memref_squeeze %dma_start3A_414 : memref<1x64x128xf32, #tpu.memory_space<vmem>> -> memref<64x128xf32, #tpu.memory_space<vmem>>
    %dma_start3A_416 = arith.constant 0 : i32
    %dma_start3A_417 = tpu.memref_slice %arg16[%dma_start3A_409, %dma_start3A_416] : memref<3x64xi32, #tpu.memory_space<vmem>> -> memref<1x64xi32, #tpu.memory_space<vmem>>
    %dma_start3A_418 = tpu.memref_squeeze %dma_start3A_417 : memref<1x64xi32, #tpu.memory_space<vmem>> -> memref<64xi32, #tpu.memory_space<vmem>>
    %dma_start3A_419 = arith.constant 0 : i32
    %dma_start3A_420 = arith.constant 0 : i32
    %dma_start3A_421 = tpu.memref_slice %arg2[%dma_start3A_419, %dma_start3A_420] : memref<20480x128xf32, #tpu.memory_space<hbm>> -> memref<20480x128xf32, #tpu.memory_space<hbm>>
    %dma_start3A_422 = tpu.memref_slice %arg22[%dma_start3A_411] : memref<3x!tpu.dma_semaphore, #tpu.memory_space<semaphore_mem>> -> memref<1x!tpu.dma_semaphore, #tpu.memory_space<semaphore_mem>>
    %dma_start3A_423 = tpu.memref_squeeze %dma_start3A_422 : memref<1x!tpu.dma_semaphore, #tpu.memory_space<semaphore_mem>> -> memref<!tpu.dma_semaphore, #tpu.memory_space<semaphore_mem>>
    tpu.enqueue_indirect_dma source(%dma_start3A_421 : memref<20480x128xf32, #tpu.memory_space<hbm>>) target(%dma_start3A_415 : memref<64x128xf32, #tpu.memory_space<vmem>>) offsets(%dma_start3A_418 : memref<64xi32, #tpu.memory_space<vmem>>) semaphore(%dma_start3A_423 : memref<!tpu.dma_semaphore, #tpu.memory_space<semaphore_mem>>)
    %dma_start3A_424 = arith.constant 1 : i32
    %dma_start3A_425 = arith.constant 1 : i32
    %dma_start3A_426 = arith.constant 1 : i32
    %dma_start3A_427 = arith.constant 0 : i32
    %dma_start3A_428 = tpu.memref_slice %arg17[%dma_start3A_424, %dma_start3A_427] : memref<3x64xf32, #tpu.memory_space<vmem>> -> memref<1x64xf32, #tpu.memory_space<vmem>>
    %dma_start3A_429 = tpu.memref_squeeze %dma_start3A_428 : memref<1x64xf32, #tpu.memory_space<vmem>> -> memref<64xf32, #tpu.memory_space<vmem>>
    %dma_start3A_430 = arith.constant 0 : i32
    %dma_start3A_431 = tpu.memref_slice %arg15[%dma_start3A_425, %dma_start3A_430] : memref<3x64xi32, #tpu.memory_space<vmem>> -> memref<1x64xi32, #tpu.memory_space<vmem>>
    %dma_start3A_432 = tpu.memref_squeeze %dma_start3A_431 : memref<1x64xi32, #tpu.memory_space<vmem>> -> memref<64xi32, #tpu.memory_space<vmem>>
    %dma_start3A_433 = arith.constant 0 : i32
    %dma_start3A_434 = tpu.memref_slice %arg11[%dma_start3A_433] : memref<10000xf32, #tpu.memory_space<vmem_shared>> -> memref<10000xf32, #tpu.memory_space<vmem_shared>>
    %dma_start3A_435 = tpu.memref_slice %arg21[%dma_start3A_426] : memref<3x!tpu.dma_semaphore, #tpu.memory_space<semaphore_mem>> -> memref<1x!tpu.dma_semaphore, #tpu.memory_space<semaphore_mem>>
    %dma_start3A_436 = tpu.memref_squeeze %dma_start3A_435 : memref<1x!tpu.dma_semaphore, #tpu.memory_space<semaphore_mem>> -> memref<!tpu.dma_semaphore, #tpu.memory_space<semaphore_mem>>
    tpu.enqueue_indirect_dma source(%dma_start3A_429 : memref<64xf32, #tpu.memory_space<vmem>>) target(%dma_start3A_434 : memref<10000xf32, #tpu.memory_space<vmem_shared>>) offsets(%dma_start3A_432 : memref<64xi32, #tpu.memory_space<vmem>>) semaphore(%dma_start3A_436 : memref<!tpu.dma_semaphore, #tpu.memory_space<semaphore_mem>>) {add = true}
    %add3A_437 = arith.constant 512 : i32
    %add3A_438 = arith.addi %mul3A_62, %add3A_437 : i32
    %dma_start3A_439 = arith.constant 1 : i32
    %dma_start3A_440 = arith.constant 1 : i32
    %dma_start3A_441 = arith.constant 0 : i32
    %dma_start3A_442 = tpu.memref_slice %arg14[%dma_start3A_439, %dma_start3A_441] : memref<3x128xi32, #tpu.memory_space<vmem>> -> memref<1x128xi32, #tpu.memory_space<vmem>>
    %dma_start3A_443 = tpu.memref_squeeze %dma_start3A_442 : memref<1x128xi32, #tpu.memory_space<vmem>> -> memref<128xi32, #tpu.memory_space<vmem>>
    %dma_start3A_444 = tpu.memref_slice %arg5[%add3A_438] : memref<344064xi32, #tpu.memory_space<hbm>> -> memref<128xi32, #tpu.memory_space<hbm>>
    %dma_start3A_445 = tpu.memref_slice %arg20[%dma_start3A_440] : memref<3x!tpu.dma_semaphore, #tpu.memory_space<semaphore_mem>> -> memref<1x!tpu.dma_semaphore, #tpu.memory_space<semaphore_mem>>
    %dma_start3A_446 = tpu.memref_squeeze %dma_start3A_445 : memref<1x!tpu.dma_semaphore, #tpu.memory_space<semaphore_mem>> -> memref<!tpu.dma_semaphore, #tpu.memory_space<semaphore_mem>>
    %dma_start3A_447 = arith.constant 0 : i32
    %dma_start3A_448 = tpu.memref_slice %arg14[%dma_start3A_439, %dma_start3A_447] : memref<3x128xi32, #tpu.memory_space<vmem>> -> memref<1x128xi32, #tpu.memory_space<vmem>>
    %dma_start3A_449 = tpu.memref_squeeze %dma_start3A_448 : memref<1x128xi32, #tpu.memory_space<vmem>> -> memref<128xi32, #tpu.memory_space<vmem>>
    %dma_start3A_450 = tpu.memref_slice %arg5[%add3A_438] : memref<344064xi32, #tpu.memory_space<hbm>> -> memref<128xi32, #tpu.memory_space<hbm>>
    tpu.enqueue_dma source(%dma_start3A_450 : memref<128xi32, #tpu.memory_space<hbm>>) target(%dma_start3A_449 : memref<128xi32, #tpu.memory_space<vmem>>) target_semaphore(%dma_start3A_446 : memref<!tpu.dma_semaphore, #tpu.memory_space<semaphore_mem>>)
    %scan3A_451 = arith.constant 0 : i32
    %scan3A_452 = arith.constant 0 : i32
    %scan3A_453 = arith.constant 56 : i32
    %scan3A_454 = arith.addi %scan3A_452, %scan3A_453 : i32
    %scan3A_455 = arith.constant 1 : i32
    %scan3A_456 = scf.for %scan3A_956 = %scan3A_452 to %scan3A_454 step %scan3A_455 iter_args(%scan3A_957 = %scan3A_451) -> (i32)  : i32 {
      %mul3A_958 = arith.constant 3 : i32
      %mul3A_959 = arith.muli %scan3A_956, %mul3A_958 : i32
      %dma_wait3A_960 = arith.constant 0 : i32
      %dma_wait3A_961 = arith.constant 0 : i32
      %dma_wait3A_962 = arith.constant 0 : i32
      %dma_wait3A_963 = arith.constant 0 : i32
      %dma_wait3A_964 = arith.constant 0 : i32
      %dma_wait3A_965 = tpu.memref_slice %arg18[%dma_wait3A_961, %dma_wait3A_963, %dma_wait3A_964] : memref<3x64x128xf32, #tpu.memory_space<vmem>> -> memref<1x64x128xf32, #tpu.memory_space<vmem>>
      %dma_wait3A_966 = tpu.memref_squeeze %dma_wait3A_965 : memref<1x64x128xf32, #tpu.memory_space<vmem>> -> memref<64x128xf32, #tpu.memory_space<vmem>>
      %dma_wait3A_967 = arith.constant 0 : i32
      %dma_wait3A_968 = tpu.memref_slice %arg16[%dma_wait3A_960, %dma_wait3A_967] : memref<3x64xi32, #tpu.memory_space<vmem>> -> memref<1x64xi32, #tpu.memory_space<vmem>>
      %dma_wait3A_969 = tpu.memref_squeeze %dma_wait3A_968 : memref<1x64xi32, #tpu.memory_space<vmem>> -> memref<64xi32, #tpu.memory_space<vmem>>
      %dma_wait3A_970 = arith.constant 0 : i32
      %dma_wait3A_971 = arith.constant 0 : i32
      %dma_wait3A_972 = tpu.memref_slice %arg2[%dma_wait3A_970, %dma_wait3A_971] : memref<20480x128xf32, #tpu.memory_space<hbm>> -> memref<20480x128xf32, #tpu.memory_space<hbm>>
      %dma_wait3A_973 = tpu.memref_slice %arg22[%dma_wait3A_962] : memref<3x!tpu.dma_semaphore, #tpu.memory_space<semaphore_mem>> -> memref<1x!tpu.dma_semaphore, #tpu.memory_space<semaphore_mem>>
      %dma_wait3A_974 = tpu.memref_squeeze %dma_wait3A_973 : memref<1x!tpu.dma_semaphore, #tpu.memory_space<semaphore_mem>> -> memref<!tpu.dma_semaphore, #tpu.memory_space<semaphore_mem>>
      tpu.wait_indirect_dma semaphore(%dma_wait3A_974 : memref<!tpu.dma_semaphore, #tpu.memory_space<semaphore_mem>>) src(%dma_wait3A_972 : memref<20480x128xf32, #tpu.memory_space<hbm>>) dst(%dma_wait3A_966 : memref<64x128xf32, #tpu.memory_space<vmem>>)
      %parallel_loop3A = arith.constant 0 : i32
      %parallel_loop3A_975 = arith.constant 64 : i32
      %parallel_loop3A_976 = arith.constant 1 : i32
      scf.for %parallel_loop3A_1320 = %parallel_loop3A to %parallel_loop3A_975 step %parallel_loop3A_976  : i32 {
        %parallel_loop3A_1321 = arith.constant 0 : i32
        %parallel_loop3A_1322 = vector.broadcast %parallel_loop3A_1321 : i32 to vector<16xi32>
        %parallel_loop3A_1323 = vector.broadcast %parallel_loop3A_1320 : i32 to vector<16xi32>
        %parallel_loop3A_1324 = arith.addi %parallel_loop3A_1322, %parallel_loop3A_1323 : vector<16xi32>
        %parallel_loop3A_1325 = arith.constant 0 : i32
        %parallel_loop3A_1326 = arith.constant 0 : i32
        %parallel_loop3A_1327 = tpu.memref_slice %arg17[%parallel_loop3A_1325, %parallel_loop3A_1326] : memref<3x64xf32, #tpu.memory_space<vmem>> -> memref<1x64xf32, #tpu.memory_space<vmem>>
        %parallel_loop3A_1328 = tpu.memref_squeeze %parallel_loop3A_1327 : memref<1x64xf32, #tpu.memory_space<vmem>> -> memref<64xf32, #tpu.memory_space<vmem>>
        %parallel_loop3A_1329 = tpu.vector_load_idx %parallel_loop3A_1328[%parallel_loop3A_1324] : memref<64xf32, #tpu.memory_space<vmem>>[vector<16xi32>], vector<16xf32>,
        %parallel_loop3A_1330 = arith.constant 0 : i32
        %parallel_loop3A_1331 = arith.index_cast %parallel_loop3A_1330 : i32 to index
        %parallel_loop3A_1332 = arith.index_cast %parallel_loop3A_1320 : i32 to index
        %parallel_loop3A_1333 = arith.constant 0 : index
        %parallel_loop3A_1334 = tpu.vector_load %arg18[%parallel_loop3A_1331, %parallel_loop3A_1332, %parallel_loop3A_1333] {strides = array<i32>} : memref<3x64x128xf32, #tpu.memory_space<vmem>>, vector<16xf32>,
        %parallel_loop3A_1335 = arith.mulf %parallel_loop3A_1334, %parallel_loop3A_1329 : vector<16xf32>
        %parallel_loop3A_1336 = arith.constant 0 : i32
        %parallel_loop3A_1337 = arith.index_cast %parallel_loop3A_1336 : i32 to index
        %parallel_loop3A_1338 = arith.index_cast %parallel_loop3A_1320 : i32 to index
        %parallel_loop3A_1339 = arith.constant 0 : index
        %parallel_loop3A_1340 = tpu.vector_load %arg18[%parallel_loop3A_1337, %parallel_loop3A_1338, %parallel_loop3A_1339] {strides = array<i32>} : memref<3x64x128xf32, #tpu.memory_space<vmem>>, vector<16xf32>,
        tpu.vector_store %arg18[%parallel_loop3A_1337, %parallel_loop3A_1338, %parallel_loop3A_1339], %parallel_loop3A_1335 {strides = array<i32>} : memref<3x64x128xf32, #tpu.memory_space<vmem>>, vector<16xf32>,
        %parallel_loop3A_1341 = arith.constant 0 : i32
        %parallel_loop3A_1342 = arith.index_cast %parallel_loop3A_1341 : i32 to index
        %parallel_loop3A_1343 = arith.index_cast %parallel_loop3A_1320 : i32 to index
        %parallel_loop3A_1344 = arith.constant 16 : index
        %parallel_loop3A_1345 = tpu.vector_load %arg18[%parallel_loop3A_1342, %parallel_loop3A_1343, %parallel_loop3A_1344] {strides = array<i32>} : memref<3x64x128xf32, #tpu.memory_space<vmem>>, vector<16xf32>,
        %parallel_loop3A_1346 = arith.mulf %parallel_loop3A_1345, %parallel_loop3A_1329 : vector<16xf32>
        %parallel_loop3A_1347 = arith.constant 0 : i32
        %parallel_loop3A_1348 = arith.index_cast %parallel_loop3A_1347 : i32 to index
        %parallel_loop3A_1349 = arith.index_cast %parallel_loop3A_1320 : i32 to index
        %parallel_loop3A_1350 = arith.constant 16 : index
        %parallel_loop3A_1351 = tpu.vector_load %arg18[%parallel_loop3A_1348, %parallel_loop3A_1349, %parallel_loop3A_1350] {strides = array<i32>} : memref<3x64x128xf32, #tpu.memory_space<vmem>>, vector<16xf32>,
        tpu.vector_store %arg18[%parallel_loop3A_1348, %parallel_loop3A_1349, %parallel_loop3A_1350], %parallel_loop3A_1346 {strides = array<i32>} : memref<3x64x128xf32, #tpu.memory_space<vmem>>, vector<16xf32>,
        %parallel_loop3A_1352 = arith.constant 0 : i32
        %parallel_loop3A_1353 = arith.index_cast %parallel_loop3A_1352 : i32 to index
        %parallel_loop3A_1354 = arith.index_cast %parallel_loop3A_1320 : i32 to index
        %parallel_loop3A_1355 = arith.constant 32 : index
        %parallel_loop3A_1356 = tpu.vector_load %arg18[%parallel_loop3A_1353, %parallel_loop3A_1354, %parallel_loop3A_1355] {strides = array<i32>} : memref<3x64x128xf32, #tpu.memory_space<vmem>>, vector<16xf32>,
        %parallel_loop3A_1357 = arith.mulf %parallel_loop3A_1356, %parallel_loop3A_1329 : vector<16xf32>
        %parallel_loop3A_1358 = arith.constant 0 : i32
        %parallel_loop3A_1359 = arith.index_cast %parallel_loop3A_1358 : i32 to index
        %parallel_loop3A_1360 = arith.index_cast %parallel_loop3A_1320 : i32 to index
        %parallel_loop3A_1361 = arith.constant 32 : index
        %parallel_loop3A_1362 = tpu.vector_load %arg18[%parallel_loop3A_1359, %parallel_loop3A_1360, %parallel_loop3A_1361] {strides = array<i32>} : memref<3x64x128xf32, #tpu.memory_space<vmem>>, vector<16xf32>,
        tpu.vector_store %arg18[%parallel_loop3A_1359, %parallel_loop3A_1360, %parallel_loop3A_1361], %parallel_loop3A_1357 {strides = array<i32>} : memref<3x64x128xf32, #tpu.memory_space<vmem>>, vector<16xf32>,
        %parallel_loop3A_1363 = arith.constant 0 : i32
        %parallel_loop3A_1364 = arith.index_cast %parallel_loop3A_1363 : i32 to index
        %parallel_loop3A_1365 = arith.index_cast %parallel_loop3A_1320 : i32 to index
        %parallel_loop3A_1366 = arith.constant 48 : index
        %parallel_loop3A_1367 = tpu.vector_load %arg18[%parallel_loop3A_1364, %parallel_loop3A_1365, %parallel_loop3A_1366] {strides = array<i32>} : memref<3x64x128xf32, #tpu.memory_space<vmem>>, vector<16xf32>,
        %parallel_loop3A_1368 = arith.mulf %parallel_loop3A_1367, %parallel_loop3A_1329 : vector<16xf32>
        %parallel_loop3A_1369 = arith.constant 0 : i32
        %parallel_loop3A_1370 = arith.index_cast %parallel_loop3A_1369 : i32 to index
        %parallel_loop3A_1371 = arith.index_cast %parallel_loop3A_1320 : i32 to index
        %parallel_loop3A_1372 = arith.constant 48 : index
        %parallel_loop3A_1373 = tpu.vector_load %arg18[%parallel_loop3A_1370, %parallel_loop3A_1371, %parallel_loop3A_1372] {strides = array<i32>} : memref<3x64x128xf32, #tpu.memory_space<vmem>>, vector<16xf32>,
        tpu.vector_store %arg18[%parallel_loop3A_1370, %parallel_loop3A_1371, %parallel_loop3A_1372], %parallel_loop3A_1368 {strides = array<i32>} : memref<3x64x128xf32, #tpu.memory_space<vmem>>, vector<16xf32>,
        %parallel_loop3A_1374 = arith.constant 0 : i32
        %parallel_loop3A_1375 = arith.index_cast %parallel_loop3A_1374 : i32 to index
        %parallel_loop3A_1376 = arith.index_cast %parallel_loop3A_1320 : i32 to index
        %parallel_loop3A_1377 = arith.constant 64 : index
        %parallel_loop3A_1378 = tpu.vector_load %arg18[%parallel_loop3A_1375, %parallel_loop3A_1376, %parallel_loop3A_1377] {strides = array<i32>} : memref<3x64x128xf32, #tpu.memory_space<vmem>>, vector<16xf32>,
        %parallel_loop3A_1379 = arith.mulf %parallel_loop3A_1378, %parallel_loop3A_1329 : vector<16xf32>
        %parallel_loop3A_1380 = arith.constant 0 : i32
        %parallel_loop3A_1381 = arith.index_cast %parallel_loop3A_1380 : i32 to index
        %parallel_loop3A_1382 = arith.index_cast %parallel_loop3A_1320 : i32 to index
        %parallel_loop3A_1383 = arith.constant 64 : index
        %parallel_loop3A_1384 = tpu.vector_load %arg18[%parallel_loop3A_1381, %parallel_loop3A_1382, %parallel_loop3A_1383] {strides = array<i32>} : memref<3x64x128xf32, #tpu.memory_space<vmem>>, vector<16xf32>,
        tpu.vector_store %arg18[%parallel_loop3A_1381, %parallel_loop3A_1382, %parallel_loop3A_1383], %parallel_loop3A_1379 {strides = array<i32>} : memref<3x64x128xf32, #tpu.memory_space<vmem>>, vector<16xf32>,
        %parallel_loop3A_1385 = arith.constant 0 : i32
        %parallel_loop3A_1386 = arith.index_cast %parallel_loop3A_1385 : i32 to index
        %parallel_loop3A_1387 = arith.index_cast %parallel_loop3A_1320 : i32 to index
        %parallel_loop3A_1388 = arith.constant 80 : index
        %parallel_loop3A_1389 = tpu.vector_load %arg18[%parallel_loop3A_1386, %parallel_loop3A_1387, %parallel_loop3A_1388] {strides = array<i32>} : memref<3x64x128xf32, #tpu.memory_space<vmem>>, vector<16xf32>,
        %parallel_loop3A_1390 = arith.mulf %parallel_loop3A_1389, %parallel_loop3A_1329 : vector<16xf32>
        %parallel_loop3A_1391 = arith.constant 0 : i32
        %parallel_loop3A_1392 = arith.index_cast %parallel_loop3A_1391 : i32 to index
        %parallel_loop3A_1393 = arith.index_cast %parallel_loop3A_1320 : i32 to index
        %parallel_loop3A_1394 = arith.constant 80 : index
        %parallel_loop3A_1395 = tpu.vector_load %arg18[%parallel_loop3A_1392, %parallel_loop3A_1393, %parallel_loop3A_1394] {strides = array<i32>} : memref<3x64x128xf32, #tpu.memory_space<vmem>>, vector<16xf32>,
        tpu.vector_store %arg18[%parallel_loop3A_1392, %parallel_loop3A_1393, %parallel_loop3A_1394], %parallel_loop3A_1390 {strides = array<i32>} : memref<3x64x128xf32, #tpu.memory_space<vmem>>, vector<16xf32>,
        %parallel_loop3A_1396 = arith.constant 0 : i32
        %parallel_loop3A_1397 = arith.index_cast %parallel_loop3A_1396 : i32 to index
        %parallel_loop3A_1398 = arith.index_cast %parallel_loop3A_1320 : i32 to index
        %parallel_loop3A_1399 = arith.constant 96 : index
        %parallel_loop3A_1400 = tpu.vector_load %arg18[%parallel_loop3A_1397, %parallel_loop3A_1398, %parallel_loop3A_1399] {strides = array<i32>} : memref<3x64x128xf32, #tpu.memory_space<vmem>>, vector<16xf32>,
        %parallel_loop3A_1401 = arith.mulf %parallel_loop3A_1400, %parallel_loop3A_1329 : vector<16xf32>
        %parallel_loop3A_1402 = arith.constant 0 : i32
        %parallel_loop3A_1403 = arith.index_cast %parallel_loop3A_1402 : i32 to index
        %parallel_loop3A_1404 = arith.index_cast %parallel_loop3A_1320 : i32 to index
        %parallel_loop3A_1405 = arith.constant 96 : index
        %parallel_loop3A_1406 = tpu.vector_load %arg18[%parallel_loop3A_1403, %parallel_loop3A_1404, %parallel_loop3A_1405] {strides = array<i32>} : memref<3x64x128xf32, #tpu.memory_space<vmem>>, vector<16xf32>,
        tpu.vector_store %arg18[%parallel_loop3A_1403, %parallel_loop3A_1404, %parallel_loop3A_1405], %parallel_loop3A_1401 {strides = array<i32>} : memref<3x64x128xf32, #tpu.memory_space<vmem>>, vector<16xf32>,
        %parallel_loop3A_1407 = arith.constant 0 : i32
        %parallel_loop3A_1408 = arith.index_cast %parallel_loop3A_1407 : i32 to index
        %parallel_loop3A_1409 = arith.index_cast %parallel_loop3A_1320 : i32 to index
        %parallel_loop3A_1410 = arith.constant 112 : index
        %parallel_loop3A_1411 = tpu.vector_load %arg18[%parallel_loop3A_1408, %parallel_loop3A_1409, %parallel_loop3A_1410] {strides = array<i32>} : memref<3x64x128xf32, #tpu.memory_space<vmem>>, vector<16xf32>,
        %parallel_loop3A_1412 = arith.mulf %parallel_loop3A_1411, %parallel_loop3A_1329 : vector<16xf32>
        %parallel_loop3A_1413 = arith.constant 0 : i32
        %parallel_loop3A_1414 = arith.index_cast %parallel_loop3A_1413 : i32 to index
        %parallel_loop3A_1415 = arith.index_cast %parallel_loop3A_1320 : i32 to index
        %parallel_loop3A_1416 = arith.constant 112 : index
        %parallel_loop3A_1417 = tpu.vector_load %arg18[%parallel_loop3A_1414, %parallel_loop3A_1415, %parallel_loop3A_1416] {strides = array<i32>} : memref<3x64x128xf32, #tpu.memory_space<vmem>>, vector<16xf32>,
        tpu.vector_store %arg18[%parallel_loop3A_1414, %parallel_loop3A_1415, %parallel_loop3A_1416], %parallel_loop3A_1412 {strides = array<i32>} : memref<3x64x128xf32, #tpu.memory_space<vmem>>, vector<16xf32>,
      } {sc.loop_unroll_factor = 2 : i64, sc.parallel_access}
      %dma_start3A_977 = arith.constant 0 : i32
      %dma_start3A_978 = arith.constant 0 : i32
      %dma_start3A_979 = arith.constant 0 : i32
      %dma_start3A_980 = arith.constant 0 : i32
      %dma_start3A_981 = arith.constant 0 : i32
      %dma_start3A_982 = tpu.memref_slice %arg18[%dma_start3A_977, %dma_start3A_980, %dma_start3A_981] : memref<3x64x128xf32, #tpu.memory_space<vmem>> -> memref<1x64x128xf32, #tpu.memory_space<vmem>>
      %dma_start3A_983 = tpu.memref_squeeze %dma_start3A_982 : memref<1x64x128xf32, #tpu.memory_space<vmem>> -> memref<64x128xf32, #tpu.memory_space<vmem>>
      %dma_start3A_984 = arith.constant 0 : i32
      %dma_start3A_985 = tpu.memref_slice %arg15[%dma_start3A_978, %dma_start3A_984] : memref<3x64xi32, #tpu.memory_space<vmem>> -> memref<1x64xi32, #tpu.memory_space<vmem>>
      %dma_start3A_986 = tpu.memref_squeeze %dma_start3A_985 : memref<1x64xi32, #tpu.memory_space<vmem>> -> memref<64xi32, #tpu.memory_space<vmem>>
      %dma_start3A_987 = arith.constant 0 : i32
      %dma_start3A_988 = arith.constant 0 : i32
      %dma_start3A_989 = tpu.memref_slice %arg10[%dma_start3A_987, %dma_start3A_988] : memref<10000x128xf32, #tpu.memory_space<vmem_shared>> -> memref<10000x128xf32, #tpu.memory_space<vmem_shared>>
      %dma_start3A_990 = tpu.memref_slice %arg23[%dma_start3A_979] : memref<3x!tpu.dma_semaphore, #tpu.memory_space<semaphore_mem>> -> memref<1x!tpu.dma_semaphore, #tpu.memory_space<semaphore_mem>>
      %dma_start3A_991 = tpu.memref_squeeze %dma_start3A_990 : memref<1x!tpu.dma_semaphore, #tpu.memory_space<semaphore_mem>> -> memref<!tpu.dma_semaphore, #tpu.memory_space<semaphore_mem>>
      tpu.enqueue_indirect_dma source(%dma_start3A_983 : memref<64x128xf32, #tpu.memory_space<vmem>>) target(%dma_start3A_989 : memref<10000x128xf32, #tpu.memory_space<vmem_shared>>) offsets(%dma_start3A_986 : memref<64xi32, #tpu.memory_space<vmem>>) semaphore(%dma_start3A_991 : memref<!tpu.dma_semaphore, #tpu.memory_space<semaphore_mem>>) {add = true}
      %gt3A = arith.constant 0 : i32
      %gt3A_992 = arith.cmpi sgt, %scan3A_956, %gt3A : i32
      %convert_element_type3A_993 = arith.extui %gt3A_992 : i1 to i32
      %cond3A_994 = arith.constant 0 : i32
      %cond3A_995 = arith.cmpi ne, %convert_element_type3A_993, %cond3A_994 : i32
      scf.if %cond3A_995 {
        %dma_wait3A_1320 = arith.constant 2 : i32
        %dma_wait3A_1321 = arith.constant 2 : i32
        %dma_wait3A_1322 = arith.constant 2 : i32
        %dma_wait3A_1323 = arith.constant 0 : i32
        %dma_wait3A_1324 = arith.constant 0 : i32
        %dma_wait3A_1325 = tpu.memref_slice %arg18[%dma_wait3A_1320, %dma_wait3A_1323, %dma_wait3A_1324] : memref<3x64x128xf32, #tpu.memory_space<vmem>> -> memref<1x64x128xf32, #tpu.memory_space<vmem>>
        %dma_wait3A_1326 = tpu.memref_squeeze %dma_wait3A_1325 : memref<1x64x128xf32, #tpu.memory_space<vmem>> -> memref<64x128xf32, #tpu.memory_space<vmem>>
        %dma_wait3A_1327 = arith.constant 0 : i32
        %dma_wait3A_1328 = tpu.memref_slice %arg15[%dma_wait3A_1321, %dma_wait3A_1327] : memref<3x64xi32, #tpu.memory_space<vmem>> -> memref<1x64xi32, #tpu.memory_space<vmem>>
        %dma_wait3A_1329 = tpu.memref_squeeze %dma_wait3A_1328 : memref<1x64xi32, #tpu.memory_space<vmem>> -> memref<64xi32, #tpu.memory_space<vmem>>
        %dma_wait3A_1330 = arith.constant 0 : i32
        %dma_wait3A_1331 = arith.constant 0 : i32
        %dma_wait3A_1332 = tpu.memref_slice %arg10[%dma_wait3A_1330, %dma_wait3A_1331] : memref<10000x128xf32, #tpu.memory_space<vmem_shared>> -> memref<10000x128xf32, #tpu.memory_space<vmem_shared>>
        %dma_wait3A_1333 = tpu.memref_slice %arg23[%dma_wait3A_1322] : memref<3x!tpu.dma_semaphore, #tpu.memory_space<semaphore_mem>> -> memref<1x!tpu.dma_semaphore, #tpu.memory_space<semaphore_mem>>
        %dma_wait3A_1334 = tpu.memref_squeeze %dma_wait3A_1333 : memref<1x!tpu.dma_semaphore, #tpu.memory_space<semaphore_mem>> -> memref<!tpu.dma_semaphore, #tpu.memory_space<semaphore_mem>>
        tpu.wait_indirect_dma semaphore(%dma_wait3A_1334 : memref<!tpu.dma_semaphore, #tpu.memory_space<semaphore_mem>>) src(%dma_wait3A_1326 : memref<64x128xf32, #tpu.memory_space<vmem>>) dst(%dma_wait3A_1332 : memref<10000x128xf32, #tpu.memory_space<vmem_shared>>)
        %dma_wait3A_1335 = arith.constant 2 : i32
        %dma_wait3A_1336 = arith.constant 2 : i32
        %dma_wait3A_1337 = arith.constant 2 : i32
        %dma_wait3A_1338 = arith.constant 0 : i32
        %dma_wait3A_1339 = tpu.memref_slice %arg17[%dma_wait3A_1335, %dma_wait3A_1338] : memref<3x64xf32, #tpu.memory_space<vmem>> -> memref<1x64xf32, #tpu.memory_space<vmem>>
        %dma_wait3A_1340 = tpu.memref_squeeze %dma_wait3A_1339 : memref<1x64xf32, #tpu.memory_space<vmem>> -> memref<64xf32, #tpu.memory_space<vmem>>
        %dma_wait3A_1341 = arith.constant 0 : i32
        %dma_wait3A_1342 = tpu.memref_slice %arg15[%dma_wait3A_1336, %dma_wait3A_1341] : memref<3x64xi32, #tpu.memory_space<vmem>> -> memref<1x64xi32, #tpu.memory_space<vmem>>
        %dma_wait3A_1343 = tpu.memref_squeeze %dma_wait3A_1342 : memref<1x64xi32, #tpu.memory_space<vmem>> -> memref<64xi32, #tpu.memory_space<vmem>>
        %dma_wait3A_1344 = arith.constant 0 : i32
        %dma_wait3A_1345 = tpu.memref_slice %arg11[%dma_wait3A_1344] : memref<10000xf32, #tpu.memory_space<vmem_shared>> -> memref<10000xf32, #tpu.memory_space<vmem_shared>>
        %dma_wait3A_1346 = tpu.memref_slice %arg21[%dma_wait3A_1337] : memref<3x!tpu.dma_semaphore, #tpu.memory_space<semaphore_mem>> -> memref<1x!tpu.dma_semaphore, #tpu.memory_space<semaphore_mem>>
        %dma_wait3A_1347 = tpu.memref_squeeze %dma_wait3A_1346 : memref<1x!tpu.dma_semaphore, #tpu.memory_space<semaphore_mem>> -> memref<!tpu.dma_semaphore, #tpu.memory_space<semaphore_mem>>
        tpu.wait_indirect_dma semaphore(%dma_wait3A_1347 : memref<!tpu.dma_semaphore, #tpu.memory_space<semaphore_mem>>) src(%dma_wait3A_1340 : memref<64xf32, #tpu.memory_space<vmem>>) dst(%dma_wait3A_1345 : memref<10000xf32, #tpu.memory_space<vmem_shared>>)
      } else {
      }
      %add3A_996 = arith.constant 2 : i32
      %add3A_997 = arith.addi %mul3A_959, %add3A_996 : i32
      %mul3A_998 = arith.constant 2 : i32
      %mul3A_999 = arith.muli %add3A_997, %mul3A_998 : i32
      %mul3A_1000 = arith.constant 64 : i32
      %mul3A_1001 = arith.muli %mul3A_999, %mul3A_1000 : i32
      %add3A_1002 = arith.addi %mul3A_62, %mul3A_1001 : i32
      %dma_wait3A_1003 = arith.constant 2 : i32
      %dma_wait3A_1004 = arith.constant 2 : i32
      %dma_wait3A_1005 = arith.constant 0 : i32
      %dma_wait3A_1006 = tpu.memref_slice %arg14[%dma_wait3A_1003, %dma_wait3A_1005] : memref<3x128xi32, #tpu.memory_space<vmem>> -> memref<1x128xi32, #tpu.memory_space<vmem>>
      %dma_wait3A_1007 = tpu.memref_squeeze %dma_wait3A_1006 : memref<1x128xi32, #tpu.memory_space<vmem>> -> memref<128xi32, #tpu.memory_space<vmem>>
      %dma_wait3A_1008 = tpu.memref_slice %arg5[%add3A_1002] : memref<344064xi32, #tpu.memory_space<hbm>> -> memref<128xi32, #tpu.memory_space<hbm>>
      %dma_wait3A_1009 = tpu.memref_slice %arg20[%dma_wait3A_1004] : memref<3x!tpu.dma_semaphore, #tpu.memory_space<semaphore_mem>> -> memref<1x!tpu.dma_semaphore, #tpu.memory_space<semaphore_mem>>
      %dma_wait3A_1010 = tpu.memref_squeeze %dma_wait3A_1009 : memref<1x!tpu.dma_semaphore, #tpu.memory_space<semaphore_mem>> -> memref<!tpu.dma_semaphore, #tpu.memory_space<semaphore_mem>>
      %dma_wait3A_1011 = arith.constant 0 : i32
      %dma_wait3A_1012 = tpu.memref_slice %arg14[%dma_wait3A_1003, %dma_wait3A_1011] : memref<3x128xi32, #tpu.memory_space<vmem>> -> memref<1x128xi32, #tpu.memory_space<vmem>>
      %dma_wait3A_1013 = tpu.memref_squeeze %dma_wait3A_1012 : memref<1x128xi32, #tpu.memory_space<vmem>> -> memref<128xi32, #tpu.memory_space<vmem>>
      %dma_wait3A_1014 = tpu.memref_slice %arg5[%add3A_1002] : memref<344064xi32, #tpu.memory_space<hbm>> -> memref<128xi32, #tpu.memory_space<hbm>>
      tpu.wait_dma2 semaphore(%dma_wait3A_1010 : memref<!tpu.dma_semaphore, #tpu.memory_space<semaphore_mem>>) src(%dma_wait3A_1014 : memref<128xi32, #tpu.memory_space<hbm>>) dst(%dma_wait3A_1013 : memref<128xi32, #tpu.memory_space<vmem>>)
      %get3A_1015 = arith.constant 2 : i32
      %get3A_1016 = arith.index_cast %get3A_1015 : i32 to index
      %get3A_1017 = arith.constant 0 : index
      %get3A_1018 = tpu.vector_load %arg14[%get3A_1016, %get3A_1017] {strides = array<i32>} : memref<3x128xi32, #tpu.memory_space<vmem>>, vector<16xi32>,
      %get3A_1019 = arith.constant 2 : i32
      %get3A_1020 = arith.index_cast %get3A_1019 : i32 to index
      %get3A_1021 = arith.constant 64 : index
      %get3A_1022 = tpu.vector_load %arg14[%get3A_1020, %get3A_1021] {strides = array<i32>} : memref<3x128xi32, #tpu.memory_space<vmem>>, vector<16xi32>,
      %gather3A_1023 = tpu.vector_load_idx %arg12[%get3A_1018] : memref<10000xf32, #tpu.memory_space<vmem>>[vector<16xi32>], vector<16xf32>,
      %gather3A_1024 = tpu.vector_load_idx %arg13[%get3A_1022] : memref<10016xf32, #tpu.memory_space<vmem>>[vector<16xi32>], vector<16xf32>,
      %add3A_1025 = arith.addf %gather3A_1023, %gather3A_1024 : vector<16xf32>
      %mul3A_1026 = arith.constant 2.000000e-01 : f32
      %mul3A_1027 = vector.broadcast %mul3A_1026 : f32 to vector<16xf32>
      %mul3A_1028 = arith.mulf %mul3A_1027, %add3A_1025 : vector<16xf32>
      %max3A_1029 = arith.maximumf %add3A_1025, %mul3A_1028 : vector<16xf32>
      %exp3A_1030 = math.exp %max3A_1029 : vector<16xf32>
      %swap3A_1031 = arith.constant 2 : i32
      %swap3A_1032 = arith.index_cast %swap3A_1031 : i32 to index
      %swap3A_1033 = arith.constant 0 : index
      %swap3A_1034 = tpu.vector_load %arg17[%swap3A_1032, %swap3A_1033] {strides = array<i32>} : memref<3x64xf32, #tpu.memory_space<vmem>>, vector<16xf32>,
      tpu.vector_store %arg17[%swap3A_1032, %swap3A_1033], %exp3A_1030 {strides = array<i32>} : memref<3x64xf32, #tpu.memory_space<vmem>>, vector<16xf32>,
      %swap3A_1035 = arith.constant 2 : i32
      %swap3A_1036 = arith.index_cast %swap3A_1035 : i32 to index
      %swap3A_1037 = arith.constant 0 : index
      %swap3A_1038 = tpu.vector_load %arg15[%swap3A_1036, %swap3A_1037] {strides = array<i32>} : memref<3x64xi32, #tpu.memory_space<vmem>>, vector<16xi32>,
      tpu.vector_store %arg15[%swap3A_1036, %swap3A_1037], %get3A_1018 {strides = array<i32>} : memref<3x64xi32, #tpu.memory_space<vmem>>, vector<16xi32>,
      %add3A_1039 = vector.broadcast %mul3A_0 : i32 to vector<16xi32>
      %add3A_1040 = arith.addi %get3A_1022, %add3A_1039 : vector<16xi32>
      %swap3A_1041 = arith.constant 2 : i32
      %swap3A_1042 = arith.index_cast %swap3A_1041 : i32 to index
      %swap3A_1043 = arith.constant 0 : index
      %swap3A_1044 = tpu.vector_load %arg16[%swap3A_1042, %swap3A_1043] {strides = array<i32>} : memref<3x64xi32, #tpu.memory_space<vmem>>, vector<16xi32>,
      tpu.vector_store %arg16[%swap3A_1042, %swap3A_1043], %add3A_1040 {strides = array<i32>} : memref<3x64xi32, #tpu.memory_space<vmem>>, vector<16xi32>,
      %get3A_1045 = arith.constant 2 : i32
      %get3A_1046 = arith.index_cast %get3A_1045 : i32 to index
      %get3A_1047 = arith.constant 16 : index
      %get3A_1048 = tpu.vector_load %arg14[%get3A_1046, %get3A_1047] {strides = array<i32>} : memref<3x128xi32, #tpu.memory_space<vmem>>, vector<16xi32>,
      %get3A_1049 = arith.constant 2 : i32
      %get3A_1050 = arith.index_cast %get3A_1049 : i32 to index
      %get3A_1051 = arith.constant 80 : index
      %get3A_1052 = tpu.vector_load %arg14[%get3A_1050, %get3A_1051] {strides = array<i32>} : memref<3x128xi32, #tpu.memory_space<vmem>>, vector<16xi32>,
      %gather3A_1053 = tpu.vector_load_idx %arg12[%get3A_1048] : memref<10000xf32, #tpu.memory_space<vmem>>[vector<16xi32>], vector<16xf32>,
      %gather3A_1054 = tpu.vector_load_idx %arg13[%get3A_1052] : memref<10016xf32, #tpu.memory_space<vmem>>[vector<16xi32>], vector<16xf32>,
      %add3A_1055 = arith.addf %gather3A_1053, %gather3A_1054 : vector<16xf32>
      %mul3A_1056 = arith.constant 2.000000e-01 : f32
      %mul3A_1057 = vector.broadcast %mul3A_1056 : f32 to vector<16xf32>
      %mul3A_1058 = arith.mulf %mul3A_1057, %add3A_1055 : vector<16xf32>
      %max3A_1059 = arith.maximumf %add3A_1055, %mul3A_1058 : vector<16xf32>
      %exp3A_1060 = math.exp %max3A_1059 : vector<16xf32>
      %swap3A_1061 = arith.constant 2 : i32
      %swap3A_1062 = arith.index_cast %swap3A_1061 : i32 to index
      %swap3A_1063 = arith.constant 16 : index
      %swap3A_1064 = tpu.vector_load %arg17[%swap3A_1062, %swap3A_1063] {strides = array<i32>} : memref<3x64xf32, #tpu.memory_space<vmem>>, vector<16xf32>,
      tpu.vector_store %arg17[%swap3A_1062, %swap3A_1063], %exp3A_1060 {strides = array<i32>} : memref<3x64xf32, #tpu.memory_space<vmem>>, vector<16xf32>,
      %swap3A_1065 = arith.constant 2 : i32
      %swap3A_1066 = arith.index_cast %swap3A_1065 : i32 to index
      %swap3A_1067 = arith.constant 16 : index
      %swap3A_1068 = tpu.vector_load %arg15[%swap3A_1066, %swap3A_1067] {strides = array<i32>} : memref<3x64xi32, #tpu.memory_space<vmem>>, vector<16xi32>,
      tpu.vector_store %arg15[%swap3A_1066, %swap3A_1067], %get3A_1048 {strides = array<i32>} : memref<3x64xi32, #tpu.memory_space<vmem>>, vector<16xi32>,
      %add3A_1069 = vector.broadcast %mul3A_0 : i32 to vector<16xi32>
      %add3A_1070 = arith.addi %get3A_1052, %add3A_1069 : vector<16xi32>
      %swap3A_1071 = arith.constant 2 : i32
      %swap3A_1072 = arith.index_cast %swap3A_1071 : i32 to index
      %swap3A_1073 = arith.constant 16 : index
      %swap3A_1074 = tpu.vector_load %arg16[%swap3A_1072, %swap3A_1073] {strides = array<i32>} : memref<3x64xi32, #tpu.memory_space<vmem>>, vector<16xi32>,
      tpu.vector_store %arg16[%swap3A_1072, %swap3A_1073], %add3A_1070 {strides = array<i32>} : memref<3x64xi32, #tpu.memory_space<vmem>>, vector<16xi32>,
      %get3A_1075 = arith.constant 2 : i32
      %get3A_1076 = arith.index_cast %get3A_1075 : i32 to index
      %get3A_1077 = arith.constant 32 : index
      %get3A_1078 = tpu.vector_load %arg14[%get3A_1076, %get3A_1077] {strides = array<i32>} : memref<3x128xi32, #tpu.memory_space<vmem>>, vector<16xi32>,
      %get3A_1079 = arith.constant 2 : i32
      %get3A_1080 = arith.index_cast %get3A_1079 : i32 to index
      %get3A_1081 = arith.constant 96 : index
      %get3A_1082 = tpu.vector_load %arg14[%get3A_1080, %get3A_1081] {strides = array<i32>} : memref<3x128xi32, #tpu.memory_space<vmem>>, vector<16xi32>,
      %gather3A_1083 = tpu.vector_load_idx %arg12[%get3A_1078] : memref<10000xf32, #tpu.memory_space<vmem>>[vector<16xi32>], vector<16xf32>,
      %gather3A_1084 = tpu.vector_load_idx %arg13[%get3A_1082] : memref<10016xf32, #tpu.memory_space<vmem>>[vector<16xi32>], vector<16xf32>,
      %add3A_1085 = arith.addf %gather3A_1083, %gather3A_1084 : vector<16xf32>
      %mul3A_1086 = arith.constant 2.000000e-01 : f32
      %mul3A_1087 = vector.broadcast %mul3A_1086 : f32 to vector<16xf32>
      %mul3A_1088 = arith.mulf %mul3A_1087, %add3A_1085 : vector<16xf32>
      %max3A_1089 = arith.maximumf %add3A_1085, %mul3A_1088 : vector<16xf32>
      %exp3A_1090 = math.exp %max3A_1089 : vector<16xf32>
      %swap3A_1091 = arith.constant 2 : i32
      %swap3A_1092 = arith.index_cast %swap3A_1091 : i32 to index
      %swap3A_1093 = arith.constant 32 : index
      %swap3A_1094 = tpu.vector_load %arg17[%swap3A_1092, %swap3A_1093] {strides = array<i32>} : memref<3x64xf32, #tpu.memory_space<vmem>>, vector<16xf32>,
      tpu.vector_store %arg17[%swap3A_1092, %swap3A_1093], %exp3A_1090 {strides = array<i32>} : memref<3x64xf32, #tpu.memory_space<vmem>>, vector<16xf32>,
      %swap3A_1095 = arith.constant 2 : i32
      %swap3A_1096 = arith.index_cast %swap3A_1095 : i32 to index
      %swap3A_1097 = arith.constant 32 : index
      %swap3A_1098 = tpu.vector_load %arg15[%swap3A_1096, %swap3A_1097] {strides = array<i32>} : memref<3x64xi32, #tpu.memory_space<vmem>>, vector<16xi32>,
      tpu.vector_store %arg15[%swap3A_1096, %swap3A_1097], %get3A_1078 {strides = array<i32>} : memref<3x64xi32, #tpu.memory_space<vmem>>, vector<16xi32>,
      %add3A_1099 = vector.broadcast %mul3A_0 : i32 to vector<16xi32>
      %add3A_1100 = arith.addi %get3A_1082, %add3A_1099 : vector<16xi32>
      %swap3A_1101 = arith.constant 2 : i32
      %swap3A_1102 = arith.index_cast %swap3A_1101 : i32 to index
      %swap3A_1103 = arith.constant 32 : index
      %swap3A_1104 = tpu.vector_load %arg16[%swap3A_1102, %swap3A_1103] {strides = array<i32>} : memref<3x64xi32, #tpu.memory_space<vmem>>, vector<16xi32>,
      tpu.vector_store %arg16[%swap3A_1102, %swap3A_1103], %add3A_1100 {strides = array<i32>} : memref<3x64xi32, #tpu.memory_space<vmem>>, vector<16xi32>,
      %get3A_1105 = arith.constant 2 : i32
      %get3A_1106 = arith.index_cast %get3A_1105 : i32 to index
      %get3A_1107 = arith.constant 48 : index
      %get3A_1108 = tpu.vector_load %arg14[%get3A_1106, %get3A_1107] {strides = array<i32>} : memref<3x128xi32, #tpu.memory_space<vmem>>, vector<16xi32>,
      %get3A_1109 = arith.constant 2 : i32
      %get3A_1110 = arith.index_cast %get3A_1109 : i32 to index
      %get3A_1111 = arith.constant 112 : index
      %get3A_1112 = tpu.vector_load %arg14[%get3A_1110, %get3A_1111] {strides = array<i32>} : memref<3x128xi32, #tpu.memory_space<vmem>>, vector<16xi32>,
      %gather3A_1113 = tpu.vector_load_idx %arg12[%get3A_1108] : memref<10000xf32, #tpu.memory_space<vmem>>[vector<16xi32>], vector<16xf32>,
      %gather3A_1114 = tpu.vector_load_idx %arg13[%get3A_1112] : memref<10016xf32, #tpu.memory_space<vmem>>[vector<16xi32>], vector<16xf32>,
      %add3A_1115 = arith.addf %gather3A_1113, %gather3A_1114 : vector<16xf32>
      %mul3A_1116 = arith.constant 2.000000e-01 : f32
      %mul3A_1117 = vector.broadcast %mul3A_1116 : f32 to vector<16xf32>
      %mul3A_1118 = arith.mulf %mul3A_1117, %add3A_1115 : vector<16xf32>
      %max3A_1119 = arith.maximumf %add3A_1115, %mul3A_1118 : vector<16xf32>
      %exp3A_1120 = math.exp %max3A_1119 : vector<16xf32>
      %swap3A_1121 = arith.constant 2 : i32
      %swap3A_1122 = arith.index_cast %swap3A_1121 : i32 to index
      %swap3A_1123 = arith.constant 48 : index
      %swap3A_1124 = tpu.vector_load %arg17[%swap3A_1122, %swap3A_1123] {strides = array<i32>} : memref<3x64xf32, #tpu.memory_space<vmem>>, vector<16xf32>,
      tpu.vector_store %arg17[%swap3A_1122, %swap3A_1123], %exp3A_1120 {strides = array<i32>} : memref<3x64xf32, #tpu.memory_space<vmem>>, vector<16xf32>,
      %swap3A_1125 = arith.constant 2 : i32
      %swap3A_1126 = arith.index_cast %swap3A_1125 : i32 to index
      %swap3A_1127 = arith.constant 48 : index
      %swap3A_1128 = tpu.vector_load %arg15[%swap3A_1126, %swap3A_1127] {strides = array<i32>} : memref<3x64xi32, #tpu.memory_space<vmem>>, vector<16xi32>,
      tpu.vector_store %arg15[%swap3A_1126, %swap3A_1127], %get3A_1108 {strides = array<i32>} : memref<3x64xi32, #tpu.memory_space<vmem>>, vector<16xi32>,
      %add3A_1129 = vector.broadcast %mul3A_0 : i32 to vector<16xi32>
      %add3A_1130 = arith.addi %get3A_1112, %add3A_1129 : vector<16xi32>
      %swap3A_1131 = arith.constant 2 : i32
      %swap3A_1132 = arith.index_cast %swap3A_1131 : i32 to index
      %swap3A_1133 = arith.constant 48 : index
      %swap3A_1134 = tpu.vector_load %arg16[%swap3A_1132, %swap3A_1133] {strides = array<i32>} : memref<3x64xi32, #tpu.memory_space<vmem>>, vector<16xi32>,
      tpu.vector_store %arg16[%swap3A_1132, %swap3A_1133], %add3A_1130 {strides = array<i32>} : memref<3x64xi32, #tpu.memory_space<vmem>>, vector<16xi32>,
      %dma_start3A_1135 = arith.constant 2 : i32
      %dma_start3A_1136 = arith.constant 2 : i32
      %dma_start3A_1137 = arith.constant 2 : i32
      %dma_start3A_1138 = arith.constant 0 : i32
      %dma_start3A_1139 = arith.constant 0 : i32
      %dma_start3A_1140 = tpu.memref_slice %arg18[%dma_start3A_1136, %dma_start3A_1138, %dma_start3A_1139] : memref<3x64x128xf32, #tpu.memory_space<vmem>> -> memref<1x64x128xf32, #tpu.memory_space<vmem>>
      %dma_start3A_1141 = tpu.memref_squeeze %dma_start3A_1140 : memref<1x64x128xf32, #tpu.memory_space<vmem>> -> memref<64x128xf32, #tpu.memory_space<vmem>>
      %dma_start3A_1142 = arith.constant 0 : i32
      %dma_start3A_1143 = tpu.memref_slice %arg16[%dma_start3A_1135, %dma_start3A_1142] : memref<3x64xi32, #tpu.memory_space<vmem>> -> memref<1x64xi32, #tpu.memory_space<vmem>>
      %dma_start3A_1144 = tpu.memref_squeeze %dma_start3A_1143 : memref<1x64xi32, #tpu.memory_space<vmem>> -> memref<64xi32, #tpu.memory_space<vmem>>
      %dma_start3A_1145 = arith.constant 0 : i32
      %dma_start3A_1146 = arith.constant 0 : i32
      %dma_start3A_1147 = tpu.memref_slice %arg2[%dma_start3A_1145, %dma_start3A_1146] : memref<20480x128xf32, #tpu.memory_space<hbm>> -> memref<20480x128xf32, #tpu.memory_space<hbm>>
      %dma_start3A_1148 = tpu.memref_slice %arg22[%dma_start3A_1137] : memref<3x!tpu.dma_semaphore, #tpu.memory_space<semaphore_mem>> -> memref<1x!tpu.dma_semaphore, #tpu.memory_space<semaphore_mem>>
      %dma_start3A_1149 = tpu.memref_squeeze %dma_start3A_1148 : memref<1x!tpu.dma_semaphore, #tpu.memory_space<semaphore_mem>> -> memref<!tpu.dma_semaphore, #tpu.memory_space<semaphore_mem>>
      tpu.enqueue_indirect_dma source(%dma_start3A_1147 : memref<20480x128xf32, #tpu.memory_space<hbm>>) target(%dma_start3A_1141 : memref<64x128xf32, #tpu.memory_space<vmem>>) offsets(%dma_start3A_1144 : memref<64xi32, #tpu.memory_space<vmem>>) semaphore(%dma_start3A_1149 : memref<!tpu.dma_semaphore, #tpu.memory_space<semaphore_mem>>)
      %dma_start3A_1150 = arith.constant 2 : i32
      %dma_start3A_1151 = arith.constant 2 : i32
      %dma_start3A_1152 = arith.constant 2 : i32
      %dma_start3A_1153 = arith.constant 0 : i32
      %dma_start3A_1154 = tpu.memref_slice %arg17[%dma_start3A_1150, %dma_start3A_1153] : memref<3x64xf32, #tpu.memory_space<vmem>> -> memref<1x64xf32, #tpu.memory_space<vmem>>
      %dma_start3A_1155 = tpu.memref_squeeze %dma_start3A_1154 : memref<1x64xf32, #tpu.memory_space<vmem>> -> memref<64xf32, #tpu.memory_space<vmem>>
      %dma_start3A_1156 = arith.constant 0 : i32
      %dma_start3A_1157 = tpu.memref_slice %arg15[%dma_start3A_1151, %dma_start3A_1156] : memref<3x64xi32, #tpu.memory_space<vmem>> -> memref<1x64xi32, #tpu.memory_space<vmem>>
      %dma_start3A_1158 = tpu.memref_squeeze %dma_start3A_1157 : memref<1x64xi32, #tpu.memory_space<vmem>> -> memref<64xi32, #tpu.memory_space<vmem>>
      %dma_start3A_1159 = arith.constant 0 : i32
      %dma_start3A_1160 = tpu.memref_slice %arg11[%dma_start3A_1159] : memref<10000xf32, #tpu.memory_space<vmem_shared>> -> memref<10000xf32, #tpu.memory_space<vmem_shared>>
      %dma_start3A_1161 = tpu.memref_slice %arg21[%dma_start3A_1152] : memref<3x!tpu.dma_semaphore, #tpu.memory_space<semaphore_mem>> -> memref<1x!tpu.dma_semaphore, #tpu.memory_space<semaphore_mem>>
      %dma_start3A_1162 = tpu.memref_squeeze %dma_start3A_1161 : memref<1x!tpu.dma_semaphore, #tpu.memory_space<semaphore_mem>> -> memref<!tpu.dma_semaphore, #tpu.memory_space<semaphore_mem>>
      tpu.enqueue_indirect_dma source(%dma_start3A_1155 : memref<64xf32, #tpu.memory_space<vmem>>) target(%dma_start3A_1160 : memref<10000xf32, #tpu.memory_space<vmem_shared>>) offsets(%dma_start3A_1158 : memref<64xi32, #tpu.memory_space<vmem>>) semaphore(%dma_start3A_1162 : memref<!tpu.dma_semaphore, #tpu.memory_space<semaphore_mem>>) {add = true}
      %add3A_1163 = arith.constant 1 : i32
      %add3A_1164 = arith.addi %scan3A_956, %add3A_1163 : i32
      %lt3A = arith.constant 56 : i32
      %lt3A_1165 = arith.cmpi slt, %add3A_1164, %lt3A : i32
      %convert_element_type3A_1166 = arith.extui %lt3A_1165 : i1 to i32
      %cond3A_1167 = arith.constant 0 : i32
      %cond3A_1168 = arith.cmpi ne, %convert_element_type3A_1166, %cond3A_1167 : i32
      scf.if %cond3A_1168 {
        %add3A_1320 = arith.constant 5 : i32
        %add3A_1321 = arith.addi %mul3A_959, %add3A_1320 : i32
        %mul3A_1322 = arith.constant 2 : i32
        %mul3A_1323 = arith.muli %add3A_1321, %mul3A_1322 : i32
        %mul3A_1324 = arith.constant 64 : i32
        %mul3A_1325 = arith.muli %mul3A_1323, %mul3A_1324 : i32
        %add3A_1326 = arith.addi %mul3A_62, %mul3A_1325 : i32
        %dma_start3A_1327 = arith.constant 2 : i32
        %dma_start3A_1328 = arith.constant 2 : i32
        %dma_start3A_1329 = arith.constant 0 : i32
        %dma_start3A_1330 = tpu.memref_slice %arg14[%dma_start3A_1327, %dma_start3A_1329] : memref<3x128xi32, #tpu.memory_space<vmem>> -> memref<1x128xi32, #tpu.memory_space<vmem>>
        %dma_start3A_1331 = tpu.memref_squeeze %dma_start3A_1330 : memref<1x128xi32, #tpu.memory_space<vmem>> -> memref<128xi32, #tpu.memory_space<vmem>>
        %dma_start3A_1332 = tpu.memref_slice %arg5[%add3A_1326] : memref<344064xi32, #tpu.memory_space<hbm>> -> memref<128xi32, #tpu.memory_space<hbm>>
        %dma_start3A_1333 = tpu.memref_slice %arg20[%dma_start3A_1328] : memref<3x!tpu.dma_semaphore, #tpu.memory_space<semaphore_mem>> -> memref<1x!tpu.dma_semaphore, #tpu.memory_space<semaphore_mem>>
        %dma_start3A_1334 = tpu.memref_squeeze %dma_start3A_1333 : memref<1x!tpu.dma_semaphore, #tpu.memory_space<semaphore_mem>> -> memref<!tpu.dma_semaphore, #tpu.memory_space<semaphore_mem>>
        %dma_start3A_1335 = arith.constant 0 : i32
        %dma_start3A_1336 = tpu.memref_slice %arg14[%dma_start3A_1327, %dma_start3A_1335] : memref<3x128xi32, #tpu.memory_space<vmem>> -> memref<1x128xi32, #tpu.memory_space<vmem>>
        %dma_start3A_1337 = tpu.memref_squeeze %dma_start3A_1336 : memref<1x128xi32, #tpu.memory_space<vmem>> -> memref<128xi32, #tpu.memory_space<vmem>>
        %dma_start3A_1338 = tpu.memref_slice %arg5[%add3A_1326] : memref<344064xi32, #tpu.memory_space<hbm>> -> memref<128xi32, #tpu.memory_space<hbm>>
        tpu.enqueue_dma source(%dma_start3A_1338 : memref<128xi32, #tpu.memory_space<hbm>>) target(%dma_start3A_1337 : memref<128xi32, #tpu.memory_space<vmem>>) target_semaphore(%dma_start3A_1334 : memref<!tpu.dma_semaphore, #tpu.memory_space<semaphore_mem>>)
      } else {
      }
      %dma_wait3A_1169 = arith.constant 1 : i32
      %dma_wait3A_1170 = arith.constant 1 : i32
      %dma_wait3A_1171 = arith.constant 1 : i32
      %dma_wait3A_1172 = arith.constant 0 : i32
      %dma_wait3A_1173 = arith.constant 0 : i32
      %dma_wait3A_1174 = tpu.memref_slice %arg18[%dma_wait3A_1170, %dma_wait3A_1172, %dma_wait3A_1173] : memref<3x64x128xf32, #tpu.memory_space<vmem>> -> memref<1x64x128xf32, #tpu.memory_space<vmem>>
      %dma_wait3A_1175 = tpu.memref_squeeze %dma_wait3A_1174 : memref<1x64x128xf32, #tpu.memory_space<vmem>> -> memref<64x128xf32, #tpu.memory_space<vmem>>
      %dma_wait3A_1176 = arith.constant 0 : i32
      %dma_wait3A_1177 = tpu.memref_slice %arg16[%dma_wait3A_1169, %dma_wait3A_1176] : memref<3x64xi32, #tpu.memory_space<vmem>> -> memref<1x64xi32, #tpu.memory_space<vmem>>
      %dma_wait3A_1178 = tpu.memref_squeeze %dma_wait3A_1177 : memref<1x64xi32, #tpu.memory_space<vmem>> -> memref<64xi32, #tpu.memory_space<vmem>>
      %dma_wait3A_1179 = arith.constant 0 : i32
      %dma_wait3A_1180 = arith.constant 0 : i32
      %dma_wait3A_1181 = tpu.memref_slice %arg2[%dma_wait3A_1179, %dma_wait3A_1180] : memref<20480x128xf32, #tpu.memory_space<hbm>> -> memref<20480x128xf32, #tpu.memory_space<hbm>>
      %dma_wait3A_1182 = tpu.memref_slice %arg22[%dma_wait3A_1171] : memref<3x!tpu.dma_semaphore, #tpu.memory_space<semaphore_mem>> -> memref<1x!tpu.dma_semaphore, #tpu.memory_space<semaphore_mem>>
      %dma_wait3A_1183 = tpu.memref_squeeze %dma_wait3A_1182 : memref<1x!tpu.dma_semaphore, #tpu.memory_space<semaphore_mem>> -> memref<!tpu.dma_semaphore, #tpu.memory_space<semaphore_mem>>
      tpu.wait_indirect_dma semaphore(%dma_wait3A_1183 : memref<!tpu.dma_semaphore, #tpu.memory_space<semaphore_mem>>) src(%dma_wait3A_1181 : memref<20480x128xf32, #tpu.memory_space<hbm>>) dst(%dma_wait3A_1175 : memref<64x128xf32, #tpu.memory_space<vmem>>)
      %parallel_loop3A_1184 = arith.constant 0 : i32
      %parallel_loop3A_1185 = arith.constant 64 : i32
      %parallel_loop3A_1186 = arith.constant 1 : i32
      scf.for %parallel_loop3A_1320 = %parallel_loop3A_1184 to %parallel_loop3A_1185 step %parallel_loop3A_1186  : i32 {
        %parallel_loop3A_1321 = arith.constant 0 : i32
        %parallel_loop3A_1322 = vector.broadcast %parallel_loop3A_1321 : i32 to vector<16xi32>
        %parallel_loop3A_1323 = vector.broadcast %parallel_loop3A_1320 : i32 to vector<16xi32>
        %parallel_loop3A_1324 = arith.addi %parallel_loop3A_1322, %parallel_loop3A_1323 : vector<16xi32>
        %parallel_loop3A_1325 = arith.constant 1 : i32
        %parallel_loop3A_1326 = arith.constant 0 : i32
        %parallel_loop3A_1327 = tpu.memref_slice %arg17[%parallel_loop3A_1325, %parallel_loop3A_1326] : memref<3x64xf32, #tpu.memory_space<vmem>> -> memref<1x64xf32, #tpu.memory_space<vmem>>
        %parallel_loop3A_1328 = tpu.memref_squeeze %parallel_loop3A_1327 : memref<1x64xf32, #tpu.memory_space<vmem>> -> memref<64xf32, #tpu.memory_space<vmem>>
        %parallel_loop3A_1329 = tpu.vector_load_idx %parallel_loop3A_1328[%parallel_loop3A_1324] : memref<64xf32, #tpu.memory_space<vmem>>[vector<16xi32>], vector<16xf32>,
        %parallel_loop3A_1330 = arith.constant 1 : i32
        %parallel_loop3A_1331 = arith.index_cast %parallel_loop3A_1330 : i32 to index
        %parallel_loop3A_1332 = arith.index_cast %parallel_loop3A_1320 : i32 to index
        %parallel_loop3A_1333 = arith.constant 0 : index
        %parallel_loop3A_1334 = tpu.vector_load %arg18[%parallel_loop3A_1331, %parallel_loop3A_1332, %parallel_loop3A_1333] {strides = array<i32>} : memref<3x64x128xf32, #tpu.memory_space<vmem>>, vector<16xf32>,
        %parallel_loop3A_1335 = arith.mulf %parallel_loop3A_1334, %parallel_loop3A_1329 : vector<16xf32>
        %parallel_loop3A_1336 = arith.constant 1 : i32
        %parallel_loop3A_1337 = arith.index_cast %parallel_loop3A_1336 : i32 to index
        %parallel_loop3A_1338 = arith.index_cast %parallel_loop3A_1320 : i32 to index
        %parallel_loop3A_1339 = arith.constant 0 : index
        %parallel_loop3A_1340 = tpu.vector_load %arg18[%parallel_loop3A_1337, %parallel_loop3A_1338, %parallel_loop3A_1339] {strides = array<i32>} : memref<3x64x128xf32, #tpu.memory_space<vmem>>, vector<16xf32>,
        tpu.vector_store %arg18[%parallel_loop3A_1337, %parallel_loop3A_1338, %parallel_loop3A_1339], %parallel_loop3A_1335 {strides = array<i32>} : memref<3x64x128xf32, #tpu.memory_space<vmem>>, vector<16xf32>,
        %parallel_loop3A_1341 = arith.constant 1 : i32
        %parallel_loop3A_1342 = arith.index_cast %parallel_loop3A_1341 : i32 to index
        %parallel_loop3A_1343 = arith.index_cast %parallel_loop3A_1320 : i32 to index
        %parallel_loop3A_1344 = arith.constant 16 : index
        %parallel_loop3A_1345 = tpu.vector_load %arg18[%parallel_loop3A_1342, %parallel_loop3A_1343, %parallel_loop3A_1344] {strides = array<i32>} : memref<3x64x128xf32, #tpu.memory_space<vmem>>, vector<16xf32>,
        %parallel_loop3A_1346 = arith.mulf %parallel_loop3A_1345, %parallel_loop3A_1329 : vector<16xf32>
        %parallel_loop3A_1347 = arith.constant 1 : i32
        %parallel_loop3A_1348 = arith.index_cast %parallel_loop3A_1347 : i32 to index
        %parallel_loop3A_1349 = arith.index_cast %parallel_loop3A_1320 : i32 to index
        %parallel_loop3A_1350 = arith.constant 16 : index
        %parallel_loop3A_1351 = tpu.vector_load %arg18[%parallel_loop3A_1348, %parallel_loop3A_1349, %parallel_loop3A_1350] {strides = array<i32>} : memref<3x64x128xf32, #tpu.memory_space<vmem>>, vector<16xf32>,
        tpu.vector_store %arg18[%parallel_loop3A_1348, %parallel_loop3A_1349, %parallel_loop3A_1350], %parallel_loop3A_1346 {strides = array<i32>} : memref<3x64x128xf32, #tpu.memory_space<vmem>>, vector<16xf32>,
        %parallel_loop3A_1352 = arith.constant 1 : i32
        %parallel_loop3A_1353 = arith.index_cast %parallel_loop3A_1352 : i32 to index
        %parallel_loop3A_1354 = arith.index_cast %parallel_loop3A_1320 : i32 to index
        %parallel_loop3A_1355 = arith.constant 32 : index
        %parallel_loop3A_1356 = tpu.vector_load %arg18[%parallel_loop3A_1353, %parallel_loop3A_1354, %parallel_loop3A_1355] {strides = array<i32>} : memref<3x64x128xf32, #tpu.memory_space<vmem>>, vector<16xf32>,
        %parallel_loop3A_1357 = arith.mulf %parallel_loop3A_1356, %parallel_loop3A_1329 : vector<16xf32>
        %parallel_loop3A_1358 = arith.constant 1 : i32
        %parallel_loop3A_1359 = arith.index_cast %parallel_loop3A_1358 : i32 to index
        %parallel_loop3A_1360 = arith.index_cast %parallel_loop3A_1320 : i32 to index
        %parallel_loop3A_1361 = arith.constant 32 : index
        %parallel_loop3A_1362 = tpu.vector_load %arg18[%parallel_loop3A_1359, %parallel_loop3A_1360, %parallel_loop3A_1361] {strides = array<i32>} : memref<3x64x128xf32, #tpu.memory_space<vmem>>, vector<16xf32>,
        tpu.vector_store %arg18[%parallel_loop3A_1359, %parallel_loop3A_1360, %parallel_loop3A_1361], %parallel_loop3A_1357 {strides = array<i32>} : memref<3x64x128xf32, #tpu.memory_space<vmem>>, vector<16xf32>,
        %parallel_loop3A_1363 = arith.constant 1 : i32
        %parallel_loop3A_1364 = arith.index_cast %parallel_loop3A_1363 : i32 to index
        %parallel_loop3A_1365 = arith.index_cast %parallel_loop3A_1320 : i32 to index
        %parallel_loop3A_1366 = arith.constant 48 : index
        %parallel_loop3A_1367 = tpu.vector_load %arg18[%parallel_loop3A_1364, %parallel_loop3A_1365, %parallel_loop3A_1366] {strides = array<i32>} : memref<3x64x128xf32, #tpu.memory_space<vmem>>, vector<16xf32>,
        %parallel_loop3A_1368 = arith.mulf %parallel_loop3A_1367, %parallel_loop3A_1329 : vector<16xf32>
        %parallel_loop3A_1369 = arith.constant 1 : i32
        %parallel_loop3A_1370 = arith.index_cast %parallel_loop3A_1369 : i32 to index
        %parallel_loop3A_1371 = arith.index_cast %parallel_loop3A_1320 : i32 to index
        %parallel_loop3A_1372 = arith.constant 48 : index
        %parallel_loop3A_1373 = tpu.vector_load %arg18[%parallel_loop3A_1370, %parallel_loop3A_1371, %parallel_loop3A_1372] {strides = array<i32>} : memref<3x64x128xf32, #tpu.memory_space<vmem>>, vector<16xf32>,
        tpu.vector_store %arg18[%parallel_loop3A_1370, %parallel_loop3A_1371, %parallel_loop3A_1372], %parallel_loop3A_1368 {strides = array<i32>} : memref<3x64x128xf32, #tpu.memory_space<vmem>>, vector<16xf32>,
        %parallel_loop3A_1374 = arith.constant 1 : i32
        %parallel_loop3A_1375 = arith.index_cast %parallel_loop3A_1374 : i32 to index
        %parallel_loop3A_1376 = arith.index_cast %parallel_loop3A_1320 : i32 to index
        %parallel_loop3A_1377 = arith.constant 64 : index
        %parallel_loop3A_1378 = tpu.vector_load %arg18[%parallel_loop3A_1375, %parallel_loop3A_1376, %parallel_loop3A_1377] {strides = array<i32>} : memref<3x64x128xf32, #tpu.memory_space<vmem>>, vector<16xf32>,
        %parallel_loop3A_1379 = arith.mulf %parallel_loop3A_1378, %parallel_loop3A_1329 : vector<16xf32>
        %parallel_loop3A_1380 = arith.constant 1 : i32
        %parallel_loop3A_1381 = arith.index_cast %parallel_loop3A_1380 : i32 to index
        %parallel_loop3A_1382 = arith.index_cast %parallel_loop3A_1320 : i32 to index
        %parallel_loop3A_1383 = arith.constant 64 : index
        %parallel_loop3A_1384 = tpu.vector_load %arg18[%parallel_loop3A_1381, %parallel_loop3A_1382, %parallel_loop3A_1383] {strides = array<i32>} : memref<3x64x128xf32, #tpu.memory_space<vmem>>, vector<16xf32>,
        tpu.vector_store %arg18[%parallel_loop3A_1381, %parallel_loop3A_1382, %parallel_loop3A_1383], %parallel_loop3A_1379 {strides = array<i32>} : memref<3x64x128xf32, #tpu.memory_space<vmem>>, vector<16xf32>,
        %parallel_loop3A_1385 = arith.constant 1 : i32
        %parallel_loop3A_1386 = arith.index_cast %parallel_loop3A_1385 : i32 to index
        %parallel_loop3A_1387 = arith.index_cast %parallel_loop3A_1320 : i32 to index
        %parallel_loop3A_1388 = arith.constant 80 : index
        %parallel_loop3A_1389 = tpu.vector_load %arg18[%parallel_loop3A_1386, %parallel_loop3A_1387, %parallel_loop3A_1388] {strides = array<i32>} : memref<3x64x128xf32, #tpu.memory_space<vmem>>, vector<16xf32>,
        %parallel_loop3A_1390 = arith.mulf %parallel_loop3A_1389, %parallel_loop3A_1329 : vector<16xf32>
        %parallel_loop3A_1391 = arith.constant 1 : i32
        %parallel_loop3A_1392 = arith.index_cast %parallel_loop3A_1391 : i32 to index
        %parallel_loop3A_1393 = arith.index_cast %parallel_loop3A_1320 : i32 to index
        %parallel_loop3A_1394 = arith.constant 80 : index
        %parallel_loop3A_1395 = tpu.vector_load %arg18[%parallel_loop3A_1392, %parallel_loop3A_1393, %parallel_loop3A_1394] {strides = array<i32>} : memref<3x64x128xf32, #tpu.memory_space<vmem>>, vector<16xf32>,
        tpu.vector_store %arg18[%parallel_loop3A_1392, %parallel_loop3A_1393, %parallel_loop3A_1394], %parallel_loop3A_1390 {strides = array<i32>} : memref<3x64x128xf32, #tpu.memory_space<vmem>>, vector<16xf32>,
        %parallel_loop3A_1396 = arith.constant 1 : i32
        %parallel_loop3A_1397 = arith.index_cast %parallel_loop3A_1396 : i32 to index
        %parallel_loop3A_1398 = arith.index_cast %parallel_loop3A_1320 : i32 to index
        %parallel_loop3A_1399 = arith.constant 96 : index
        %parallel_loop3A_1400 = tpu.vector_load %arg18[%parallel_loop3A_1397, %parallel_loop3A_1398, %parallel_loop3A_1399] {strides = array<i32>} : memref<3x64x128xf32, #tpu.memory_space<vmem>>, vector<16xf32>,
        %parallel_loop3A_1401 = arith.mulf %parallel_loop3A_1400, %parallel_loop3A_1329 : vector<16xf32>
        %parallel_loop3A_1402 = arith.constant 1 : i32
        %parallel_loop3A_1403 = arith.index_cast %parallel_loop3A_1402 : i32 to index
        %parallel_loop3A_1404 = arith.index_cast %parallel_loop3A_1320 : i32 to index
        %parallel_loop3A_1405 = arith.constant 96 : index
        %parallel_loop3A_1406 = tpu.vector_load %arg18[%parallel_loop3A_1403, %parallel_loop3A_1404, %parallel_loop3A_1405] {strides = array<i32>} : memref<3x64x128xf32, #tpu.memory_space<vmem>>, vector<16xf32>,
        tpu.vector_store %arg18[%parallel_loop3A_1403, %parallel_loop3A_1404, %parallel_loop3A_1405], %parallel_loop3A_1401 {strides = array<i32>} : memref<3x64x128xf32, #tpu.memory_space<vmem>>, vector<16xf32>,
        %parallel_loop3A_1407 = arith.constant 1 : i32
        %parallel_loop3A_1408 = arith.index_cast %parallel_loop3A_1407 : i32 to index
        %parallel_loop3A_1409 = arith.index_cast %parallel_loop3A_1320 : i32 to index
        %parallel_loop3A_1410 = arith.constant 112 : index
        %parallel_loop3A_1411 = tpu.vector_load %arg18[%parallel_loop3A_1408, %parallel_loop3A_1409, %parallel_loop3A_1410] {strides = array<i32>} : memref<3x64x128xf32, #tpu.memory_space<vmem>>, vector<16xf32>,
        %parallel_loop3A_1412 = arith.mulf %parallel_loop3A_1411, %parallel_loop3A_1329 : vector<16xf32>
        %parallel_loop3A_1413 = arith.constant 1 : i32
        %parallel_loop3A_1414 = arith.index_cast %parallel_loop3A_1413 : i32 to index
        %parallel_loop3A_1415 = arith.index_cast %parallel_loop3A_1320 : i32 to index
        %parallel_loop3A_1416 = arith.constant 112 : index
        %parallel_loop3A_1417 = tpu.vector_load %arg18[%parallel_loop3A_1414, %parallel_loop3A_1415, %parallel_loop3A_1416] {strides = array<i32>} : memref<3x64x128xf32, #tpu.memory_space<vmem>>, vector<16xf32>,
        tpu.vector_store %arg18[%parallel_loop3A_1414, %parallel_loop3A_1415, %parallel_loop3A_1416], %parallel_loop3A_1412 {strides = array<i32>} : memref<3x64x128xf32, #tpu.memory_space<vmem>>, vector<16xf32>,
      } {sc.loop_unroll_factor = 2 : i64, sc.parallel_access}
      %dma_start3A_1187 = arith.constant 1 : i32
      %dma_start3A_1188 = arith.constant 1 : i32
      %dma_start3A_1189 = arith.constant 1 : i32
      %dma_start3A_1190 = arith.constant 0 : i32
      %dma_start3A_1191 = arith.constant 0 : i32
      %dma_start3A_1192 = tpu.memref_slice %arg18[%dma_start3A_1187, %dma_start3A_1190, %dma_start3A_1191] : memref<3x64x128xf32, #tpu.memory_space<vmem>> -> memref<1x64x128xf32, #tpu.memory_space<vmem>>
      %dma_start3A_1193 = tpu.memref_squeeze %dma_start3A_1192 : memref<1x64x128xf32, #tpu.memory_space<vmem>> -> memref<64x128xf32, #tpu.memory_space<vmem>>
      %dma_start3A_1194 = arith.constant 0 : i32
      %dma_start3A_1195 = tpu.memref_slice %arg15[%dma_start3A_1188, %dma_start3A_1194] : memref<3x64xi32, #tpu.memory_space<vmem>> -> memref<1x64xi32, #tpu.memory_space<vmem>>
      %dma_start3A_1196 = tpu.memref_squeeze %dma_start3A_1195 : memref<1x64xi32, #tpu.memory_space<vmem>> -> memref<64xi32, #tpu.memory_space<vmem>>
      %dma_start3A_1197 = arith.constant 0 : i32
      %dma_start3A_1198 = arith.constant 0 : i32
      %dma_start3A_1199 = tpu.memref_slice %arg10[%dma_start3A_1197, %dma_start3A_1198] : memref<10000x128xf32, #tpu.memory_space<vmem_shared>> -> memref<10000x128xf32, #tpu.memory_space<vmem_shared>>
      %dma_start3A_1200 = tpu.memref_slice %arg23[%dma_start3A_1189] : memref<3x!tpu.dma_semaphore, #tpu.memory_space<semaphore_mem>> -> memref<1x!tpu.dma_semaphore, #tpu.memory_space<semaphore_mem>>
      %dma_start3A_1201 = tpu.memref_squeeze %dma_start3A_1200 : memref<1x!tpu.dma_semaphore, #tpu.memory_space<semaphore_mem>> -> memref<!tpu.dma_semaphore, #tpu.memory_space<semaphore_mem>>
      tpu.enqueue_indirect_dma source(%dma_start3A_1193 : memref<64x128xf32, #tpu.memory_space<vmem>>) target(%dma_start3A_1199 : memref<10000x128xf32, #tpu.memory_space<vmem_shared>>) offsets(%dma_start3A_1196 : memref<64xi32, #tpu.memory_space<vmem>>) semaphore(%dma_start3A_1201 : memref<!tpu.dma_semaphore, #tpu.memory_space<semaphore_mem>>) {add = true}
      %dma_wait3A_1202 = arith.constant 0 : i32
      %dma_wait3A_1203 = arith.constant 0 : i32
      %dma_wait3A_1204 = arith.constant 0 : i32
      %dma_wait3A_1205 = arith.constant 0 : i32
      %dma_wait3A_1206 = arith.constant 0 : i32
      %dma_wait3A_1207 = tpu.memref_slice %arg18[%dma_wait3A_1202, %dma_wait3A_1205, %dma_wait3A_1206] : memref<3x64x128xf32, #tpu.memory_space<vmem>> -> memref<1x64x128xf32, #tpu.memory_space<vmem>>
      %dma_wait3A_1208 = tpu.memref_squeeze %dma_wait3A_1207 : memref<1x64x128xf32, #tpu.memory_space<vmem>> -> memref<64x128xf32, #tpu.memory_space<vmem>>
      %dma_wait3A_1209 = arith.constant 0 : i32
      %dma_wait3A_1210 = tpu.memref_slice %arg15[%dma_wait3A_1203, %dma_wait3A_1209] : memref<3x64xi32, #tpu.memory_space<vmem>> -> memref<1x64xi32, #tpu.memory_space<vmem>>
      %dma_wait3A_1211 = tpu.memref_squeeze %dma_wait3A_1210 : memref<1x64xi32, #tpu.memory_space<vmem>> -> memref<64xi32, #tpu.memory_space<vmem>>
      %dma_wait3A_1212 = arith.constant 0 : i32
      %dma_wait3A_1213 = arith.constant 0 : i32
      %dma_wait3A_1214 = tpu.memref_slice %arg10[%dma_wait3A_1212, %dma_wait3A_1213] : memref<10000x128xf32, #tpu.memory_space<vmem_shared>> -> memref<10000x128xf32, #tpu.memory_space<vmem_shared>>
      %dma_wait3A_1215 = tpu.memref_slice %arg23[%dma_wait3A_1204] : memref<3x!tpu.dma_semaphore, #tpu.memory_space<semaphore_mem>> -> memref<1x!tpu.dma_semaphore, #tpu.memory_space<semaphore_mem>>
      %dma_wait3A_1216 = tpu.memref_squeeze %dma_wait3A_1215 : memref<1x!tpu.dma_semaphore, #tpu.memory_space<semaphore_mem>> -> memref<!tpu.dma_semaphore, #tpu.memory_space<semaphore_mem>>
      tpu.wait_indirect_dma semaphore(%dma_wait3A_1216 : memref<!tpu.dma_semaphore, #tpu.memory_space<semaphore_mem>>) src(%dma_wait3A_1208 : memref<64x128xf32, #tpu.memory_space<vmem>>) dst(%dma_wait3A_1214 : memref<10000x128xf32, #tpu.memory_space<vmem_shared>>)
      %dma_wait3A_1217 = arith.constant 0 : i32
      %dma_wait3A_1218 = arith.constant 0 : i32
      %dma_wait3A_1219 = arith.constant 0 : i32
      %dma_wait3A_1220 = arith.constant 0 : i32
      %dma_wait3A_1221 = tpu.memref_slice %arg17[%dma_wait3A_1217, %dma_wait3A_1220] : memref<3x64xf32, #tpu.memory_space<vmem>> -> memref<1x64xf32, #tpu.memory_space<vmem>>
      %dma_wait3A_1222 = tpu.memref_squeeze %dma_wait3A_1221 : memref<1x64xf32, #tpu.memory_space<vmem>> -> memref<64xf32, #tpu.memory_space<vmem>>
      %dma_wait3A_1223 = arith.constant 0 : i32
      %dma_wait3A_1224 = tpu.memref_slice %arg15[%dma_wait3A_1218, %dma_wait3A_1223] : memref<3x64xi32, #tpu.memory_space<vmem>> -> memref<1x64xi32, #tpu.memory_space<vmem>>
      %dma_wait3A_1225 = tpu.memref_squeeze %dma_wait3A_1224 : memref<1x64xi32, #tpu.memory_space<vmem>> -> memref<64xi32, #tpu.memory_space<vmem>>
      %dma_wait3A_1226 = arith.constant 0 : i32
      %dma_wait3A_1227 = tpu.memref_slice %arg11[%dma_wait3A_1226] : memref<10000xf32, #tpu.memory_space<vmem_shared>> -> memref<10000xf32, #tpu.memory_space<vmem_shared>>
      %dma_wait3A_1228 = tpu.memref_slice %arg21[%dma_wait3A_1219] : memref<3x!tpu.dma_semaphore, #tpu.memory_space<semaphore_mem>> -> memref<1x!tpu.dma_semaphore, #tpu.memory_space<semaphore_mem>>
      %dma_wait3A_1229 = tpu.memref_squeeze %dma_wait3A_1228 : memref<1x!tpu.dma_semaphore, #tpu.memory_space<semaphore_mem>> -> memref<!tpu.dma_semaphore, #tpu.memory_space<semaphore_mem>>
      tpu.wait_indirect_dma semaphore(%dma_wait3A_1229 : memref<!tpu.dma_semaphore, #tpu.memory_space<semaphore_mem>>) src(%dma_wait3A_1222 : memref<64xf32, #tpu.memory_space<vmem>>) dst(%dma_wait3A_1227 : memref<10000xf32, #tpu.memory_space<vmem_shared>>)
      %add3A_1230 = arith.constant 1 : i32
      %add3A_1231 = arith.addi %scan3A_956, %add3A_1230 : i32
      %lt3A_1232 = arith.constant 56 : i32
      %lt3A_1233 = arith.cmpi slt, %add3A_1231, %lt3A_1232 : i32
      %convert_element_type3A_1234 = arith.extui %lt3A_1233 : i1 to i32
      %cond3A_1235 = arith.constant 0 : i32
      %cond3A_1236 = arith.cmpi ne, %convert_element_type3A_1234, %cond3A_1235 : i32
      scf.if %cond3A_1236 {
        %add3A_1320 = arith.constant 3 : i32
        %add3A_1321 = arith.addi %mul3A_959, %add3A_1320 : i32
        %mul3A_1322 = arith.constant 2 : i32
        %mul3A_1323 = arith.muli %add3A_1321, %mul3A_1322 : i32
        %mul3A_1324 = arith.constant 64 : i32
        %mul3A_1325 = arith.muli %mul3A_1323, %mul3A_1324 : i32
        %add3A_1326 = arith.addi %mul3A_62, %mul3A_1325 : i32
        %dma_wait3A_1327 = arith.constant 0 : i32
        %dma_wait3A_1328 = arith.constant 0 : i32
        %dma_wait3A_1329 = arith.constant 0 : i32
        %dma_wait3A_1330 = tpu.memref_slice %arg14[%dma_wait3A_1327, %dma_wait3A_1329] : memref<3x128xi32, #tpu.memory_space<vmem>> -> memref<1x128xi32, #tpu.memory_space<vmem>>
        %dma_wait3A_1331 = tpu.memref_squeeze %dma_wait3A_1330 : memref<1x128xi32, #tpu.memory_space<vmem>> -> memref<128xi32, #tpu.memory_space<vmem>>
        %dma_wait3A_1332 = tpu.memref_slice %arg5[%add3A_1326] : memref<344064xi32, #tpu.memory_space<hbm>> -> memref<128xi32, #tpu.memory_space<hbm>>
        %dma_wait3A_1333 = tpu.memref_slice %arg20[%dma_wait3A_1328] : memref<3x!tpu.dma_semaphore, #tpu.memory_space<semaphore_mem>> -> memref<1x!tpu.dma_semaphore, #tpu.memory_space<semaphore_mem>>
        %dma_wait3A_1334 = tpu.memref_squeeze %dma_wait3A_1333 : memref<1x!tpu.dma_semaphore, #tpu.memory_space<semaphore_mem>> -> memref<!tpu.dma_semaphore, #tpu.memory_space<semaphore_mem>>
        %dma_wait3A_1335 = arith.constant 0 : i32
        %dma_wait3A_1336 = tpu.memref_slice %arg14[%dma_wait3A_1327, %dma_wait3A_1335] : memref<3x128xi32, #tpu.memory_space<vmem>> -> memref<1x128xi32, #tpu.memory_space<vmem>>
        %dma_wait3A_1337 = tpu.memref_squeeze %dma_wait3A_1336 : memref<1x128xi32, #tpu.memory_space<vmem>> -> memref<128xi32, #tpu.memory_space<vmem>>
        %dma_wait3A_1338 = tpu.memref_slice %arg5[%add3A_1326] : memref<344064xi32, #tpu.memory_space<hbm>> -> memref<128xi32, #tpu.memory_space<hbm>>
        tpu.wait_dma2 semaphore(%dma_wait3A_1334 : memref<!tpu.dma_semaphore, #tpu.memory_space<semaphore_mem>>) src(%dma_wait3A_1338 : memref<128xi32, #tpu.memory_space<hbm>>) dst(%dma_wait3A_1337 : memref<128xi32, #tpu.memory_space<vmem>>)
        %get3A_1339 = arith.constant 0 : i32
        %get3A_1340 = arith.index_cast %get3A_1339 : i32 to index
        %get3A_1341 = arith.constant 0 : index
        %get3A_1342 = tpu.vector_load %arg14[%get3A_1340, %get3A_1341] {strides = array<i32>} : memref<3x128xi32, #tpu.memory_space<vmem>>, vector<16xi32>,
        %get3A_1343 = arith.constant 0 : i32
        %get3A_1344 = arith.index_cast %get3A_1343 : i32 to index
        %get3A_1345 = arith.constant 64 : index
        %get3A_1346 = tpu.vector_load %arg14[%get3A_1344, %get3A_1345] {strides = array<i32>} : memref<3x128xi32, #tpu.memory_space<vmem>>, vector<16xi32>,
        %gather3A_1347 = tpu.vector_load_idx %arg12[%get3A_1342] : memref<10000xf32, #tpu.memory_space<vmem>>[vector<16xi32>], vector<16xf32>,
        %gather3A_1348 = tpu.vector_load_idx %arg13[%get3A_1346] : memref<10016xf32, #tpu.memory_space<vmem>>[vector<16xi32>], vector<16xf32>,
        %add3A_1349 = arith.addf %gather3A_1347, %gather3A_1348 : vector<16xf32>
        %mul3A_1350 = arith.constant 2.000000e-01 : f32
        %mul3A_1351 = vector.broadcast %mul3A_1350 : f32 to vector<16xf32>
        %mul3A_1352 = arith.mulf %mul3A_1351, %add3A_1349 : vector<16xf32>
        %max3A_1353 = arith.maximumf %add3A_1349, %mul3A_1352 : vector<16xf32>
        %exp3A_1354 = math.exp %max3A_1353 : vector<16xf32>
        %swap3A_1355 = arith.constant 0 : i32
        %swap3A_1356 = arith.index_cast %swap3A_1355 : i32 to index
        %swap3A_1357 = arith.constant 0 : index
        %swap3A_1358 = tpu.vector_load %arg17[%swap3A_1356, %swap3A_1357] {strides = array<i32>} : memref<3x64xf32, #tpu.memory_space<vmem>>, vector<16xf32>,
        tpu.vector_store %arg17[%swap3A_1356, %swap3A_1357], %exp3A_1354 {strides = array<i32>} : memref<3x64xf32, #tpu.memory_space<vmem>>, vector<16xf32>,
        %swap3A_1359 = arith.constant 0 : i32
        %swap3A_1360 = arith.index_cast %swap3A_1359 : i32 to index
        %swap3A_1361 = arith.constant 0 : index
        %swap3A_1362 = tpu.vector_load %arg15[%swap3A_1360, %swap3A_1361] {strides = array<i32>} : memref<3x64xi32, #tpu.memory_space<vmem>>, vector<16xi32>,
        tpu.vector_store %arg15[%swap3A_1360, %swap3A_1361], %get3A_1342 {strides = array<i32>} : memref<3x64xi32, #tpu.memory_space<vmem>>, vector<16xi32>,
        %add3A_1363 = vector.broadcast %mul3A_0 : i32 to vector<16xi32>
        %add3A_1364 = arith.addi %get3A_1346, %add3A_1363 : vector<16xi32>
        %swap3A_1365 = arith.constant 0 : i32
        %swap3A_1366 = arith.index_cast %swap3A_1365 : i32 to index
        %swap3A_1367 = arith.constant 0 : index
        %swap3A_1368 = tpu.vector_load %arg16[%swap3A_1366, %swap3A_1367] {strides = array<i32>} : memref<3x64xi32, #tpu.memory_space<vmem>>, vector<16xi32>,
        tpu.vector_store %arg16[%swap3A_1366, %swap3A_1367], %add3A_1364 {strides = array<i32>} : memref<3x64xi32, #tpu.memory_space<vmem>>, vector<16xi32>,
        %get3A_1369 = arith.constant 0 : i32
        %get3A_1370 = arith.index_cast %get3A_1369 : i32 to index
        %get3A_1371 = arith.constant 16 : index
        %get3A_1372 = tpu.vector_load %arg14[%get3A_1370, %get3A_1371] {strides = array<i32>} : memref<3x128xi32, #tpu.memory_space<vmem>>, vector<16xi32>,
        %get3A_1373 = arith.constant 0 : i32
        %get3A_1374 = arith.index_cast %get3A_1373 : i32 to index
        %get3A_1375 = arith.constant 80 : index
        %get3A_1376 = tpu.vector_load %arg14[%get3A_1374, %get3A_1375] {strides = array<i32>} : memref<3x128xi32, #tpu.memory_space<vmem>>, vector<16xi32>,
        %gather3A_1377 = tpu.vector_load_idx %arg12[%get3A_1372] : memref<10000xf32, #tpu.memory_space<vmem>>[vector<16xi32>], vector<16xf32>,
        %gather3A_1378 = tpu.vector_load_idx %arg13[%get3A_1376] : memref<10016xf32, #tpu.memory_space<vmem>>[vector<16xi32>], vector<16xf32>,
        %add3A_1379 = arith.addf %gather3A_1377, %gather3A_1378 : vector<16xf32>
        %mul3A_1380 = arith.constant 2.000000e-01 : f32
        %mul3A_1381 = vector.broadcast %mul3A_1380 : f32 to vector<16xf32>
        %mul3A_1382 = arith.mulf %mul3A_1381, %add3A_1379 : vector<16xf32>
        %max3A_1383 = arith.maximumf %add3A_1379, %mul3A_1382 : vector<16xf32>
        %exp3A_1384 = math.exp %max3A_1383 : vector<16xf32>
        %swap3A_1385 = arith.constant 0 : i32
        %swap3A_1386 = arith.index_cast %swap3A_1385 : i32 to index
        %swap3A_1387 = arith.constant 16 : index
        %swap3A_1388 = tpu.vector_load %arg17[%swap3A_1386, %swap3A_1387] {strides = array<i32>} : memref<3x64xf32, #tpu.memory_space<vmem>>, vector<16xf32>,
        tpu.vector_store %arg17[%swap3A_1386, %swap3A_1387], %exp3A_1384 {strides = array<i32>} : memref<3x64xf32, #tpu.memory_space<vmem>>, vector<16xf32>,
        %swap3A_1389 = arith.constant 0 : i32
        %swap3A_1390 = arith.index_cast %swap3A_1389 : i32 to index
        %swap3A_1391 = arith.constant 16 : index
        %swap3A_1392 = tpu.vector_load %arg15[%swap3A_1390, %swap3A_1391] {strides = array<i32>} : memref<3x64xi32, #tpu.memory_space<vmem>>, vector<16xi32>,
        tpu.vector_store %arg15[%swap3A_1390, %swap3A_1391], %get3A_1372 {strides = array<i32>} : memref<3x64xi32, #tpu.memory_space<vmem>>, vector<16xi32>,
        %add3A_1393 = vector.broadcast %mul3A_0 : i32 to vector<16xi32>
        %add3A_1394 = arith.addi %get3A_1376, %add3A_1393 : vector<16xi32>
        %swap3A_1395 = arith.constant 0 : i32
        %swap3A_1396 = arith.index_cast %swap3A_1395 : i32 to index
        %swap3A_1397 = arith.constant 16 : index
        %swap3A_1398 = tpu.vector_load %arg16[%swap3A_1396, %swap3A_1397] {strides = array<i32>} : memref<3x64xi32, #tpu.memory_space<vmem>>, vector<16xi32>,
        tpu.vector_store %arg16[%swap3A_1396, %swap3A_1397], %add3A_1394 {strides = array<i32>} : memref<3x64xi32, #tpu.memory_space<vmem>>, vector<16xi32>,
        %get3A_1399 = arith.constant 0 : i32
        %get3A_1400 = arith.index_cast %get3A_1399 : i32 to index
        %get3A_1401 = arith.constant 32 : index
        %get3A_1402 = tpu.vector_load %arg14[%get3A_1400, %get3A_1401] {strides = array<i32>} : memref<3x128xi32, #tpu.memory_space<vmem>>, vector<16xi32>,
        %get3A_1403 = arith.constant 0 : i32
        %get3A_1404 = arith.index_cast %get3A_1403 : i32 to index
        %get3A_1405 = arith.constant 96 : index
        %get3A_1406 = tpu.vector_load %arg14[%get3A_1404, %get3A_1405] {strides = array<i32>} : memref<3x128xi32, #tpu.memory_space<vmem>>, vector<16xi32>,
        %gather3A_1407 = tpu.vector_load_idx %arg12[%get3A_1402] : memref<10000xf32, #tpu.memory_space<vmem>>[vector<16xi32>], vector<16xf32>,
        %gather3A_1408 = tpu.vector_load_idx %arg13[%get3A_1406] : memref<10016xf32, #tpu.memory_space<vmem>>[vector<16xi32>], vector<16xf32>,
        %add3A_1409 = arith.addf %gather3A_1407, %gather3A_1408 : vector<16xf32>
        %mul3A_1410 = arith.constant 2.000000e-01 : f32
        %mul3A_1411 = vector.broadcast %mul3A_1410 : f32 to vector<16xf32>
        %mul3A_1412 = arith.mulf %mul3A_1411, %add3A_1409 : vector<16xf32>
        %max3A_1413 = arith.maximumf %add3A_1409, %mul3A_1412 : vector<16xf32>
        %exp3A_1414 = math.exp %max3A_1413 : vector<16xf32>
        %swap3A_1415 = arith.constant 0 : i32
        %swap3A_1416 = arith.index_cast %swap3A_1415 : i32 to index
        %swap3A_1417 = arith.constant 32 : index
        %swap3A_1418 = tpu.vector_load %arg17[%swap3A_1416, %swap3A_1417] {strides = array<i32>} : memref<3x64xf32, #tpu.memory_space<vmem>>, vector<16xf32>,
        tpu.vector_store %arg17[%swap3A_1416, %swap3A_1417], %exp3A_1414 {strides = array<i32>} : memref<3x64xf32, #tpu.memory_space<vmem>>, vector<16xf32>,
        %swap3A_1419 = arith.constant 0 : i32
        %swap3A_1420 = arith.index_cast %swap3A_1419 : i32 to index
        %swap3A_1421 = arith.constant 32 : index
        %swap3A_1422 = tpu.vector_load %arg15[%swap3A_1420, %swap3A_1421] {strides = array<i32>} : memref<3x64xi32, #tpu.memory_space<vmem>>, vector<16xi32>,
        tpu.vector_store %arg15[%swap3A_1420, %swap3A_1421], %get3A_1402 {strides = array<i32>} : memref<3x64xi32, #tpu.memory_space<vmem>>, vector<16xi32>,
        %add3A_1423 = vector.broadcast %mul3A_0 : i32 to vector<16xi32>
        %add3A_1424 = arith.addi %get3A_1406, %add3A_1423 : vector<16xi32>
        %swap3A_1425 = arith.constant 0 : i32
        %swap3A_1426 = arith.index_cast %swap3A_1425 : i32 to index
        %swap3A_1427 = arith.constant 32 : index
        %swap3A_1428 = tpu.vector_load %arg16[%swap3A_1426, %swap3A_1427] {strides = array<i32>} : memref<3x64xi32, #tpu.memory_space<vmem>>, vector<16xi32>,
        tpu.vector_store %arg16[%swap3A_1426, %swap3A_1427], %add3A_1424 {strides = array<i32>} : memref<3x64xi32, #tpu.memory_space<vmem>>, vector<16xi32>,
        %get3A_1429 = arith.constant 0 : i32
        %get3A_1430 = arith.index_cast %get3A_1429 : i32 to index
        %get3A_1431 = arith.constant 48 : index
        %get3A_1432 = tpu.vector_load %arg14[%get3A_1430, %get3A_1431] {strides = array<i32>} : memref<3x128xi32, #tpu.memory_space<vmem>>, vector<16xi32>,
        %get3A_1433 = arith.constant 0 : i32
        %get3A_1434 = arith.index_cast %get3A_1433 : i32 to index
        %get3A_1435 = arith.constant 112 : index
        %get3A_1436 = tpu.vector_load %arg14[%get3A_1434, %get3A_1435] {strides = array<i32>} : memref<3x128xi32, #tpu.memory_space<vmem>>, vector<16xi32>,
        %gather3A_1437 = tpu.vector_load_idx %arg12[%get3A_1432] : memref<10000xf32, #tpu.memory_space<vmem>>[vector<16xi32>], vector<16xf32>,
        %gather3A_1438 = tpu.vector_load_idx %arg13[%get3A_1436] : memref<10016xf32, #tpu.memory_space<vmem>>[vector<16xi32>], vector<16xf32>,
        %add3A_1439 = arith.addf %gather3A_1437, %gather3A_1438 : vector<16xf32>
        %mul3A_1440 = arith.constant 2.000000e-01 : f32
        %mul3A_1441 = vector.broadcast %mul3A_1440 : f32 to vector<16xf32>
        %mul3A_1442 = arith.mulf %mul3A_1441, %add3A_1439 : vector<16xf32>
        %max3A_1443 = arith.maximumf %add3A_1439, %mul3A_1442 : vector<16xf32>
        %exp3A_1444 = math.exp %max3A_1443 : vector<16xf32>
        %swap3A_1445 = arith.constant 0 : i32
        %swap3A_1446 = arith.index_cast %swap3A_1445 : i32 to index
        %swap3A_1447 = arith.constant 48 : index
        %swap3A_1448 = tpu.vector_load %arg17[%swap3A_1446, %swap3A_1447] {strides = array<i32>} : memref<3x64xf32, #tpu.memory_space<vmem>>, vector<16xf32>,
        tpu.vector_store %arg17[%swap3A_1446, %swap3A_1447], %exp3A_1444 {strides = array<i32>} : memref<3x64xf32, #tpu.memory_space<vmem>>, vector<16xf32>,
        %swap3A_1449 = arith.constant 0 : i32
        %swap3A_1450 = arith.index_cast %swap3A_1449 : i32 to index
        %swap3A_1451 = arith.constant 48 : index
        %swap3A_1452 = tpu.vector_load %arg15[%swap3A_1450, %swap3A_1451] {strides = array<i32>} : memref<3x64xi32, #tpu.memory_space<vmem>>, vector<16xi32>,
        tpu.vector_store %arg15[%swap3A_1450, %swap3A_1451], %get3A_1432 {strides = array<i32>} : memref<3x64xi32, #tpu.memory_space<vmem>>, vector<16xi32>,
        %add3A_1453 = vector.broadcast %mul3A_0 : i32 to vector<16xi32>
        %add3A_1454 = arith.addi %get3A_1436, %add3A_1453 : vector<16xi32>
        %swap3A_1455 = arith.constant 0 : i32
        %swap3A_1456 = arith.index_cast %swap3A_1455 : i32 to index
        %swap3A_1457 = arith.constant 48 : index
        %swap3A_1458 = tpu.vector_load %arg16[%swap3A_1456, %swap3A_1457] {strides = array<i32>} : memref<3x64xi32, #tpu.memory_space<vmem>>, vector<16xi32>,
        tpu.vector_store %arg16[%swap3A_1456, %swap3A_1457], %add3A_1454 {strides = array<i32>} : memref<3x64xi32, #tpu.memory_space<vmem>>, vector<16xi32>,
        %dma_start3A_1459 = arith.constant 0 : i32
        %dma_start3A_1460 = arith.constant 0 : i32
        %dma_start3A_1461 = arith.constant 0 : i32
        %dma_start3A_1462 = arith.constant 0 : i32
        %dma_start3A_1463 = arith.constant 0 : i32
        %dma_start3A_1464 = tpu.memref_slice %arg18[%dma_start3A_1460, %dma_start3A_1462, %dma_start3A_1463] : memref<3x64x128xf32, #tpu.memory_space<vmem>> -> memref<1x64x128xf32, #tpu.memory_space<vmem>>
        %dma_start3A_1465 = tpu.memref_squeeze %dma_start3A_1464 : memref<1x64x128xf32, #tpu.memory_space<vmem>> -> memref<64x128xf32, #tpu.memory_space<vmem>>
        %dma_start3A_1466 = arith.constant 0 : i32
        %dma_start3A_1467 = tpu.memref_slice %arg16[%dma_start3A_1459, %dma_start3A_1466] : memref<3x64xi32, #tpu.memory_space<vmem>> -> memref<1x64xi32, #tpu.memory_space<vmem>>
        %dma_start3A_1468 = tpu.memref_squeeze %dma_start3A_1467 : memref<1x64xi32, #tpu.memory_space<vmem>> -> memref<64xi32, #tpu.memory_space<vmem>>
        %dma_start3A_1469 = arith.constant 0 : i32
        %dma_start3A_1470 = arith.constant 0 : i32
        %dma_start3A_1471 = tpu.memref_slice %arg2[%dma_start3A_1469, %dma_start3A_1470] : memref<20480x128xf32, #tpu.memory_space<hbm>> -> memref<20480x128xf32, #tpu.memory_space<hbm>>
        %dma_start3A_1472 = tpu.memref_slice %arg22[%dma_start3A_1461] : memref<3x!tpu.dma_semaphore, #tpu.memory_space<semaphore_mem>> -> memref<1x!tpu.dma_semaphore, #tpu.memory_space<semaphore_mem>>
        %dma_start3A_1473 = tpu.memref_squeeze %dma_start3A_1472 : memref<1x!tpu.dma_semaphore, #tpu.memory_space<semaphore_mem>> -> memref<!tpu.dma_semaphore, #tpu.memory_space<semaphore_mem>>
        tpu.enqueue_indirect_dma source(%dma_start3A_1471 : memref<20480x128xf32, #tpu.memory_space<hbm>>) target(%dma_start3A_1465 : memref<64x128xf32, #tpu.memory_space<vmem>>) offsets(%dma_start3A_1468 : memref<64xi32, #tpu.memory_space<vmem>>) semaphore(%dma_start3A_1473 : memref<!tpu.dma_semaphore, #tpu.memory_space<semaphore_mem>>)
        %dma_start3A_1474 = arith.constant 0 : i32
        %dma_start3A_1475 = arith.constant 0 : i32
        %dma_start3A_1476 = arith.constant 0 : i32
        %dma_start3A_1477 = arith.constant 0 : i32
        %dma_start3A_1478 = tpu.memref_slice %arg17[%dma_start3A_1474, %dma_start3A_1477] : memref<3x64xf32, #tpu.memory_space<vmem>> -> memref<1x64xf32, #tpu.memory_space<vmem>>
        %dma_start3A_1479 = tpu.memref_squeeze %dma_start3A_1478 : memref<1x64xf32, #tpu.memory_space<vmem>> -> memref<64xf32, #tpu.memory_space<vmem>>
        %dma_start3A_1480 = arith.constant 0 : i32
        %dma_start3A_1481 = tpu.memref_slice %arg15[%dma_start3A_1475, %dma_start3A_1480] : memref<3x64xi32, #tpu.memory_space<vmem>> -> memref<1x64xi32, #tpu.memory_space<vmem>>
        %dma_start3A_1482 = tpu.memref_squeeze %dma_start3A_1481 : memref<1x64xi32, #tpu.memory_space<vmem>> -> memref<64xi32, #tpu.memory_space<vmem>>
        %dma_start3A_1483 = arith.constant 0 : i32
        %dma_start3A_1484 = tpu.memref_slice %arg11[%dma_start3A_1483] : memref<10000xf32, #tpu.memory_space<vmem_shared>> -> memref<10000xf32, #tpu.memory_space<vmem_shared>>
        %dma_start3A_1485 = tpu.memref_slice %arg21[%dma_start3A_1476] : memref<3x!tpu.dma_semaphore, #tpu.memory_space<semaphore_mem>> -> memref<1x!tpu.dma_semaphore, #tpu.memory_space<semaphore_mem>>
        %dma_start3A_1486 = tpu.memref_squeeze %dma_start3A_1485 : memref<1x!tpu.dma_semaphore, #tpu.memory_space<semaphore_mem>> -> memref<!tpu.dma_semaphore, #tpu.memory_space<semaphore_mem>>
        tpu.enqueue_indirect_dma source(%dma_start3A_1479 : memref<64xf32, #tpu.memory_space<vmem>>) target(%dma_start3A_1484 : memref<10000xf32, #tpu.memory_space<vmem_shared>>) offsets(%dma_start3A_1482 : memref<64xi32, #tpu.memory_space<vmem>>) semaphore(%dma_start3A_1486 : memref<!tpu.dma_semaphore, #tpu.memory_space<semaphore_mem>>) {add = true}
      } else {
      }
      %add3A_1237 = arith.constant 2 : i32
      %add3A_1238 = arith.addi %scan3A_956, %add3A_1237 : i32
      %lt3A_1239 = arith.constant 56 : i32
      %lt3A_1240 = arith.cmpi slt, %add3A_1238, %lt3A_1239 : i32
      %convert_element_type3A_1241 = arith.extui %lt3A_1240 : i1 to i32
      %cond3A_1242 = arith.constant 0 : i32
      %cond3A_1243 = arith.cmpi ne, %convert_element_type3A_1241, %cond3A_1242 : i32
      scf.if %cond3A_1243 {
        %add3A_1320 = arith.constant 6 : i32
        %add3A_1321 = arith.addi %mul3A_959, %add3A_1320 : i32
        %mul3A_1322 = arith.constant 2 : i32
        %mul3A_1323 = arith.muli %add3A_1321, %mul3A_1322 : i32
        %mul3A_1324 = arith.constant 64 : i32
        %mul3A_1325 = arith.muli %mul3A_1323, %mul3A_1324 : i32
        %add3A_1326 = arith.addi %mul3A_62, %mul3A_1325 : i32
        %dma_start3A_1327 = arith.constant 0 : i32
        %dma_start3A_1328 = arith.constant 0 : i32
        %dma_start3A_1329 = arith.constant 0 : i32
        %dma_start3A_1330 = tpu.memref_slice %arg14[%dma_start3A_1327, %dma_start3A_1329] : memref<3x128xi32, #tpu.memory_space<vmem>> -> memref<1x128xi32, #tpu.memory_space<vmem>>
        %dma_start3A_1331 = tpu.memref_squeeze %dma_start3A_1330 : memref<1x128xi32, #tpu.memory_space<vmem>> -> memref<128xi32, #tpu.memory_space<vmem>>
        %dma_start3A_1332 = tpu.memref_slice %arg5[%add3A_1326] : memref<344064xi32, #tpu.memory_space<hbm>> -> memref<128xi32, #tpu.memory_space<hbm>>
        %dma_start3A_1333 = tpu.memref_slice %arg20[%dma_start3A_1328] : memref<3x!tpu.dma_semaphore, #tpu.memory_space<semaphore_mem>> -> memref<1x!tpu.dma_semaphore, #tpu.memory_space<semaphore_mem>>
        %dma_start3A_1334 = tpu.memref_squeeze %dma_start3A_1333 : memref<1x!tpu.dma_semaphore, #tpu.memory_space<semaphore_mem>> -> memref<!tpu.dma_semaphore, #tpu.memory_space<semaphore_mem>>
        %dma_start3A_1335 = arith.constant 0 : i32
        %dma_start3A_1336 = tpu.memref_slice %arg14[%dma_start3A_1327, %dma_start3A_1335] : memref<3x128xi32, #tpu.memory_space<vmem>> -> memref<1x128xi32, #tpu.memory_space<vmem>>
        %dma_start3A_1337 = tpu.memref_squeeze %dma_start3A_1336 : memref<1x128xi32, #tpu.memory_space<vmem>> -> memref<128xi32, #tpu.memory_space<vmem>>
        %dma_start3A_1338 = tpu.memref_slice %arg5[%add3A_1326] : memref<344064xi32, #tpu.memory_space<hbm>> -> memref<128xi32, #tpu.memory_space<hbm>>
        tpu.enqueue_dma source(%dma_start3A_1338 : memref<128xi32, #tpu.memory_space<hbm>>) target(%dma_start3A_1337 : memref<128xi32, #tpu.memory_space<vmem>>) target_semaphore(%dma_start3A_1334 : memref<!tpu.dma_semaphore, #tpu.memory_space<semaphore_mem>>)
      } else {
      }
      %dma_wait3A_1244 = arith.constant 2 : i32
      %dma_wait3A_1245 = arith.constant 2 : i32
      %dma_wait3A_1246 = arith.constant 2 : i32
      %dma_wait3A_1247 = arith.constant 0 : i32
      %dma_wait3A_1248 = arith.constant 0 : i32
      %dma_wait3A_1249 = tpu.memref_slice %arg18[%dma_wait3A_1245, %dma_wait3A_1247, %dma_wait3A_1248] : memref<3x64x128xf32, #tpu.memory_space<vmem>> -> memref<1x64x128xf32, #tpu.memory_space<vmem>>
      %dma_wait3A_1250 = tpu.memref_squeeze %dma_wait3A_1249 : memref<1x64x128xf32, #tpu.memory_space<vmem>> -> memref<64x128xf32, #tpu.memory_space<vmem>>
      %dma_wait3A_1251 = arith.constant 0 : i32
      %dma_wait3A_1252 = tpu.memref_slice %arg16[%dma_wait3A_1244, %dma_wait3A_1251] : memref<3x64xi32, #tpu.memory_space<vmem>> -> memref<1x64xi32, #tpu.memory_space<vmem>>
      %dma_wait3A_1253 = tpu.memref_squeeze %dma_wait3A_1252 : memref<1x64xi32, #tpu.memory_space<vmem>> -> memref<64xi32, #tpu.memory_space<vmem>>
      %dma_wait3A_1254 = arith.constant 0 : i32
      %dma_wait3A_1255 = arith.constant 0 : i32
      %dma_wait3A_1256 = tpu.memref_slice %arg2[%dma_wait3A_1254, %dma_wait3A_1255] : memref<20480x128xf32, #tpu.memory_space<hbm>> -> memref<20480x128xf32, #tpu.memory_space<hbm>>
      %dma_wait3A_1257 = tpu.memref_slice %arg22[%dma_wait3A_1246] : memref<3x!tpu.dma_semaphore, #tpu.memory_space<semaphore_mem>> -> memref<1x!tpu.dma_semaphore, #tpu.memory_space<semaphore_mem>>
      %dma_wait3A_1258 = tpu.memref_squeeze %dma_wait3A_1257 : memref<1x!tpu.dma_semaphore, #tpu.memory_space<semaphore_mem>> -> memref<!tpu.dma_semaphore, #tpu.memory_space<semaphore_mem>>
      tpu.wait_indirect_dma semaphore(%dma_wait3A_1258 : memref<!tpu.dma_semaphore, #tpu.memory_space<semaphore_mem>>) src(%dma_wait3A_1256 : memref<20480x128xf32, #tpu.memory_space<hbm>>) dst(%dma_wait3A_1250 : memref<64x128xf32, #tpu.memory_space<vmem>>)
      %parallel_loop3A_1259 = arith.constant 0 : i32
      %parallel_loop3A_1260 = arith.constant 64 : i32
      %parallel_loop3A_1261 = arith.constant 1 : i32
      scf.for %parallel_loop3A_1320 = %parallel_loop3A_1259 to %parallel_loop3A_1260 step %parallel_loop3A_1261  : i32 {
        %parallel_loop3A_1321 = arith.constant 0 : i32
        %parallel_loop3A_1322 = vector.broadcast %parallel_loop3A_1321 : i32 to vector<16xi32>
        %parallel_loop3A_1323 = vector.broadcast %parallel_loop3A_1320 : i32 to vector<16xi32>
        %parallel_loop3A_1324 = arith.addi %parallel_loop3A_1322, %parallel_loop3A_1323 : vector<16xi32>
        %parallel_loop3A_1325 = arith.constant 2 : i32
        %parallel_loop3A_1326 = arith.constant 0 : i32
        %parallel_loop3A_1327 = tpu.memref_slice %arg17[%parallel_loop3A_1325, %parallel_loop3A_1326] : memref<3x64xf32, #tpu.memory_space<vmem>> -> memref<1x64xf32, #tpu.memory_space<vmem>>
        %parallel_loop3A_1328 = tpu.memref_squeeze %parallel_loop3A_1327 : memref<1x64xf32, #tpu.memory_space<vmem>> -> memref<64xf32, #tpu.memory_space<vmem>>
        %parallel_loop3A_1329 = tpu.vector_load_idx %parallel_loop3A_1328[%parallel_loop3A_1324] : memref<64xf32, #tpu.memory_space<vmem>>[vector<16xi32>], vector<16xf32>,
        %parallel_loop3A_1330 = arith.constant 2 : i32
        %parallel_loop3A_1331 = arith.index_cast %parallel_loop3A_1330 : i32 to index
        %parallel_loop3A_1332 = arith.index_cast %parallel_loop3A_1320 : i32 to index
        %parallel_loop3A_1333 = arith.constant 0 : index
        %parallel_loop3A_1334 = tpu.vector_load %arg18[%parallel_loop3A_1331, %parallel_loop3A_1332, %parallel_loop3A_1333] {strides = array<i32>} : memref<3x64x128xf32, #tpu.memory_space<vmem>>, vector<16xf32>,
        %parallel_loop3A_1335 = arith.mulf %parallel_loop3A_1334, %parallel_loop3A_1329 : vector<16xf32>
        %parallel_loop3A_1336 = arith.constant 2 : i32
        %parallel_loop3A_1337 = arith.index_cast %parallel_loop3A_1336 : i32 to index
        %parallel_loop3A_1338 = arith.index_cast %parallel_loop3A_1320 : i32 to index
        %parallel_loop3A_1339 = arith.constant 0 : index
        %parallel_loop3A_1340 = tpu.vector_load %arg18[%parallel_loop3A_1337, %parallel_loop3A_1338, %parallel_loop3A_1339] {strides = array<i32>} : memref<3x64x128xf32, #tpu.memory_space<vmem>>, vector<16xf32>,
        tpu.vector_store %arg18[%parallel_loop3A_1337, %parallel_loop3A_1338, %parallel_loop3A_1339], %parallel_loop3A_1335 {strides = array<i32>} : memref<3x64x128xf32, #tpu.memory_space<vmem>>, vector<16xf32>,
        %parallel_loop3A_1341 = arith.constant 2 : i32
        %parallel_loop3A_1342 = arith.index_cast %parallel_loop3A_1341 : i32 to index
        %parallel_loop3A_1343 = arith.index_cast %parallel_loop3A_1320 : i32 to index
        %parallel_loop3A_1344 = arith.constant 16 : index
        %parallel_loop3A_1345 = tpu.vector_load %arg18[%parallel_loop3A_1342, %parallel_loop3A_1343, %parallel_loop3A_1344] {strides = array<i32>} : memref<3x64x128xf32, #tpu.memory_space<vmem>>, vector<16xf32>,
        %parallel_loop3A_1346 = arith.mulf %parallel_loop3A_1345, %parallel_loop3A_1329 : vector<16xf32>
        %parallel_loop3A_1347 = arith.constant 2 : i32
        %parallel_loop3A_1348 = arith.index_cast %parallel_loop3A_1347 : i32 to index
        %parallel_loop3A_1349 = arith.index_cast %parallel_loop3A_1320 : i32 to index
        %parallel_loop3A_1350 = arith.constant 16 : index
        %parallel_loop3A_1351 = tpu.vector_load %arg18[%parallel_loop3A_1348, %parallel_loop3A_1349, %parallel_loop3A_1350] {strides = array<i32>} : memref<3x64x128xf32, #tpu.memory_space<vmem>>, vector<16xf32>,
        tpu.vector_store %arg18[%parallel_loop3A_1348, %parallel_loop3A_1349, %parallel_loop3A_1350], %parallel_loop3A_1346 {strides = array<i32>} : memref<3x64x128xf32, #tpu.memory_space<vmem>>, vector<16xf32>,
        %parallel_loop3A_1352 = arith.constant 2 : i32
        %parallel_loop3A_1353 = arith.index_cast %parallel_loop3A_1352 : i32 to index
        %parallel_loop3A_1354 = arith.index_cast %parallel_loop3A_1320 : i32 to index
        %parallel_loop3A_1355 = arith.constant 32 : index
        %parallel_loop3A_1356 = tpu.vector_load %arg18[%parallel_loop3A_1353, %parallel_loop3A_1354, %parallel_loop3A_1355] {strides = array<i32>} : memref<3x64x128xf32, #tpu.memory_space<vmem>>, vector<16xf32>,
        %parallel_loop3A_1357 = arith.mulf %parallel_loop3A_1356, %parallel_loop3A_1329 : vector<16xf32>
        %parallel_loop3A_1358 = arith.constant 2 : i32
        %parallel_loop3A_1359 = arith.index_cast %parallel_loop3A_1358 : i32 to index
        %parallel_loop3A_1360 = arith.index_cast %parallel_loop3A_1320 : i32 to index
        %parallel_loop3A_1361 = arith.constant 32 : index
        %parallel_loop3A_1362 = tpu.vector_load %arg18[%parallel_loop3A_1359, %parallel_loop3A_1360, %parallel_loop3A_1361] {strides = array<i32>} : memref<3x64x128xf32, #tpu.memory_space<vmem>>, vector<16xf32>,
        tpu.vector_store %arg18[%parallel_loop3A_1359, %parallel_loop3A_1360, %parallel_loop3A_1361], %parallel_loop3A_1357 {strides = array<i32>} : memref<3x64x128xf32, #tpu.memory_space<vmem>>, vector<16xf32>,
        %parallel_loop3A_1363 = arith.constant 2 : i32
        %parallel_loop3A_1364 = arith.index_cast %parallel_loop3A_1363 : i32 to index
        %parallel_loop3A_1365 = arith.index_cast %parallel_loop3A_1320 : i32 to index
        %parallel_loop3A_1366 = arith.constant 48 : index
        %parallel_loop3A_1367 = tpu.vector_load %arg18[%parallel_loop3A_1364, %parallel_loop3A_1365, %parallel_loop3A_1366] {strides = array<i32>} : memref<3x64x128xf32, #tpu.memory_space<vmem>>, vector<16xf32>,
        %parallel_loop3A_1368 = arith.mulf %parallel_loop3A_1367, %parallel_loop3A_1329 : vector<16xf32>
        %parallel_loop3A_1369 = arith.constant 2 : i32
        %parallel_loop3A_1370 = arith.index_cast %parallel_loop3A_1369 : i32 to index
        %parallel_loop3A_1371 = arith.index_cast %parallel_loop3A_1320 : i32 to index
        %parallel_loop3A_1372 = arith.constant 48 : index
        %parallel_loop3A_1373 = tpu.vector_load %arg18[%parallel_loop3A_1370, %parallel_loop3A_1371, %parallel_loop3A_1372] {strides = array<i32>} : memref<3x64x128xf32, #tpu.memory_space<vmem>>, vector<16xf32>,
        tpu.vector_store %arg18[%parallel_loop3A_1370, %parallel_loop3A_1371, %parallel_loop3A_1372], %parallel_loop3A_1368 {strides = array<i32>} : memref<3x64x128xf32, #tpu.memory_space<vmem>>, vector<16xf32>,
        %parallel_loop3A_1374 = arith.constant 2 : i32
        %parallel_loop3A_1375 = arith.index_cast %parallel_loop3A_1374 : i32 to index
        %parallel_loop3A_1376 = arith.index_cast %parallel_loop3A_1320 : i32 to index
        %parallel_loop3A_1377 = arith.constant 64 : index
        %parallel_loop3A_1378 = tpu.vector_load %arg18[%parallel_loop3A_1375, %parallel_loop3A_1376, %parallel_loop3A_1377] {strides = array<i32>} : memref<3x64x128xf32, #tpu.memory_space<vmem>>, vector<16xf32>,
        %parallel_loop3A_1379 = arith.mulf %parallel_loop3A_1378, %parallel_loop3A_1329 : vector<16xf32>
        %parallel_loop3A_1380 = arith.constant 2 : i32
        %parallel_loop3A_1381 = arith.index_cast %parallel_loop3A_1380 : i32 to index
        %parallel_loop3A_1382 = arith.index_cast %parallel_loop3A_1320 : i32 to index
        %parallel_loop3A_1383 = arith.constant 64 : index
        %parallel_loop3A_1384 = tpu.vector_load %arg18[%parallel_loop3A_1381, %parallel_loop3A_1382, %parallel_loop3A_1383] {strides = array<i32>} : memref<3x64x128xf32, #tpu.memory_space<vmem>>, vector<16xf32>,
        tpu.vector_store %arg18[%parallel_loop3A_1381, %parallel_loop3A_1382, %parallel_loop3A_1383], %parallel_loop3A_1379 {strides = array<i32>} : memref<3x64x128xf32, #tpu.memory_space<vmem>>, vector<16xf32>,
        %parallel_loop3A_1385 = arith.constant 2 : i32
        %parallel_loop3A_1386 = arith.index_cast %parallel_loop3A_1385 : i32 to index
        %parallel_loop3A_1387 = arith.index_cast %parallel_loop3A_1320 : i32 to index
        %parallel_loop3A_1388 = arith.constant 80 : index
        %parallel_loop3A_1389 = tpu.vector_load %arg18[%parallel_loop3A_1386, %parallel_loop3A_1387, %parallel_loop3A_1388] {strides = array<i32>} : memref<3x64x128xf32, #tpu.memory_space<vmem>>, vector<16xf32>,
        %parallel_loop3A_1390 = arith.mulf %parallel_loop3A_1389, %parallel_loop3A_1329 : vector<16xf32>
        %parallel_loop3A_1391 = arith.constant 2 : i32
        %parallel_loop3A_1392 = arith.index_cast %parallel_loop3A_1391 : i32 to index
        %parallel_loop3A_1393 = arith.index_cast %parallel_loop3A_1320 : i32 to index
        %parallel_loop3A_1394 = arith.constant 80 : index
        %parallel_loop3A_1395 = tpu.vector_load %arg18[%parallel_loop3A_1392, %parallel_loop3A_1393, %parallel_loop3A_1394] {strides = array<i32>} : memref<3x64x128xf32, #tpu.memory_space<vmem>>, vector<16xf32>,
        tpu.vector_store %arg18[%parallel_loop3A_1392, %parallel_loop3A_1393, %parallel_loop3A_1394], %parallel_loop3A_1390 {strides = array<i32>} : memref<3x64x128xf32, #tpu.memory_space<vmem>>, vector<16xf32>,
        %parallel_loop3A_1396 = arith.constant 2 : i32
        %parallel_loop3A_1397 = arith.index_cast %parallel_loop3A_1396 : i32 to index
        %parallel_loop3A_1398 = arith.index_cast %parallel_loop3A_1320 : i32 to index
        %parallel_loop3A_1399 = arith.constant 96 : index
        %parallel_loop3A_1400 = tpu.vector_load %arg18[%parallel_loop3A_1397, %parallel_loop3A_1398, %parallel_loop3A_1399] {strides = array<i32>} : memref<3x64x128xf32, #tpu.memory_space<vmem>>, vector<16xf32>,
        %parallel_loop3A_1401 = arith.mulf %parallel_loop3A_1400, %parallel_loop3A_1329 : vector<16xf32>
        %parallel_loop3A_1402 = arith.constant 2 : i32
        %parallel_loop3A_1403 = arith.index_cast %parallel_loop3A_1402 : i32 to index
        %parallel_loop3A_1404 = arith.index_cast %parallel_loop3A_1320 : i32 to index
        %parallel_loop3A_1405 = arith.constant 96 : index
        %parallel_loop3A_1406 = tpu.vector_load %arg18[%parallel_loop3A_1403, %parallel_loop3A_1404, %parallel_loop3A_1405] {strides = array<i32>} : memref<3x64x128xf32, #tpu.memory_space<vmem>>, vector<16xf32>,
        tpu.vector_store %arg18[%parallel_loop3A_1403, %parallel_loop3A_1404, %parallel_loop3A_1405], %parallel_loop3A_1401 {strides = array<i32>} : memref<3x64x128xf32, #tpu.memory_space<vmem>>, vector<16xf32>,
        %parallel_loop3A_1407 = arith.constant 2 : i32
        %parallel_loop3A_1408 = arith.index_cast %parallel_loop3A_1407 : i32 to index
        %parallel_loop3A_1409 = arith.index_cast %parallel_loop3A_1320 : i32 to index
        %parallel_loop3A_1410 = arith.constant 112 : index
        %parallel_loop3A_1411 = tpu.vector_load %arg18[%parallel_loop3A_1408, %parallel_loop3A_1409, %parallel_loop3A_1410] {strides = array<i32>} : memref<3x64x128xf32, #tpu.memory_space<vmem>>, vector<16xf32>,
        %parallel_loop3A_1412 = arith.mulf %parallel_loop3A_1411, %parallel_loop3A_1329 : vector<16xf32>
        %parallel_loop3A_1413 = arith.constant 2 : i32
        %parallel_loop3A_1414 = arith.index_cast %parallel_loop3A_1413 : i32 to index
        %parallel_loop3A_1415 = arith.index_cast %parallel_loop3A_1320 : i32 to index
        %parallel_loop3A_1416 = arith.constant 112 : index
        %parallel_loop3A_1417 = tpu.vector_load %arg18[%parallel_loop3A_1414, %parallel_loop3A_1415, %parallel_loop3A_1416] {strides = array<i32>} : memref<3x64x128xf32, #tpu.memory_space<vmem>>, vector<16xf32>,
        tpu.vector_store %arg18[%parallel_loop3A_1414, %parallel_loop3A_1415, %parallel_loop3A_1416], %parallel_loop3A_1412 {strides = array<i32>} : memref<3x64x128xf32, #tpu.memory_space<vmem>>, vector<16xf32>,
      } {sc.loop_unroll_factor = 2 : i64, sc.parallel_access}
      %dma_start3A_1262 = arith.constant 2 : i32
      %dma_start3A_1263 = arith.constant 2 : i32
      %dma_start3A_1264 = arith.constant 2 : i32
      %dma_start3A_1265 = arith.constant 0 : i32
      %dma_start3A_1266 = arith.constant 0 : i32
      %dma_start3A_1267 = tpu.memref_slice %arg18[%dma_start3A_1262, %dma_start3A_1265, %dma_start3A_1266] : memref<3x64x128xf32, #tpu.memory_space<vmem>> -> memref<1x64x128xf32, #tpu.memory_space<vmem>>
      %dma_start3A_1268 = tpu.memref_squeeze %dma_start3A_1267 : memref<1x64x128xf32, #tpu.memory_space<vmem>> -> memref<64x128xf32, #tpu.memory_space<vmem>>
      %dma_start3A_1269 = arith.constant 0 : i32
      %dma_start3A_1270 = tpu.memref_slice %arg15[%dma_start3A_1263, %dma_start3A_1269] : memref<3x64xi32, #tpu.memory_space<vmem>> -> memref<1x64xi32, #tpu.memory_space<vmem>>
      %dma_start3A_1271 = tpu.memref_squeeze %dma_start3A_1270 : memref<1x64xi32, #tpu.memory_space<vmem>> -> memref<64xi32, #tpu.memory_space<vmem>>
      %dma_start3A_1272 = arith.constant 0 : i32
      %dma_start3A_1273 = arith.constant 0 : i32
      %dma_start3A_1274 = tpu.memref_slice %arg10[%dma_start3A_1272, %dma_start3A_1273] : memref<10000x128xf32, #tpu.memory_space<vmem_shared>> -> memref<10000x128xf32, #tpu.memory_space<vmem_shared>>
      %dma_start3A_1275 = tpu.memref_slice %arg23[%dma_start3A_1264] : memref<3x!tpu.dma_semaphore, #tpu.memory_space<semaphore_mem>> -> memref<1x!tpu.dma_semaphore, #tpu.memory_space<semaphore_mem>>
      %dma_start3A_1276 = tpu.memref_squeeze %dma_start3A_1275 : memref<1x!tpu.dma_semaphore, #tpu.memory_space<semaphore_mem>> -> memref<!tpu.dma_semaphore, #tpu.memory_space<semaphore_mem>>
      tpu.enqueue_indirect_dma source(%dma_start3A_1268 : memref<64x128xf32, #tpu.memory_space<vmem>>) target(%dma_start3A_1274 : memref<10000x128xf32, #tpu.memory_space<vmem_shared>>) offsets(%dma_start3A_1271 : memref<64xi32, #tpu.memory_space<vmem>>) semaphore(%dma_start3A_1276 : memref<!tpu.dma_semaphore, #tpu.memory_space<semaphore_mem>>) {add = true}
      %dma_wait3A_1277 = arith.constant 1 : i32
      %dma_wait3A_1278 = arith.constant 1 : i32
      %dma_wait3A_1279 = arith.constant 1 : i32
      %dma_wait3A_1280 = arith.constant 0 : i32
      %dma_wait3A_1281 = arith.constant 0 : i32
      %dma_wait3A_1282 = tpu.memref_slice %arg18[%dma_wait3A_1277, %dma_wait3A_1280, %dma_wait3A_1281] : memref<3x64x128xf32, #tpu.memory_space<vmem>> -> memref<1x64x128xf32, #tpu.memory_space<vmem>>
      %dma_wait3A_1283 = tpu.memref_squeeze %dma_wait3A_1282 : memref<1x64x128xf32, #tpu.memory_space<vmem>> -> memref<64x128xf32, #tpu.memory_space<vmem>>
      %dma_wait3A_1284 = arith.constant 0 : i32
      %dma_wait3A_1285 = tpu.memref_slice %arg15[%dma_wait3A_1278, %dma_wait3A_1284] : memref<3x64xi32, #tpu.memory_space<vmem>> -> memref<1x64xi32, #tpu.memory_space<vmem>>
      %dma_wait3A_1286 = tpu.memref_squeeze %dma_wait3A_1285 : memref<1x64xi32, #tpu.memory_space<vmem>> -> memref<64xi32, #tpu.memory_space<vmem>>
      %dma_wait3A_1287 = arith.constant 0 : i32
      %dma_wait3A_1288 = arith.constant 0 : i32
      %dma_wait3A_1289 = tpu.memref_slice %arg10[%dma_wait3A_1287, %dma_wait3A_1288] : memref<10000x128xf32, #tpu.memory_space<vmem_shared>> -> memref<10000x128xf32, #tpu.memory_space<vmem_shared>>
      %dma_wait3A_1290 = tpu.memref_slice %arg23[%dma_wait3A_1279] : memref<3x!tpu.dma_semaphore, #tpu.memory_space<semaphore_mem>> -> memref<1x!tpu.dma_semaphore, #tpu.memory_space<semaphore_mem>>
      %dma_wait3A_1291 = tpu.memref_squeeze %dma_wait3A_1290 : memref<1x!tpu.dma_semaphore, #tpu.memory_space<semaphore_mem>> -> memref<!tpu.dma_semaphore, #tpu.memory_space<semaphore_mem>>
      tpu.wait_indirect_dma semaphore(%dma_wait3A_1291 : memref<!tpu.dma_semaphore, #tpu.memory_space<semaphore_mem>>) src(%dma_wait3A_1283 : memref<64x128xf32, #tpu.memory_space<vmem>>) dst(%dma_wait3A_1289 : memref<10000x128xf32, #tpu.memory_space<vmem_shared>>)
      %dma_wait3A_1292 = arith.constant 1 : i32
      %dma_wait3A_1293 = arith.constant 1 : i32
      %dma_wait3A_1294 = arith.constant 1 : i32
      %dma_wait3A_1295 = arith.constant 0 : i32
      %dma_wait3A_1296 = tpu.memref_slice %arg17[%dma_wait3A_1292, %dma_wait3A_1295] : memref<3x64xf32, #tpu.memory_space<vmem>> -> memref<1x64xf32, #tpu.memory_space<vmem>>
      %dma_wait3A_1297 = tpu.memref_squeeze %dma_wait3A_1296 : memref<1x64xf32, #tpu.memory_space<vmem>> -> memref<64xf32, #tpu.memory_space<vmem>>
      %dma_wait3A_1298 = arith.constant 0 : i32
      %dma_wait3A_1299 = tpu.memref_slice %arg15[%dma_wait3A_1293, %dma_wait3A_1298] : memref<3x64xi32, #tpu.memory_space<vmem>> -> memref<1x64xi32, #tpu.memory_space<vmem>>
      %dma_wait3A_1300 = tpu.memref_squeeze %dma_wait3A_1299 : memref<1x64xi32, #tpu.memory_space<vmem>> -> memref<64xi32, #tpu.memory_space<vmem>>
      %dma_wait3A_1301 = arith.constant 0 : i32
      %dma_wait3A_1302 = tpu.memref_slice %arg11[%dma_wait3A_1301] : memref<10000xf32, #tpu.memory_space<vmem_shared>> -> memref<10000xf32, #tpu.memory_space<vmem_shared>>
      %dma_wait3A_1303 = tpu.memref_slice %arg21[%dma_wait3A_1294] : memref<3x!tpu.dma_semaphore, #tpu.memory_space<semaphore_mem>> -> memref<1x!tpu.dma_semaphore, #tpu.memory_space<semaphore_mem>>
      %dma_wait3A_1304 = tpu.memref_squeeze %dma_wait3A_1303 : memref<1x!tpu.dma_semaphore, #tpu.memory_space<semaphore_mem>> -> memref<!tpu.dma_semaphore, #tpu.memory_space<semaphore_mem>>
      tpu.wait_indirect_dma semaphore(%dma_wait3A_1304 : memref<!tpu.dma_semaphore, #tpu.memory_space<semaphore_mem>>) src(%dma_wait3A_1297 : memref<64xf32, #tpu.memory_space<vmem>>) dst(%dma_wait3A_1302 : memref<10000xf32, #tpu.memory_space<vmem_shared>>)
      %add3A_1305 = arith.constant 1 : i32
      %add3A_1306 = arith.addi %scan3A_956, %add3A_1305 : i32
      %lt3A_1307 = arith.constant 56 : i32
      %lt3A_1308 = arith.cmpi slt, %add3A_1306, %lt3A_1307 : i32
      %convert_element_type3A_1309 = arith.extui %lt3A_1308 : i1 to i32
      %cond3A_1310 = arith.constant 0 : i32
      %cond3A_1311 = arith.cmpi ne, %convert_element_type3A_1309, %cond3A_1310 : i32
      scf.if %cond3A_1311 {
        %add3A_1320 = arith.constant 4 : i32
        %add3A_1321 = arith.addi %mul3A_959, %add3A_1320 : i32
        %mul3A_1322 = arith.constant 2 : i32
        %mul3A_1323 = arith.muli %add3A_1321, %mul3A_1322 : i32
        %mul3A_1324 = arith.constant 64 : i32
        %mul3A_1325 = arith.muli %mul3A_1323, %mul3A_1324 : i32
        %add3A_1326 = arith.addi %mul3A_62, %mul3A_1325 : i32
        %dma_wait3A_1327 = arith.constant 1 : i32
        %dma_wait3A_1328 = arith.constant 1 : i32
        %dma_wait3A_1329 = arith.constant 0 : i32
        %dma_wait3A_1330 = tpu.memref_slice %arg14[%dma_wait3A_1327, %dma_wait3A_1329] : memref<3x128xi32, #tpu.memory_space<vmem>> -> memref<1x128xi32, #tpu.memory_space<vmem>>
        %dma_wait3A_1331 = tpu.memref_squeeze %dma_wait3A_1330 : memref<1x128xi32, #tpu.memory_space<vmem>> -> memref<128xi32, #tpu.memory_space<vmem>>
        %dma_wait3A_1332 = tpu.memref_slice %arg5[%add3A_1326] : memref<344064xi32, #tpu.memory_space<hbm>> -> memref<128xi32, #tpu.memory_space<hbm>>
        %dma_wait3A_1333 = tpu.memref_slice %arg20[%dma_wait3A_1328] : memref<3x!tpu.dma_semaphore, #tpu.memory_space<semaphore_mem>> -> memref<1x!tpu.dma_semaphore, #tpu.memory_space<semaphore_mem>>
        %dma_wait3A_1334 = tpu.memref_squeeze %dma_wait3A_1333 : memref<1x!tpu.dma_semaphore, #tpu.memory_space<semaphore_mem>> -> memref<!tpu.dma_semaphore, #tpu.memory_space<semaphore_mem>>
        %dma_wait3A_1335 = arith.constant 0 : i32
        %dma_wait3A_1336 = tpu.memref_slice %arg14[%dma_wait3A_1327, %dma_wait3A_1335] : memref<3x128xi32, #tpu.memory_space<vmem>> -> memref<1x128xi32, #tpu.memory_space<vmem>>
        %dma_wait3A_1337 = tpu.memref_squeeze %dma_wait3A_1336 : memref<1x128xi32, #tpu.memory_space<vmem>> -> memref<128xi32, #tpu.memory_space<vmem>>
        %dma_wait3A_1338 = tpu.memref_slice %arg5[%add3A_1326] : memref<344064xi32, #tpu.memory_space<hbm>> -> memref<128xi32, #tpu.memory_space<hbm>>
        tpu.wait_dma2 semaphore(%dma_wait3A_1334 : memref<!tpu.dma_semaphore, #tpu.memory_space<semaphore_mem>>) src(%dma_wait3A_1338 : memref<128xi32, #tpu.memory_space<hbm>>) dst(%dma_wait3A_1337 : memref<128xi32, #tpu.memory_space<vmem>>)
        %get3A_1339 = arith.constant 1 : i32
        %get3A_1340 = arith.index_cast %get3A_1339 : i32 to index
        %get3A_1341 = arith.constant 0 : index
        %get3A_1342 = tpu.vector_load %arg14[%get3A_1340, %get3A_1341] {strides = array<i32>} : memref<3x128xi32, #tpu.memory_space<vmem>>, vector<16xi32>,
        %get3A_1343 = arith.constant 1 : i32
        %get3A_1344 = arith.index_cast %get3A_1343 : i32 to index
        %get3A_1345 = arith.constant 64 : index
        %get3A_1346 = tpu.vector_load %arg14[%get3A_1344, %get3A_1345] {strides = array<i32>} : memref<3x128xi32, #tpu.memory_space<vmem>>, vector<16xi32>,
        %gather3A_1347 = tpu.vector_load_idx %arg12[%get3A_1342] : memref<10000xf32, #tpu.memory_space<vmem>>[vector<16xi32>], vector<16xf32>,
        %gather3A_1348 = tpu.vector_load_idx %arg13[%get3A_1346] : memref<10016xf32, #tpu.memory_space<vmem>>[vector<16xi32>], vector<16xf32>,
        %add3A_1349 = arith.addf %gather3A_1347, %gather3A_1348 : vector<16xf32>
        %mul3A_1350 = arith.constant 2.000000e-01 : f32
        %mul3A_1351 = vector.broadcast %mul3A_1350 : f32 to vector<16xf32>
        %mul3A_1352 = arith.mulf %mul3A_1351, %add3A_1349 : vector<16xf32>
        %max3A_1353 = arith.maximumf %add3A_1349, %mul3A_1352 : vector<16xf32>
        %exp3A_1354 = math.exp %max3A_1353 : vector<16xf32>
        %swap3A_1355 = arith.constant 1 : i32
        %swap3A_1356 = arith.index_cast %swap3A_1355 : i32 to index
        %swap3A_1357 = arith.constant 0 : index
        %swap3A_1358 = tpu.vector_load %arg17[%swap3A_1356, %swap3A_1357] {strides = array<i32>} : memref<3x64xf32, #tpu.memory_space<vmem>>, vector<16xf32>,
        tpu.vector_store %arg17[%swap3A_1356, %swap3A_1357], %exp3A_1354 {strides = array<i32>} : memref<3x64xf32, #tpu.memory_space<vmem>>, vector<16xf32>,
        %swap3A_1359 = arith.constant 1 : i32
        %swap3A_1360 = arith.index_cast %swap3A_1359 : i32 to index
        %swap3A_1361 = arith.constant 0 : index
        %swap3A_1362 = tpu.vector_load %arg15[%swap3A_1360, %swap3A_1361] {strides = array<i32>} : memref<3x64xi32, #tpu.memory_space<vmem>>, vector<16xi32>,
        tpu.vector_store %arg15[%swap3A_1360, %swap3A_1361], %get3A_1342 {strides = array<i32>} : memref<3x64xi32, #tpu.memory_space<vmem>>, vector<16xi32>,
        %add3A_1363 = vector.broadcast %mul3A_0 : i32 to vector<16xi32>
        %add3A_1364 = arith.addi %get3A_1346, %add3A_1363 : vector<16xi32>
        %swap3A_1365 = arith.constant 1 : i32
        %swap3A_1366 = arith.index_cast %swap3A_1365 : i32 to index
        %swap3A_1367 = arith.constant 0 : index
        %swap3A_1368 = tpu.vector_load %arg16[%swap3A_1366, %swap3A_1367] {strides = array<i32>} : memref<3x64xi32, #tpu.memory_space<vmem>>, vector<16xi32>,
        tpu.vector_store %arg16[%swap3A_1366, %swap3A_1367], %add3A_1364 {strides = array<i32>} : memref<3x64xi32, #tpu.memory_space<vmem>>, vector<16xi32>,
        %get3A_1369 = arith.constant 1 : i32
        %get3A_1370 = arith.index_cast %get3A_1369 : i32 to index
        %get3A_1371 = arith.constant 16 : index
        %get3A_1372 = tpu.vector_load %arg14[%get3A_1370, %get3A_1371] {strides = array<i32>} : memref<3x128xi32, #tpu.memory_space<vmem>>, vector<16xi32>,
        %get3A_1373 = arith.constant 1 : i32
        %get3A_1374 = arith.index_cast %get3A_1373 : i32 to index
        %get3A_1375 = arith.constant 80 : index
        %get3A_1376 = tpu.vector_load %arg14[%get3A_1374, %get3A_1375] {strides = array<i32>} : memref<3x128xi32, #tpu.memory_space<vmem>>, vector<16xi32>,
        %gather3A_1377 = tpu.vector_load_idx %arg12[%get3A_1372] : memref<10000xf32, #tpu.memory_space<vmem>>[vector<16xi32>], vector<16xf32>,
        %gather3A_1378 = tpu.vector_load_idx %arg13[%get3A_1376] : memref<10016xf32, #tpu.memory_space<vmem>>[vector<16xi32>], vector<16xf32>,
        %add3A_1379 = arith.addf %gather3A_1377, %gather3A_1378 : vector<16xf32>
        %mul3A_1380 = arith.constant 2.000000e-01 : f32
        %mul3A_1381 = vector.broadcast %mul3A_1380 : f32 to vector<16xf32>
        %mul3A_1382 = arith.mulf %mul3A_1381, %add3A_1379 : vector<16xf32>
        %max3A_1383 = arith.maximumf %add3A_1379, %mul3A_1382 : vector<16xf32>
        %exp3A_1384 = math.exp %max3A_1383 : vector<16xf32>
        %swap3A_1385 = arith.constant 1 : i32
        %swap3A_1386 = arith.index_cast %swap3A_1385 : i32 to index
        %swap3A_1387 = arith.constant 16 : index
        %swap3A_1388 = tpu.vector_load %arg17[%swap3A_1386, %swap3A_1387] {strides = array<i32>} : memref<3x64xf32, #tpu.memory_space<vmem>>, vector<16xf32>,
        tpu.vector_store %arg17[%swap3A_1386, %swap3A_1387], %exp3A_1384 {strides = array<i32>} : memref<3x64xf32, #tpu.memory_space<vmem>>, vector<16xf32>,
        %swap3A_1389 = arith.constant 1 : i32
        %swap3A_1390 = arith.index_cast %swap3A_1389 : i32 to index
        %swap3A_1391 = arith.constant 16 : index
        %swap3A_1392 = tpu.vector_load %arg15[%swap3A_1390, %swap3A_1391] {strides = array<i32>} : memref<3x64xi32, #tpu.memory_space<vmem>>, vector<16xi32>,
        tpu.vector_store %arg15[%swap3A_1390, %swap3A_1391], %get3A_1372 {strides = array<i32>} : memref<3x64xi32, #tpu.memory_space<vmem>>, vector<16xi32>,
        %add3A_1393 = vector.broadcast %mul3A_0 : i32 to vector<16xi32>
        %add3A_1394 = arith.addi %get3A_1376, %add3A_1393 : vector<16xi32>
        %swap3A_1395 = arith.constant 1 : i32
        %swap3A_1396 = arith.index_cast %swap3A_1395 : i32 to index
        %swap3A_1397 = arith.constant 16 : index
        %swap3A_1398 = tpu.vector_load %arg16[%swap3A_1396, %swap3A_1397] {strides = array<i32>} : memref<3x64xi32, #tpu.memory_space<vmem>>, vector<16xi32>,
        tpu.vector_store %arg16[%swap3A_1396, %swap3A_1397], %add3A_1394 {strides = array<i32>} : memref<3x64xi32, #tpu.memory_space<vmem>>, vector<16xi32>,
        %get3A_1399 = arith.constant 1 : i32
        %get3A_1400 = arith.index_cast %get3A_1399 : i32 to index
        %get3A_1401 = arith.constant 32 : index
        %get3A_1402 = tpu.vector_load %arg14[%get3A_1400, %get3A_1401] {strides = array<i32>} : memref<3x128xi32, #tpu.memory_space<vmem>>, vector<16xi32>,
        %get3A_1403 = arith.constant 1 : i32
        %get3A_1404 = arith.index_cast %get3A_1403 : i32 to index
        %get3A_1405 = arith.constant 96 : index
        %get3A_1406 = tpu.vector_load %arg14[%get3A_1404, %get3A_1405] {strides = array<i32>} : memref<3x128xi32, #tpu.memory_space<vmem>>, vector<16xi32>,
        %gather3A_1407 = tpu.vector_load_idx %arg12[%get3A_1402] : memref<10000xf32, #tpu.memory_space<vmem>>[vector<16xi32>], vector<16xf32>,
        %gather3A_1408 = tpu.vector_load_idx %arg13[%get3A_1406] : memref<10016xf32, #tpu.memory_space<vmem>>[vector<16xi32>], vector<16xf32>,
        %add3A_1409 = arith.addf %gather3A_1407, %gather3A_1408 : vector<16xf32>
        %mul3A_1410 = arith.constant 2.000000e-01 : f32
        %mul3A_1411 = vector.broadcast %mul3A_1410 : f32 to vector<16xf32>
        %mul3A_1412 = arith.mulf %mul3A_1411, %add3A_1409 : vector<16xf32>
        %max3A_1413 = arith.maximumf %add3A_1409, %mul3A_1412 : vector<16xf32>
        %exp3A_1414 = math.exp %max3A_1413 : vector<16xf32>
        %swap3A_1415 = arith.constant 1 : i32
        %swap3A_1416 = arith.index_cast %swap3A_1415 : i32 to index
        %swap3A_1417 = arith.constant 32 : index
        %swap3A_1418 = tpu.vector_load %arg17[%swap3A_1416, %swap3A_1417] {strides = array<i32>} : memref<3x64xf32, #tpu.memory_space<vmem>>, vector<16xf32>,
        tpu.vector_store %arg17[%swap3A_1416, %swap3A_1417], %exp3A_1414 {strides = array<i32>} : memref<3x64xf32, #tpu.memory_space<vmem>>, vector<16xf32>,
        %swap3A_1419 = arith.constant 1 : i32
        %swap3A_1420 = arith.index_cast %swap3A_1419 : i32 to index
        %swap3A_1421 = arith.constant 32 : index
        %swap3A_1422 = tpu.vector_load %arg15[%swap3A_1420, %swap3A_1421] {strides = array<i32>} : memref<3x64xi32, #tpu.memory_space<vmem>>, vector<16xi32>,
        tpu.vector_store %arg15[%swap3A_1420, %swap3A_1421], %get3A_1402 {strides = array<i32>} : memref<3x64xi32, #tpu.memory_space<vmem>>, vector<16xi32>,
        %add3A_1423 = vector.broadcast %mul3A_0 : i32 to vector<16xi32>
        %add3A_1424 = arith.addi %get3A_1406, %add3A_1423 : vector<16xi32>
        %swap3A_1425 = arith.constant 1 : i32
        %swap3A_1426 = arith.index_cast %swap3A_1425 : i32 to index
        %swap3A_1427 = arith.constant 32 : index
        %swap3A_1428 = tpu.vector_load %arg16[%swap3A_1426, %swap3A_1427] {strides = array<i32>} : memref<3x64xi32, #tpu.memory_space<vmem>>, vector<16xi32>,
        tpu.vector_store %arg16[%swap3A_1426, %swap3A_1427], %add3A_1424 {strides = array<i32>} : memref<3x64xi32, #tpu.memory_space<vmem>>, vector<16xi32>,
        %get3A_1429 = arith.constant 1 : i32
        %get3A_1430 = arith.index_cast %get3A_1429 : i32 to index
        %get3A_1431 = arith.constant 48 : index
        %get3A_1432 = tpu.vector_load %arg14[%get3A_1430, %get3A_1431] {strides = array<i32>} : memref<3x128xi32, #tpu.memory_space<vmem>>, vector<16xi32>,
        %get3A_1433 = arith.constant 1 : i32
        %get3A_1434 = arith.index_cast %get3A_1433 : i32 to index
        %get3A_1435 = arith.constant 112 : index
        %get3A_1436 = tpu.vector_load %arg14[%get3A_1434, %get3A_1435] {strides = array<i32>} : memref<3x128xi32, #tpu.memory_space<vmem>>, vector<16xi32>,
        %gather3A_1437 = tpu.vector_load_idx %arg12[%get3A_1432] : memref<10000xf32, #tpu.memory_space<vmem>>[vector<16xi32>], vector<16xf32>,
        %gather3A_1438 = tpu.vector_load_idx %arg13[%get3A_1436] : memref<10016xf32, #tpu.memory_space<vmem>>[vector<16xi32>], vector<16xf32>,
        %add3A_1439 = arith.addf %gather3A_1437, %gather3A_1438 : vector<16xf32>
        %mul3A_1440 = arith.constant 2.000000e-01 : f32
        %mul3A_1441 = vector.broadcast %mul3A_1440 : f32 to vector<16xf32>
        %mul3A_1442 = arith.mulf %mul3A_1441, %add3A_1439 : vector<16xf32>
        %max3A_1443 = arith.maximumf %add3A_1439, %mul3A_1442 : vector<16xf32>
        %exp3A_1444 = math.exp %max3A_1443 : vector<16xf32>
        %swap3A_1445 = arith.constant 1 : i32
        %swap3A_1446 = arith.index_cast %swap3A_1445 : i32 to index
        %swap3A_1447 = arith.constant 48 : index
        %swap3A_1448 = tpu.vector_load %arg17[%swap3A_1446, %swap3A_1447] {strides = array<i32>} : memref<3x64xf32, #tpu.memory_space<vmem>>, vector<16xf32>,
        tpu.vector_store %arg17[%swap3A_1446, %swap3A_1447], %exp3A_1444 {strides = array<i32>} : memref<3x64xf32, #tpu.memory_space<vmem>>, vector<16xf32>,
        %swap3A_1449 = arith.constant 1 : i32
        %swap3A_1450 = arith.index_cast %swap3A_1449 : i32 to index
        %swap3A_1451 = arith.constant 48 : index
        %swap3A_1452 = tpu.vector_load %arg15[%swap3A_1450, %swap3A_1451] {strides = array<i32>} : memref<3x64xi32, #tpu.memory_space<vmem>>, vector<16xi32>,
        tpu.vector_store %arg15[%swap3A_1450, %swap3A_1451], %get3A_1432 {strides = array<i32>} : memref<3x64xi32, #tpu.memory_space<vmem>>, vector<16xi32>,
        %add3A_1453 = vector.broadcast %mul3A_0 : i32 to vector<16xi32>
        %add3A_1454 = arith.addi %get3A_1436, %add3A_1453 : vector<16xi32>
        %swap3A_1455 = arith.constant 1 : i32
        %swap3A_1456 = arith.index_cast %swap3A_1455 : i32 to index
        %swap3A_1457 = arith.constant 48 : index
        %swap3A_1458 = tpu.vector_load %arg16[%swap3A_1456, %swap3A_1457] {strides = array<i32>} : memref<3x64xi32, #tpu.memory_space<vmem>>, vector<16xi32>,
        tpu.vector_store %arg16[%swap3A_1456, %swap3A_1457], %add3A_1454 {strides = array<i32>} : memref<3x64xi32, #tpu.memory_space<vmem>>, vector<16xi32>,
        %dma_start3A_1459 = arith.constant 1 : i32
        %dma_start3A_1460 = arith.constant 1 : i32
        %dma_start3A_1461 = arith.constant 1 : i32
        %dma_start3A_1462 = arith.constant 0 : i32
        %dma_start3A_1463 = arith.constant 0 : i32
        %dma_start3A_1464 = tpu.memref_slice %arg18[%dma_start3A_1460, %dma_start3A_1462, %dma_start3A_1463] : memref<3x64x128xf32, #tpu.memory_space<vmem>> -> memref<1x64x128xf32, #tpu.memory_space<vmem>>
        %dma_start3A_1465 = tpu.memref_squeeze %dma_start3A_1464 : memref<1x64x128xf32, #tpu.memory_space<vmem>> -> memref<64x128xf32, #tpu.memory_space<vmem>>
        %dma_start3A_1466 = arith.constant 0 : i32
        %dma_start3A_1467 = tpu.memref_slice %arg16[%dma_start3A_1459, %dma_start3A_1466] : memref<3x64xi32, #tpu.memory_space<vmem>> -> memref<1x64xi32, #tpu.memory_space<vmem>>
        %dma_start3A_1468 = tpu.memref_squeeze %dma_start3A_1467 : memref<1x64xi32, #tpu.memory_space<vmem>> -> memref<64xi32, #tpu.memory_space<vmem>>
        %dma_start3A_1469 = arith.constant 0 : i32
        %dma_start3A_1470 = arith.constant 0 : i32
        %dma_start3A_1471 = tpu.memref_slice %arg2[%dma_start3A_1469, %dma_start3A_1470] : memref<20480x128xf32, #tpu.memory_space<hbm>> -> memref<20480x128xf32, #tpu.memory_space<hbm>>
        %dma_start3A_1472 = tpu.memref_slice %arg22[%dma_start3A_1461] : memref<3x!tpu.dma_semaphore, #tpu.memory_space<semaphore_mem>> -> memref<1x!tpu.dma_semaphore, #tpu.memory_space<semaphore_mem>>
        %dma_start3A_1473 = tpu.memref_squeeze %dma_start3A_1472 : memref<1x!tpu.dma_semaphore, #tpu.memory_space<semaphore_mem>> -> memref<!tpu.dma_semaphore, #tpu.memory_space<semaphore_mem>>
        tpu.enqueue_indirect_dma source(%dma_start3A_1471 : memref<20480x128xf32, #tpu.memory_space<hbm>>) target(%dma_start3A_1465 : memref<64x128xf32, #tpu.memory_space<vmem>>) offsets(%dma_start3A_1468 : memref<64xi32, #tpu.memory_space<vmem>>) semaphore(%dma_start3A_1473 : memref<!tpu.dma_semaphore, #tpu.memory_space<semaphore_mem>>)
        %dma_start3A_1474 = arith.constant 1 : i32
        %dma_start3A_1475 = arith.constant 1 : i32
        %dma_start3A_1476 = arith.constant 1 : i32
        %dma_start3A_1477 = arith.constant 0 : i32
        %dma_start3A_1478 = tpu.memref_slice %arg17[%dma_start3A_1474, %dma_start3A_1477] : memref<3x64xf32, #tpu.memory_space<vmem>> -> memref<1x64xf32, #tpu.memory_space<vmem>>
        %dma_start3A_1479 = tpu.memref_squeeze %dma_start3A_1478 : memref<1x64xf32, #tpu.memory_space<vmem>> -> memref<64xf32, #tpu.memory_space<vmem>>
        %dma_start3A_1480 = arith.constant 0 : i32
        %dma_start3A_1481 = tpu.memref_slice %arg15[%dma_start3A_1475, %dma_start3A_1480] : memref<3x64xi32, #tpu.memory_space<vmem>> -> memref<1x64xi32, #tpu.memory_space<vmem>>
        %dma_start3A_1482 = tpu.memref_squeeze %dma_start3A_1481 : memref<1x64xi32, #tpu.memory_space<vmem>> -> memref<64xi32, #tpu.memory_space<vmem>>
        %dma_start3A_1483 = arith.constant 0 : i32
        %dma_start3A_1484 = tpu.memref_slice %arg11[%dma_start3A_1483] : memref<10000xf32, #tpu.memory_space<vmem_shared>> -> memref<10000xf32, #tpu.memory_space<vmem_shared>>
        %dma_start3A_1485 = tpu.memref_slice %arg21[%dma_start3A_1476] : memref<3x!tpu.dma_semaphore, #tpu.memory_space<semaphore_mem>> -> memref<1x!tpu.dma_semaphore, #tpu.memory_space<semaphore_mem>>
        %dma_start3A_1486 = tpu.memref_squeeze %dma_start3A_1485 : memref<1x!tpu.dma_semaphore, #tpu.memory_space<semaphore_mem>> -> memref<!tpu.dma_semaphore, #tpu.memory_space<semaphore_mem>>
        tpu.enqueue_indirect_dma source(%dma_start3A_1479 : memref<64xf32, #tpu.memory_space<vmem>>) target(%dma_start3A_1484 : memref<10000xf32, #tpu.memory_space<vmem_shared>>) offsets(%dma_start3A_1482 : memref<64xi32, #tpu.memory_space<vmem>>) semaphore(%dma_start3A_1486 : memref<!tpu.dma_semaphore, #tpu.memory_space<semaphore_mem>>) {add = true}
      } else {
      }
      %add3A_1312 = arith.constant 2 : i32
      %add3A_1313 = arith.addi %scan3A_956, %add3A_1312 : i32
      %lt3A_1314 = arith.constant 56 : i32
      %lt3A_1315 = arith.cmpi slt, %add3A_1313, %lt3A_1314 : i32
      %convert_element_type3A_1316 = arith.extui %lt3A_1315 : i1 to i32
      %cond3A_1317 = arith.constant 0 : i32
      %cond3A_1318 = arith.cmpi ne, %convert_element_type3A_1316, %cond3A_1317 : i32
      scf.if %cond3A_1318 {
        %add3A_1320 = arith.constant 7 : i32
        %add3A_1321 = arith.addi %mul3A_959, %add3A_1320 : i32
        %mul3A_1322 = arith.constant 2 : i32
        %mul3A_1323 = arith.muli %add3A_1321, %mul3A_1322 : i32
        %mul3A_1324 = arith.constant 64 : i32
        %mul3A_1325 = arith.muli %mul3A_1323, %mul3A_1324 : i32
        %add3A_1326 = arith.addi %mul3A_62, %mul3A_1325 : i32
        %dma_start3A_1327 = arith.constant 1 : i32
        %dma_start3A_1328 = arith.constant 1 : i32
        %dma_start3A_1329 = arith.constant 0 : i32
        %dma_start3A_1330 = tpu.memref_slice %arg14[%dma_start3A_1327, %dma_start3A_1329] : memref<3x128xi32, #tpu.memory_space<vmem>> -> memref<1x128xi32, #tpu.memory_space<vmem>>
        %dma_start3A_1331 = tpu.memref_squeeze %dma_start3A_1330 : memref<1x128xi32, #tpu.memory_space<vmem>> -> memref<128xi32, #tpu.memory_space<vmem>>
        %dma_start3A_1332 = tpu.memref_slice %arg5[%add3A_1326] : memref<344064xi32, #tpu.memory_space<hbm>> -> memref<128xi32, #tpu.memory_space<hbm>>
        %dma_start3A_1333 = tpu.memref_slice %arg20[%dma_start3A_1328] : memref<3x!tpu.dma_semaphore, #tpu.memory_space<semaphore_mem>> -> memref<1x!tpu.dma_semaphore, #tpu.memory_space<semaphore_mem>>
        %dma_start3A_1334 = tpu.memref_squeeze %dma_start3A_1333 : memref<1x!tpu.dma_semaphore, #tpu.memory_space<semaphore_mem>> -> memref<!tpu.dma_semaphore, #tpu.memory_space<semaphore_mem>>
        %dma_start3A_1335 = arith.constant 0 : i32
        %dma_start3A_1336 = tpu.memref_slice %arg14[%dma_start3A_1327, %dma_start3A_1335] : memref<3x128xi32, #tpu.memory_space<vmem>> -> memref<1x128xi32, #tpu.memory_space<vmem>>
        %dma_start3A_1337 = tpu.memref_squeeze %dma_start3A_1336 : memref<1x128xi32, #tpu.memory_space<vmem>> -> memref<128xi32, #tpu.memory_space<vmem>>
        %dma_start3A_1338 = tpu.memref_slice %arg5[%add3A_1326] : memref<344064xi32, #tpu.memory_space<hbm>> -> memref<128xi32, #tpu.memory_space<hbm>>
        tpu.enqueue_dma source(%dma_start3A_1338 : memref<128xi32, #tpu.memory_space<hbm>>) target(%dma_start3A_1337 : memref<128xi32, #tpu.memory_space<vmem>>) target_semaphore(%dma_start3A_1334 : memref<!tpu.dma_semaphore, #tpu.memory_space<semaphore_mem>>)
      } else {
      }
      %scan3A_1319 = arith.constant 0 : i32
      scf.yield %scan3A_1319 : i32
    }
    %scan3A_457 = arith.constant 56 : i32
    %dma_wait3A_458 = arith.constant 2 : i32
    %dma_wait3A_459 = arith.constant 2 : i32
    %dma_wait3A_460 = arith.constant 2 : i32
    %dma_wait3A_461 = arith.constant 0 : i32
    %dma_wait3A_462 = arith.constant 0 : i32
    %dma_wait3A_463 = tpu.memref_slice %arg18[%dma_wait3A_458, %dma_wait3A_461, %dma_wait3A_462] : memref<3x64x128xf32, #tpu.memory_space<vmem>> -> memref<1x64x128xf32, #tpu.memory_space<vmem>>
    %dma_wait3A_464 = tpu.memref_squeeze %dma_wait3A_463 : memref<1x64x128xf32, #tpu.memory_space<vmem>> -> memref<64x128xf32, #tpu.memory_space<vmem>>
    %dma_wait3A_465 = arith.constant 0 : i32
    %dma_wait3A_466 = tpu.memref_slice %arg15[%dma_wait3A_459, %dma_wait3A_465] : memref<3x64xi32, #tpu.memory_space<vmem>> -> memref<1x64xi32, #tpu.memory_space<vmem>>
    %dma_wait3A_467 = tpu.memref_squeeze %dma_wait3A_466 : memref<1x64xi32, #tpu.memory_space<vmem>> -> memref<64xi32, #tpu.memory_space<vmem>>
    %dma_wait3A_468 = arith.constant 0 : i32
    %dma_wait3A_469 = arith.constant 0 : i32
    %dma_wait3A_470 = tpu.memref_slice %arg10[%dma_wait3A_468, %dma_wait3A_469] : memref<10000x128xf32, #tpu.memory_space<vmem_shared>> -> memref<10000x128xf32, #tpu.memory_space<vmem_shared>>
    %dma_wait3A_471 = tpu.memref_slice %arg23[%dma_wait3A_460] : memref<3x!tpu.dma_semaphore, #tpu.memory_space<semaphore_mem>> -> memref<1x!tpu.dma_semaphore, #tpu.memory_space<semaphore_mem>>
    %dma_wait3A_472 = tpu.memref_squeeze %dma_wait3A_471 : memref<1x!tpu.dma_semaphore, #tpu.memory_space<semaphore_mem>> -> memref<!tpu.dma_semaphore, #tpu.memory_space<semaphore_mem>>
    tpu.wait_indirect_dma semaphore(%dma_wait3A_472 : memref<!tpu.dma_semaphore, #tpu.memory_space<semaphore_mem>>) src(%dma_wait3A_464 : memref<64x128xf32, #tpu.memory_space<vmem>>) dst(%dma_wait3A_470 : memref<10000x128xf32, #tpu.memory_space<vmem_shared>>)
    %dma_wait3A_473 = arith.constant 2 : i32
    %dma_wait3A_474 = arith.constant 2 : i32
    %dma_wait3A_475 = arith.constant 2 : i32
    %dma_wait3A_476 = arith.constant 0 : i32
    %dma_wait3A_477 = tpu.memref_slice %arg17[%dma_wait3A_473, %dma_wait3A_476] : memref<3x64xf32, #tpu.memory_space<vmem>> -> memref<1x64xf32, #tpu.memory_space<vmem>>
    %dma_wait3A_478 = tpu.memref_squeeze %dma_wait3A_477 : memref<1x64xf32, #tpu.memory_space<vmem>> -> memref<64xf32, #tpu.memory_space<vmem>>
    %dma_wait3A_479 = arith.constant 0 : i32
    %dma_wait3A_480 = tpu.memref_slice %arg15[%dma_wait3A_474, %dma_wait3A_479] : memref<3x64xi32, #tpu.memory_space<vmem>> -> memref<1x64xi32, #tpu.memory_space<vmem>>
    %dma_wait3A_481 = tpu.memref_squeeze %dma_wait3A_480 : memref<1x64xi32, #tpu.memory_space<vmem>> -> memref<64xi32, #tpu.memory_space<vmem>>
    %dma_wait3A_482 = arith.constant 0 : i32
    %dma_wait3A_483 = tpu.memref_slice %arg11[%dma_wait3A_482] : memref<10000xf32, #tpu.memory_space<vmem_shared>> -> memref<10000xf32, #tpu.memory_space<vmem_shared>>
    %dma_wait3A_484 = tpu.memref_slice %arg21[%dma_wait3A_475] : memref<3x!tpu.dma_semaphore, #tpu.memory_space<semaphore_mem>> -> memref<1x!tpu.dma_semaphore, #tpu.memory_space<semaphore_mem>>
    %dma_wait3A_485 = tpu.memref_squeeze %dma_wait3A_484 : memref<1x!tpu.dma_semaphore, #tpu.memory_space<semaphore_mem>> -> memref<!tpu.dma_semaphore, #tpu.memory_space<semaphore_mem>>
    tpu.wait_indirect_dma semaphore(%dma_wait3A_485 : memref<!tpu.dma_semaphore, #tpu.memory_space<semaphore_mem>>) src(%dma_wait3A_478 : memref<64xf32, #tpu.memory_space<vmem>>) dst(%dma_wait3A_483 : memref<10000xf32, #tpu.memory_space<vmem_shared>>)
    %mul3A_486 = arith.constant 4 : i32
    %mul3A_487 = arith.muli %arg0, %mul3A_486 : i32
    %add3A_488 = arith.constant 2 : i32
    %add3A_489 = arith.addi %mul3A_487, %add3A_488 : i32
    %mul3A_490 = arith.constant 10240 : i32
    %mul3A_491 = arith.muli %add3A_489, %mul3A_490 : i32
    "tpu.region"() ({
      %run_scoped3A = tpu.sem_alloc : memref<!tpu.dma_semaphore, #tpu.memory_space<semaphore_mem>>
      %dma_start3A_956 = tpu.memref_slice %arg4[%mul3A_491] : memref<81920xf32, #tpu.memory_space<hbm>> -> memref<10000xf32, #tpu.memory_space<hbm>>
      %dma_start3A_957 = tpu.memref_slice %arg4[%mul3A_491] : memref<81920xf32, #tpu.memory_space<hbm>> -> memref<10000xf32, #tpu.memory_space<hbm>>
      tpu.enqueue_dma source(%dma_start3A_957 : memref<10000xf32, #tpu.memory_space<hbm>>) target(%arg12 : memref<10000xf32, #tpu.memory_space<vmem>>) target_semaphore(%run_scoped3A : memref<!tpu.dma_semaphore, #tpu.memory_space<semaphore_mem>>)
      %dma_wait3A_958 = tpu.memref_slice %arg4[%mul3A_491] : memref<81920xf32, #tpu.memory_space<hbm>> -> memref<10000xf32, #tpu.memory_space<hbm>>
      %dma_wait3A_959 = tpu.memref_slice %arg4[%mul3A_491] : memref<81920xf32, #tpu.memory_space<hbm>> -> memref<10000xf32, #tpu.memory_space<hbm>>
      tpu.wait_dma2 semaphore(%run_scoped3A : memref<!tpu.dma_semaphore, #tpu.memory_space<semaphore_mem>>) src(%dma_wait3A_959 : memref<10000xf32, #tpu.memory_space<hbm>>) dst(%arg12 : memref<10000xf32, #tpu.memory_space<vmem>>)
      tpu.yield
    }) : () -> ()
    %mul3A_492 = arith.constant 4 : i32
    %mul3A_493 = arith.muli %arg0, %mul3A_492 : i32
    %add3A_494 = arith.constant 2 : i32
    %add3A_495 = arith.addi %mul3A_493, %add3A_494 : i32
    %add3A_496 = arith.constant 1 : i32
    %add3A_497 = arith.addi %add3A_495, %add3A_496 : i32
    %mul3A_498 = arith.constant 10240 : i32
    %mul3A_499 = arith.muli %add3A_497, %mul3A_498 : i32
    "tpu.region"() ({
      %run_scoped3A = tpu.sem_alloc : memref<!tpu.dma_semaphore, #tpu.memory_space<semaphore_mem>>
      %dma_start3A_956 = arith.constant 0 : i32
      %dma_start3A_957 = tpu.memref_slice %arg13[%dma_start3A_956] : memref<10016xf32, #tpu.memory_space<vmem>> -> memref<10000xf32, #tpu.memory_space<vmem>>
      %dma_start3A_958 = tpu.memref_slice %arg4[%mul3A_499] : memref<81920xf32, #tpu.memory_space<hbm>> -> memref<10000xf32, #tpu.memory_space<hbm>>
      %dma_start3A_959 = arith.constant 0 : i32
      %dma_start3A_960 = tpu.memref_slice %arg13[%dma_start3A_959] : memref<10016xf32, #tpu.memory_space<vmem>> -> memref<10000xf32, #tpu.memory_space<vmem>>
      %dma_start3A_961 = tpu.memref_slice %arg4[%mul3A_499] : memref<81920xf32, #tpu.memory_space<hbm>> -> memref<10000xf32, #tpu.memory_space<hbm>>
      tpu.enqueue_dma source(%dma_start3A_961 : memref<10000xf32, #tpu.memory_space<hbm>>) target(%dma_start3A_960 : memref<10000xf32, #tpu.memory_space<vmem>>) target_semaphore(%run_scoped3A : memref<!tpu.dma_semaphore, #tpu.memory_space<semaphore_mem>>)
      %dma_wait3A_962 = arith.constant 0 : i32
      %dma_wait3A_963 = tpu.memref_slice %arg13[%dma_wait3A_962] : memref<10016xf32, #tpu.memory_space<vmem>> -> memref<10000xf32, #tpu.memory_space<vmem>>
      %dma_wait3A_964 = tpu.memref_slice %arg4[%mul3A_499] : memref<81920xf32, #tpu.memory_space<hbm>> -> memref<10000xf32, #tpu.memory_space<hbm>>
      %dma_wait3A_965 = arith.constant 0 : i32
      %dma_wait3A_966 = tpu.memref_slice %arg13[%dma_wait3A_965] : memref<10016xf32, #tpu.memory_space<vmem>> -> memref<10000xf32, #tpu.memory_space<vmem>>
      %dma_wait3A_967 = tpu.memref_slice %arg4[%mul3A_499] : memref<81920xf32, #tpu.memory_space<hbm>> -> memref<10000xf32, #tpu.memory_space<hbm>>
      tpu.wait_dma2 semaphore(%run_scoped3A : memref<!tpu.dma_semaphore, #tpu.memory_space<semaphore_mem>>) src(%dma_wait3A_967 : memref<10000xf32, #tpu.memory_space<hbm>>) dst(%dma_wait3A_966 : memref<10000xf32, #tpu.memory_space<vmem>>)
      tpu.yield
    }) : () -> ()
    %broadcast_in_dim3A_500 = arith.constant -1.000000e+30 : f32
    %broadcast_in_dim3A_501 = vector.broadcast %broadcast_in_dim3A_500 : f32 to vector<16xf32>
    %swap3A_502 = arith.constant 10000 : index
    %swap3A_503 = tpu.vector_load %arg13[%swap3A_502] {strides = array<i32>} : memref<10016xf32, #tpu.memory_space<vmem>>, vector<16xf32>,
    tpu.vector_store %arg13[%swap3A_502], %broadcast_in_dim3A_501 {strides = array<i32>} : memref<10016xf32, #tpu.memory_space<vmem>>, vector<16xf32>,
    %mul3A_504 = arith.constant 159 : i32
    %mul3A_505 = arith.muli %arg1, %mul3A_504 : i32
    %mul3A_506 = arith.constant 2 : i32
    %mul3A_507 = arith.muli %mul3A_505, %mul3A_506 : i32
    %mul3A_508 = arith.constant 64 : i32
    %mul3A_509 = arith.muli %mul3A_507, %mul3A_508 : i32
    %add3A_510 = arith.constant 0 : i32
    %add3A_511 = arith.addi %mul3A_509, %add3A_510 : i32
    %dma_start3A_512 = arith.constant 0 : i32
    %dma_start3A_513 = arith.constant 0 : i32
    %dma_start3A_514 = arith.constant 0 : i32
    %dma_start3A_515 = tpu.memref_slice %arg14[%dma_start3A_512, %dma_start3A_514] : memref<3x128xi32, #tpu.memory_space<vmem>> -> memref<1x128xi32, #tpu.memory_space<vmem>>
    %dma_start3A_516 = tpu.memref_squeeze %dma_start3A_515 : memref<1x128xi32, #tpu.memory_space<vmem>> -> memref<128xi32, #tpu.memory_space<vmem>>
    %dma_start3A_517 = tpu.memref_slice %arg6[%add3A_511] : memref<325632xi32, #tpu.memory_space<hbm>> -> memref<128xi32, #tpu.memory_space<hbm>>
    %dma_start3A_518 = tpu.memref_slice %arg20[%dma_start3A_513] : memref<3x!tpu.dma_semaphore, #tpu.memory_space<semaphore_mem>> -> memref<1x!tpu.dma_semaphore, #tpu.memory_space<semaphore_mem>>
    %dma_start3A_519 = tpu.memref_squeeze %dma_start3A_518 : memref<1x!tpu.dma_semaphore, #tpu.memory_space<semaphore_mem>> -> memref<!tpu.dma_semaphore, #tpu.memory_space<semaphore_mem>>
    %dma_start3A_520 = arith.constant 0 : i32
    %dma_start3A_521 = tpu.memref_slice %arg14[%dma_start3A_512, %dma_start3A_520] : memref<3x128xi32, #tpu.memory_space<vmem>> -> memref<1x128xi32, #tpu.memory_space<vmem>>
    %dma_start3A_522 = tpu.memref_squeeze %dma_start3A_521 : memref<1x128xi32, #tpu.memory_space<vmem>> -> memref<128xi32, #tpu.memory_space<vmem>>
    %dma_start3A_523 = tpu.memref_slice %arg6[%add3A_511] : memref<325632xi32, #tpu.memory_space<hbm>> -> memref<128xi32, #tpu.memory_space<hbm>>
    tpu.enqueue_dma source(%dma_start3A_523 : memref<128xi32, #tpu.memory_space<hbm>>) target(%dma_start3A_522 : memref<128xi32, #tpu.memory_space<vmem>>) target_semaphore(%dma_start3A_519 : memref<!tpu.dma_semaphore, #tpu.memory_space<semaphore_mem>>)
    %add3A_524 = arith.constant 128 : i32
    %add3A_525 = arith.addi %mul3A_509, %add3A_524 : i32
    %dma_start3A_526 = arith.constant 1 : i32
    %dma_start3A_527 = arith.constant 1 : i32
    %dma_start3A_528 = arith.constant 0 : i32
    %dma_start3A_529 = tpu.memref_slice %arg14[%dma_start3A_526, %dma_start3A_528] : memref<3x128xi32, #tpu.memory_space<vmem>> -> memref<1x128xi32, #tpu.memory_space<vmem>>
    %dma_start3A_530 = tpu.memref_squeeze %dma_start3A_529 : memref<1x128xi32, #tpu.memory_space<vmem>> -> memref<128xi32, #tpu.memory_space<vmem>>
    %dma_start3A_531 = tpu.memref_slice %arg6[%add3A_525] : memref<325632xi32, #tpu.memory_space<hbm>> -> memref<128xi32, #tpu.memory_space<hbm>>
    %dma_start3A_532 = tpu.memref_slice %arg20[%dma_start3A_527] : memref<3x!tpu.dma_semaphore, #tpu.memory_space<semaphore_mem>> -> memref<1x!tpu.dma_semaphore, #tpu.memory_space<semaphore_mem>>
    %dma_start3A_533 = tpu.memref_squeeze %dma_start3A_532 : memref<1x!tpu.dma_semaphore, #tpu.memory_space<semaphore_mem>> -> memref<!tpu.dma_semaphore, #tpu.memory_space<semaphore_mem>>
    %dma_start3A_534 = arith.constant 0 : i32
    %dma_start3A_535 = tpu.memref_slice %arg14[%dma_start3A_526, %dma_start3A_534] : memref<3x128xi32, #tpu.memory_space<vmem>> -> memref<1x128xi32, #tpu.memory_space<vmem>>
    %dma_start3A_536 = tpu.memref_squeeze %dma_start3A_535 : memref<1x128xi32, #tpu.memory_space<vmem>> -> memref<128xi32, #tpu.memory_space<vmem>>
    %dma_start3A_537 = tpu.memref_slice %arg6[%add3A_525] : memref<325632xi32, #tpu.memory_space<hbm>> -> memref<128xi32, #tpu.memory_space<hbm>>
    tpu.enqueue_dma source(%dma_start3A_537 : memref<128xi32, #tpu.memory_space<hbm>>) target(%dma_start3A_536 : memref<128xi32, #tpu.memory_space<vmem>>) target_semaphore(%dma_start3A_533 : memref<!tpu.dma_semaphore, #tpu.memory_space<semaphore_mem>>)
    %add3A_538 = arith.constant 256 : i32
    %add3A_539 = arith.addi %mul3A_509, %add3A_538 : i32
    %dma_start3A_540 = arith.constant 2 : i32
    %dma_start3A_541 = arith.constant 2 : i32
    %dma_start3A_542 = arith.constant 0 : i32
    %dma_start3A_543 = tpu.memref_slice %arg14[%dma_start3A_540, %dma_start3A_542] : memref<3x128xi32, #tpu.memory_space<vmem>> -> memref<1x128xi32, #tpu.memory_space<vmem>>
    %dma_start3A_544 = tpu.memref_squeeze %dma_start3A_543 : memref<1x128xi32, #tpu.memory_space<vmem>> -> memref<128xi32, #tpu.memory_space<vmem>>
    %dma_start3A_545 = tpu.memref_slice %arg6[%add3A_539] : memref<325632xi32, #tpu.memory_space<hbm>> -> memref<128xi32, #tpu.memory_space<hbm>>
    %dma_start3A_546 = tpu.memref_slice %arg20[%dma_start3A_541] : memref<3x!tpu.dma_semaphore, #tpu.memory_space<semaphore_mem>> -> memref<1x!tpu.dma_semaphore, #tpu.memory_space<semaphore_mem>>
    %dma_start3A_547 = tpu.memref_squeeze %dma_start3A_546 : memref<1x!tpu.dma_semaphore, #tpu.memory_space<semaphore_mem>> -> memref<!tpu.dma_semaphore, #tpu.memory_space<semaphore_mem>>
    %dma_start3A_548 = arith.constant 0 : i32
    %dma_start3A_549 = tpu.memref_slice %arg14[%dma_start3A_540, %dma_start3A_548] : memref<3x128xi32, #tpu.memory_space<vmem>> -> memref<1x128xi32, #tpu.memory_space<vmem>>
    %dma_start3A_550 = tpu.memref_squeeze %dma_start3A_549 : memref<1x128xi32, #tpu.memory_space<vmem>> -> memref<128xi32, #tpu.memory_space<vmem>>
    %dma_start3A_551 = tpu.memref_slice %arg6[%add3A_539] : memref<325632xi32, #tpu.memory_space<hbm>> -> memref<128xi32, #tpu.memory_space<hbm>>
    tpu.enqueue_dma source(%dma_start3A_551 : memref<128xi32, #tpu.memory_space<hbm>>) target(%dma_start3A_550 : memref<128xi32, #tpu.memory_space<vmem>>) target_semaphore(%dma_start3A_547 : memref<!tpu.dma_semaphore, #tpu.memory_space<semaphore_mem>>)
    %add3A_552 = arith.constant 0 : i32
    %add3A_553 = arith.addi %mul3A_509, %add3A_552 : i32
    %dma_wait3A_554 = arith.constant 0 : i32
    %dma_wait3A_555 = arith.constant 0 : i32
    %dma_wait3A_556 = arith.constant 0 : i32
    %dma_wait3A_557 = tpu.memref_slice %arg14[%dma_wait3A_554, %dma_wait3A_556] : memref<3x128xi32, #tpu.memory_space<vmem>> -> memref<1x128xi32, #tpu.memory_space<vmem>>
    %dma_wait3A_558 = tpu.memref_squeeze %dma_wait3A_557 : memref<1x128xi32, #tpu.memory_space<vmem>> -> memref<128xi32, #tpu.memory_space<vmem>>
    %dma_wait3A_559 = tpu.memref_slice %arg6[%add3A_553] : memref<325632xi32, #tpu.memory_space<hbm>> -> memref<128xi32, #tpu.memory_space<hbm>>
    %dma_wait3A_560 = tpu.memref_slice %arg20[%dma_wait3A_555] : memref<3x!tpu.dma_semaphore, #tpu.memory_space<semaphore_mem>> -> memref<1x!tpu.dma_semaphore, #tpu.memory_space<semaphore_mem>>
    %dma_wait3A_561 = tpu.memref_squeeze %dma_wait3A_560 : memref<1x!tpu.dma_semaphore, #tpu.memory_space<semaphore_mem>> -> memref<!tpu.dma_semaphore, #tpu.memory_space<semaphore_mem>>
    %dma_wait3A_562 = arith.constant 0 : i32
    %dma_wait3A_563 = tpu.memref_slice %arg14[%dma_wait3A_554, %dma_wait3A_562] : memref<3x128xi32, #tpu.memory_space<vmem>> -> memref<1x128xi32, #tpu.memory_space<vmem>>
    %dma_wait3A_564 = tpu.memref_squeeze %dma_wait3A_563 : memref<1x128xi32, #tpu.memory_space<vmem>> -> memref<128xi32, #tpu.memory_space<vmem>>
    %dma_wait3A_565 = tpu.memref_slice %arg6[%add3A_553] : memref<325632xi32, #tpu.memory_space<hbm>> -> memref<128xi32, #tpu.memory_space<hbm>>
    tpu.wait_dma2 semaphore(%dma_wait3A_561 : memref<!tpu.dma_semaphore, #tpu.memory_space<semaphore_mem>>) src(%dma_wait3A_565 : memref<128xi32, #tpu.memory_space<hbm>>) dst(%dma_wait3A_564 : memref<128xi32, #tpu.memory_space<vmem>>)
    %get3A_566 = arith.constant 0 : i32
    %get3A_567 = arith.index_cast %get3A_566 : i32 to index
    %get3A_568 = arith.constant 0 : index
    %get3A_569 = tpu.vector_load %arg14[%get3A_567, %get3A_568] {strides = array<i32>} : memref<3x128xi32, #tpu.memory_space<vmem>>, vector<16xi32>,
    %get3A_570 = arith.constant 0 : i32
    %get3A_571 = arith.index_cast %get3A_570 : i32 to index
    %get3A_572 = arith.constant 64 : index
    %get3A_573 = tpu.vector_load %arg14[%get3A_571, %get3A_572] {strides = array<i32>} : memref<3x128xi32, #tpu.memory_space<vmem>>, vector<16xi32>,
    %gather3A_574 = tpu.vector_load_idx %arg12[%get3A_569] : memref<10000xf32, #tpu.memory_space<vmem>>[vector<16xi32>], vector<16xf32>,
    %gather3A_575 = tpu.vector_load_idx %arg13[%get3A_573] : memref<10016xf32, #tpu.memory_space<vmem>>[vector<16xi32>], vector<16xf32>,
    %add3A_576 = arith.addf %gather3A_574, %gather3A_575 : vector<16xf32>
    %mul3A_577 = arith.constant 2.000000e-01 : f32
    %mul3A_578 = vector.broadcast %mul3A_577 : f32 to vector<16xf32>
    %mul3A_579 = arith.mulf %mul3A_578, %add3A_576 : vector<16xf32>
    %max3A_580 = arith.maximumf %add3A_576, %mul3A_579 : vector<16xf32>
    %exp3A_581 = math.exp %max3A_580 : vector<16xf32>
    %swap3A_582 = arith.constant 0 : i32
    %swap3A_583 = arith.index_cast %swap3A_582 : i32 to index
    %swap3A_584 = arith.constant 0 : index
    %swap3A_585 = tpu.vector_load %arg17[%swap3A_583, %swap3A_584] {strides = array<i32>} : memref<3x64xf32, #tpu.memory_space<vmem>>, vector<16xf32>,
    tpu.vector_store %arg17[%swap3A_583, %swap3A_584], %exp3A_581 {strides = array<i32>} : memref<3x64xf32, #tpu.memory_space<vmem>>, vector<16xf32>,
    %swap3A_586 = arith.constant 0 : i32
    %swap3A_587 = arith.index_cast %swap3A_586 : i32 to index
    %swap3A_588 = arith.constant 0 : index
    %swap3A_589 = tpu.vector_load %arg15[%swap3A_587, %swap3A_588] {strides = array<i32>} : memref<3x64xi32, #tpu.memory_space<vmem>>, vector<16xi32>,
    tpu.vector_store %arg15[%swap3A_587, %swap3A_588], %get3A_569 {strides = array<i32>} : memref<3x64xi32, #tpu.memory_space<vmem>>, vector<16xi32>,
    %add3A_590 = vector.broadcast %mul3A_0 : i32 to vector<16xi32>
    %add3A_591 = arith.addi %get3A_573, %add3A_590 : vector<16xi32>
    %swap3A_592 = arith.constant 0 : i32
    %swap3A_593 = arith.index_cast %swap3A_592 : i32 to index
    %swap3A_594 = arith.constant 0 : index
    %swap3A_595 = tpu.vector_load %arg16[%swap3A_593, %swap3A_594] {strides = array<i32>} : memref<3x64xi32, #tpu.memory_space<vmem>>, vector<16xi32>,
    tpu.vector_store %arg16[%swap3A_593, %swap3A_594], %add3A_591 {strides = array<i32>} : memref<3x64xi32, #tpu.memory_space<vmem>>, vector<16xi32>,
    %get3A_596 = arith.constant 0 : i32
    %get3A_597 = arith.index_cast %get3A_596 : i32 to index
    %get3A_598 = arith.constant 16 : index
    %get3A_599 = tpu.vector_load %arg14[%get3A_597, %get3A_598] {strides = array<i32>} : memref<3x128xi32, #tpu.memory_space<vmem>>, vector<16xi32>,
    %get3A_600 = arith.constant 0 : i32
    %get3A_601 = arith.index_cast %get3A_600 : i32 to index
    %get3A_602 = arith.constant 80 : index
    %get3A_603 = tpu.vector_load %arg14[%get3A_601, %get3A_602] {strides = array<i32>} : memref<3x128xi32, #tpu.memory_space<vmem>>, vector<16xi32>,
    %gather3A_604 = tpu.vector_load_idx %arg12[%get3A_599] : memref<10000xf32, #tpu.memory_space<vmem>>[vector<16xi32>], vector<16xf32>,
    %gather3A_605 = tpu.vector_load_idx %arg13[%get3A_603] : memref<10016xf32, #tpu.memory_space<vmem>>[vector<16xi32>], vector<16xf32>,
    %add3A_606 = arith.addf %gather3A_604, %gather3A_605 : vector<16xf32>
    %mul3A_607 = arith.constant 2.000000e-01 : f32
    %mul3A_608 = vector.broadcast %mul3A_607 : f32 to vector<16xf32>
    %mul3A_609 = arith.mulf %mul3A_608, %add3A_606 : vector<16xf32>
    %max3A_610 = arith.maximumf %add3A_606, %mul3A_609 : vector<16xf32>
    %exp3A_611 = math.exp %max3A_610 : vector<16xf32>
    %swap3A_612 = arith.constant 0 : i32
    %swap3A_613 = arith.index_cast %swap3A_612 : i32 to index
    %swap3A_614 = arith.constant 16 : index
    %swap3A_615 = tpu.vector_load %arg17[%swap3A_613, %swap3A_614] {strides = array<i32>} : memref<3x64xf32, #tpu.memory_space<vmem>>, vector<16xf32>,
    tpu.vector_store %arg17[%swap3A_613, %swap3A_614], %exp3A_611 {strides = array<i32>} : memref<3x64xf32, #tpu.memory_space<vmem>>, vector<16xf32>,
    %swap3A_616 = arith.constant 0 : i32
    %swap3A_617 = arith.index_cast %swap3A_616 : i32 to index
    %swap3A_618 = arith.constant 16 : index
    %swap3A_619 = tpu.vector_load %arg15[%swap3A_617, %swap3A_618] {strides = array<i32>} : memref<3x64xi32, #tpu.memory_space<vmem>>, vector<16xi32>,
    tpu.vector_store %arg15[%swap3A_617, %swap3A_618], %get3A_599 {strides = array<i32>} : memref<3x64xi32, #tpu.memory_space<vmem>>, vector<16xi32>,
    %add3A_620 = vector.broadcast %mul3A_0 : i32 to vector<16xi32>
    %add3A_621 = arith.addi %get3A_603, %add3A_620 : vector<16xi32>
    %swap3A_622 = arith.constant 0 : i32
    %swap3A_623 = arith.index_cast %swap3A_622 : i32 to index
    %swap3A_624 = arith.constant 16 : index
    %swap3A_625 = tpu.vector_load %arg16[%swap3A_623, %swap3A_624] {strides = array<i32>} : memref<3x64xi32, #tpu.memory_space<vmem>>, vector<16xi32>,
    tpu.vector_store %arg16[%swap3A_623, %swap3A_624], %add3A_621 {strides = array<i32>} : memref<3x64xi32, #tpu.memory_space<vmem>>, vector<16xi32>,
    %get3A_626 = arith.constant 0 : i32
    %get3A_627 = arith.index_cast %get3A_626 : i32 to index
    %get3A_628 = arith.constant 32 : index
    %get3A_629 = tpu.vector_load %arg14[%get3A_627, %get3A_628] {strides = array<i32>} : memref<3x128xi32, #tpu.memory_space<vmem>>, vector<16xi32>,
    %get3A_630 = arith.constant 0 : i32
    %get3A_631 = arith.index_cast %get3A_630 : i32 to index
    %get3A_632 = arith.constant 96 : index
    %get3A_633 = tpu.vector_load %arg14[%get3A_631, %get3A_632] {strides = array<i32>} : memref<3x128xi32, #tpu.memory_space<vmem>>, vector<16xi32>,
    %gather3A_634 = tpu.vector_load_idx %arg12[%get3A_629] : memref<10000xf32, #tpu.memory_space<vmem>>[vector<16xi32>], vector<16xf32>,
    %gather3A_635 = tpu.vector_load_idx %arg13[%get3A_633] : memref<10016xf32, #tpu.memory_space<vmem>>[vector<16xi32>], vector<16xf32>,
    %add3A_636 = arith.addf %gather3A_634, %gather3A_635 : vector<16xf32>
    %mul3A_637 = arith.constant 2.000000e-01 : f32
    %mul3A_638 = vector.broadcast %mul3A_637 : f32 to vector<16xf32>
    %mul3A_639 = arith.mulf %mul3A_638, %add3A_636 : vector<16xf32>
    %max3A_640 = arith.maximumf %add3A_636, %mul3A_639 : vector<16xf32>
    %exp3A_641 = math.exp %max3A_640 : vector<16xf32>
    %swap3A_642 = arith.constant 0 : i32
    %swap3A_643 = arith.index_cast %swap3A_642 : i32 to index
    %swap3A_644 = arith.constant 32 : index
    %swap3A_645 = tpu.vector_load %arg17[%swap3A_643, %swap3A_644] {strides = array<i32>} : memref<3x64xf32, #tpu.memory_space<vmem>>, vector<16xf32>,
    tpu.vector_store %arg17[%swap3A_643, %swap3A_644], %exp3A_641 {strides = array<i32>} : memref<3x64xf32, #tpu.memory_space<vmem>>, vector<16xf32>,
    %swap3A_646 = arith.constant 0 : i32
    %swap3A_647 = arith.index_cast %swap3A_646 : i32 to index
    %swap3A_648 = arith.constant 32 : index
    %swap3A_649 = tpu.vector_load %arg15[%swap3A_647, %swap3A_648] {strides = array<i32>} : memref<3x64xi32, #tpu.memory_space<vmem>>, vector<16xi32>,
    tpu.vector_store %arg15[%swap3A_647, %swap3A_648], %get3A_629 {strides = array<i32>} : memref<3x64xi32, #tpu.memory_space<vmem>>, vector<16xi32>,
    %add3A_650 = vector.broadcast %mul3A_0 : i32 to vector<16xi32>
    %add3A_651 = arith.addi %get3A_633, %add3A_650 : vector<16xi32>
    %swap3A_652 = arith.constant 0 : i32
    %swap3A_653 = arith.index_cast %swap3A_652 : i32 to index
    %swap3A_654 = arith.constant 32 : index
    %swap3A_655 = tpu.vector_load %arg16[%swap3A_653, %swap3A_654] {strides = array<i32>} : memref<3x64xi32, #tpu.memory_space<vmem>>, vector<16xi32>,
    tpu.vector_store %arg16[%swap3A_653, %swap3A_654], %add3A_651 {strides = array<i32>} : memref<3x64xi32, #tpu.memory_space<vmem>>, vector<16xi32>,
    %get3A_656 = arith.constant 0 : i32
    %get3A_657 = arith.index_cast %get3A_656 : i32 to index
    %get3A_658 = arith.constant 48 : index
    %get3A_659 = tpu.vector_load %arg14[%get3A_657, %get3A_658] {strides = array<i32>} : memref<3x128xi32, #tpu.memory_space<vmem>>, vector<16xi32>,
    %get3A_660 = arith.constant 0 : i32
    %get3A_661 = arith.index_cast %get3A_660 : i32 to index
    %get3A_662 = arith.constant 112 : index
    %get3A_663 = tpu.vector_load %arg14[%get3A_661, %get3A_662] {strides = array<i32>} : memref<3x128xi32, #tpu.memory_space<vmem>>, vector<16xi32>,
    %gather3A_664 = tpu.vector_load_idx %arg12[%get3A_659] : memref<10000xf32, #tpu.memory_space<vmem>>[vector<16xi32>], vector<16xf32>,
    %gather3A_665 = tpu.vector_load_idx %arg13[%get3A_663] : memref<10016xf32, #tpu.memory_space<vmem>>[vector<16xi32>], vector<16xf32>,
    %add3A_666 = arith.addf %gather3A_664, %gather3A_665 : vector<16xf32>
    %mul3A_667 = arith.constant 2.000000e-01 : f32
    %mul3A_668 = vector.broadcast %mul3A_667 : f32 to vector<16xf32>
    %mul3A_669 = arith.mulf %mul3A_668, %add3A_666 : vector<16xf32>
    %max3A_670 = arith.maximumf %add3A_666, %mul3A_669 : vector<16xf32>
    %exp3A_671 = math.exp %max3A_670 : vector<16xf32>
    %swap3A_672 = arith.constant 0 : i32
    %swap3A_673 = arith.index_cast %swap3A_672 : i32 to index
    %swap3A_674 = arith.constant 48 : index
    %swap3A_675 = tpu.vector_load %arg17[%swap3A_673, %swap3A_674] {strides = array<i32>} : memref<3x64xf32, #tpu.memory_space<vmem>>, vector<16xf32>,
    tpu.vector_store %arg17[%swap3A_673, %swap3A_674], %exp3A_671 {strides = array<i32>} : memref<3x64xf32, #tpu.memory_space<vmem>>, vector<16xf32>,
    %swap3A_676 = arith.constant 0 : i32
    %swap3A_677 = arith.index_cast %swap3A_676 : i32 to index
    %swap3A_678 = arith.constant 48 : index
    %swap3A_679 = tpu.vector_load %arg15[%swap3A_677, %swap3A_678] {strides = array<i32>} : memref<3x64xi32, #tpu.memory_space<vmem>>, vector<16xi32>,
    tpu.vector_store %arg15[%swap3A_677, %swap3A_678], %get3A_659 {strides = array<i32>} : memref<3x64xi32, #tpu.memory_space<vmem>>, vector<16xi32>,
    %add3A_680 = vector.broadcast %mul3A_0 : i32 to vector<16xi32>
    %add3A_681 = arith.addi %get3A_663, %add3A_680 : vector<16xi32>
    %swap3A_682 = arith.constant 0 : i32
    %swap3A_683 = arith.index_cast %swap3A_682 : i32 to index
    %swap3A_684 = arith.constant 48 : index
    %swap3A_685 = tpu.vector_load %arg16[%swap3A_683, %swap3A_684] {strides = array<i32>} : memref<3x64xi32, #tpu.memory_space<vmem>>, vector<16xi32>,
    tpu.vector_store %arg16[%swap3A_683, %swap3A_684], %add3A_681 {strides = array<i32>} : memref<3x64xi32, #tpu.memory_space<vmem>>, vector<16xi32>,
    %dma_start3A_686 = arith.constant 0 : i32
    %dma_start3A_687 = arith.constant 0 : i32
    %dma_start3A_688 = arith.constant 0 : i32
    %dma_start3A_689 = arith.constant 0 : i32
    %dma_start3A_690 = arith.constant 0 : i32
    %dma_start3A_691 = tpu.memref_slice %arg18[%dma_start3A_687, %dma_start3A_689, %dma_start3A_690] : memref<3x64x128xf32, #tpu.memory_space<vmem>> -> memref<1x64x128xf32, #tpu.memory_space<vmem>>
    %dma_start3A_692 = tpu.memref_squeeze %dma_start3A_691 : memref<1x64x128xf32, #tpu.memory_space<vmem>> -> memref<64x128xf32, #tpu.memory_space<vmem>>
    %dma_start3A_693 = arith.constant 0 : i32
    %dma_start3A_694 = tpu.memref_slice %arg16[%dma_start3A_686, %dma_start3A_693] : memref<3x64xi32, #tpu.memory_space<vmem>> -> memref<1x64xi32, #tpu.memory_space<vmem>>
    %dma_start3A_695 = tpu.memref_squeeze %dma_start3A_694 : memref<1x64xi32, #tpu.memory_space<vmem>> -> memref<64xi32, #tpu.memory_space<vmem>>
    %dma_start3A_696 = arith.constant 0 : i32
    %dma_start3A_697 = arith.constant 0 : i32
    %dma_start3A_698 = tpu.memref_slice %arg3[%dma_start3A_696, %dma_start3A_697] : memref<20480x128xf32, #tpu.memory_space<hbm>> -> memref<20480x128xf32, #tpu.memory_space<hbm>>
    %dma_start3A_699 = tpu.memref_slice %arg22[%dma_start3A_688] : memref<3x!tpu.dma_semaphore, #tpu.memory_space<semaphore_mem>> -> memref<1x!tpu.dma_semaphore, #tpu.memory_space<semaphore_mem>>
    %dma_start3A_700 = tpu.memref_squeeze %dma_start3A_699 : memref<1x!tpu.dma_semaphore, #tpu.memory_space<semaphore_mem>> -> memref<!tpu.dma_semaphore, #tpu.memory_space<semaphore_mem>>
    tpu.enqueue_indirect_dma source(%dma_start3A_698 : memref<20480x128xf32, #tpu.memory_space<hbm>>) target(%dma_start3A_692 : memref<64x128xf32, #tpu.memory_space<vmem>>) offsets(%dma_start3A_695 : memref<64xi32, #tpu.memory_space<vmem>>) semaphore(%dma_start3A_700 : memref<!tpu.dma_semaphore, #tpu.memory_space<semaphore_mem>>)
    %dma_start3A_701 = arith.constant 0 : i32
    %dma_start3A_702 = arith.constant 0 : i32
    %dma_start3A_703 = arith.constant 0 : i32
    %dma_start3A_704 = arith.constant 0 : i32
    %dma_start3A_705 = tpu.memref_slice %arg17[%dma_start3A_701, %dma_start3A_704] : memref<3x64xf32, #tpu.memory_space<vmem>> -> memref<1x64xf32, #tpu.memory_space<vmem>>
    %dma_start3A_706 = tpu.memref_squeeze %dma_start3A_705 : memref<1x64xf32, #tpu.memory_space<vmem>> -> memref<64xf32, #tpu.memory_space<vmem>>
    %dma_start3A_707 = arith.constant 0 : i32
    %dma_start3A_708 = tpu.memref_slice %arg15[%dma_start3A_702, %dma_start3A_707] : memref<3x64xi32, #tpu.memory_space<vmem>> -> memref<1x64xi32, #tpu.memory_space<vmem>>
    %dma_start3A_709 = tpu.memref_squeeze %dma_start3A_708 : memref<1x64xi32, #tpu.memory_space<vmem>> -> memref<64xi32, #tpu.memory_space<vmem>>
    %dma_start3A_710 = arith.constant 0 : i32
    %dma_start3A_711 = tpu.memref_slice %arg11[%dma_start3A_710] : memref<10000xf32, #tpu.memory_space<vmem_shared>> -> memref<10000xf32, #tpu.memory_space<vmem_shared>>
    %dma_start3A_712 = tpu.memref_slice %arg21[%dma_start3A_703] : memref<3x!tpu.dma_semaphore, #tpu.memory_space<semaphore_mem>> -> memref<1x!tpu.dma_semaphore, #tpu.memory_space<semaphore_mem>>
    %dma_start3A_713 = tpu.memref_squeeze %dma_start3A_712 : memref<1x!tpu.dma_semaphore, #tpu.memory_space<semaphore_mem>> -> memref<!tpu.dma_semaphore, #tpu.memory_space<semaphore_mem>>
    tpu.enqueue_indirect_dma source(%dma_start3A_706 : memref<64xf32, #tpu.memory_space<vmem>>) target(%dma_start3A_711 : memref<10000xf32, #tpu.memory_space<vmem_shared>>) offsets(%dma_start3A_709 : memref<64xi32, #tpu.memory_space<vmem>>) semaphore(%dma_start3A_713 : memref<!tpu.dma_semaphore, #tpu.memory_space<semaphore_mem>>) {add = true}
    %add3A_714 = arith.constant 384 : i32
    %add3A_715 = arith.addi %mul3A_509, %add3A_714 : i32
    %dma_start3A_716 = arith.constant 0 : i32
    %dma_start3A_717 = arith.constant 0 : i32
    %dma_start3A_718 = arith.constant 0 : i32
    %dma_start3A_719 = tpu.memref_slice %arg14[%dma_start3A_716, %dma_start3A_718] : memref<3x128xi32, #tpu.memory_space<vmem>> -> memref<1x128xi32, #tpu.memory_space<vmem>>
    %dma_start3A_720 = tpu.memref_squeeze %dma_start3A_719 : memref<1x128xi32, #tpu.memory_space<vmem>> -> memref<128xi32, #tpu.memory_space<vmem>>
    %dma_start3A_721 = tpu.memref_slice %arg6[%add3A_715] : memref<325632xi32, #tpu.memory_space<hbm>> -> memref<128xi32, #tpu.memory_space<hbm>>
    %dma_start3A_722 = tpu.memref_slice %arg20[%dma_start3A_717] : memref<3x!tpu.dma_semaphore, #tpu.memory_space<semaphore_mem>> -> memref<1x!tpu.dma_semaphore, #tpu.memory_space<semaphore_mem>>
    %dma_start3A_723 = tpu.memref_squeeze %dma_start3A_722 : memref<1x!tpu.dma_semaphore, #tpu.memory_space<semaphore_mem>> -> memref<!tpu.dma_semaphore, #tpu.memory_space<semaphore_mem>>
    %dma_start3A_724 = arith.constant 0 : i32
    %dma_start3A_725 = tpu.memref_slice %arg14[%dma_start3A_716, %dma_start3A_724] : memref<3x128xi32, #tpu.memory_space<vmem>> -> memref<1x128xi32, #tpu.memory_space<vmem>>
    %dma_start3A_726 = tpu.memref_squeeze %dma_start3A_725 : memref<1x128xi32, #tpu.memory_space<vmem>> -> memref<128xi32, #tpu.memory_space<vmem>>
    %dma_start3A_727 = tpu.memref_slice %arg6[%add3A_715] : memref<325632xi32, #tpu.memory_space<hbm>> -> memref<128xi32, #tpu.memory_space<hbm>>
    tpu.enqueue_dma source(%dma_start3A_727 : memref<128xi32, #tpu.memory_space<hbm>>) target(%dma_start3A_726 : memref<128xi32, #tpu.memory_space<vmem>>) target_semaphore(%dma_start3A_723 : memref<!tpu.dma_semaphore, #tpu.memory_space<semaphore_mem>>)
    %add3A_728 = arith.constant 128 : i32
    %add3A_729 = arith.addi %mul3A_509, %add3A_728 : i32
    %dma_wait3A_730 = arith.constant 1 : i32
    %dma_wait3A_731 = arith.constant 1 : i32
    %dma_wait3A_732 = arith.constant 0 : i32
    %dma_wait3A_733 = tpu.memref_slice %arg14[%dma_wait3A_730, %dma_wait3A_732] : memref<3x128xi32, #tpu.memory_space<vmem>> -> memref<1x128xi32, #tpu.memory_space<vmem>>
    %dma_wait3A_734 = tpu.memref_squeeze %dma_wait3A_733 : memref<1x128xi32, #tpu.memory_space<vmem>> -> memref<128xi32, #tpu.memory_space<vmem>>
    %dma_wait3A_735 = tpu.memref_slice %arg6[%add3A_729] : memref<325632xi32, #tpu.memory_space<hbm>> -> memref<128xi32, #tpu.memory_space<hbm>>
    %dma_wait3A_736 = tpu.memref_slice %arg20[%dma_wait3A_731] : memref<3x!tpu.dma_semaphore, #tpu.memory_space<semaphore_mem>> -> memref<1x!tpu.dma_semaphore, #tpu.memory_space<semaphore_mem>>
    %dma_wait3A_737 = tpu.memref_squeeze %dma_wait3A_736 : memref<1x!tpu.dma_semaphore, #tpu.memory_space<semaphore_mem>> -> memref<!tpu.dma_semaphore, #tpu.memory_space<semaphore_mem>>
    %dma_wait3A_738 = arith.constant 0 : i32
    %dma_wait3A_739 = tpu.memref_slice %arg14[%dma_wait3A_730, %dma_wait3A_738] : memref<3x128xi32, #tpu.memory_space<vmem>> -> memref<1x128xi32, #tpu.memory_space<vmem>>
    %dma_wait3A_740 = tpu.memref_squeeze %dma_wait3A_739 : memref<1x128xi32, #tpu.memory_space<vmem>> -> memref<128xi32, #tpu.memory_space<vmem>>
    %dma_wait3A_741 = tpu.memref_slice %arg6[%add3A_729] : memref<325632xi32, #tpu.memory_space<hbm>> -> memref<128xi32, #tpu.memory_space<hbm>>
    tpu.wait_dma2 semaphore(%dma_wait3A_737 : memref<!tpu.dma_semaphore, #tpu.memory_space<semaphore_mem>>) src(%dma_wait3A_741 : memref<128xi32, #tpu.memory_space<hbm>>) dst(%dma_wait3A_740 : memref<128xi32, #tpu.memory_space<vmem>>)
    %get3A_742 = arith.constant 1 : i32
    %get3A_743 = arith.index_cast %get3A_742 : i32 to index
    %get3A_744 = arith.constant 0 : index
    %get3A_745 = tpu.vector_load %arg14[%get3A_743, %get3A_744] {strides = array<i32>} : memref<3x128xi32, #tpu.memory_space<vmem>>, vector<16xi32>,
    %get3A_746 = arith.constant 1 : i32
    %get3A_747 = arith.index_cast %get3A_746 : i32 to index
    %get3A_748 = arith.constant 64 : index
    %get3A_749 = tpu.vector_load %arg14[%get3A_747, %get3A_748] {strides = array<i32>} : memref<3x128xi32, #tpu.memory_space<vmem>>, vector<16xi32>,
    %gather3A_750 = tpu.vector_load_idx %arg12[%get3A_745] : memref<10000xf32, #tpu.memory_space<vmem>>[vector<16xi32>], vector<16xf32>,
    %gather3A_751 = tpu.vector_load_idx %arg13[%get3A_749] : memref<10016xf32, #tpu.memory_space<vmem>>[vector<16xi32>], vector<16xf32>,
    %add3A_752 = arith.addf %gather3A_750, %gather3A_751 : vector<16xf32>
    %mul3A_753 = arith.constant 2.000000e-01 : f32
    %mul3A_754 = vector.broadcast %mul3A_753 : f32 to vector<16xf32>
    %mul3A_755 = arith.mulf %mul3A_754, %add3A_752 : vector<16xf32>
    %max3A_756 = arith.maximumf %add3A_752, %mul3A_755 : vector<16xf32>
    %exp3A_757 = math.exp %max3A_756 : vector<16xf32>
    %swap3A_758 = arith.constant 1 : i32
    %swap3A_759 = arith.index_cast %swap3A_758 : i32 to index
    %swap3A_760 = arith.constant 0 : index
    %swap3A_761 = tpu.vector_load %arg17[%swap3A_759, %swap3A_760] {strides = array<i32>} : memref<3x64xf32, #tpu.memory_space<vmem>>, vector<16xf32>,
    tpu.vector_store %arg17[%swap3A_759, %swap3A_760], %exp3A_757 {strides = array<i32>} : memref<3x64xf32, #tpu.memory_space<vmem>>, vector<16xf32>,
    %swap3A_762 = arith.constant 1 : i32
    %swap3A_763 = arith.index_cast %swap3A_762 : i32 to index
    %swap3A_764 = arith.constant 0 : index
    %swap3A_765 = tpu.vector_load %arg15[%swap3A_763, %swap3A_764] {strides = array<i32>} : memref<3x64xi32, #tpu.memory_space<vmem>>, vector<16xi32>,
    tpu.vector_store %arg15[%swap3A_763, %swap3A_764], %get3A_745 {strides = array<i32>} : memref<3x64xi32, #tpu.memory_space<vmem>>, vector<16xi32>,
    %add3A_766 = vector.broadcast %mul3A_0 : i32 to vector<16xi32>
    %add3A_767 = arith.addi %get3A_749, %add3A_766 : vector<16xi32>
    %swap3A_768 = arith.constant 1 : i32
    %swap3A_769 = arith.index_cast %swap3A_768 : i32 to index
    %swap3A_770 = arith.constant 0 : index
    %swap3A_771 = tpu.vector_load %arg16[%swap3A_769, %swap3A_770] {strides = array<i32>} : memref<3x64xi32, #tpu.memory_space<vmem>>, vector<16xi32>,
    tpu.vector_store %arg16[%swap3A_769, %swap3A_770], %add3A_767 {strides = array<i32>} : memref<3x64xi32, #tpu.memory_space<vmem>>, vector<16xi32>,
    %get3A_772 = arith.constant 1 : i32
    %get3A_773 = arith.index_cast %get3A_772 : i32 to index
    %get3A_774 = arith.constant 16 : index
    %get3A_775 = tpu.vector_load %arg14[%get3A_773, %get3A_774] {strides = array<i32>} : memref<3x128xi32, #tpu.memory_space<vmem>>, vector<16xi32>,
    %get3A_776 = arith.constant 1 : i32
    %get3A_777 = arith.index_cast %get3A_776 : i32 to index
    %get3A_778 = arith.constant 80 : index
    %get3A_779 = tpu.vector_load %arg14[%get3A_777, %get3A_778] {strides = array<i32>} : memref<3x128xi32, #tpu.memory_space<vmem>>, vector<16xi32>,
    %gather3A_780 = tpu.vector_load_idx %arg12[%get3A_775] : memref<10000xf32, #tpu.memory_space<vmem>>[vector<16xi32>], vector<16xf32>,
    %gather3A_781 = tpu.vector_load_idx %arg13[%get3A_779] : memref<10016xf32, #tpu.memory_space<vmem>>[vector<16xi32>], vector<16xf32>,
    %add3A_782 = arith.addf %gather3A_780, %gather3A_781 : vector<16xf32>
    %mul3A_783 = arith.constant 2.000000e-01 : f32
    %mul3A_784 = vector.broadcast %mul3A_783 : f32 to vector<16xf32>
    %mul3A_785 = arith.mulf %mul3A_784, %add3A_782 : vector<16xf32>
    %max3A_786 = arith.maximumf %add3A_782, %mul3A_785 : vector<16xf32>
    %exp3A_787 = math.exp %max3A_786 : vector<16xf32>
    %swap3A_788 = arith.constant 1 : i32
    %swap3A_789 = arith.index_cast %swap3A_788 : i32 to index
    %swap3A_790 = arith.constant 16 : index
    %swap3A_791 = tpu.vector_load %arg17[%swap3A_789, %swap3A_790] {strides = array<i32>} : memref<3x64xf32, #tpu.memory_space<vmem>>, vector<16xf32>,
    tpu.vector_store %arg17[%swap3A_789, %swap3A_790], %exp3A_787 {strides = array<i32>} : memref<3x64xf32, #tpu.memory_space<vmem>>, vector<16xf32>,
    %swap3A_792 = arith.constant 1 : i32
    %swap3A_793 = arith.index_cast %swap3A_792 : i32 to index
    %swap3A_794 = arith.constant 16 : index
    %swap3A_795 = tpu.vector_load %arg15[%swap3A_793, %swap3A_794] {strides = array<i32>} : memref<3x64xi32, #tpu.memory_space<vmem>>, vector<16xi32>,
    tpu.vector_store %arg15[%swap3A_793, %swap3A_794], %get3A_775 {strides = array<i32>} : memref<3x64xi32, #tpu.memory_space<vmem>>, vector<16xi32>,
    %add3A_796 = vector.broadcast %mul3A_0 : i32 to vector<16xi32>
    %add3A_797 = arith.addi %get3A_779, %add3A_796 : vector<16xi32>
    %swap3A_798 = arith.constant 1 : i32
    %swap3A_799 = arith.index_cast %swap3A_798 : i32 to index
    %swap3A_800 = arith.constant 16 : index
    %swap3A_801 = tpu.vector_load %arg16[%swap3A_799, %swap3A_800] {strides = array<i32>} : memref<3x64xi32, #tpu.memory_space<vmem>>, vector<16xi32>,
    tpu.vector_store %arg16[%swap3A_799, %swap3A_800], %add3A_797 {strides = array<i32>} : memref<3x64xi32, #tpu.memory_space<vmem>>, vector<16xi32>,
    %get3A_802 = arith.constant 1 : i32
    %get3A_803 = arith.index_cast %get3A_802 : i32 to index
    %get3A_804 = arith.constant 32 : index
    %get3A_805 = tpu.vector_load %arg14[%get3A_803, %get3A_804] {strides = array<i32>} : memref<3x128xi32, #tpu.memory_space<vmem>>, vector<16xi32>,
    %get3A_806 = arith.constant 1 : i32
    %get3A_807 = arith.index_cast %get3A_806 : i32 to index
    %get3A_808 = arith.constant 96 : index
    %get3A_809 = tpu.vector_load %arg14[%get3A_807, %get3A_808] {strides = array<i32>} : memref<3x128xi32, #tpu.memory_space<vmem>>, vector<16xi32>,
    %gather3A_810 = tpu.vector_load_idx %arg12[%get3A_805] : memref<10000xf32, #tpu.memory_space<vmem>>[vector<16xi32>], vector<16xf32>,
    %gather3A_811 = tpu.vector_load_idx %arg13[%get3A_809] : memref<10016xf32, #tpu.memory_space<vmem>>[vector<16xi32>], vector<16xf32>,
    %add3A_812 = arith.addf %gather3A_810, %gather3A_811 : vector<16xf32>
    %mul3A_813 = arith.constant 2.000000e-01 : f32
    %mul3A_814 = vector.broadcast %mul3A_813 : f32 to vector<16xf32>
    %mul3A_815 = arith.mulf %mul3A_814, %add3A_812 : vector<16xf32>
    %max3A_816 = arith.maximumf %add3A_812, %mul3A_815 : vector<16xf32>
    %exp3A_817 = math.exp %max3A_816 : vector<16xf32>
    %swap3A_818 = arith.constant 1 : i32
    %swap3A_819 = arith.index_cast %swap3A_818 : i32 to index
    %swap3A_820 = arith.constant 32 : index
    %swap3A_821 = tpu.vector_load %arg17[%swap3A_819, %swap3A_820] {strides = array<i32>} : memref<3x64xf32, #tpu.memory_space<vmem>>, vector<16xf32>,
    tpu.vector_store %arg17[%swap3A_819, %swap3A_820], %exp3A_817 {strides = array<i32>} : memref<3x64xf32, #tpu.memory_space<vmem>>, vector<16xf32>,
    %swap3A_822 = arith.constant 1 : i32
    %swap3A_823 = arith.index_cast %swap3A_822 : i32 to index
    %swap3A_824 = arith.constant 32 : index
    %swap3A_825 = tpu.vector_load %arg15[%swap3A_823, %swap3A_824] {strides = array<i32>} : memref<3x64xi32, #tpu.memory_space<vmem>>, vector<16xi32>,
    tpu.vector_store %arg15[%swap3A_823, %swap3A_824], %get3A_805 {strides = array<i32>} : memref<3x64xi32, #tpu.memory_space<vmem>>, vector<16xi32>,
    %add3A_826 = vector.broadcast %mul3A_0 : i32 to vector<16xi32>
    %add3A_827 = arith.addi %get3A_809, %add3A_826 : vector<16xi32>
    %swap3A_828 = arith.constant 1 : i32
    %swap3A_829 = arith.index_cast %swap3A_828 : i32 to index
    %swap3A_830 = arith.constant 32 : index
    %swap3A_831 = tpu.vector_load %arg16[%swap3A_829, %swap3A_830] {strides = array<i32>} : memref<3x64xi32, #tpu.memory_space<vmem>>, vector<16xi32>,
    tpu.vector_store %arg16[%swap3A_829, %swap3A_830], %add3A_827 {strides = array<i32>} : memref<3x64xi32, #tpu.memory_space<vmem>>, vector<16xi32>,
    %get3A_832 = arith.constant 1 : i32
    %get3A_833 = arith.index_cast %get3A_832 : i32 to index
    %get3A_834 = arith.constant 48 : index
    %get3A_835 = tpu.vector_load %arg14[%get3A_833, %get3A_834] {strides = array<i32>} : memref<3x128xi32, #tpu.memory_space<vmem>>, vector<16xi32>,
    %get3A_836 = arith.constant 1 : i32
    %get3A_837 = arith.index_cast %get3A_836 : i32 to index
    %get3A_838 = arith.constant 112 : index
    %get3A_839 = tpu.vector_load %arg14[%get3A_837, %get3A_838] {strides = array<i32>} : memref<3x128xi32, #tpu.memory_space<vmem>>, vector<16xi32>,
    %gather3A_840 = tpu.vector_load_idx %arg12[%get3A_835] : memref<10000xf32, #tpu.memory_space<vmem>>[vector<16xi32>], vector<16xf32>,
    %gather3A_841 = tpu.vector_load_idx %arg13[%get3A_839] : memref<10016xf32, #tpu.memory_space<vmem>>[vector<16xi32>], vector<16xf32>,
    %add3A_842 = arith.addf %gather3A_840, %gather3A_841 : vector<16xf32>
    %mul3A_843 = arith.constant 2.000000e-01 : f32
    %mul3A_844 = vector.broadcast %mul3A_843 : f32 to vector<16xf32>
    %mul3A_845 = arith.mulf %mul3A_844, %add3A_842 : vector<16xf32>
    %max3A_846 = arith.maximumf %add3A_842, %mul3A_845 : vector<16xf32>
    %exp3A_847 = math.exp %max3A_846 : vector<16xf32>
    %swap3A_848 = arith.constant 1 : i32
    %swap3A_849 = arith.index_cast %swap3A_848 : i32 to index
    %swap3A_850 = arith.constant 48 : index
    %swap3A_851 = tpu.vector_load %arg17[%swap3A_849, %swap3A_850] {strides = array<i32>} : memref<3x64xf32, #tpu.memory_space<vmem>>, vector<16xf32>,
    tpu.vector_store %arg17[%swap3A_849, %swap3A_850], %exp3A_847 {strides = array<i32>} : memref<3x64xf32, #tpu.memory_space<vmem>>, vector<16xf32>,
    %swap3A_852 = arith.constant 1 : i32
    %swap3A_853 = arith.index_cast %swap3A_852 : i32 to index
    %swap3A_854 = arith.constant 48 : index
    %swap3A_855 = tpu.vector_load %arg15[%swap3A_853, %swap3A_854] {strides = array<i32>} : memref<3x64xi32, #tpu.memory_space<vmem>>, vector<16xi32>,
    tpu.vector_store %arg15[%swap3A_853, %swap3A_854], %get3A_835 {strides = array<i32>} : memref<3x64xi32, #tpu.memory_space<vmem>>, vector<16xi32>,
    %add3A_856 = vector.broadcast %mul3A_0 : i32 to vector<16xi32>
    %add3A_857 = arith.addi %get3A_839, %add3A_856 : vector<16xi32>
    %swap3A_858 = arith.constant 1 : i32
    %swap3A_859 = arith.index_cast %swap3A_858 : i32 to index
    %swap3A_860 = arith.constant 48 : index
    %swap3A_861 = tpu.vector_load %arg16[%swap3A_859, %swap3A_860] {strides = array<i32>} : memref<3x64xi32, #tpu.memory_space<vmem>>, vector<16xi32>,
    tpu.vector_store %arg16[%swap3A_859, %swap3A_860], %add3A_857 {strides = array<i32>} : memref<3x64xi32, #tpu.memory_space<vmem>>, vector<16xi32>,
    %dma_start3A_862 = arith.constant 1 : i32
    %dma_start3A_863 = arith.constant 1 : i32
    %dma_start3A_864 = arith.constant 1 : i32
    %dma_start3A_865 = arith.constant 0 : i32
    %dma_start3A_866 = arith.constant 0 : i32
    %dma_start3A_867 = tpu.memref_slice %arg18[%dma_start3A_863, %dma_start3A_865, %dma_start3A_866] : memref<3x64x128xf32, #tpu.memory_space<vmem>> -> memref<1x64x128xf32, #tpu.memory_space<vmem>>
    %dma_start3A_868 = tpu.memref_squeeze %dma_start3A_867 : memref<1x64x128xf32, #tpu.memory_space<vmem>> -> memref<64x128xf32, #tpu.memory_space<vmem>>
    %dma_start3A_869 = arith.constant 0 : i32
    %dma_start3A_870 = tpu.memref_slice %arg16[%dma_start3A_862, %dma_start3A_869] : memref<3x64xi32, #tpu.memory_space<vmem>> -> memref<1x64xi32, #tpu.memory_space<vmem>>
    %dma_start3A_871 = tpu.memref_squeeze %dma_start3A_870 : memref<1x64xi32, #tpu.memory_space<vmem>> -> memref<64xi32, #tpu.memory_space<vmem>>
    %dma_start3A_872 = arith.constant 0 : i32
    %dma_start3A_873 = arith.constant 0 : i32
    %dma_start3A_874 = tpu.memref_slice %arg3[%dma_start3A_872, %dma_start3A_873] : memref<20480x128xf32, #tpu.memory_space<hbm>> -> memref<20480x128xf32, #tpu.memory_space<hbm>>
    %dma_start3A_875 = tpu.memref_slice %arg22[%dma_start3A_864] : memref<3x!tpu.dma_semaphore, #tpu.memory_space<semaphore_mem>> -> memref<1x!tpu.dma_semaphore, #tpu.memory_space<semaphore_mem>>
    %dma_start3A_876 = tpu.memref_squeeze %dma_start3A_875 : memref<1x!tpu.dma_semaphore, #tpu.memory_space<semaphore_mem>> -> memref<!tpu.dma_semaphore, #tpu.memory_space<semaphore_mem>>
    tpu.enqueue_indirect_dma source(%dma_start3A_874 : memref<20480x128xf32, #tpu.memory_space<hbm>>) target(%dma_start3A_868 : memref<64x128xf32, #tpu.memory_space<vmem>>) offsets(%dma_start3A_871 : memref<64xi32, #tpu.memory_space<vmem>>) semaphore(%dma_start3A_876 : memref<!tpu.dma_semaphore, #tpu.memory_space<semaphore_mem>>)
    %dma_start3A_877 = arith.constant 1 : i32
    %dma_start3A_878 = arith.constant 1 : i32
    %dma_start3A_879 = arith.constant 1 : i32
    %dma_start3A_880 = arith.constant 0 : i32
    %dma_start3A_881 = tpu.memref_slice %arg17[%dma_start3A_877, %dma_start3A_880] : memref<3x64xf32, #tpu.memory_space<vmem>> -> memref<1x64xf32, #tpu.memory_space<vmem>>
    %dma_start3A_882 = tpu.memref_squeeze %dma_start3A_881 : memref<1x64xf32, #tpu.memory_space<vmem>> -> memref<64xf32, #tpu.memory_space<vmem>>
    %dma_start3A_883 = arith.constant 0 : i32
    %dma_start3A_884 = tpu.memref_slice %arg15[%dma_start3A_878, %dma_start3A_883] : memref<3x64xi32, #tpu.memory_space<vmem>> -> memref<1x64xi32, #tpu.memory_space<vmem>>
    %dma_start3A_885 = tpu.memref_squeeze %dma_start3A_884 : memref<1x64xi32, #tpu.memory_space<vmem>> -> memref<64xi32, #tpu.memory_space<vmem>>
    %dma_start3A_886 = arith.constant 0 : i32
    %dma_start3A_887 = tpu.memref_slice %arg11[%dma_start3A_886] : memref<10000xf32, #tpu.memory_space<vmem_shared>> -> memref<10000xf32, #tpu.memory_space<vmem_shared>>
    %dma_start3A_888 = tpu.memref_slice %arg21[%dma_start3A_879] : memref<3x!tpu.dma_semaphore, #tpu.memory_space<semaphore_mem>> -> memref<1x!tpu.dma_semaphore, #tpu.memory_space<semaphore_mem>>
    %dma_start3A_889 = tpu.memref_squeeze %dma_start3A_888 : memref<1x!tpu.dma_semaphore, #tpu.memory_space<semaphore_mem>> -> memref<!tpu.dma_semaphore, #tpu.memory_space<semaphore_mem>>
    tpu.enqueue_indirect_dma source(%dma_start3A_882 : memref<64xf32, #tpu.memory_space<vmem>>) target(%dma_start3A_887 : memref<10000xf32, #tpu.memory_space<vmem_shared>>) offsets(%dma_start3A_885 : memref<64xi32, #tpu.memory_space<vmem>>) semaphore(%dma_start3A_889 : memref<!tpu.dma_semaphore, #tpu.memory_space<semaphore_mem>>) {add = true}
    %add3A_890 = arith.constant 512 : i32
    %add3A_891 = arith.addi %mul3A_509, %add3A_890 : i32
    %dma_start3A_892 = arith.constant 1 : i32
    %dma_start3A_893 = arith.constant 1 : i32
    %dma_start3A_894 = arith.constant 0 : i32
    %dma_start3A_895 = tpu.memref_slice %arg14[%dma_start3A_892, %dma_start3A_894] : memref<3x128xi32, #tpu.memory_space<vmem>> -> memref<1x128xi32, #tpu.memory_space<vmem>>
    %dma_start3A_896 = tpu.memref_squeeze %dma_start3A_895 : memref<1x128xi32, #tpu.memory_space<vmem>> -> memref<128xi32, #tpu.memory_space<vmem>>
    %dma_start3A_897 = tpu.memref_slice %arg6[%add3A_891] : memref<325632xi32, #tpu.memory_space<hbm>> -> memref<128xi32, #tpu.memory_space<hbm>>
    %dma_start3A_898 = tpu.memref_slice %arg20[%dma_start3A_893] : memref<3x!tpu.dma_semaphore, #tpu.memory_space<semaphore_mem>> -> memref<1x!tpu.dma_semaphore, #tpu.memory_space<semaphore_mem>>
    %dma_start3A_899 = tpu.memref_squeeze %dma_start3A_898 : memref<1x!tpu.dma_semaphore, #tpu.memory_space<semaphore_mem>> -> memref<!tpu.dma_semaphore, #tpu.memory_space<semaphore_mem>>
    %dma_start3A_900 = arith.constant 0 : i32
    %dma_start3A_901 = tpu.memref_slice %arg14[%dma_start3A_892, %dma_start3A_900] : memref<3x128xi32, #tpu.memory_space<vmem>> -> memref<1x128xi32, #tpu.memory_space<vmem>>
    %dma_start3A_902 = tpu.memref_squeeze %dma_start3A_901 : memref<1x128xi32, #tpu.memory_space<vmem>> -> memref<128xi32, #tpu.memory_space<vmem>>
    %dma_start3A_903 = tpu.memref_slice %arg6[%add3A_891] : memref<325632xi32, #tpu.memory_space<hbm>> -> memref<128xi32, #tpu.memory_space<hbm>>
    tpu.enqueue_dma source(%dma_start3A_903 : memref<128xi32, #tpu.memory_space<hbm>>) target(%dma_start3A_902 : memref<128xi32, #tpu.memory_space<vmem>>) target_semaphore(%dma_start3A_899 : memref<!tpu.dma_semaphore, #tpu.memory_space<semaphore_mem>>)
    %scan3A_904 = arith.constant 0 : i32
    %scan3A_905 = arith.constant 0 : i32
    %scan3A_906 = arith.constant 53 : i32
    %scan3A_907 = arith.addi %scan3A_905, %scan3A_906 : i32
    %scan3A_908 = arith.constant 1 : i32
    %scan3A_909 = scf.for %scan3A_956 = %scan3A_905 to %scan3A_907 step %scan3A_908 iter_args(%scan3A_957 = %scan3A_904) -> (i32)  : i32 {
      %mul3A_958 = arith.constant 3 : i32
      %mul3A_959 = arith.muli %scan3A_956, %mul3A_958 : i32
      %dma_wait3A_960 = arith.constant 0 : i32
      %dma_wait3A_961 = arith.constant 0 : i32
      %dma_wait3A_962 = arith.constant 0 : i32
      %dma_wait3A_963 = arith.constant 0 : i32
      %dma_wait3A_964 = arith.constant 0 : i32
      %dma_wait3A_965 = tpu.memref_slice %arg18[%dma_wait3A_961, %dma_wait3A_963, %dma_wait3A_964] : memref<3x64x128xf32, #tpu.memory_space<vmem>> -> memref<1x64x128xf32, #tpu.memory_space<vmem>>
      %dma_wait3A_966 = tpu.memref_squeeze %dma_wait3A_965 : memref<1x64x128xf32, #tpu.memory_space<vmem>> -> memref<64x128xf32, #tpu.memory_space<vmem>>
      %dma_wait3A_967 = arith.constant 0 : i32
      %dma_wait3A_968 = tpu.memref_slice %arg16[%dma_wait3A_960, %dma_wait3A_967] : memref<3x64xi32, #tpu.memory_space<vmem>> -> memref<1x64xi32, #tpu.memory_space<vmem>>
      %dma_wait3A_969 = tpu.memref_squeeze %dma_wait3A_968 : memref<1x64xi32, #tpu.memory_space<vmem>> -> memref<64xi32, #tpu.memory_space<vmem>>
      %dma_wait3A_970 = arith.constant 0 : i32
      %dma_wait3A_971 = arith.constant 0 : i32
      %dma_wait3A_972 = tpu.memref_slice %arg3[%dma_wait3A_970, %dma_wait3A_971] : memref<20480x128xf32, #tpu.memory_space<hbm>> -> memref<20480x128xf32, #tpu.memory_space<hbm>>
      %dma_wait3A_973 = tpu.memref_slice %arg22[%dma_wait3A_962] : memref<3x!tpu.dma_semaphore, #tpu.memory_space<semaphore_mem>> -> memref<1x!tpu.dma_semaphore, #tpu.memory_space<semaphore_mem>>
      %dma_wait3A_974 = tpu.memref_squeeze %dma_wait3A_973 : memref<1x!tpu.dma_semaphore, #tpu.memory_space<semaphore_mem>> -> memref<!tpu.dma_semaphore, #tpu.memory_space<semaphore_mem>>
      tpu.wait_indirect_dma semaphore(%dma_wait3A_974 : memref<!tpu.dma_semaphore, #tpu.memory_space<semaphore_mem>>) src(%dma_wait3A_972 : memref<20480x128xf32, #tpu.memory_space<hbm>>) dst(%dma_wait3A_966 : memref<64x128xf32, #tpu.memory_space<vmem>>)
      %parallel_loop3A = arith.constant 0 : i32
      %parallel_loop3A_975 = arith.constant 64 : i32
      %parallel_loop3A_976 = arith.constant 1 : i32
      scf.for %parallel_loop3A_1320 = %parallel_loop3A to %parallel_loop3A_975 step %parallel_loop3A_976  : i32 {
        %parallel_loop3A_1321 = arith.constant 0 : i32
        %parallel_loop3A_1322 = vector.broadcast %parallel_loop3A_1321 : i32 to vector<16xi32>
        %parallel_loop3A_1323 = vector.broadcast %parallel_loop3A_1320 : i32 to vector<16xi32>
        %parallel_loop3A_1324 = arith.addi %parallel_loop3A_1322, %parallel_loop3A_1323 : vector<16xi32>
        %parallel_loop3A_1325 = arith.constant 0 : i32
        %parallel_loop3A_1326 = arith.constant 0 : i32
        %parallel_loop3A_1327 = tpu.memref_slice %arg17[%parallel_loop3A_1325, %parallel_loop3A_1326] : memref<3x64xf32, #tpu.memory_space<vmem>> -> memref<1x64xf32, #tpu.memory_space<vmem>>
        %parallel_loop3A_1328 = tpu.memref_squeeze %parallel_loop3A_1327 : memref<1x64xf32, #tpu.memory_space<vmem>> -> memref<64xf32, #tpu.memory_space<vmem>>
        %parallel_loop3A_1329 = tpu.vector_load_idx %parallel_loop3A_1328[%parallel_loop3A_1324] : memref<64xf32, #tpu.memory_space<vmem>>[vector<16xi32>], vector<16xf32>,
        %parallel_loop3A_1330 = arith.constant 0 : i32
        %parallel_loop3A_1331 = arith.index_cast %parallel_loop3A_1330 : i32 to index
        %parallel_loop3A_1332 = arith.index_cast %parallel_loop3A_1320 : i32 to index
        %parallel_loop3A_1333 = arith.constant 0 : index
        %parallel_loop3A_1334 = tpu.vector_load %arg18[%parallel_loop3A_1331, %parallel_loop3A_1332, %parallel_loop3A_1333] {strides = array<i32>} : memref<3x64x128xf32, #tpu.memory_space<vmem>>, vector<16xf32>,
        %parallel_loop3A_1335 = arith.mulf %parallel_loop3A_1334, %parallel_loop3A_1329 : vector<16xf32>
        %parallel_loop3A_1336 = arith.constant 0 : i32
        %parallel_loop3A_1337 = arith.index_cast %parallel_loop3A_1336 : i32 to index
        %parallel_loop3A_1338 = arith.index_cast %parallel_loop3A_1320 : i32 to index
        %parallel_loop3A_1339 = arith.constant 0 : index
        %parallel_loop3A_1340 = tpu.vector_load %arg18[%parallel_loop3A_1337, %parallel_loop3A_1338, %parallel_loop3A_1339] {strides = array<i32>} : memref<3x64x128xf32, #tpu.memory_space<vmem>>, vector<16xf32>,
        tpu.vector_store %arg18[%parallel_loop3A_1337, %parallel_loop3A_1338, %parallel_loop3A_1339], %parallel_loop3A_1335 {strides = array<i32>} : memref<3x64x128xf32, #tpu.memory_space<vmem>>, vector<16xf32>,
        %parallel_loop3A_1341 = arith.constant 0 : i32
        %parallel_loop3A_1342 = arith.index_cast %parallel_loop3A_1341 : i32 to index
        %parallel_loop3A_1343 = arith.index_cast %parallel_loop3A_1320 : i32 to index
        %parallel_loop3A_1344 = arith.constant 16 : index
        %parallel_loop3A_1345 = tpu.vector_load %arg18[%parallel_loop3A_1342, %parallel_loop3A_1343, %parallel_loop3A_1344] {strides = array<i32>} : memref<3x64x128xf32, #tpu.memory_space<vmem>>, vector<16xf32>,
        %parallel_loop3A_1346 = arith.mulf %parallel_loop3A_1345, %parallel_loop3A_1329 : vector<16xf32>
        %parallel_loop3A_1347 = arith.constant 0 : i32
        %parallel_loop3A_1348 = arith.index_cast %parallel_loop3A_1347 : i32 to index
        %parallel_loop3A_1349 = arith.index_cast %parallel_loop3A_1320 : i32 to index
        %parallel_loop3A_1350 = arith.constant 16 : index
        %parallel_loop3A_1351 = tpu.vector_load %arg18[%parallel_loop3A_1348, %parallel_loop3A_1349, %parallel_loop3A_1350] {strides = array<i32>} : memref<3x64x128xf32, #tpu.memory_space<vmem>>, vector<16xf32>,
        tpu.vector_store %arg18[%parallel_loop3A_1348, %parallel_loop3A_1349, %parallel_loop3A_1350], %parallel_loop3A_1346 {strides = array<i32>} : memref<3x64x128xf32, #tpu.memory_space<vmem>>, vector<16xf32>,
        %parallel_loop3A_1352 = arith.constant 0 : i32
        %parallel_loop3A_1353 = arith.index_cast %parallel_loop3A_1352 : i32 to index
        %parallel_loop3A_1354 = arith.index_cast %parallel_loop3A_1320 : i32 to index
        %parallel_loop3A_1355 = arith.constant 32 : index
        %parallel_loop3A_1356 = tpu.vector_load %arg18[%parallel_loop3A_1353, %parallel_loop3A_1354, %parallel_loop3A_1355] {strides = array<i32>} : memref<3x64x128xf32, #tpu.memory_space<vmem>>, vector<16xf32>,
        %parallel_loop3A_1357 = arith.mulf %parallel_loop3A_1356, %parallel_loop3A_1329 : vector<16xf32>
        %parallel_loop3A_1358 = arith.constant 0 : i32
        %parallel_loop3A_1359 = arith.index_cast %parallel_loop3A_1358 : i32 to index
        %parallel_loop3A_1360 = arith.index_cast %parallel_loop3A_1320 : i32 to index
        %parallel_loop3A_1361 = arith.constant 32 : index
        %parallel_loop3A_1362 = tpu.vector_load %arg18[%parallel_loop3A_1359, %parallel_loop3A_1360, %parallel_loop3A_1361] {strides = array<i32>} : memref<3x64x128xf32, #tpu.memory_space<vmem>>, vector<16xf32>,
        tpu.vector_store %arg18[%parallel_loop3A_1359, %parallel_loop3A_1360, %parallel_loop3A_1361], %parallel_loop3A_1357 {strides = array<i32>} : memref<3x64x128xf32, #tpu.memory_space<vmem>>, vector<16xf32>,
        %parallel_loop3A_1363 = arith.constant 0 : i32
        %parallel_loop3A_1364 = arith.index_cast %parallel_loop3A_1363 : i32 to index
        %parallel_loop3A_1365 = arith.index_cast %parallel_loop3A_1320 : i32 to index
        %parallel_loop3A_1366 = arith.constant 48 : index
        %parallel_loop3A_1367 = tpu.vector_load %arg18[%parallel_loop3A_1364, %parallel_loop3A_1365, %parallel_loop3A_1366] {strides = array<i32>} : memref<3x64x128xf32, #tpu.memory_space<vmem>>, vector<16xf32>,
        %parallel_loop3A_1368 = arith.mulf %parallel_loop3A_1367, %parallel_loop3A_1329 : vector<16xf32>
        %parallel_loop3A_1369 = arith.constant 0 : i32
        %parallel_loop3A_1370 = arith.index_cast %parallel_loop3A_1369 : i32 to index
        %parallel_loop3A_1371 = arith.index_cast %parallel_loop3A_1320 : i32 to index
        %parallel_loop3A_1372 = arith.constant 48 : index
        %parallel_loop3A_1373 = tpu.vector_load %arg18[%parallel_loop3A_1370, %parallel_loop3A_1371, %parallel_loop3A_1372] {strides = array<i32>} : memref<3x64x128xf32, #tpu.memory_space<vmem>>, vector<16xf32>,
        tpu.vector_store %arg18[%parallel_loop3A_1370, %parallel_loop3A_1371, %parallel_loop3A_1372], %parallel_loop3A_1368 {strides = array<i32>} : memref<3x64x128xf32, #tpu.memory_space<vmem>>, vector<16xf32>,
        %parallel_loop3A_1374 = arith.constant 0 : i32
        %parallel_loop3A_1375 = arith.index_cast %parallel_loop3A_1374 : i32 to index
        %parallel_loop3A_1376 = arith.index_cast %parallel_loop3A_1320 : i32 to index
        %parallel_loop3A_1377 = arith.constant 64 : index
        %parallel_loop3A_1378 = tpu.vector_load %arg18[%parallel_loop3A_1375, %parallel_loop3A_1376, %parallel_loop3A_1377] {strides = array<i32>} : memref<3x64x128xf32, #tpu.memory_space<vmem>>, vector<16xf32>,
        %parallel_loop3A_1379 = arith.mulf %parallel_loop3A_1378, %parallel_loop3A_1329 : vector<16xf32>
        %parallel_loop3A_1380 = arith.constant 0 : i32
        %parallel_loop3A_1381 = arith.index_cast %parallel_loop3A_1380 : i32 to index
        %parallel_loop3A_1382 = arith.index_cast %parallel_loop3A_1320 : i32 to index
        %parallel_loop3A_1383 = arith.constant 64 : index
        %parallel_loop3A_1384 = tpu.vector_load %arg18[%parallel_loop3A_1381, %parallel_loop3A_1382, %parallel_loop3A_1383] {strides = array<i32>} : memref<3x64x128xf32, #tpu.memory_space<vmem>>, vector<16xf32>,
        tpu.vector_store %arg18[%parallel_loop3A_1381, %parallel_loop3A_1382, %parallel_loop3A_1383], %parallel_loop3A_1379 {strides = array<i32>} : memref<3x64x128xf32, #tpu.memory_space<vmem>>, vector<16xf32>,
        %parallel_loop3A_1385 = arith.constant 0 : i32
        %parallel_loop3A_1386 = arith.index_cast %parallel_loop3A_1385 : i32 to index
        %parallel_loop3A_1387 = arith.index_cast %parallel_loop3A_1320 : i32 to index
        %parallel_loop3A_1388 = arith.constant 80 : index
        %parallel_loop3A_1389 = tpu.vector_load %arg18[%parallel_loop3A_1386, %parallel_loop3A_1387, %parallel_loop3A_1388] {strides = array<i32>} : memref<3x64x128xf32, #tpu.memory_space<vmem>>, vector<16xf32>,
        %parallel_loop3A_1390 = arith.mulf %parallel_loop3A_1389, %parallel_loop3A_1329 : vector<16xf32>
        %parallel_loop3A_1391 = arith.constant 0 : i32
        %parallel_loop3A_1392 = arith.index_cast %parallel_loop3A_1391 : i32 to index
        %parallel_loop3A_1393 = arith.index_cast %parallel_loop3A_1320 : i32 to index
        %parallel_loop3A_1394 = arith.constant 80 : index
        %parallel_loop3A_1395 = tpu.vector_load %arg18[%parallel_loop3A_1392, %parallel_loop3A_1393, %parallel_loop3A_1394] {strides = array<i32>} : memref<3x64x128xf32, #tpu.memory_space<vmem>>, vector<16xf32>,
        tpu.vector_store %arg18[%parallel_loop3A_1392, %parallel_loop3A_1393, %parallel_loop3A_1394], %parallel_loop3A_1390 {strides = array<i32>} : memref<3x64x128xf32, #tpu.memory_space<vmem>>, vector<16xf32>,
        %parallel_loop3A_1396 = arith.constant 0 : i32
        %parallel_loop3A_1397 = arith.index_cast %parallel_loop3A_1396 : i32 to index
        %parallel_loop3A_1398 = arith.index_cast %parallel_loop3A_1320 : i32 to index
        %parallel_loop3A_1399 = arith.constant 96 : index
        %parallel_loop3A_1400 = tpu.vector_load %arg18[%parallel_loop3A_1397, %parallel_loop3A_1398, %parallel_loop3A_1399] {strides = array<i32>} : memref<3x64x128xf32, #tpu.memory_space<vmem>>, vector<16xf32>,
        %parallel_loop3A_1401 = arith.mulf %parallel_loop3A_1400, %parallel_loop3A_1329 : vector<16xf32>
        %parallel_loop3A_1402 = arith.constant 0 : i32
        %parallel_loop3A_1403 = arith.index_cast %parallel_loop3A_1402 : i32 to index
        %parallel_loop3A_1404 = arith.index_cast %parallel_loop3A_1320 : i32 to index
        %parallel_loop3A_1405 = arith.constant 96 : index
        %parallel_loop3A_1406 = tpu.vector_load %arg18[%parallel_loop3A_1403, %parallel_loop3A_1404, %parallel_loop3A_1405] {strides = array<i32>} : memref<3x64x128xf32, #tpu.memory_space<vmem>>, vector<16xf32>,
        tpu.vector_store %arg18[%parallel_loop3A_1403, %parallel_loop3A_1404, %parallel_loop3A_1405], %parallel_loop3A_1401 {strides = array<i32>} : memref<3x64x128xf32, #tpu.memory_space<vmem>>, vector<16xf32>,
        %parallel_loop3A_1407 = arith.constant 0 : i32
        %parallel_loop3A_1408 = arith.index_cast %parallel_loop3A_1407 : i32 to index
        %parallel_loop3A_1409 = arith.index_cast %parallel_loop3A_1320 : i32 to index
        %parallel_loop3A_1410 = arith.constant 112 : index
        %parallel_loop3A_1411 = tpu.vector_load %arg18[%parallel_loop3A_1408, %parallel_loop3A_1409, %parallel_loop3A_1410] {strides = array<i32>} : memref<3x64x128xf32, #tpu.memory_space<vmem>>, vector<16xf32>,
        %parallel_loop3A_1412 = arith.mulf %parallel_loop3A_1411, %parallel_loop3A_1329 : vector<16xf32>
        %parallel_loop3A_1413 = arith.constant 0 : i32
        %parallel_loop3A_1414 = arith.index_cast %parallel_loop3A_1413 : i32 to index
        %parallel_loop3A_1415 = arith.index_cast %parallel_loop3A_1320 : i32 to index
        %parallel_loop3A_1416 = arith.constant 112 : index
        %parallel_loop3A_1417 = tpu.vector_load %arg18[%parallel_loop3A_1414, %parallel_loop3A_1415, %parallel_loop3A_1416] {strides = array<i32>} : memref<3x64x128xf32, #tpu.memory_space<vmem>>, vector<16xf32>,
        tpu.vector_store %arg18[%parallel_loop3A_1414, %parallel_loop3A_1415, %parallel_loop3A_1416], %parallel_loop3A_1412 {strides = array<i32>} : memref<3x64x128xf32, #tpu.memory_space<vmem>>, vector<16xf32>,
      } {sc.loop_unroll_factor = 2 : i64, sc.parallel_access}
      %dma_start3A_977 = arith.constant 0 : i32
      %dma_start3A_978 = arith.constant 0 : i32
      %dma_start3A_979 = arith.constant 0 : i32
      %dma_start3A_980 = arith.constant 0 : i32
      %dma_start3A_981 = arith.constant 0 : i32
      %dma_start3A_982 = tpu.memref_slice %arg18[%dma_start3A_977, %dma_start3A_980, %dma_start3A_981] : memref<3x64x128xf32, #tpu.memory_space<vmem>> -> memref<1x64x128xf32, #tpu.memory_space<vmem>>
      %dma_start3A_983 = tpu.memref_squeeze %dma_start3A_982 : memref<1x64x128xf32, #tpu.memory_space<vmem>> -> memref<64x128xf32, #tpu.memory_space<vmem>>
      %dma_start3A_984 = arith.constant 0 : i32
      %dma_start3A_985 = tpu.memref_slice %arg15[%dma_start3A_978, %dma_start3A_984] : memref<3x64xi32, #tpu.memory_space<vmem>> -> memref<1x64xi32, #tpu.memory_space<vmem>>
      %dma_start3A_986 = tpu.memref_squeeze %dma_start3A_985 : memref<1x64xi32, #tpu.memory_space<vmem>> -> memref<64xi32, #tpu.memory_space<vmem>>
      %dma_start3A_987 = arith.constant 0 : i32
      %dma_start3A_988 = arith.constant 0 : i32
      %dma_start3A_989 = tpu.memref_slice %arg10[%dma_start3A_987, %dma_start3A_988] : memref<10000x128xf32, #tpu.memory_space<vmem_shared>> -> memref<10000x128xf32, #tpu.memory_space<vmem_shared>>
      %dma_start3A_990 = tpu.memref_slice %arg23[%dma_start3A_979] : memref<3x!tpu.dma_semaphore, #tpu.memory_space<semaphore_mem>> -> memref<1x!tpu.dma_semaphore, #tpu.memory_space<semaphore_mem>>
      %dma_start3A_991 = tpu.memref_squeeze %dma_start3A_990 : memref<1x!tpu.dma_semaphore, #tpu.memory_space<semaphore_mem>> -> memref<!tpu.dma_semaphore, #tpu.memory_space<semaphore_mem>>
      tpu.enqueue_indirect_dma source(%dma_start3A_983 : memref<64x128xf32, #tpu.memory_space<vmem>>) target(%dma_start3A_989 : memref<10000x128xf32, #tpu.memory_space<vmem_shared>>) offsets(%dma_start3A_986 : memref<64xi32, #tpu.memory_space<vmem>>) semaphore(%dma_start3A_991 : memref<!tpu.dma_semaphore, #tpu.memory_space<semaphore_mem>>) {add = true}
      %gt3A = arith.constant 0 : i32
      %gt3A_992 = arith.cmpi sgt, %scan3A_956, %gt3A : i32
      %convert_element_type3A_993 = arith.extui %gt3A_992 : i1 to i32
      %cond3A_994 = arith.constant 0 : i32
      %cond3A_995 = arith.cmpi ne, %convert_element_type3A_993, %cond3A_994 : i32
      scf.if %cond3A_995 {
        %dma_wait3A_1320 = arith.constant 2 : i32
        %dma_wait3A_1321 = arith.constant 2 : i32
        %dma_wait3A_1322 = arith.constant 2 : i32
        %dma_wait3A_1323 = arith.constant 0 : i32
        %dma_wait3A_1324 = arith.constant 0 : i32
        %dma_wait3A_1325 = tpu.memref_slice %arg18[%dma_wait3A_1320, %dma_wait3A_1323, %dma_wait3A_1324] : memref<3x64x128xf32, #tpu.memory_space<vmem>> -> memref<1x64x128xf32, #tpu.memory_space<vmem>>
        %dma_wait3A_1326 = tpu.memref_squeeze %dma_wait3A_1325 : memref<1x64x128xf32, #tpu.memory_space<vmem>> -> memref<64x128xf32, #tpu.memory_space<vmem>>
        %dma_wait3A_1327 = arith.constant 0 : i32
        %dma_wait3A_1328 = tpu.memref_slice %arg15[%dma_wait3A_1321, %dma_wait3A_1327] : memref<3x64xi32, #tpu.memory_space<vmem>> -> memref<1x64xi32, #tpu.memory_space<vmem>>
        %dma_wait3A_1329 = tpu.memref_squeeze %dma_wait3A_1328 : memref<1x64xi32, #tpu.memory_space<vmem>> -> memref<64xi32, #tpu.memory_space<vmem>>
        %dma_wait3A_1330 = arith.constant 0 : i32
        %dma_wait3A_1331 = arith.constant 0 : i32
        %dma_wait3A_1332 = tpu.memref_slice %arg10[%dma_wait3A_1330, %dma_wait3A_1331] : memref<10000x128xf32, #tpu.memory_space<vmem_shared>> -> memref<10000x128xf32, #tpu.memory_space<vmem_shared>>
        %dma_wait3A_1333 = tpu.memref_slice %arg23[%dma_wait3A_1322] : memref<3x!tpu.dma_semaphore, #tpu.memory_space<semaphore_mem>> -> memref<1x!tpu.dma_semaphore, #tpu.memory_space<semaphore_mem>>
        %dma_wait3A_1334 = tpu.memref_squeeze %dma_wait3A_1333 : memref<1x!tpu.dma_semaphore, #tpu.memory_space<semaphore_mem>> -> memref<!tpu.dma_semaphore, #tpu.memory_space<semaphore_mem>>
        tpu.wait_indirect_dma semaphore(%dma_wait3A_1334 : memref<!tpu.dma_semaphore, #tpu.memory_space<semaphore_mem>>) src(%dma_wait3A_1326 : memref<64x128xf32, #tpu.memory_space<vmem>>) dst(%dma_wait3A_1332 : memref<10000x128xf32, #tpu.memory_space<vmem_shared>>)
        %dma_wait3A_1335 = arith.constant 2 : i32
        %dma_wait3A_1336 = arith.constant 2 : i32
        %dma_wait3A_1337 = arith.constant 2 : i32
        %dma_wait3A_1338 = arith.constant 0 : i32
        %dma_wait3A_1339 = tpu.memref_slice %arg17[%dma_wait3A_1335, %dma_wait3A_1338] : memref<3x64xf32, #tpu.memory_space<vmem>> -> memref<1x64xf32, #tpu.memory_space<vmem>>
        %dma_wait3A_1340 = tpu.memref_squeeze %dma_wait3A_1339 : memref<1x64xf32, #tpu.memory_space<vmem>> -> memref<64xf32, #tpu.memory_space<vmem>>
        %dma_wait3A_1341 = arith.constant 0 : i32
        %dma_wait3A_1342 = tpu.memref_slice %arg15[%dma_wait3A_1336, %dma_wait3A_1341] : memref<3x64xi32, #tpu.memory_space<vmem>> -> memref<1x64xi32, #tpu.memory_space<vmem>>
        %dma_wait3A_1343 = tpu.memref_squeeze %dma_wait3A_1342 : memref<1x64xi32, #tpu.memory_space<vmem>> -> memref<64xi32, #tpu.memory_space<vmem>>
        %dma_wait3A_1344 = arith.constant 0 : i32
        %dma_wait3A_1345 = tpu.memref_slice %arg11[%dma_wait3A_1344] : memref<10000xf32, #tpu.memory_space<vmem_shared>> -> memref<10000xf32, #tpu.memory_space<vmem_shared>>
        %dma_wait3A_1346 = tpu.memref_slice %arg21[%dma_wait3A_1337] : memref<3x!tpu.dma_semaphore, #tpu.memory_space<semaphore_mem>> -> memref<1x!tpu.dma_semaphore, #tpu.memory_space<semaphore_mem>>
        %dma_wait3A_1347 = tpu.memref_squeeze %dma_wait3A_1346 : memref<1x!tpu.dma_semaphore, #tpu.memory_space<semaphore_mem>> -> memref<!tpu.dma_semaphore, #tpu.memory_space<semaphore_mem>>
        tpu.wait_indirect_dma semaphore(%dma_wait3A_1347 : memref<!tpu.dma_semaphore, #tpu.memory_space<semaphore_mem>>) src(%dma_wait3A_1340 : memref<64xf32, #tpu.memory_space<vmem>>) dst(%dma_wait3A_1345 : memref<10000xf32, #tpu.memory_space<vmem_shared>>)
      } else {
      }
      %add3A_996 = arith.constant 2 : i32
      %add3A_997 = arith.addi %mul3A_959, %add3A_996 : i32
      %mul3A_998 = arith.constant 2 : i32
      %mul3A_999 = arith.muli %add3A_997, %mul3A_998 : i32
      %mul3A_1000 = arith.constant 64 : i32
      %mul3A_1001 = arith.muli %mul3A_999, %mul3A_1000 : i32
      %add3A_1002 = arith.addi %mul3A_509, %mul3A_1001 : i32
      %dma_wait3A_1003 = arith.constant 2 : i32
      %dma_wait3A_1004 = arith.constant 2 : i32
      %dma_wait3A_1005 = arith.constant 0 : i32
      %dma_wait3A_1006 = tpu.memref_slice %arg14[%dma_wait3A_1003, %dma_wait3A_1005] : memref<3x128xi32, #tpu.memory_space<vmem>> -> memref<1x128xi32, #tpu.memory_space<vmem>>
      %dma_wait3A_1007 = tpu.memref_squeeze %dma_wait3A_1006 : memref<1x128xi32, #tpu.memory_space<vmem>> -> memref<128xi32, #tpu.memory_space<vmem>>
      %dma_wait3A_1008 = tpu.memref_slice %arg6[%add3A_1002] : memref<325632xi32, #tpu.memory_space<hbm>> -> memref<128xi32, #tpu.memory_space<hbm>>
      %dma_wait3A_1009 = tpu.memref_slice %arg20[%dma_wait3A_1004] : memref<3x!tpu.dma_semaphore, #tpu.memory_space<semaphore_mem>> -> memref<1x!tpu.dma_semaphore, #tpu.memory_space<semaphore_mem>>
      %dma_wait3A_1010 = tpu.memref_squeeze %dma_wait3A_1009 : memref<1x!tpu.dma_semaphore, #tpu.memory_space<semaphore_mem>> -> memref<!tpu.dma_semaphore, #tpu.memory_space<semaphore_mem>>
      %dma_wait3A_1011 = arith.constant 0 : i32
      %dma_wait3A_1012 = tpu.memref_slice %arg14[%dma_wait3A_1003, %dma_wait3A_1011] : memref<3x128xi32, #tpu.memory_space<vmem>> -> memref<1x128xi32, #tpu.memory_space<vmem>>
      %dma_wait3A_1013 = tpu.memref_squeeze %dma_wait3A_1012 : memref<1x128xi32, #tpu.memory_space<vmem>> -> memref<128xi32, #tpu.memory_space<vmem>>
      %dma_wait3A_1014 = tpu.memref_slice %arg6[%add3A_1002] : memref<325632xi32, #tpu.memory_space<hbm>> -> memref<128xi32, #tpu.memory_space<hbm>>
      tpu.wait_dma2 semaphore(%dma_wait3A_1010 : memref<!tpu.dma_semaphore, #tpu.memory_space<semaphore_mem>>) src(%dma_wait3A_1014 : memref<128xi32, #tpu.memory_space<hbm>>) dst(%dma_wait3A_1013 : memref<128xi32, #tpu.memory_space<vmem>>)
      %get3A_1015 = arith.constant 2 : i32
      %get3A_1016 = arith.index_cast %get3A_1015 : i32 to index
      %get3A_1017 = arith.constant 0 : index
      %get3A_1018 = tpu.vector_load %arg14[%get3A_1016, %get3A_1017] {strides = array<i32>} : memref<3x128xi32, #tpu.memory_space<vmem>>, vector<16xi32>,
      %get3A_1019 = arith.constant 2 : i32
      %get3A_1020 = arith.index_cast %get3A_1019 : i32 to index
      %get3A_1021 = arith.constant 64 : index
      %get3A_1022 = tpu.vector_load %arg14[%get3A_1020, %get3A_1021] {strides = array<i32>} : memref<3x128xi32, #tpu.memory_space<vmem>>, vector<16xi32>,
      %gather3A_1023 = tpu.vector_load_idx %arg12[%get3A_1018] : memref<10000xf32, #tpu.memory_space<vmem>>[vector<16xi32>], vector<16xf32>,
      %gather3A_1024 = tpu.vector_load_idx %arg13[%get3A_1022] : memref<10016xf32, #tpu.memory_space<vmem>>[vector<16xi32>], vector<16xf32>,
      %add3A_1025 = arith.addf %gather3A_1023, %gather3A_1024 : vector<16xf32>
      %mul3A_1026 = arith.constant 2.000000e-01 : f32
      %mul3A_1027 = vector.broadcast %mul3A_1026 : f32 to vector<16xf32>
      %mul3A_1028 = arith.mulf %mul3A_1027, %add3A_1025 : vector<16xf32>
      %max3A_1029 = arith.maximumf %add3A_1025, %mul3A_1028 : vector<16xf32>
      %exp3A_1030 = math.exp %max3A_1029 : vector<16xf32>
      %swap3A_1031 = arith.constant 2 : i32
      %swap3A_1032 = arith.index_cast %swap3A_1031 : i32 to index
      %swap3A_1033 = arith.constant 0 : index
      %swap3A_1034 = tpu.vector_load %arg17[%swap3A_1032, %swap3A_1033] {strides = array<i32>} : memref<3x64xf32, #tpu.memory_space<vmem>>, vector<16xf32>,
      tpu.vector_store %arg17[%swap3A_1032, %swap3A_1033], %exp3A_1030 {strides = array<i32>} : memref<3x64xf32, #tpu.memory_space<vmem>>, vector<16xf32>,
      %swap3A_1035 = arith.constant 2 : i32
      %swap3A_1036 = arith.index_cast %swap3A_1035 : i32 to index
      %swap3A_1037 = arith.constant 0 : index
      %swap3A_1038 = tpu.vector_load %arg15[%swap3A_1036, %swap3A_1037] {strides = array<i32>} : memref<3x64xi32, #tpu.memory_space<vmem>>, vector<16xi32>,
      tpu.vector_store %arg15[%swap3A_1036, %swap3A_1037], %get3A_1018 {strides = array<i32>} : memref<3x64xi32, #tpu.memory_space<vmem>>, vector<16xi32>,
      %add3A_1039 = vector.broadcast %mul3A_0 : i32 to vector<16xi32>
      %add3A_1040 = arith.addi %get3A_1022, %add3A_1039 : vector<16xi32>
      %swap3A_1041 = arith.constant 2 : i32
      %swap3A_1042 = arith.index_cast %swap3A_1041 : i32 to index
      %swap3A_1043 = arith.constant 0 : index
      %swap3A_1044 = tpu.vector_load %arg16[%swap3A_1042, %swap3A_1043] {strides = array<i32>} : memref<3x64xi32, #tpu.memory_space<vmem>>, vector<16xi32>,
      tpu.vector_store %arg16[%swap3A_1042, %swap3A_1043], %add3A_1040 {strides = array<i32>} : memref<3x64xi32, #tpu.memory_space<vmem>>, vector<16xi32>,
      %get3A_1045 = arith.constant 2 : i32
      %get3A_1046 = arith.index_cast %get3A_1045 : i32 to index
      %get3A_1047 = arith.constant 16 : index
      %get3A_1048 = tpu.vector_load %arg14[%get3A_1046, %get3A_1047] {strides = array<i32>} : memref<3x128xi32, #tpu.memory_space<vmem>>, vector<16xi32>,
      %get3A_1049 = arith.constant 2 : i32
      %get3A_1050 = arith.index_cast %get3A_1049 : i32 to index
      %get3A_1051 = arith.constant 80 : index
      %get3A_1052 = tpu.vector_load %arg14[%get3A_1050, %get3A_1051] {strides = array<i32>} : memref<3x128xi32, #tpu.memory_space<vmem>>, vector<16xi32>,
      %gather3A_1053 = tpu.vector_load_idx %arg12[%get3A_1048] : memref<10000xf32, #tpu.memory_space<vmem>>[vector<16xi32>], vector<16xf32>,
      %gather3A_1054 = tpu.vector_load_idx %arg13[%get3A_1052] : memref<10016xf32, #tpu.memory_space<vmem>>[vector<16xi32>], vector<16xf32>,
      %add3A_1055 = arith.addf %gather3A_1053, %gather3A_1054 : vector<16xf32>
      %mul3A_1056 = arith.constant 2.000000e-01 : f32
      %mul3A_1057 = vector.broadcast %mul3A_1056 : f32 to vector<16xf32>
      %mul3A_1058 = arith.mulf %mul3A_1057, %add3A_1055 : vector<16xf32>
      %max3A_1059 = arith.maximumf %add3A_1055, %mul3A_1058 : vector<16xf32>
      %exp3A_1060 = math.exp %max3A_1059 : vector<16xf32>
      %swap3A_1061 = arith.constant 2 : i32
      %swap3A_1062 = arith.index_cast %swap3A_1061 : i32 to index
      %swap3A_1063 = arith.constant 16 : index
      %swap3A_1064 = tpu.vector_load %arg17[%swap3A_1062, %swap3A_1063] {strides = array<i32>} : memref<3x64xf32, #tpu.memory_space<vmem>>, vector<16xf32>,
      tpu.vector_store %arg17[%swap3A_1062, %swap3A_1063], %exp3A_1060 {strides = array<i32>} : memref<3x64xf32, #tpu.memory_space<vmem>>, vector<16xf32>,
      %swap3A_1065 = arith.constant 2 : i32
      %swap3A_1066 = arith.index_cast %swap3A_1065 : i32 to index
      %swap3A_1067 = arith.constant 16 : index
      %swap3A_1068 = tpu.vector_load %arg15[%swap3A_1066, %swap3A_1067] {strides = array<i32>} : memref<3x64xi32, #tpu.memory_space<vmem>>, vector<16xi32>,
      tpu.vector_store %arg15[%swap3A_1066, %swap3A_1067], %get3A_1048 {strides = array<i32>} : memref<3x64xi32, #tpu.memory_space<vmem>>, vector<16xi32>,
      %add3A_1069 = vector.broadcast %mul3A_0 : i32 to vector<16xi32>
      %add3A_1070 = arith.addi %get3A_1052, %add3A_1069 : vector<16xi32>
      %swap3A_1071 = arith.constant 2 : i32
      %swap3A_1072 = arith.index_cast %swap3A_1071 : i32 to index
      %swap3A_1073 = arith.constant 16 : index
      %swap3A_1074 = tpu.vector_load %arg16[%swap3A_1072, %swap3A_1073] {strides = array<i32>} : memref<3x64xi32, #tpu.memory_space<vmem>>, vector<16xi32>,
      tpu.vector_store %arg16[%swap3A_1072, %swap3A_1073], %add3A_1070 {strides = array<i32>} : memref<3x64xi32, #tpu.memory_space<vmem>>, vector<16xi32>,
      %get3A_1075 = arith.constant 2 : i32
      %get3A_1076 = arith.index_cast %get3A_1075 : i32 to index
      %get3A_1077 = arith.constant 32 : index
      %get3A_1078 = tpu.vector_load %arg14[%get3A_1076, %get3A_1077] {strides = array<i32>} : memref<3x128xi32, #tpu.memory_space<vmem>>, vector<16xi32>,
      %get3A_1079 = arith.constant 2 : i32
      %get3A_1080 = arith.index_cast %get3A_1079 : i32 to index
      %get3A_1081 = arith.constant 96 : index
      %get3A_1082 = tpu.vector_load %arg14[%get3A_1080, %get3A_1081] {strides = array<i32>} : memref<3x128xi32, #tpu.memory_space<vmem>>, vector<16xi32>,
      %gather3A_1083 = tpu.vector_load_idx %arg12[%get3A_1078] : memref<10000xf32, #tpu.memory_space<vmem>>[vector<16xi32>], vector<16xf32>,
      %gather3A_1084 = tpu.vector_load_idx %arg13[%get3A_1082] : memref<10016xf32, #tpu.memory_space<vmem>>[vector<16xi32>], vector<16xf32>,
      %add3A_1085 = arith.addf %gather3A_1083, %gather3A_1084 : vector<16xf32>
      %mul3A_1086 = arith.constant 2.000000e-01 : f32
      %mul3A_1087 = vector.broadcast %mul3A_1086 : f32 to vector<16xf32>
      %mul3A_1088 = arith.mulf %mul3A_1087, %add3A_1085 : vector<16xf32>
      %max3A_1089 = arith.maximumf %add3A_1085, %mul3A_1088 : vector<16xf32>
      %exp3A_1090 = math.exp %max3A_1089 : vector<16xf32>
      %swap3A_1091 = arith.constant 2 : i32
      %swap3A_1092 = arith.index_cast %swap3A_1091 : i32 to index
      %swap3A_1093 = arith.constant 32 : index
      %swap3A_1094 = tpu.vector_load %arg17[%swap3A_1092, %swap3A_1093] {strides = array<i32>} : memref<3x64xf32, #tpu.memory_space<vmem>>, vector<16xf32>,
      tpu.vector_store %arg17[%swap3A_1092, %swap3A_1093], %exp3A_1090 {strides = array<i32>} : memref<3x64xf32, #tpu.memory_space<vmem>>, vector<16xf32>,
      %swap3A_1095 = arith.constant 2 : i32
      %swap3A_1096 = arith.index_cast %swap3A_1095 : i32 to index
      %swap3A_1097 = arith.constant 32 : index
      %swap3A_1098 = tpu.vector_load %arg15[%swap3A_1096, %swap3A_1097] {strides = array<i32>} : memref<3x64xi32, #tpu.memory_space<vmem>>, vector<16xi32>,
      tpu.vector_store %arg15[%swap3A_1096, %swap3A_1097], %get3A_1078 {strides = array<i32>} : memref<3x64xi32, #tpu.memory_space<vmem>>, vector<16xi32>,
      %add3A_1099 = vector.broadcast %mul3A_0 : i32 to vector<16xi32>
      %add3A_1100 = arith.addi %get3A_1082, %add3A_1099 : vector<16xi32>
      %swap3A_1101 = arith.constant 2 : i32
      %swap3A_1102 = arith.index_cast %swap3A_1101 : i32 to index
      %swap3A_1103 = arith.constant 32 : index
      %swap3A_1104 = tpu.vector_load %arg16[%swap3A_1102, %swap3A_1103] {strides = array<i32>} : memref<3x64xi32, #tpu.memory_space<vmem>>, vector<16xi32>,
      tpu.vector_store %arg16[%swap3A_1102, %swap3A_1103], %add3A_1100 {strides = array<i32>} : memref<3x64xi32, #tpu.memory_space<vmem>>, vector<16xi32>,
      %get3A_1105 = arith.constant 2 : i32
      %get3A_1106 = arith.index_cast %get3A_1105 : i32 to index
      %get3A_1107 = arith.constant 48 : index
      %get3A_1108 = tpu.vector_load %arg14[%get3A_1106, %get3A_1107] {strides = array<i32>} : memref<3x128xi32, #tpu.memory_space<vmem>>, vector<16xi32>,
      %get3A_1109 = arith.constant 2 : i32
      %get3A_1110 = arith.index_cast %get3A_1109 : i32 to index
      %get3A_1111 = arith.constant 112 : index
      %get3A_1112 = tpu.vector_load %arg14[%get3A_1110, %get3A_1111] {strides = array<i32>} : memref<3x128xi32, #tpu.memory_space<vmem>>, vector<16xi32>,
      %gather3A_1113 = tpu.vector_load_idx %arg12[%get3A_1108] : memref<10000xf32, #tpu.memory_space<vmem>>[vector<16xi32>], vector<16xf32>,
      %gather3A_1114 = tpu.vector_load_idx %arg13[%get3A_1112] : memref<10016xf32, #tpu.memory_space<vmem>>[vector<16xi32>], vector<16xf32>,
      %add3A_1115 = arith.addf %gather3A_1113, %gather3A_1114 : vector<16xf32>
      %mul3A_1116 = arith.constant 2.000000e-01 : f32
      %mul3A_1117 = vector.broadcast %mul3A_1116 : f32 to vector<16xf32>
      %mul3A_1118 = arith.mulf %mul3A_1117, %add3A_1115 : vector<16xf32>
      %max3A_1119 = arith.maximumf %add3A_1115, %mul3A_1118 : vector<16xf32>
      %exp3A_1120 = math.exp %max3A_1119 : vector<16xf32>
      %swap3A_1121 = arith.constant 2 : i32
      %swap3A_1122 = arith.index_cast %swap3A_1121 : i32 to index
      %swap3A_1123 = arith.constant 48 : index
      %swap3A_1124 = tpu.vector_load %arg17[%swap3A_1122, %swap3A_1123] {strides = array<i32>} : memref<3x64xf32, #tpu.memory_space<vmem>>, vector<16xf32>,
      tpu.vector_store %arg17[%swap3A_1122, %swap3A_1123], %exp3A_1120 {strides = array<i32>} : memref<3x64xf32, #tpu.memory_space<vmem>>, vector<16xf32>,
      %swap3A_1125 = arith.constant 2 : i32
      %swap3A_1126 = arith.index_cast %swap3A_1125 : i32 to index
      %swap3A_1127 = arith.constant 48 : index
      %swap3A_1128 = tpu.vector_load %arg15[%swap3A_1126, %swap3A_1127] {strides = array<i32>} : memref<3x64xi32, #tpu.memory_space<vmem>>, vector<16xi32>,
      tpu.vector_store %arg15[%swap3A_1126, %swap3A_1127], %get3A_1108 {strides = array<i32>} : memref<3x64xi32, #tpu.memory_space<vmem>>, vector<16xi32>,
      %add3A_1129 = vector.broadcast %mul3A_0 : i32 to vector<16xi32>
      %add3A_1130 = arith.addi %get3A_1112, %add3A_1129 : vector<16xi32>
      %swap3A_1131 = arith.constant 2 : i32
      %swap3A_1132 = arith.index_cast %swap3A_1131 : i32 to index
      %swap3A_1133 = arith.constant 48 : index
      %swap3A_1134 = tpu.vector_load %arg16[%swap3A_1132, %swap3A_1133] {strides = array<i32>} : memref<3x64xi32, #tpu.memory_space<vmem>>, vector<16xi32>,
      tpu.vector_store %arg16[%swap3A_1132, %swap3A_1133], %add3A_1130 {strides = array<i32>} : memref<3x64xi32, #tpu.memory_space<vmem>>, vector<16xi32>,
      %dma_start3A_1135 = arith.constant 2 : i32
      %dma_start3A_1136 = arith.constant 2 : i32
      %dma_start3A_1137 = arith.constant 2 : i32
      %dma_start3A_1138 = arith.constant 0 : i32
      %dma_start3A_1139 = arith.constant 0 : i32
      %dma_start3A_1140 = tpu.memref_slice %arg18[%dma_start3A_1136, %dma_start3A_1138, %dma_start3A_1139] : memref<3x64x128xf32, #tpu.memory_space<vmem>> -> memref<1x64x128xf32, #tpu.memory_space<vmem>>
      %dma_start3A_1141 = tpu.memref_squeeze %dma_start3A_1140 : memref<1x64x128xf32, #tpu.memory_space<vmem>> -> memref<64x128xf32, #tpu.memory_space<vmem>>
      %dma_start3A_1142 = arith.constant 0 : i32
      %dma_start3A_1143 = tpu.memref_slice %arg16[%dma_start3A_1135, %dma_start3A_1142] : memref<3x64xi32, #tpu.memory_space<vmem>> -> memref<1x64xi32, #tpu.memory_space<vmem>>
      %dma_start3A_1144 = tpu.memref_squeeze %dma_start3A_1143 : memref<1x64xi32, #tpu.memory_space<vmem>> -> memref<64xi32, #tpu.memory_space<vmem>>
      %dma_start3A_1145 = arith.constant 0 : i32
      %dma_start3A_1146 = arith.constant 0 : i32
      %dma_start3A_1147 = tpu.memref_slice %arg3[%dma_start3A_1145, %dma_start3A_1146] : memref<20480x128xf32, #tpu.memory_space<hbm>> -> memref<20480x128xf32, #tpu.memory_space<hbm>>
      %dma_start3A_1148 = tpu.memref_slice %arg22[%dma_start3A_1137] : memref<3x!tpu.dma_semaphore, #tpu.memory_space<semaphore_mem>> -> memref<1x!tpu.dma_semaphore, #tpu.memory_space<semaphore_mem>>
      %dma_start3A_1149 = tpu.memref_squeeze %dma_start3A_1148 : memref<1x!tpu.dma_semaphore, #tpu.memory_space<semaphore_mem>> -> memref<!tpu.dma_semaphore, #tpu.memory_space<semaphore_mem>>
      tpu.enqueue_indirect_dma source(%dma_start3A_1147 : memref<20480x128xf32, #tpu.memory_space<hbm>>) target(%dma_start3A_1141 : memref<64x128xf32, #tpu.memory_space<vmem>>) offsets(%dma_start3A_1144 : memref<64xi32, #tpu.memory_space<vmem>>) semaphore(%dma_start3A_1149 : memref<!tpu.dma_semaphore, #tpu.memory_space<semaphore_mem>>)
      %dma_start3A_1150 = arith.constant 2 : i32
      %dma_start3A_1151 = arith.constant 2 : i32
      %dma_start3A_1152 = arith.constant 2 : i32
      %dma_start3A_1153 = arith.constant 0 : i32
      %dma_start3A_1154 = tpu.memref_slice %arg17[%dma_start3A_1150, %dma_start3A_1153] : memref<3x64xf32, #tpu.memory_space<vmem>> -> memref<1x64xf32, #tpu.memory_space<vmem>>
      %dma_start3A_1155 = tpu.memref_squeeze %dma_start3A_1154 : memref<1x64xf32, #tpu.memory_space<vmem>> -> memref<64xf32, #tpu.memory_space<vmem>>
      %dma_start3A_1156 = arith.constant 0 : i32
      %dma_start3A_1157 = tpu.memref_slice %arg15[%dma_start3A_1151, %dma_start3A_1156] : memref<3x64xi32, #tpu.memory_space<vmem>> -> memref<1x64xi32, #tpu.memory_space<vmem>>
      %dma_start3A_1158 = tpu.memref_squeeze %dma_start3A_1157 : memref<1x64xi32, #tpu.memory_space<vmem>> -> memref<64xi32, #tpu.memory_space<vmem>>
      %dma_start3A_1159 = arith.constant 0 : i32
      %dma_start3A_1160 = tpu.memref_slice %arg11[%dma_start3A_1159] : memref<10000xf32, #tpu.memory_space<vmem_shared>> -> memref<10000xf32, #tpu.memory_space<vmem_shared>>
      %dma_start3A_1161 = tpu.memref_slice %arg21[%dma_start3A_1152] : memref<3x!tpu.dma_semaphore, #tpu.memory_space<semaphore_mem>> -> memref<1x!tpu.dma_semaphore, #tpu.memory_space<semaphore_mem>>
      %dma_start3A_1162 = tpu.memref_squeeze %dma_start3A_1161 : memref<1x!tpu.dma_semaphore, #tpu.memory_space<semaphore_mem>> -> memref<!tpu.dma_semaphore, #tpu.memory_space<semaphore_mem>>
      tpu.enqueue_indirect_dma source(%dma_start3A_1155 : memref<64xf32, #tpu.memory_space<vmem>>) target(%dma_start3A_1160 : memref<10000xf32, #tpu.memory_space<vmem_shared>>) offsets(%dma_start3A_1158 : memref<64xi32, #tpu.memory_space<vmem>>) semaphore(%dma_start3A_1162 : memref<!tpu.dma_semaphore, #tpu.memory_space<semaphore_mem>>) {add = true}
      %add3A_1163 = arith.constant 1 : i32
      %add3A_1164 = arith.addi %scan3A_956, %add3A_1163 : i32
      %lt3A = arith.constant 53 : i32
      %lt3A_1165 = arith.cmpi slt, %add3A_1164, %lt3A : i32
      %convert_element_type3A_1166 = arith.extui %lt3A_1165 : i1 to i32
      %cond3A_1167 = arith.constant 0 : i32
      %cond3A_1168 = arith.cmpi ne, %convert_element_type3A_1166, %cond3A_1167 : i32
      scf.if %cond3A_1168 {
        %add3A_1320 = arith.constant 5 : i32
        %add3A_1321 = arith.addi %mul3A_959, %add3A_1320 : i32
        %mul3A_1322 = arith.constant 2 : i32
        %mul3A_1323 = arith.muli %add3A_1321, %mul3A_1322 : i32
        %mul3A_1324 = arith.constant 64 : i32
        %mul3A_1325 = arith.muli %mul3A_1323, %mul3A_1324 : i32
        %add3A_1326 = arith.addi %mul3A_509, %mul3A_1325 : i32
        %dma_start3A_1327 = arith.constant 2 : i32
        %dma_start3A_1328 = arith.constant 2 : i32
        %dma_start3A_1329 = arith.constant 0 : i32
        %dma_start3A_1330 = tpu.memref_slice %arg14[%dma_start3A_1327, %dma_start3A_1329] : memref<3x128xi32, #tpu.memory_space<vmem>> -> memref<1x128xi32, #tpu.memory_space<vmem>>
        %dma_start3A_1331 = tpu.memref_squeeze %dma_start3A_1330 : memref<1x128xi32, #tpu.memory_space<vmem>> -> memref<128xi32, #tpu.memory_space<vmem>>
        %dma_start3A_1332 = tpu.memref_slice %arg6[%add3A_1326] : memref<325632xi32, #tpu.memory_space<hbm>> -> memref<128xi32, #tpu.memory_space<hbm>>
        %dma_start3A_1333 = tpu.memref_slice %arg20[%dma_start3A_1328] : memref<3x!tpu.dma_semaphore, #tpu.memory_space<semaphore_mem>> -> memref<1x!tpu.dma_semaphore, #tpu.memory_space<semaphore_mem>>
        %dma_start3A_1334 = tpu.memref_squeeze %dma_start3A_1333 : memref<1x!tpu.dma_semaphore, #tpu.memory_space<semaphore_mem>> -> memref<!tpu.dma_semaphore, #tpu.memory_space<semaphore_mem>>
        %dma_start3A_1335 = arith.constant 0 : i32
        %dma_start3A_1336 = tpu.memref_slice %arg14[%dma_start3A_1327, %dma_start3A_1335] : memref<3x128xi32, #tpu.memory_space<vmem>> -> memref<1x128xi32, #tpu.memory_space<vmem>>
        %dma_start3A_1337 = tpu.memref_squeeze %dma_start3A_1336 : memref<1x128xi32, #tpu.memory_space<vmem>> -> memref<128xi32, #tpu.memory_space<vmem>>
        %dma_start3A_1338 = tpu.memref_slice %arg6[%add3A_1326] : memref<325632xi32, #tpu.memory_space<hbm>> -> memref<128xi32, #tpu.memory_space<hbm>>
        tpu.enqueue_dma source(%dma_start3A_1338 : memref<128xi32, #tpu.memory_space<hbm>>) target(%dma_start3A_1337 : memref<128xi32, #tpu.memory_space<vmem>>) target_semaphore(%dma_start3A_1334 : memref<!tpu.dma_semaphore, #tpu.memory_space<semaphore_mem>>)
      } else {
      }
      %dma_wait3A_1169 = arith.constant 1 : i32
      %dma_wait3A_1170 = arith.constant 1 : i32
      %dma_wait3A_1171 = arith.constant 1 : i32
      %dma_wait3A_1172 = arith.constant 0 : i32
      %dma_wait3A_1173 = arith.constant 0 : i32
      %dma_wait3A_1174 = tpu.memref_slice %arg18[%dma_wait3A_1170, %dma_wait3A_1172, %dma_wait3A_1173] : memref<3x64x128xf32, #tpu.memory_space<vmem>> -> memref<1x64x128xf32, #tpu.memory_space<vmem>>
      %dma_wait3A_1175 = tpu.memref_squeeze %dma_wait3A_1174 : memref<1x64x128xf32, #tpu.memory_space<vmem>> -> memref<64x128xf32, #tpu.memory_space<vmem>>
      %dma_wait3A_1176 = arith.constant 0 : i32
      %dma_wait3A_1177 = tpu.memref_slice %arg16[%dma_wait3A_1169, %dma_wait3A_1176] : memref<3x64xi32, #tpu.memory_space<vmem>> -> memref<1x64xi32, #tpu.memory_space<vmem>>
      %dma_wait3A_1178 = tpu.memref_squeeze %dma_wait3A_1177 : memref<1x64xi32, #tpu.memory_space<vmem>> -> memref<64xi32, #tpu.memory_space<vmem>>
      %dma_wait3A_1179 = arith.constant 0 : i32
      %dma_wait3A_1180 = arith.constant 0 : i32
      %dma_wait3A_1181 = tpu.memref_slice %arg3[%dma_wait3A_1179, %dma_wait3A_1180] : memref<20480x128xf32, #tpu.memory_space<hbm>> -> memref<20480x128xf32, #tpu.memory_space<hbm>>
      %dma_wait3A_1182 = tpu.memref_slice %arg22[%dma_wait3A_1171] : memref<3x!tpu.dma_semaphore, #tpu.memory_space<semaphore_mem>> -> memref<1x!tpu.dma_semaphore, #tpu.memory_space<semaphore_mem>>
      %dma_wait3A_1183 = tpu.memref_squeeze %dma_wait3A_1182 : memref<1x!tpu.dma_semaphore, #tpu.memory_space<semaphore_mem>> -> memref<!tpu.dma_semaphore, #tpu.memory_space<semaphore_mem>>
      tpu.wait_indirect_dma semaphore(%dma_wait3A_1183 : memref<!tpu.dma_semaphore, #tpu.memory_space<semaphore_mem>>) src(%dma_wait3A_1181 : memref<20480x128xf32, #tpu.memory_space<hbm>>) dst(%dma_wait3A_1175 : memref<64x128xf32, #tpu.memory_space<vmem>>)
      %parallel_loop3A_1184 = arith.constant 0 : i32
      %parallel_loop3A_1185 = arith.constant 64 : i32
      %parallel_loop3A_1186 = arith.constant 1 : i32
      scf.for %parallel_loop3A_1320 = %parallel_loop3A_1184 to %parallel_loop3A_1185 step %parallel_loop3A_1186  : i32 {
        %parallel_loop3A_1321 = arith.constant 0 : i32
        %parallel_loop3A_1322 = vector.broadcast %parallel_loop3A_1321 : i32 to vector<16xi32>
        %parallel_loop3A_1323 = vector.broadcast %parallel_loop3A_1320 : i32 to vector<16xi32>
        %parallel_loop3A_1324 = arith.addi %parallel_loop3A_1322, %parallel_loop3A_1323 : vector<16xi32>
        %parallel_loop3A_1325 = arith.constant 1 : i32
        %parallel_loop3A_1326 = arith.constant 0 : i32
        %parallel_loop3A_1327 = tpu.memref_slice %arg17[%parallel_loop3A_1325, %parallel_loop3A_1326] : memref<3x64xf32, #tpu.memory_space<vmem>> -> memref<1x64xf32, #tpu.memory_space<vmem>>
        %parallel_loop3A_1328 = tpu.memref_squeeze %parallel_loop3A_1327 : memref<1x64xf32, #tpu.memory_space<vmem>> -> memref<64xf32, #tpu.memory_space<vmem>>
        %parallel_loop3A_1329 = tpu.vector_load_idx %parallel_loop3A_1328[%parallel_loop3A_1324] : memref<64xf32, #tpu.memory_space<vmem>>[vector<16xi32>], vector<16xf32>,
        %parallel_loop3A_1330 = arith.constant 1 : i32
        %parallel_loop3A_1331 = arith.index_cast %parallel_loop3A_1330 : i32 to index
        %parallel_loop3A_1332 = arith.index_cast %parallel_loop3A_1320 : i32 to index
        %parallel_loop3A_1333 = arith.constant 0 : index
        %parallel_loop3A_1334 = tpu.vector_load %arg18[%parallel_loop3A_1331, %parallel_loop3A_1332, %parallel_loop3A_1333] {strides = array<i32>} : memref<3x64x128xf32, #tpu.memory_space<vmem>>, vector<16xf32>,
        %parallel_loop3A_1335 = arith.mulf %parallel_loop3A_1334, %parallel_loop3A_1329 : vector<16xf32>
        %parallel_loop3A_1336 = arith.constant 1 : i32
        %parallel_loop3A_1337 = arith.index_cast %parallel_loop3A_1336 : i32 to index
        %parallel_loop3A_1338 = arith.index_cast %parallel_loop3A_1320 : i32 to index
        %parallel_loop3A_1339 = arith.constant 0 : index
        %parallel_loop3A_1340 = tpu.vector_load %arg18[%parallel_loop3A_1337, %parallel_loop3A_1338, %parallel_loop3A_1339] {strides = array<i32>} : memref<3x64x128xf32, #tpu.memory_space<vmem>>, vector<16xf32>,
        tpu.vector_store %arg18[%parallel_loop3A_1337, %parallel_loop3A_1338, %parallel_loop3A_1339], %parallel_loop3A_1335 {strides = array<i32>} : memref<3x64x128xf32, #tpu.memory_space<vmem>>, vector<16xf32>,
        %parallel_loop3A_1341 = arith.constant 1 : i32
        %parallel_loop3A_1342 = arith.index_cast %parallel_loop3A_1341 : i32 to index
        %parallel_loop3A_1343 = arith.index_cast %parallel_loop3A_1320 : i32 to index
        %parallel_loop3A_1344 = arith.constant 16 : index
        %parallel_loop3A_1345 = tpu.vector_load %arg18[%parallel_loop3A_1342, %parallel_loop3A_1343, %parallel_loop3A_1344] {strides = array<i32>} : memref<3x64x128xf32, #tpu.memory_space<vmem>>, vector<16xf32>,
        %parallel_loop3A_1346 = arith.mulf %parallel_loop3A_1345, %parallel_loop3A_1329 : vector<16xf32>
        %parallel_loop3A_1347 = arith.constant 1 : i32
        %parallel_loop3A_1348 = arith.index_cast %parallel_loop3A_1347 : i32 to index
        %parallel_loop3A_1349 = arith.index_cast %parallel_loop3A_1320 : i32 to index
        %parallel_loop3A_1350 = arith.constant 16 : index
        %parallel_loop3A_1351 = tpu.vector_load %arg18[%parallel_loop3A_1348, %parallel_loop3A_1349, %parallel_loop3A_1350] {strides = array<i32>} : memref<3x64x128xf32, #tpu.memory_space<vmem>>, vector<16xf32>,
        tpu.vector_store %arg18[%parallel_loop3A_1348, %parallel_loop3A_1349, %parallel_loop3A_1350], %parallel_loop3A_1346 {strides = array<i32>} : memref<3x64x128xf32, #tpu.memory_space<vmem>>, vector<16xf32>,
        %parallel_loop3A_1352 = arith.constant 1 : i32
        %parallel_loop3A_1353 = arith.index_cast %parallel_loop3A_1352 : i32 to index
        %parallel_loop3A_1354 = arith.index_cast %parallel_loop3A_1320 : i32 to index
        %parallel_loop3A_1355 = arith.constant 32 : index
        %parallel_loop3A_1356 = tpu.vector_load %arg18[%parallel_loop3A_1353, %parallel_loop3A_1354, %parallel_loop3A_1355] {strides = array<i32>} : memref<3x64x128xf32, #tpu.memory_space<vmem>>, vector<16xf32>,
        %parallel_loop3A_1357 = arith.mulf %parallel_loop3A_1356, %parallel_loop3A_1329 : vector<16xf32>
        %parallel_loop3A_1358 = arith.constant 1 : i32
        %parallel_loop3A_1359 = arith.index_cast %parallel_loop3A_1358 : i32 to index
        %parallel_loop3A_1360 = arith.index_cast %parallel_loop3A_1320 : i32 to index
        %parallel_loop3A_1361 = arith.constant 32 : index
        %parallel_loop3A_1362 = tpu.vector_load %arg18[%parallel_loop3A_1359, %parallel_loop3A_1360, %parallel_loop3A_1361] {strides = array<i32>} : memref<3x64x128xf32, #tpu.memory_space<vmem>>, vector<16xf32>,
        tpu.vector_store %arg18[%parallel_loop3A_1359, %parallel_loop3A_1360, %parallel_loop3A_1361], %parallel_loop3A_1357 {strides = array<i32>} : memref<3x64x128xf32, #tpu.memory_space<vmem>>, vector<16xf32>,
        %parallel_loop3A_1363 = arith.constant 1 : i32
        %parallel_loop3A_1364 = arith.index_cast %parallel_loop3A_1363 : i32 to index
        %parallel_loop3A_1365 = arith.index_cast %parallel_loop3A_1320 : i32 to index
        %parallel_loop3A_1366 = arith.constant 48 : index
        %parallel_loop3A_1367 = tpu.vector_load %arg18[%parallel_loop3A_1364, %parallel_loop3A_1365, %parallel_loop3A_1366] {strides = array<i32>} : memref<3x64x128xf32, #tpu.memory_space<vmem>>, vector<16xf32>,
        %parallel_loop3A_1368 = arith.mulf %parallel_loop3A_1367, %parallel_loop3A_1329 : vector<16xf32>
        %parallel_loop3A_1369 = arith.constant 1 : i32
        %parallel_loop3A_1370 = arith.index_cast %parallel_loop3A_1369 : i32 to index
        %parallel_loop3A_1371 = arith.index_cast %parallel_loop3A_1320 : i32 to index
        %parallel_loop3A_1372 = arith.constant 48 : index
        %parallel_loop3A_1373 = tpu.vector_load %arg18[%parallel_loop3A_1370, %parallel_loop3A_1371, %parallel_loop3A_1372] {strides = array<i32>} : memref<3x64x128xf32, #tpu.memory_space<vmem>>, vector<16xf32>,
        tpu.vector_store %arg18[%parallel_loop3A_1370, %parallel_loop3A_1371, %parallel_loop3A_1372], %parallel_loop3A_1368 {strides = array<i32>} : memref<3x64x128xf32, #tpu.memory_space<vmem>>, vector<16xf32>,
        %parallel_loop3A_1374 = arith.constant 1 : i32
        %parallel_loop3A_1375 = arith.index_cast %parallel_loop3A_1374 : i32 to index
        %parallel_loop3A_1376 = arith.index_cast %parallel_loop3A_1320 : i32 to index
        %parallel_loop3A_1377 = arith.constant 64 : index
        %parallel_loop3A_1378 = tpu.vector_load %arg18[%parallel_loop3A_1375, %parallel_loop3A_1376, %parallel_loop3A_1377] {strides = array<i32>} : memref<3x64x128xf32, #tpu.memory_space<vmem>>, vector<16xf32>,
        %parallel_loop3A_1379 = arith.mulf %parallel_loop3A_1378, %parallel_loop3A_1329 : vector<16xf32>
        %parallel_loop3A_1380 = arith.constant 1 : i32
        %parallel_loop3A_1381 = arith.index_cast %parallel_loop3A_1380 : i32 to index
        %parallel_loop3A_1382 = arith.index_cast %parallel_loop3A_1320 : i32 to index
        %parallel_loop3A_1383 = arith.constant 64 : index
        %parallel_loop3A_1384 = tpu.vector_load %arg18[%parallel_loop3A_1381, %parallel_loop3A_1382, %parallel_loop3A_1383] {strides = array<i32>} : memref<3x64x128xf32, #tpu.memory_space<vmem>>, vector<16xf32>,
        tpu.vector_store %arg18[%parallel_loop3A_1381, %parallel_loop3A_1382, %parallel_loop3A_1383], %parallel_loop3A_1379 {strides = array<i32>} : memref<3x64x128xf32, #tpu.memory_space<vmem>>, vector<16xf32>,
        %parallel_loop3A_1385 = arith.constant 1 : i32
        %parallel_loop3A_1386 = arith.index_cast %parallel_loop3A_1385 : i32 to index
        %parallel_loop3A_1387 = arith.index_cast %parallel_loop3A_1320 : i32 to index
        %parallel_loop3A_1388 = arith.constant 80 : index
        %parallel_loop3A_1389 = tpu.vector_load %arg18[%parallel_loop3A_1386, %parallel_loop3A_1387, %parallel_loop3A_1388] {strides = array<i32>} : memref<3x64x128xf32, #tpu.memory_space<vmem>>, vector<16xf32>,
        %parallel_loop3A_1390 = arith.mulf %parallel_loop3A_1389, %parallel_loop3A_1329 : vector<16xf32>
        %parallel_loop3A_1391 = arith.constant 1 : i32
        %parallel_loop3A_1392 = arith.index_cast %parallel_loop3A_1391 : i32 to index
        %parallel_loop3A_1393 = arith.index_cast %parallel_loop3A_1320 : i32 to index
        %parallel_loop3A_1394 = arith.constant 80 : index
        %parallel_loop3A_1395 = tpu.vector_load %arg18[%parallel_loop3A_1392, %parallel_loop3A_1393, %parallel_loop3A_1394] {strides = array<i32>} : memref<3x64x128xf32, #tpu.memory_space<vmem>>, vector<16xf32>,
        tpu.vector_store %arg18[%parallel_loop3A_1392, %parallel_loop3A_1393, %parallel_loop3A_1394], %parallel_loop3A_1390 {strides = array<i32>} : memref<3x64x128xf32, #tpu.memory_space<vmem>>, vector<16xf32>,
        %parallel_loop3A_1396 = arith.constant 1 : i32
        %parallel_loop3A_1397 = arith.index_cast %parallel_loop3A_1396 : i32 to index
        %parallel_loop3A_1398 = arith.index_cast %parallel_loop3A_1320 : i32 to index
        %parallel_loop3A_1399 = arith.constant 96 : index
        %parallel_loop3A_1400 = tpu.vector_load %arg18[%parallel_loop3A_1397, %parallel_loop3A_1398, %parallel_loop3A_1399] {strides = array<i32>} : memref<3x64x128xf32, #tpu.memory_space<vmem>>, vector<16xf32>,
        %parallel_loop3A_1401 = arith.mulf %parallel_loop3A_1400, %parallel_loop3A_1329 : vector<16xf32>
        %parallel_loop3A_1402 = arith.constant 1 : i32
        %parallel_loop3A_1403 = arith.index_cast %parallel_loop3A_1402 : i32 to index
        %parallel_loop3A_1404 = arith.index_cast %parallel_loop3A_1320 : i32 to index
        %parallel_loop3A_1405 = arith.constant 96 : index
        %parallel_loop3A_1406 = tpu.vector_load %arg18[%parallel_loop3A_1403, %parallel_loop3A_1404, %parallel_loop3A_1405] {strides = array<i32>} : memref<3x64x128xf32, #tpu.memory_space<vmem>>, vector<16xf32>,
        tpu.vector_store %arg18[%parallel_loop3A_1403, %parallel_loop3A_1404, %parallel_loop3A_1405], %parallel_loop3A_1401 {strides = array<i32>} : memref<3x64x128xf32, #tpu.memory_space<vmem>>, vector<16xf32>,
        %parallel_loop3A_1407 = arith.constant 1 : i32
        %parallel_loop3A_1408 = arith.index_cast %parallel_loop3A_1407 : i32 to index
        %parallel_loop3A_1409 = arith.index_cast %parallel_loop3A_1320 : i32 to index
        %parallel_loop3A_1410 = arith.constant 112 : index
        %parallel_loop3A_1411 = tpu.vector_load %arg18[%parallel_loop3A_1408, %parallel_loop3A_1409, %parallel_loop3A_1410] {strides = array<i32>} : memref<3x64x128xf32, #tpu.memory_space<vmem>>, vector<16xf32>,
        %parallel_loop3A_1412 = arith.mulf %parallel_loop3A_1411, %parallel_loop3A_1329 : vector<16xf32>
        %parallel_loop3A_1413 = arith.constant 1 : i32
        %parallel_loop3A_1414 = arith.index_cast %parallel_loop3A_1413 : i32 to index
        %parallel_loop3A_1415 = arith.index_cast %parallel_loop3A_1320 : i32 to index
        %parallel_loop3A_1416 = arith.constant 112 : index
        %parallel_loop3A_1417 = tpu.vector_load %arg18[%parallel_loop3A_1414, %parallel_loop3A_1415, %parallel_loop3A_1416] {strides = array<i32>} : memref<3x64x128xf32, #tpu.memory_space<vmem>>, vector<16xf32>,
        tpu.vector_store %arg18[%parallel_loop3A_1414, %parallel_loop3A_1415, %parallel_loop3A_1416], %parallel_loop3A_1412 {strides = array<i32>} : memref<3x64x128xf32, #tpu.memory_space<vmem>>, vector<16xf32>,
      } {sc.loop_unroll_factor = 2 : i64, sc.parallel_access}
      %dma_start3A_1187 = arith.constant 1 : i32
      %dma_start3A_1188 = arith.constant 1 : i32
      %dma_start3A_1189 = arith.constant 1 : i32
      %dma_start3A_1190 = arith.constant 0 : i32
      %dma_start3A_1191 = arith.constant 0 : i32
      %dma_start3A_1192 = tpu.memref_slice %arg18[%dma_start3A_1187, %dma_start3A_1190, %dma_start3A_1191] : memref<3x64x128xf32, #tpu.memory_space<vmem>> -> memref<1x64x128xf32, #tpu.memory_space<vmem>>
      %dma_start3A_1193 = tpu.memref_squeeze %dma_start3A_1192 : memref<1x64x128xf32, #tpu.memory_space<vmem>> -> memref<64x128xf32, #tpu.memory_space<vmem>>
      %dma_start3A_1194 = arith.constant 0 : i32
      %dma_start3A_1195 = tpu.memref_slice %arg15[%dma_start3A_1188, %dma_start3A_1194] : memref<3x64xi32, #tpu.memory_space<vmem>> -> memref<1x64xi32, #tpu.memory_space<vmem>>
      %dma_start3A_1196 = tpu.memref_squeeze %dma_start3A_1195 : memref<1x64xi32, #tpu.memory_space<vmem>> -> memref<64xi32, #tpu.memory_space<vmem>>
      %dma_start3A_1197 = arith.constant 0 : i32
      %dma_start3A_1198 = arith.constant 0 : i32
      %dma_start3A_1199 = tpu.memref_slice %arg10[%dma_start3A_1197, %dma_start3A_1198] : memref<10000x128xf32, #tpu.memory_space<vmem_shared>> -> memref<10000x128xf32, #tpu.memory_space<vmem_shared>>
      %dma_start3A_1200 = tpu.memref_slice %arg23[%dma_start3A_1189] : memref<3x!tpu.dma_semaphore, #tpu.memory_space<semaphore_mem>> -> memref<1x!tpu.dma_semaphore, #tpu.memory_space<semaphore_mem>>
      %dma_start3A_1201 = tpu.memref_squeeze %dma_start3A_1200 : memref<1x!tpu.dma_semaphore, #tpu.memory_space<semaphore_mem>> -> memref<!tpu.dma_semaphore, #tpu.memory_space<semaphore_mem>>
      tpu.enqueue_indirect_dma source(%dma_start3A_1193 : memref<64x128xf32, #tpu.memory_space<vmem>>) target(%dma_start3A_1199 : memref<10000x128xf32, #tpu.memory_space<vmem_shared>>) offsets(%dma_start3A_1196 : memref<64xi32, #tpu.memory_space<vmem>>) semaphore(%dma_start3A_1201 : memref<!tpu.dma_semaphore, #tpu.memory_space<semaphore_mem>>) {add = true}
      %dma_wait3A_1202 = arith.constant 0 : i32
      %dma_wait3A_1203 = arith.constant 0 : i32
      %dma_wait3A_1204 = arith.constant 0 : i32
      %dma_wait3A_1205 = arith.constant 0 : i32
      %dma_wait3A_1206 = arith.constant 0 : i32
      %dma_wait3A_1207 = tpu.memref_slice %arg18[%dma_wait3A_1202, %dma_wait3A_1205, %dma_wait3A_1206] : memref<3x64x128xf32, #tpu.memory_space<vmem>> -> memref<1x64x128xf32, #tpu.memory_space<vmem>>
      %dma_wait3A_1208 = tpu.memref_squeeze %dma_wait3A_1207 : memref<1x64x128xf32, #tpu.memory_space<vmem>> -> memref<64x128xf32, #tpu.memory_space<vmem>>
      %dma_wait3A_1209 = arith.constant 0 : i32
      %dma_wait3A_1210 = tpu.memref_slice %arg15[%dma_wait3A_1203, %dma_wait3A_1209] : memref<3x64xi32, #tpu.memory_space<vmem>> -> memref<1x64xi32, #tpu.memory_space<vmem>>
      %dma_wait3A_1211 = tpu.memref_squeeze %dma_wait3A_1210 : memref<1x64xi32, #tpu.memory_space<vmem>> -> memref<64xi32, #tpu.memory_space<vmem>>
      %dma_wait3A_1212 = arith.constant 0 : i32
      %dma_wait3A_1213 = arith.constant 0 : i32
      %dma_wait3A_1214 = tpu.memref_slice %arg10[%dma_wait3A_1212, %dma_wait3A_1213] : memref<10000x128xf32, #tpu.memory_space<vmem_shared>> -> memref<10000x128xf32, #tpu.memory_space<vmem_shared>>
      %dma_wait3A_1215 = tpu.memref_slice %arg23[%dma_wait3A_1204] : memref<3x!tpu.dma_semaphore, #tpu.memory_space<semaphore_mem>> -> memref<1x!tpu.dma_semaphore, #tpu.memory_space<semaphore_mem>>
      %dma_wait3A_1216 = tpu.memref_squeeze %dma_wait3A_1215 : memref<1x!tpu.dma_semaphore, #tpu.memory_space<semaphore_mem>> -> memref<!tpu.dma_semaphore, #tpu.memory_space<semaphore_mem>>
      tpu.wait_indirect_dma semaphore(%dma_wait3A_1216 : memref<!tpu.dma_semaphore, #tpu.memory_space<semaphore_mem>>) src(%dma_wait3A_1208 : memref<64x128xf32, #tpu.memory_space<vmem>>) dst(%dma_wait3A_1214 : memref<10000x128xf32, #tpu.memory_space<vmem_shared>>)
      %dma_wait3A_1217 = arith.constant 0 : i32
      %dma_wait3A_1218 = arith.constant 0 : i32
      %dma_wait3A_1219 = arith.constant 0 : i32
      %dma_wait3A_1220 = arith.constant 0 : i32
      %dma_wait3A_1221 = tpu.memref_slice %arg17[%dma_wait3A_1217, %dma_wait3A_1220] : memref<3x64xf32, #tpu.memory_space<vmem>> -> memref<1x64xf32, #tpu.memory_space<vmem>>
      %dma_wait3A_1222 = tpu.memref_squeeze %dma_wait3A_1221 : memref<1x64xf32, #tpu.memory_space<vmem>> -> memref<64xf32, #tpu.memory_space<vmem>>
      %dma_wait3A_1223 = arith.constant 0 : i32
      %dma_wait3A_1224 = tpu.memref_slice %arg15[%dma_wait3A_1218, %dma_wait3A_1223] : memref<3x64xi32, #tpu.memory_space<vmem>> -> memref<1x64xi32, #tpu.memory_space<vmem>>
      %dma_wait3A_1225 = tpu.memref_squeeze %dma_wait3A_1224 : memref<1x64xi32, #tpu.memory_space<vmem>> -> memref<64xi32, #tpu.memory_space<vmem>>
      %dma_wait3A_1226 = arith.constant 0 : i32
      %dma_wait3A_1227 = tpu.memref_slice %arg11[%dma_wait3A_1226] : memref<10000xf32, #tpu.memory_space<vmem_shared>> -> memref<10000xf32, #tpu.memory_space<vmem_shared>>
      %dma_wait3A_1228 = tpu.memref_slice %arg21[%dma_wait3A_1219] : memref<3x!tpu.dma_semaphore, #tpu.memory_space<semaphore_mem>> -> memref<1x!tpu.dma_semaphore, #tpu.memory_space<semaphore_mem>>
      %dma_wait3A_1229 = tpu.memref_squeeze %dma_wait3A_1228 : memref<1x!tpu.dma_semaphore, #tpu.memory_space<semaphore_mem>> -> memref<!tpu.dma_semaphore, #tpu.memory_space<semaphore_mem>>
      tpu.wait_indirect_dma semaphore(%dma_wait3A_1229 : memref<!tpu.dma_semaphore, #tpu.memory_space<semaphore_mem>>) src(%dma_wait3A_1222 : memref<64xf32, #tpu.memory_space<vmem>>) dst(%dma_wait3A_1227 : memref<10000xf32, #tpu.memory_space<vmem_shared>>)
      %add3A_1230 = arith.constant 1 : i32
      %add3A_1231 = arith.addi %scan3A_956, %add3A_1230 : i32
      %lt3A_1232 = arith.constant 53 : i32
      %lt3A_1233 = arith.cmpi slt, %add3A_1231, %lt3A_1232 : i32
      %convert_element_type3A_1234 = arith.extui %lt3A_1233 : i1 to i32
      %cond3A_1235 = arith.constant 0 : i32
      %cond3A_1236 = arith.cmpi ne, %convert_element_type3A_1234, %cond3A_1235 : i32
      scf.if %cond3A_1236 {
        %add3A_1320 = arith.constant 3 : i32
        %add3A_1321 = arith.addi %mul3A_959, %add3A_1320 : i32
        %mul3A_1322 = arith.constant 2 : i32
        %mul3A_1323 = arith.muli %add3A_1321, %mul3A_1322 : i32
        %mul3A_1324 = arith.constant 64 : i32
        %mul3A_1325 = arith.muli %mul3A_1323, %mul3A_1324 : i32
        %add3A_1326 = arith.addi %mul3A_509, %mul3A_1325 : i32
        %dma_wait3A_1327 = arith.constant 0 : i32
        %dma_wait3A_1328 = arith.constant 0 : i32
        %dma_wait3A_1329 = arith.constant 0 : i32
        %dma_wait3A_1330 = tpu.memref_slice %arg14[%dma_wait3A_1327, %dma_wait3A_1329] : memref<3x128xi32, #tpu.memory_space<vmem>> -> memref<1x128xi32, #tpu.memory_space<vmem>>
        %dma_wait3A_1331 = tpu.memref_squeeze %dma_wait3A_1330 : memref<1x128xi32, #tpu.memory_space<vmem>> -> memref<128xi32, #tpu.memory_space<vmem>>
        %dma_wait3A_1332 = tpu.memref_slice %arg6[%add3A_1326] : memref<325632xi32, #tpu.memory_space<hbm>> -> memref<128xi32, #tpu.memory_space<hbm>>
        %dma_wait3A_1333 = tpu.memref_slice %arg20[%dma_wait3A_1328] : memref<3x!tpu.dma_semaphore, #tpu.memory_space<semaphore_mem>> -> memref<1x!tpu.dma_semaphore, #tpu.memory_space<semaphore_mem>>
        %dma_wait3A_1334 = tpu.memref_squeeze %dma_wait3A_1333 : memref<1x!tpu.dma_semaphore, #tpu.memory_space<semaphore_mem>> -> memref<!tpu.dma_semaphore, #tpu.memory_space<semaphore_mem>>
        %dma_wait3A_1335 = arith.constant 0 : i32
        %dma_wait3A_1336 = tpu.memref_slice %arg14[%dma_wait3A_1327, %dma_wait3A_1335] : memref<3x128xi32, #tpu.memory_space<vmem>> -> memref<1x128xi32, #tpu.memory_space<vmem>>
        %dma_wait3A_1337 = tpu.memref_squeeze %dma_wait3A_1336 : memref<1x128xi32, #tpu.memory_space<vmem>> -> memref<128xi32, #tpu.memory_space<vmem>>
        %dma_wait3A_1338 = tpu.memref_slice %arg6[%add3A_1326] : memref<325632xi32, #tpu.memory_space<hbm>> -> memref<128xi32, #tpu.memory_space<hbm>>
        tpu.wait_dma2 semaphore(%dma_wait3A_1334 : memref<!tpu.dma_semaphore, #tpu.memory_space<semaphore_mem>>) src(%dma_wait3A_1338 : memref<128xi32, #tpu.memory_space<hbm>>) dst(%dma_wait3A_1337 : memref<128xi32, #tpu.memory_space<vmem>>)
        %get3A_1339 = arith.constant 0 : i32
        %get3A_1340 = arith.index_cast %get3A_1339 : i32 to index
        %get3A_1341 = arith.constant 0 : index
        %get3A_1342 = tpu.vector_load %arg14[%get3A_1340, %get3A_1341] {strides = array<i32>} : memref<3x128xi32, #tpu.memory_space<vmem>>, vector<16xi32>,
        %get3A_1343 = arith.constant 0 : i32
        %get3A_1344 = arith.index_cast %get3A_1343 : i32 to index
        %get3A_1345 = arith.constant 64 : index
        %get3A_1346 = tpu.vector_load %arg14[%get3A_1344, %get3A_1345] {strides = array<i32>} : memref<3x128xi32, #tpu.memory_space<vmem>>, vector<16xi32>,
        %gather3A_1347 = tpu.vector_load_idx %arg12[%get3A_1342] : memref<10000xf32, #tpu.memory_space<vmem>>[vector<16xi32>], vector<16xf32>,
        %gather3A_1348 = tpu.vector_load_idx %arg13[%get3A_1346] : memref<10016xf32, #tpu.memory_space<vmem>>[vector<16xi32>], vector<16xf32>,
        %add3A_1349 = arith.addf %gather3A_1347, %gather3A_1348 : vector<16xf32>
        %mul3A_1350 = arith.constant 2.000000e-01 : f32
        %mul3A_1351 = vector.broadcast %mul3A_1350 : f32 to vector<16xf32>
        %mul3A_1352 = arith.mulf %mul3A_1351, %add3A_1349 : vector<16xf32>
        %max3A_1353 = arith.maximumf %add3A_1349, %mul3A_1352 : vector<16xf32>
        %exp3A_1354 = math.exp %max3A_1353 : vector<16xf32>
        %swap3A_1355 = arith.constant 0 : i32
        %swap3A_1356 = arith.index_cast %swap3A_1355 : i32 to index
        %swap3A_1357 = arith.constant 0 : index
        %swap3A_1358 = tpu.vector_load %arg17[%swap3A_1356, %swap3A_1357] {strides = array<i32>} : memref<3x64xf32, #tpu.memory_space<vmem>>, vector<16xf32>,
        tpu.vector_store %arg17[%swap3A_1356, %swap3A_1357], %exp3A_1354 {strides = array<i32>} : memref<3x64xf32, #tpu.memory_space<vmem>>, vector<16xf32>,
        %swap3A_1359 = arith.constant 0 : i32
        %swap3A_1360 = arith.index_cast %swap3A_1359 : i32 to index
        %swap3A_1361 = arith.constant 0 : index
        %swap3A_1362 = tpu.vector_load %arg15[%swap3A_1360, %swap3A_1361] {strides = array<i32>} : memref<3x64xi32, #tpu.memory_space<vmem>>, vector<16xi32>,
        tpu.vector_store %arg15[%swap3A_1360, %swap3A_1361], %get3A_1342 {strides = array<i32>} : memref<3x64xi32, #tpu.memory_space<vmem>>, vector<16xi32>,
        %add3A_1363 = vector.broadcast %mul3A_0 : i32 to vector<16xi32>
        %add3A_1364 = arith.addi %get3A_1346, %add3A_1363 : vector<16xi32>
        %swap3A_1365 = arith.constant 0 : i32
        %swap3A_1366 = arith.index_cast %swap3A_1365 : i32 to index
        %swap3A_1367 = arith.constant 0 : index
        %swap3A_1368 = tpu.vector_load %arg16[%swap3A_1366, %swap3A_1367] {strides = array<i32>} : memref<3x64xi32, #tpu.memory_space<vmem>>, vector<16xi32>,
        tpu.vector_store %arg16[%swap3A_1366, %swap3A_1367], %add3A_1364 {strides = array<i32>} : memref<3x64xi32, #tpu.memory_space<vmem>>, vector<16xi32>,
        %get3A_1369 = arith.constant 0 : i32
        %get3A_1370 = arith.index_cast %get3A_1369 : i32 to index
        %get3A_1371 = arith.constant 16 : index
        %get3A_1372 = tpu.vector_load %arg14[%get3A_1370, %get3A_1371] {strides = array<i32>} : memref<3x128xi32, #tpu.memory_space<vmem>>, vector<16xi32>,
        %get3A_1373 = arith.constant 0 : i32
        %get3A_1374 = arith.index_cast %get3A_1373 : i32 to index
        %get3A_1375 = arith.constant 80 : index
        %get3A_1376 = tpu.vector_load %arg14[%get3A_1374, %get3A_1375] {strides = array<i32>} : memref<3x128xi32, #tpu.memory_space<vmem>>, vector<16xi32>,
        %gather3A_1377 = tpu.vector_load_idx %arg12[%get3A_1372] : memref<10000xf32, #tpu.memory_space<vmem>>[vector<16xi32>], vector<16xf32>,
        %gather3A_1378 = tpu.vector_load_idx %arg13[%get3A_1376] : memref<10016xf32, #tpu.memory_space<vmem>>[vector<16xi32>], vector<16xf32>,
        %add3A_1379 = arith.addf %gather3A_1377, %gather3A_1378 : vector<16xf32>
        %mul3A_1380 = arith.constant 2.000000e-01 : f32
        %mul3A_1381 = vector.broadcast %mul3A_1380 : f32 to vector<16xf32>
        %mul3A_1382 = arith.mulf %mul3A_1381, %add3A_1379 : vector<16xf32>
        %max3A_1383 = arith.maximumf %add3A_1379, %mul3A_1382 : vector<16xf32>
        %exp3A_1384 = math.exp %max3A_1383 : vector<16xf32>
        %swap3A_1385 = arith.constant 0 : i32
        %swap3A_1386 = arith.index_cast %swap3A_1385 : i32 to index
        %swap3A_1387 = arith.constant 16 : index
        %swap3A_1388 = tpu.vector_load %arg17[%swap3A_1386, %swap3A_1387] {strides = array<i32>} : memref<3x64xf32, #tpu.memory_space<vmem>>, vector<16xf32>,
        tpu.vector_store %arg17[%swap3A_1386, %swap3A_1387], %exp3A_1384 {strides = array<i32>} : memref<3x64xf32, #tpu.memory_space<vmem>>, vector<16xf32>,
        %swap3A_1389 = arith.constant 0 : i32
        %swap3A_1390 = arith.index_cast %swap3A_1389 : i32 to index
        %swap3A_1391 = arith.constant 16 : index
        %swap3A_1392 = tpu.vector_load %arg15[%swap3A_1390, %swap3A_1391] {strides = array<i32>} : memref<3x64xi32, #tpu.memory_space<vmem>>, vector<16xi32>,
        tpu.vector_store %arg15[%swap3A_1390, %swap3A_1391], %get3A_1372 {strides = array<i32>} : memref<3x64xi32, #tpu.memory_space<vmem>>, vector<16xi32>,
        %add3A_1393 = vector.broadcast %mul3A_0 : i32 to vector<16xi32>
        %add3A_1394 = arith.addi %get3A_1376, %add3A_1393 : vector<16xi32>
        %swap3A_1395 = arith.constant 0 : i32
        %swap3A_1396 = arith.index_cast %swap3A_1395 : i32 to index
        %swap3A_1397 = arith.constant 16 : index
        %swap3A_1398 = tpu.vector_load %arg16[%swap3A_1396, %swap3A_1397] {strides = array<i32>} : memref<3x64xi32, #tpu.memory_space<vmem>>, vector<16xi32>,
        tpu.vector_store %arg16[%swap3A_1396, %swap3A_1397], %add3A_1394 {strides = array<i32>} : memref<3x64xi32, #tpu.memory_space<vmem>>, vector<16xi32>,
        %get3A_1399 = arith.constant 0 : i32
        %get3A_1400 = arith.index_cast %get3A_1399 : i32 to index
        %get3A_1401 = arith.constant 32 : index
        %get3A_1402 = tpu.vector_load %arg14[%get3A_1400, %get3A_1401] {strides = array<i32>} : memref<3x128xi32, #tpu.memory_space<vmem>>, vector<16xi32>,
        %get3A_1403 = arith.constant 0 : i32
        %get3A_1404 = arith.index_cast %get3A_1403 : i32 to index
        %get3A_1405 = arith.constant 96 : index
        %get3A_1406 = tpu.vector_load %arg14[%get3A_1404, %get3A_1405] {strides = array<i32>} : memref<3x128xi32, #tpu.memory_space<vmem>>, vector<16xi32>,
        %gather3A_1407 = tpu.vector_load_idx %arg12[%get3A_1402] : memref<10000xf32, #tpu.memory_space<vmem>>[vector<16xi32>], vector<16xf32>,
        %gather3A_1408 = tpu.vector_load_idx %arg13[%get3A_1406] : memref<10016xf32, #tpu.memory_space<vmem>>[vector<16xi32>], vector<16xf32>,
        %add3A_1409 = arith.addf %gather3A_1407, %gather3A_1408 : vector<16xf32>
        %mul3A_1410 = arith.constant 2.000000e-01 : f32
        %mul3A_1411 = vector.broadcast %mul3A_1410 : f32 to vector<16xf32>
        %mul3A_1412 = arith.mulf %mul3A_1411, %add3A_1409 : vector<16xf32>
        %max3A_1413 = arith.maximumf %add3A_1409, %mul3A_1412 : vector<16xf32>
        %exp3A_1414 = math.exp %max3A_1413 : vector<16xf32>
        %swap3A_1415 = arith.constant 0 : i32
        %swap3A_1416 = arith.index_cast %swap3A_1415 : i32 to index
        %swap3A_1417 = arith.constant 32 : index
        %swap3A_1418 = tpu.vector_load %arg17[%swap3A_1416, %swap3A_1417] {strides = array<i32>} : memref<3x64xf32, #tpu.memory_space<vmem>>, vector<16xf32>,
        tpu.vector_store %arg17[%swap3A_1416, %swap3A_1417], %exp3A_1414 {strides = array<i32>} : memref<3x64xf32, #tpu.memory_space<vmem>>, vector<16xf32>,
        %swap3A_1419 = arith.constant 0 : i32
        %swap3A_1420 = arith.index_cast %swap3A_1419 : i32 to index
        %swap3A_1421 = arith.constant 32 : index
        %swap3A_1422 = tpu.vector_load %arg15[%swap3A_1420, %swap3A_1421] {strides = array<i32>} : memref<3x64xi32, #tpu.memory_space<vmem>>, vector<16xi32>,
        tpu.vector_store %arg15[%swap3A_1420, %swap3A_1421], %get3A_1402 {strides = array<i32>} : memref<3x64xi32, #tpu.memory_space<vmem>>, vector<16xi32>,
        %add3A_1423 = vector.broadcast %mul3A_0 : i32 to vector<16xi32>
        %add3A_1424 = arith.addi %get3A_1406, %add3A_1423 : vector<16xi32>
        %swap3A_1425 = arith.constant 0 : i32
        %swap3A_1426 = arith.index_cast %swap3A_1425 : i32 to index
        %swap3A_1427 = arith.constant 32 : index
        %swap3A_1428 = tpu.vector_load %arg16[%swap3A_1426, %swap3A_1427] {strides = array<i32>} : memref<3x64xi32, #tpu.memory_space<vmem>>, vector<16xi32>,
        tpu.vector_store %arg16[%swap3A_1426, %swap3A_1427], %add3A_1424 {strides = array<i32>} : memref<3x64xi32, #tpu.memory_space<vmem>>, vector<16xi32>,
        %get3A_1429 = arith.constant 0 : i32
        %get3A_1430 = arith.index_cast %get3A_1429 : i32 to index
        %get3A_1431 = arith.constant 48 : index
        %get3A_1432 = tpu.vector_load %arg14[%get3A_1430, %get3A_1431] {strides = array<i32>} : memref<3x128xi32, #tpu.memory_space<vmem>>, vector<16xi32>,
        %get3A_1433 = arith.constant 0 : i32
        %get3A_1434 = arith.index_cast %get3A_1433 : i32 to index
        %get3A_1435 = arith.constant 112 : index
        %get3A_1436 = tpu.vector_load %arg14[%get3A_1434, %get3A_1435] {strides = array<i32>} : memref<3x128xi32, #tpu.memory_space<vmem>>, vector<16xi32>,
        %gather3A_1437 = tpu.vector_load_idx %arg12[%get3A_1432] : memref<10000xf32, #tpu.memory_space<vmem>>[vector<16xi32>], vector<16xf32>,
        %gather3A_1438 = tpu.vector_load_idx %arg13[%get3A_1436] : memref<10016xf32, #tpu.memory_space<vmem>>[vector<16xi32>], vector<16xf32>,
        %add3A_1439 = arith.addf %gather3A_1437, %gather3A_1438 : vector<16xf32>
        %mul3A_1440 = arith.constant 2.000000e-01 : f32
        %mul3A_1441 = vector.broadcast %mul3A_1440 : f32 to vector<16xf32>
        %mul3A_1442 = arith.mulf %mul3A_1441, %add3A_1439 : vector<16xf32>
        %max3A_1443 = arith.maximumf %add3A_1439, %mul3A_1442 : vector<16xf32>
        %exp3A_1444 = math.exp %max3A_1443 : vector<16xf32>
        %swap3A_1445 = arith.constant 0 : i32
        %swap3A_1446 = arith.index_cast %swap3A_1445 : i32 to index
        %swap3A_1447 = arith.constant 48 : index
        %swap3A_1448 = tpu.vector_load %arg17[%swap3A_1446, %swap3A_1447] {strides = array<i32>} : memref<3x64xf32, #tpu.memory_space<vmem>>, vector<16xf32>,
        tpu.vector_store %arg17[%swap3A_1446, %swap3A_1447], %exp3A_1444 {strides = array<i32>} : memref<3x64xf32, #tpu.memory_space<vmem>>, vector<16xf32>,
        %swap3A_1449 = arith.constant 0 : i32
        %swap3A_1450 = arith.index_cast %swap3A_1449 : i32 to index
        %swap3A_1451 = arith.constant 48 : index
        %swap3A_1452 = tpu.vector_load %arg15[%swap3A_1450, %swap3A_1451] {strides = array<i32>} : memref<3x64xi32, #tpu.memory_space<vmem>>, vector<16xi32>,
        tpu.vector_store %arg15[%swap3A_1450, %swap3A_1451], %get3A_1432 {strides = array<i32>} : memref<3x64xi32, #tpu.memory_space<vmem>>, vector<16xi32>,
        %add3A_1453 = vector.broadcast %mul3A_0 : i32 to vector<16xi32>
        %add3A_1454 = arith.addi %get3A_1436, %add3A_1453 : vector<16xi32>
        %swap3A_1455 = arith.constant 0 : i32
        %swap3A_1456 = arith.index_cast %swap3A_1455 : i32 to index
        %swap3A_1457 = arith.constant 48 : index
        %swap3A_1458 = tpu.vector_load %arg16[%swap3A_1456, %swap3A_1457] {strides = array<i32>} : memref<3x64xi32, #tpu.memory_space<vmem>>, vector<16xi32>,
        tpu.vector_store %arg16[%swap3A_1456, %swap3A_1457], %add3A_1454 {strides = array<i32>} : memref<3x64xi32, #tpu.memory_space<vmem>>, vector<16xi32>,
        %dma_start3A_1459 = arith.constant 0 : i32
        %dma_start3A_1460 = arith.constant 0 : i32
        %dma_start3A_1461 = arith.constant 0 : i32
        %dma_start3A_1462 = arith.constant 0 : i32
        %dma_start3A_1463 = arith.constant 0 : i32
        %dma_start3A_1464 = tpu.memref_slice %arg18[%dma_start3A_1460, %dma_start3A_1462, %dma_start3A_1463] : memref<3x64x128xf32, #tpu.memory_space<vmem>> -> memref<1x64x128xf32, #tpu.memory_space<vmem>>
        %dma_start3A_1465 = tpu.memref_squeeze %dma_start3A_1464 : memref<1x64x128xf32, #tpu.memory_space<vmem>> -> memref<64x128xf32, #tpu.memory_space<vmem>>
        %dma_start3A_1466 = arith.constant 0 : i32
        %dma_start3A_1467 = tpu.memref_slice %arg16[%dma_start3A_1459, %dma_start3A_1466] : memref<3x64xi32, #tpu.memory_space<vmem>> -> memref<1x64xi32, #tpu.memory_space<vmem>>
        %dma_start3A_1468 = tpu.memref_squeeze %dma_start3A_1467 : memref<1x64xi32, #tpu.memory_space<vmem>> -> memref<64xi32, #tpu.memory_space<vmem>>
        %dma_start3A_1469 = arith.constant 0 : i32
        %dma_start3A_1470 = arith.constant 0 : i32
        %dma_start3A_1471 = tpu.memref_slice %arg3[%dma_start3A_1469, %dma_start3A_1470] : memref<20480x128xf32, #tpu.memory_space<hbm>> -> memref<20480x128xf32, #tpu.memory_space<hbm>>
        %dma_start3A_1472 = tpu.memref_slice %arg22[%dma_start3A_1461] : memref<3x!tpu.dma_semaphore, #tpu.memory_space<semaphore_mem>> -> memref<1x!tpu.dma_semaphore, #tpu.memory_space<semaphore_mem>>
        %dma_start3A_1473 = tpu.memref_squeeze %dma_start3A_1472 : memref<1x!tpu.dma_semaphore, #tpu.memory_space<semaphore_mem>> -> memref<!tpu.dma_semaphore, #tpu.memory_space<semaphore_mem>>
        tpu.enqueue_indirect_dma source(%dma_start3A_1471 : memref<20480x128xf32, #tpu.memory_space<hbm>>) target(%dma_start3A_1465 : memref<64x128xf32, #tpu.memory_space<vmem>>) offsets(%dma_start3A_1468 : memref<64xi32, #tpu.memory_space<vmem>>) semaphore(%dma_start3A_1473 : memref<!tpu.dma_semaphore, #tpu.memory_space<semaphore_mem>>)
        %dma_start3A_1474 = arith.constant 0 : i32
        %dma_start3A_1475 = arith.constant 0 : i32
        %dma_start3A_1476 = arith.constant 0 : i32
        %dma_start3A_1477 = arith.constant 0 : i32
        %dma_start3A_1478 = tpu.memref_slice %arg17[%dma_start3A_1474, %dma_start3A_1477] : memref<3x64xf32, #tpu.memory_space<vmem>> -> memref<1x64xf32, #tpu.memory_space<vmem>>
        %dma_start3A_1479 = tpu.memref_squeeze %dma_start3A_1478 : memref<1x64xf32, #tpu.memory_space<vmem>> -> memref<64xf32, #tpu.memory_space<vmem>>
        %dma_start3A_1480 = arith.constant 0 : i32
        %dma_start3A_1481 = tpu.memref_slice %arg15[%dma_start3A_1475, %dma_start3A_1480] : memref<3x64xi32, #tpu.memory_space<vmem>> -> memref<1x64xi32, #tpu.memory_space<vmem>>
        %dma_start3A_1482 = tpu.memref_squeeze %dma_start3A_1481 : memref<1x64xi32, #tpu.memory_space<vmem>> -> memref<64xi32, #tpu.memory_space<vmem>>
        %dma_start3A_1483 = arith.constant 0 : i32
        %dma_start3A_1484 = tpu.memref_slice %arg11[%dma_start3A_1483] : memref<10000xf32, #tpu.memory_space<vmem_shared>> -> memref<10000xf32, #tpu.memory_space<vmem_shared>>
        %dma_start3A_1485 = tpu.memref_slice %arg21[%dma_start3A_1476] : memref<3x!tpu.dma_semaphore, #tpu.memory_space<semaphore_mem>> -> memref<1x!tpu.dma_semaphore, #tpu.memory_space<semaphore_mem>>
        %dma_start3A_1486 = tpu.memref_squeeze %dma_start3A_1485 : memref<1x!tpu.dma_semaphore, #tpu.memory_space<semaphore_mem>> -> memref<!tpu.dma_semaphore, #tpu.memory_space<semaphore_mem>>
        tpu.enqueue_indirect_dma source(%dma_start3A_1479 : memref<64xf32, #tpu.memory_space<vmem>>) target(%dma_start3A_1484 : memref<10000xf32, #tpu.memory_space<vmem_shared>>) offsets(%dma_start3A_1482 : memref<64xi32, #tpu.memory_space<vmem>>) semaphore(%dma_start3A_1486 : memref<!tpu.dma_semaphore, #tpu.memory_space<semaphore_mem>>) {add = true}
      } else {
      }
      %add3A_1237 = arith.constant 2 : i32
      %add3A_1238 = arith.addi %scan3A_956, %add3A_1237 : i32
      %lt3A_1239 = arith.constant 53 : i32
      %lt3A_1240 = arith.cmpi slt, %add3A_1238, %lt3A_1239 : i32
      %convert_element_type3A_1241 = arith.extui %lt3A_1240 : i1 to i32
      %cond3A_1242 = arith.constant 0 : i32
      %cond3A_1243 = arith.cmpi ne, %convert_element_type3A_1241, %cond3A_1242 : i32
      scf.if %cond3A_1243 {
        %add3A_1320 = arith.constant 6 : i32
        %add3A_1321 = arith.addi %mul3A_959, %add3A_1320 : i32
        %mul3A_1322 = arith.constant 2 : i32
        %mul3A_1323 = arith.muli %add3A_1321, %mul3A_1322 : i32
        %mul3A_1324 = arith.constant 64 : i32
        %mul3A_1325 = arith.muli %mul3A_1323, %mul3A_1324 : i32
        %add3A_1326 = arith.addi %mul3A_509, %mul3A_1325 : i32
        %dma_start3A_1327 = arith.constant 0 : i32
        %dma_start3A_1328 = arith.constant 0 : i32
        %dma_start3A_1329 = arith.constant 0 : i32
        %dma_start3A_1330 = tpu.memref_slice %arg14[%dma_start3A_1327, %dma_start3A_1329] : memref<3x128xi32, #tpu.memory_space<vmem>> -> memref<1x128xi32, #tpu.memory_space<vmem>>
        %dma_start3A_1331 = tpu.memref_squeeze %dma_start3A_1330 : memref<1x128xi32, #tpu.memory_space<vmem>> -> memref<128xi32, #tpu.memory_space<vmem>>
        %dma_start3A_1332 = tpu.memref_slice %arg6[%add3A_1326] : memref<325632xi32, #tpu.memory_space<hbm>> -> memref<128xi32, #tpu.memory_space<hbm>>
        %dma_start3A_1333 = tpu.memref_slice %arg20[%dma_start3A_1328] : memref<3x!tpu.dma_semaphore, #tpu.memory_space<semaphore_mem>> -> memref<1x!tpu.dma_semaphore, #tpu.memory_space<semaphore_mem>>
        %dma_start3A_1334 = tpu.memref_squeeze %dma_start3A_1333 : memref<1x!tpu.dma_semaphore, #tpu.memory_space<semaphore_mem>> -> memref<!tpu.dma_semaphore, #tpu.memory_space<semaphore_mem>>
        %dma_start3A_1335 = arith.constant 0 : i32
        %dma_start3A_1336 = tpu.memref_slice %arg14[%dma_start3A_1327, %dma_start3A_1335] : memref<3x128xi32, #tpu.memory_space<vmem>> -> memref<1x128xi32, #tpu.memory_space<vmem>>
        %dma_start3A_1337 = tpu.memref_squeeze %dma_start3A_1336 : memref<1x128xi32, #tpu.memory_space<vmem>> -> memref<128xi32, #tpu.memory_space<vmem>>
        %dma_start3A_1338 = tpu.memref_slice %arg6[%add3A_1326] : memref<325632xi32, #tpu.memory_space<hbm>> -> memref<128xi32, #tpu.memory_space<hbm>>
        tpu.enqueue_dma source(%dma_start3A_1338 : memref<128xi32, #tpu.memory_space<hbm>>) target(%dma_start3A_1337 : memref<128xi32, #tpu.memory_space<vmem>>) target_semaphore(%dma_start3A_1334 : memref<!tpu.dma_semaphore, #tpu.memory_space<semaphore_mem>>)
      } else {
      }
      %dma_wait3A_1244 = arith.constant 2 : i32
      %dma_wait3A_1245 = arith.constant 2 : i32
      %dma_wait3A_1246 = arith.constant 2 : i32
      %dma_wait3A_1247 = arith.constant 0 : i32
      %dma_wait3A_1248 = arith.constant 0 : i32
      %dma_wait3A_1249 = tpu.memref_slice %arg18[%dma_wait3A_1245, %dma_wait3A_1247, %dma_wait3A_1248] : memref<3x64x128xf32, #tpu.memory_space<vmem>> -> memref<1x64x128xf32, #tpu.memory_space<vmem>>
      %dma_wait3A_1250 = tpu.memref_squeeze %dma_wait3A_1249 : memref<1x64x128xf32, #tpu.memory_space<vmem>> -> memref<64x128xf32, #tpu.memory_space<vmem>>
      %dma_wait3A_1251 = arith.constant 0 : i32
      %dma_wait3A_1252 = tpu.memref_slice %arg16[%dma_wait3A_1244, %dma_wait3A_1251] : memref<3x64xi32, #tpu.memory_space<vmem>> -> memref<1x64xi32, #tpu.memory_space<vmem>>
      %dma_wait3A_1253 = tpu.memref_squeeze %dma_wait3A_1252 : memref<1x64xi32, #tpu.memory_space<vmem>> -> memref<64xi32, #tpu.memory_space<vmem>>
      %dma_wait3A_1254 = arith.constant 0 : i32
      %dma_wait3A_1255 = arith.constant 0 : i32
      %dma_wait3A_1256 = tpu.memref_slice %arg3[%dma_wait3A_1254, %dma_wait3A_1255] : memref<20480x128xf32, #tpu.memory_space<hbm>> -> memref<20480x128xf32, #tpu.memory_space<hbm>>
      %dma_wait3A_1257 = tpu.memref_slice %arg22[%dma_wait3A_1246] : memref<3x!tpu.dma_semaphore, #tpu.memory_space<semaphore_mem>> -> memref<1x!tpu.dma_semaphore, #tpu.memory_space<semaphore_mem>>
      %dma_wait3A_1258 = tpu.memref_squeeze %dma_wait3A_1257 : memref<1x!tpu.dma_semaphore, #tpu.memory_space<semaphore_mem>> -> memref<!tpu.dma_semaphore, #tpu.memory_space<semaphore_mem>>
      tpu.wait_indirect_dma semaphore(%dma_wait3A_1258 : memref<!tpu.dma_semaphore, #tpu.memory_space<semaphore_mem>>) src(%dma_wait3A_1256 : memref<20480x128xf32, #tpu.memory_space<hbm>>) dst(%dma_wait3A_1250 : memref<64x128xf32, #tpu.memory_space<vmem>>)
      %parallel_loop3A_1259 = arith.constant 0 : i32
      %parallel_loop3A_1260 = arith.constant 64 : i32
      %parallel_loop3A_1261 = arith.constant 1 : i32
      scf.for %parallel_loop3A_1320 = %parallel_loop3A_1259 to %parallel_loop3A_1260 step %parallel_loop3A_1261  : i32 {
        %parallel_loop3A_1321 = arith.constant 0 : i32
        %parallel_loop3A_1322 = vector.broadcast %parallel_loop3A_1321 : i32 to vector<16xi32>
        %parallel_loop3A_1323 = vector.broadcast %parallel_loop3A_1320 : i32 to vector<16xi32>
        %parallel_loop3A_1324 = arith.addi %parallel_loop3A_1322, %parallel_loop3A_1323 : vector<16xi32>
        %parallel_loop3A_1325 = arith.constant 2 : i32
        %parallel_loop3A_1326 = arith.constant 0 : i32
        %parallel_loop3A_1327 = tpu.memref_slice %arg17[%parallel_loop3A_1325, %parallel_loop3A_1326] : memref<3x64xf32, #tpu.memory_space<vmem>> -> memref<1x64xf32, #tpu.memory_space<vmem>>
        %parallel_loop3A_1328 = tpu.memref_squeeze %parallel_loop3A_1327 : memref<1x64xf32, #tpu.memory_space<vmem>> -> memref<64xf32, #tpu.memory_space<vmem>>
        %parallel_loop3A_1329 = tpu.vector_load_idx %parallel_loop3A_1328[%parallel_loop3A_1324] : memref<64xf32, #tpu.memory_space<vmem>>[vector<16xi32>], vector<16xf32>,
        %parallel_loop3A_1330 = arith.constant 2 : i32
        %parallel_loop3A_1331 = arith.index_cast %parallel_loop3A_1330 : i32 to index
        %parallel_loop3A_1332 = arith.index_cast %parallel_loop3A_1320 : i32 to index
        %parallel_loop3A_1333 = arith.constant 0 : index
        %parallel_loop3A_1334 = tpu.vector_load %arg18[%parallel_loop3A_1331, %parallel_loop3A_1332, %parallel_loop3A_1333] {strides = array<i32>} : memref<3x64x128xf32, #tpu.memory_space<vmem>>, vector<16xf32>,
        %parallel_loop3A_1335 = arith.mulf %parallel_loop3A_1334, %parallel_loop3A_1329 : vector<16xf32>
        %parallel_loop3A_1336 = arith.constant 2 : i32
        %parallel_loop3A_1337 = arith.index_cast %parallel_loop3A_1336 : i32 to index
        %parallel_loop3A_1338 = arith.index_cast %parallel_loop3A_1320 : i32 to index
        %parallel_loop3A_1339 = arith.constant 0 : index
        %parallel_loop3A_1340 = tpu.vector_load %arg18[%parallel_loop3A_1337, %parallel_loop3A_1338, %parallel_loop3A_1339] {strides = array<i32>} : memref<3x64x128xf32, #tpu.memory_space<vmem>>, vector<16xf32>,
        tpu.vector_store %arg18[%parallel_loop3A_1337, %parallel_loop3A_1338, %parallel_loop3A_1339], %parallel_loop3A_1335 {strides = array<i32>} : memref<3x64x128xf32, #tpu.memory_space<vmem>>, vector<16xf32>,
        %parallel_loop3A_1341 = arith.constant 2 : i32
        %parallel_loop3A_1342 = arith.index_cast %parallel_loop3A_1341 : i32 to index
        %parallel_loop3A_1343 = arith.index_cast %parallel_loop3A_1320 : i32 to index
        %parallel_loop3A_1344 = arith.constant 16 : index
        %parallel_loop3A_1345 = tpu.vector_load %arg18[%parallel_loop3A_1342, %parallel_loop3A_1343, %parallel_loop3A_1344] {strides = array<i32>} : memref<3x64x128xf32, #tpu.memory_space<vmem>>, vector<16xf32>,
        %parallel_loop3A_1346 = arith.mulf %parallel_loop3A_1345, %parallel_loop3A_1329 : vector<16xf32>
        %parallel_loop3A_1347 = arith.constant 2 : i32
        %parallel_loop3A_1348 = arith.index_cast %parallel_loop3A_1347 : i32 to index
        %parallel_loop3A_1349 = arith.index_cast %parallel_loop3A_1320 : i32 to index
        %parallel_loop3A_1350 = arith.constant 16 : index
        %parallel_loop3A_1351 = tpu.vector_load %arg18[%parallel_loop3A_1348, %parallel_loop3A_1349, %parallel_loop3A_1350] {strides = array<i32>} : memref<3x64x128xf32, #tpu.memory_space<vmem>>, vector<16xf32>,
        tpu.vector_store %arg18[%parallel_loop3A_1348, %parallel_loop3A_1349, %parallel_loop3A_1350], %parallel_loop3A_1346 {strides = array<i32>} : memref<3x64x128xf32, #tpu.memory_space<vmem>>, vector<16xf32>,
        %parallel_loop3A_1352 = arith.constant 2 : i32
        %parallel_loop3A_1353 = arith.index_cast %parallel_loop3A_1352 : i32 to index
        %parallel_loop3A_1354 = arith.index_cast %parallel_loop3A_1320 : i32 to index
        %parallel_loop3A_1355 = arith.constant 32 : index
        %parallel_loop3A_1356 = tpu.vector_load %arg18[%parallel_loop3A_1353, %parallel_loop3A_1354, %parallel_loop3A_1355] {strides = array<i32>} : memref<3x64x128xf32, #tpu.memory_space<vmem>>, vector<16xf32>,
        %parallel_loop3A_1357 = arith.mulf %parallel_loop3A_1356, %parallel_loop3A_1329 : vector<16xf32>
        %parallel_loop3A_1358 = arith.constant 2 : i32
        %parallel_loop3A_1359 = arith.index_cast %parallel_loop3A_1358 : i32 to index
        %parallel_loop3A_1360 = arith.index_cast %parallel_loop3A_1320 : i32 to index
        %parallel_loop3A_1361 = arith.constant 32 : index
        %parallel_loop3A_1362 = tpu.vector_load %arg18[%parallel_loop3A_1359, %parallel_loop3A_1360, %parallel_loop3A_1361] {strides = array<i32>} : memref<3x64x128xf32, #tpu.memory_space<vmem>>, vector<16xf32>,
        tpu.vector_store %arg18[%parallel_loop3A_1359, %parallel_loop3A_1360, %parallel_loop3A_1361], %parallel_loop3A_1357 {strides = array<i32>} : memref<3x64x128xf32, #tpu.memory_space<vmem>>, vector<16xf32>,
        %parallel_loop3A_1363 = arith.constant 2 : i32
        %parallel_loop3A_1364 = arith.index_cast %parallel_loop3A_1363 : i32 to index
        %parallel_loop3A_1365 = arith.index_cast %parallel_loop3A_1320 : i32 to index
        %parallel_loop3A_1366 = arith.constant 48 : index
        %parallel_loop3A_1367 = tpu.vector_load %arg18[%parallel_loop3A_1364, %parallel_loop3A_1365, %parallel_loop3A_1366] {strides = array<i32>} : memref<3x64x128xf32, #tpu.memory_space<vmem>>, vector<16xf32>,
        %parallel_loop3A_1368 = arith.mulf %parallel_loop3A_1367, %parallel_loop3A_1329 : vector<16xf32>
        %parallel_loop3A_1369 = arith.constant 2 : i32
        %parallel_loop3A_1370 = arith.index_cast %parallel_loop3A_1369 : i32 to index
        %parallel_loop3A_1371 = arith.index_cast %parallel_loop3A_1320 : i32 to index
        %parallel_loop3A_1372 = arith.constant 48 : index
        %parallel_loop3A_1373 = tpu.vector_load %arg18[%parallel_loop3A_1370, %parallel_loop3A_1371, %parallel_loop3A_1372] {strides = array<i32>} : memref<3x64x128xf32, #tpu.memory_space<vmem>>, vector<16xf32>,
        tpu.vector_store %arg18[%parallel_loop3A_1370, %parallel_loop3A_1371, %parallel_loop3A_1372], %parallel_loop3A_1368 {strides = array<i32>} : memref<3x64x128xf32, #tpu.memory_space<vmem>>, vector<16xf32>,
        %parallel_loop3A_1374 = arith.constant 2 : i32
        %parallel_loop3A_1375 = arith.index_cast %parallel_loop3A_1374 : i32 to index
        %parallel_loop3A_1376 = arith.index_cast %parallel_loop3A_1320 : i32 to index
        %parallel_loop3A_1377 = arith.constant 64 : index
        %parallel_loop3A_1378 = tpu.vector_load %arg18[%parallel_loop3A_1375, %parallel_loop3A_1376, %parallel_loop3A_1377] {strides = array<i32>} : memref<3x64x128xf32, #tpu.memory_space<vmem>>, vector<16xf32>,
        %parallel_loop3A_1379 = arith.mulf %parallel_loop3A_1378, %parallel_loop3A_1329 : vector<16xf32>
        %parallel_loop3A_1380 = arith.constant 2 : i32
        %parallel_loop3A_1381 = arith.index_cast %parallel_loop3A_1380 : i32 to index
        %parallel_loop3A_1382 = arith.index_cast %parallel_loop3A_1320 : i32 to index
        %parallel_loop3A_1383 = arith.constant 64 : index
        %parallel_loop3A_1384 = tpu.vector_load %arg18[%parallel_loop3A_1381, %parallel_loop3A_1382, %parallel_loop3A_1383] {strides = array<i32>} : memref<3x64x128xf32, #tpu.memory_space<vmem>>, vector<16xf32>,
        tpu.vector_store %arg18[%parallel_loop3A_1381, %parallel_loop3A_1382, %parallel_loop3A_1383], %parallel_loop3A_1379 {strides = array<i32>} : memref<3x64x128xf32, #tpu.memory_space<vmem>>, vector<16xf32>,
        %parallel_loop3A_1385 = arith.constant 2 : i32
        %parallel_loop3A_1386 = arith.index_cast %parallel_loop3A_1385 : i32 to index
        %parallel_loop3A_1387 = arith.index_cast %parallel_loop3A_1320 : i32 to index
        %parallel_loop3A_1388 = arith.constant 80 : index
        %parallel_loop3A_1389 = tpu.vector_load %arg18[%parallel_loop3A_1386, %parallel_loop3A_1387, %parallel_loop3A_1388] {strides = array<i32>} : memref<3x64x128xf32, #tpu.memory_space<vmem>>, vector<16xf32>,
        %parallel_loop3A_1390 = arith.mulf %parallel_loop3A_1389, %parallel_loop3A_1329 : vector<16xf32>
        %parallel_loop3A_1391 = arith.constant 2 : i32
        %parallel_loop3A_1392 = arith.index_cast %parallel_loop3A_1391 : i32 to index
        %parallel_loop3A_1393 = arith.index_cast %parallel_loop3A_1320 : i32 to index
        %parallel_loop3A_1394 = arith.constant 80 : index
        %parallel_loop3A_1395 = tpu.vector_load %arg18[%parallel_loop3A_1392, %parallel_loop3A_1393, %parallel_loop3A_1394] {strides = array<i32>} : memref<3x64x128xf32, #tpu.memory_space<vmem>>, vector<16xf32>,
        tpu.vector_store %arg18[%parallel_loop3A_1392, %parallel_loop3A_1393, %parallel_loop3A_1394], %parallel_loop3A_1390 {strides = array<i32>} : memref<3x64x128xf32, #tpu.memory_space<vmem>>, vector<16xf32>,
        %parallel_loop3A_1396 = arith.constant 2 : i32
        %parallel_loop3A_1397 = arith.index_cast %parallel_loop3A_1396 : i32 to index
        %parallel_loop3A_1398 = arith.index_cast %parallel_loop3A_1320 : i32 to index
        %parallel_loop3A_1399 = arith.constant 96 : index
        %parallel_loop3A_1400 = tpu.vector_load %arg18[%parallel_loop3A_1397, %parallel_loop3A_1398, %parallel_loop3A_1399] {strides = array<i32>} : memref<3x64x128xf32, #tpu.memory_space<vmem>>, vector<16xf32>,
        %parallel_loop3A_1401 = arith.mulf %parallel_loop3A_1400, %parallel_loop3A_1329 : vector<16xf32>
        %parallel_loop3A_1402 = arith.constant 2 : i32
        %parallel_loop3A_1403 = arith.index_cast %parallel_loop3A_1402 : i32 to index
        %parallel_loop3A_1404 = arith.index_cast %parallel_loop3A_1320 : i32 to index
        %parallel_loop3A_1405 = arith.constant 96 : index
        %parallel_loop3A_1406 = tpu.vector_load %arg18[%parallel_loop3A_1403, %parallel_loop3A_1404, %parallel_loop3A_1405] {strides = array<i32>} : memref<3x64x128xf32, #tpu.memory_space<vmem>>, vector<16xf32>,
        tpu.vector_store %arg18[%parallel_loop3A_1403, %parallel_loop3A_1404, %parallel_loop3A_1405], %parallel_loop3A_1401 {strides = array<i32>} : memref<3x64x128xf32, #tpu.memory_space<vmem>>, vector<16xf32>,
        %parallel_loop3A_1407 = arith.constant 2 : i32
        %parallel_loop3A_1408 = arith.index_cast %parallel_loop3A_1407 : i32 to index
        %parallel_loop3A_1409 = arith.index_cast %parallel_loop3A_1320 : i32 to index
        %parallel_loop3A_1410 = arith.constant 112 : index
        %parallel_loop3A_1411 = tpu.vector_load %arg18[%parallel_loop3A_1408, %parallel_loop3A_1409, %parallel_loop3A_1410] {strides = array<i32>} : memref<3x64x128xf32, #tpu.memory_space<vmem>>, vector<16xf32>,
        %parallel_loop3A_1412 = arith.mulf %parallel_loop3A_1411, %parallel_loop3A_1329 : vector<16xf32>
        %parallel_loop3A_1413 = arith.constant 2 : i32
        %parallel_loop3A_1414 = arith.index_cast %parallel_loop3A_1413 : i32 to index
        %parallel_loop3A_1415 = arith.index_cast %parallel_loop3A_1320 : i32 to index
        %parallel_loop3A_1416 = arith.constant 112 : index
        %parallel_loop3A_1417 = tpu.vector_load %arg18[%parallel_loop3A_1414, %parallel_loop3A_1415, %parallel_loop3A_1416] {strides = array<i32>} : memref<3x64x128xf32, #tpu.memory_space<vmem>>, vector<16xf32>,
        tpu.vector_store %arg18[%parallel_loop3A_1414, %parallel_loop3A_1415, %parallel_loop3A_1416], %parallel_loop3A_1412 {strides = array<i32>} : memref<3x64x128xf32, #tpu.memory_space<vmem>>, vector<16xf32>,
      } {sc.loop_unroll_factor = 2 : i64, sc.parallel_access}
      %dma_start3A_1262 = arith.constant 2 : i32
      %dma_start3A_1263 = arith.constant 2 : i32
      %dma_start3A_1264 = arith.constant 2 : i32
      %dma_start3A_1265 = arith.constant 0 : i32
      %dma_start3A_1266 = arith.constant 0 : i32
      %dma_start3A_1267 = tpu.memref_slice %arg18[%dma_start3A_1262, %dma_start3A_1265, %dma_start3A_1266] : memref<3x64x128xf32, #tpu.memory_space<vmem>> -> memref<1x64x128xf32, #tpu.memory_space<vmem>>
      %dma_start3A_1268 = tpu.memref_squeeze %dma_start3A_1267 : memref<1x64x128xf32, #tpu.memory_space<vmem>> -> memref<64x128xf32, #tpu.memory_space<vmem>>
      %dma_start3A_1269 = arith.constant 0 : i32
      %dma_start3A_1270 = tpu.memref_slice %arg15[%dma_start3A_1263, %dma_start3A_1269] : memref<3x64xi32, #tpu.memory_space<vmem>> -> memref<1x64xi32, #tpu.memory_space<vmem>>
      %dma_start3A_1271 = tpu.memref_squeeze %dma_start3A_1270 : memref<1x64xi32, #tpu.memory_space<vmem>> -> memref<64xi32, #tpu.memory_space<vmem>>
      %dma_start3A_1272 = arith.constant 0 : i32
      %dma_start3A_1273 = arith.constant 0 : i32
      %dma_start3A_1274 = tpu.memref_slice %arg10[%dma_start3A_1272, %dma_start3A_1273] : memref<10000x128xf32, #tpu.memory_space<vmem_shared>> -> memref<10000x128xf32, #tpu.memory_space<vmem_shared>>
      %dma_start3A_1275 = tpu.memref_slice %arg23[%dma_start3A_1264] : memref<3x!tpu.dma_semaphore, #tpu.memory_space<semaphore_mem>> -> memref<1x!tpu.dma_semaphore, #tpu.memory_space<semaphore_mem>>
      %dma_start3A_1276 = tpu.memref_squeeze %dma_start3A_1275 : memref<1x!tpu.dma_semaphore, #tpu.memory_space<semaphore_mem>> -> memref<!tpu.dma_semaphore, #tpu.memory_space<semaphore_mem>>
      tpu.enqueue_indirect_dma source(%dma_start3A_1268 : memref<64x128xf32, #tpu.memory_space<vmem>>) target(%dma_start3A_1274 : memref<10000x128xf32, #tpu.memory_space<vmem_shared>>) offsets(%dma_start3A_1271 : memref<64xi32, #tpu.memory_space<vmem>>) semaphore(%dma_start3A_1276 : memref<!tpu.dma_semaphore, #tpu.memory_space<semaphore_mem>>) {add = true}
      %dma_wait3A_1277 = arith.constant 1 : i32
      %dma_wait3A_1278 = arith.constant 1 : i32
      %dma_wait3A_1279 = arith.constant 1 : i32
      %dma_wait3A_1280 = arith.constant 0 : i32
      %dma_wait3A_1281 = arith.constant 0 : i32
      %dma_wait3A_1282 = tpu.memref_slice %arg18[%dma_wait3A_1277, %dma_wait3A_1280, %dma_wait3A_1281] : memref<3x64x128xf32, #tpu.memory_space<vmem>> -> memref<1x64x128xf32, #tpu.memory_space<vmem>>
      %dma_wait3A_1283 = tpu.memref_squeeze %dma_wait3A_1282 : memref<1x64x128xf32, #tpu.memory_space<vmem>> -> memref<64x128xf32, #tpu.memory_space<vmem>>
      %dma_wait3A_1284 = arith.constant 0 : i32
      %dma_wait3A_1285 = tpu.memref_slice %arg15[%dma_wait3A_1278, %dma_wait3A_1284] : memref<3x64xi32, #tpu.memory_space<vmem>> -> memref<1x64xi32, #tpu.memory_space<vmem>>
      %dma_wait3A_1286 = tpu.memref_squeeze %dma_wait3A_1285 : memref<1x64xi32, #tpu.memory_space<vmem>> -> memref<64xi32, #tpu.memory_space<vmem>>
      %dma_wait3A_1287 = arith.constant 0 : i32
      %dma_wait3A_1288 = arith.constant 0 : i32
      %dma_wait3A_1289 = tpu.memref_slice %arg10[%dma_wait3A_1287, %dma_wait3A_1288] : memref<10000x128xf32, #tpu.memory_space<vmem_shared>> -> memref<10000x128xf32, #tpu.memory_space<vmem_shared>>
      %dma_wait3A_1290 = tpu.memref_slice %arg23[%dma_wait3A_1279] : memref<3x!tpu.dma_semaphore, #tpu.memory_space<semaphore_mem>> -> memref<1x!tpu.dma_semaphore, #tpu.memory_space<semaphore_mem>>
      %dma_wait3A_1291 = tpu.memref_squeeze %dma_wait3A_1290 : memref<1x!tpu.dma_semaphore, #tpu.memory_space<semaphore_mem>> -> memref<!tpu.dma_semaphore, #tpu.memory_space<semaphore_mem>>
      tpu.wait_indirect_dma semaphore(%dma_wait3A_1291 : memref<!tpu.dma_semaphore, #tpu.memory_space<semaphore_mem>>) src(%dma_wait3A_1283 : memref<64x128xf32, #tpu.memory_space<vmem>>) dst(%dma_wait3A_1289 : memref<10000x128xf32, #tpu.memory_space<vmem_shared>>)
      %dma_wait3A_1292 = arith.constant 1 : i32
      %dma_wait3A_1293 = arith.constant 1 : i32
      %dma_wait3A_1294 = arith.constant 1 : i32
      %dma_wait3A_1295 = arith.constant 0 : i32
      %dma_wait3A_1296 = tpu.memref_slice %arg17[%dma_wait3A_1292, %dma_wait3A_1295] : memref<3x64xf32, #tpu.memory_space<vmem>> -> memref<1x64xf32, #tpu.memory_space<vmem>>
      %dma_wait3A_1297 = tpu.memref_squeeze %dma_wait3A_1296 : memref<1x64xf32, #tpu.memory_space<vmem>> -> memref<64xf32, #tpu.memory_space<vmem>>
      %dma_wait3A_1298 = arith.constant 0 : i32
      %dma_wait3A_1299 = tpu.memref_slice %arg15[%dma_wait3A_1293, %dma_wait3A_1298] : memref<3x64xi32, #tpu.memory_space<vmem>> -> memref<1x64xi32, #tpu.memory_space<vmem>>
      %dma_wait3A_1300 = tpu.memref_squeeze %dma_wait3A_1299 : memref<1x64xi32, #tpu.memory_space<vmem>> -> memref<64xi32, #tpu.memory_space<vmem>>
      %dma_wait3A_1301 = arith.constant 0 : i32
      %dma_wait3A_1302 = tpu.memref_slice %arg11[%dma_wait3A_1301] : memref<10000xf32, #tpu.memory_space<vmem_shared>> -> memref<10000xf32, #tpu.memory_space<vmem_shared>>
      %dma_wait3A_1303 = tpu.memref_slice %arg21[%dma_wait3A_1294] : memref<3x!tpu.dma_semaphore, #tpu.memory_space<semaphore_mem>> -> memref<1x!tpu.dma_semaphore, #tpu.memory_space<semaphore_mem>>
      %dma_wait3A_1304 = tpu.memref_squeeze %dma_wait3A_1303 : memref<1x!tpu.dma_semaphore, #tpu.memory_space<semaphore_mem>> -> memref<!tpu.dma_semaphore, #tpu.memory_space<semaphore_mem>>
      tpu.wait_indirect_dma semaphore(%dma_wait3A_1304 : memref<!tpu.dma_semaphore, #tpu.memory_space<semaphore_mem>>) src(%dma_wait3A_1297 : memref<64xf32, #tpu.memory_space<vmem>>) dst(%dma_wait3A_1302 : memref<10000xf32, #tpu.memory_space<vmem_shared>>)
      %add3A_1305 = arith.constant 1 : i32
      %add3A_1306 = arith.addi %scan3A_956, %add3A_1305 : i32
      %lt3A_1307 = arith.constant 53 : i32
      %lt3A_1308 = arith.cmpi slt, %add3A_1306, %lt3A_1307 : i32
      %convert_element_type3A_1309 = arith.extui %lt3A_1308 : i1 to i32
      %cond3A_1310 = arith.constant 0 : i32
      %cond3A_1311 = arith.cmpi ne, %convert_element_type3A_1309, %cond3A_1310 : i32
      scf.if %cond3A_1311 {
        %add3A_1320 = arith.constant 4 : i32
        %add3A_1321 = arith.addi %mul3A_959, %add3A_1320 : i32
        %mul3A_1322 = arith.constant 2 : i32
        %mul3A_1323 = arith.muli %add3A_1321, %mul3A_1322 : i32
        %mul3A_1324 = arith.constant 64 : i32
        %mul3A_1325 = arith.muli %mul3A_1323, %mul3A_1324 : i32
        %add3A_1326 = arith.addi %mul3A_509, %mul3A_1325 : i32
        %dma_wait3A_1327 = arith.constant 1 : i32
        %dma_wait3A_1328 = arith.constant 1 : i32
        %dma_wait3A_1329 = arith.constant 0 : i32
        %dma_wait3A_1330 = tpu.memref_slice %arg14[%dma_wait3A_1327, %dma_wait3A_1329] : memref<3x128xi32, #tpu.memory_space<vmem>> -> memref<1x128xi32, #tpu.memory_space<vmem>>
        %dma_wait3A_1331 = tpu.memref_squeeze %dma_wait3A_1330 : memref<1x128xi32, #tpu.memory_space<vmem>> -> memref<128xi32, #tpu.memory_space<vmem>>
        %dma_wait3A_1332 = tpu.memref_slice %arg6[%add3A_1326] : memref<325632xi32, #tpu.memory_space<hbm>> -> memref<128xi32, #tpu.memory_space<hbm>>
        %dma_wait3A_1333 = tpu.memref_slice %arg20[%dma_wait3A_1328] : memref<3x!tpu.dma_semaphore, #tpu.memory_space<semaphore_mem>> -> memref<1x!tpu.dma_semaphore, #tpu.memory_space<semaphore_mem>>
        %dma_wait3A_1334 = tpu.memref_squeeze %dma_wait3A_1333 : memref<1x!tpu.dma_semaphore, #tpu.memory_space<semaphore_mem>> -> memref<!tpu.dma_semaphore, #tpu.memory_space<semaphore_mem>>
        %dma_wait3A_1335 = arith.constant 0 : i32
        %dma_wait3A_1336 = tpu.memref_slice %arg14[%dma_wait3A_1327, %dma_wait3A_1335] : memref<3x128xi32, #tpu.memory_space<vmem>> -> memref<1x128xi32, #tpu.memory_space<vmem>>
        %dma_wait3A_1337 = tpu.memref_squeeze %dma_wait3A_1336 : memref<1x128xi32, #tpu.memory_space<vmem>> -> memref<128xi32, #tpu.memory_space<vmem>>
        %dma_wait3A_1338 = tpu.memref_slice %arg6[%add3A_1326] : memref<325632xi32, #tpu.memory_space<hbm>> -> memref<128xi32, #tpu.memory_space<hbm>>
        tpu.wait_dma2 semaphore(%dma_wait3A_1334 : memref<!tpu.dma_semaphore, #tpu.memory_space<semaphore_mem>>) src(%dma_wait3A_1338 : memref<128xi32, #tpu.memory_space<hbm>>) dst(%dma_wait3A_1337 : memref<128xi32, #tpu.memory_space<vmem>>)
        %get3A_1339 = arith.constant 1 : i32
        %get3A_1340 = arith.index_cast %get3A_1339 : i32 to index
        %get3A_1341 = arith.constant 0 : index
        %get3A_1342 = tpu.vector_load %arg14[%get3A_1340, %get3A_1341] {strides = array<i32>} : memref<3x128xi32, #tpu.memory_space<vmem>>, vector<16xi32>,
        %get3A_1343 = arith.constant 1 : i32
        %get3A_1344 = arith.index_cast %get3A_1343 : i32 to index
        %get3A_1345 = arith.constant 64 : index
        %get3A_1346 = tpu.vector_load %arg14[%get3A_1344, %get3A_1345] {strides = array<i32>} : memref<3x128xi32, #tpu.memory_space<vmem>>, vector<16xi32>,
        %gather3A_1347 = tpu.vector_load_idx %arg12[%get3A_1342] : memref<10000xf32, #tpu.memory_space<vmem>>[vector<16xi32>], vector<16xf32>,
        %gather3A_1348 = tpu.vector_load_idx %arg13[%get3A_1346] : memref<10016xf32, #tpu.memory_space<vmem>>[vector<16xi32>], vector<16xf32>,
        %add3A_1349 = arith.addf %gather3A_1347, %gather3A_1348 : vector<16xf32>
        %mul3A_1350 = arith.constant 2.000000e-01 : f32
        %mul3A_1351 = vector.broadcast %mul3A_1350 : f32 to vector<16xf32>
        %mul3A_1352 = arith.mulf %mul3A_1351, %add3A_1349 : vector<16xf32>
        %max3A_1353 = arith.maximumf %add3A_1349, %mul3A_1352 : vector<16xf32>
        %exp3A_1354 = math.exp %max3A_1353 : vector<16xf32>
        %swap3A_1355 = arith.constant 1 : i32
        %swap3A_1356 = arith.index_cast %swap3A_1355 : i32 to index
        %swap3A_1357 = arith.constant 0 : index
        %swap3A_1358 = tpu.vector_load %arg17[%swap3A_1356, %swap3A_1357] {strides = array<i32>} : memref<3x64xf32, #tpu.memory_space<vmem>>, vector<16xf32>,
        tpu.vector_store %arg17[%swap3A_1356, %swap3A_1357], %exp3A_1354 {strides = array<i32>} : memref<3x64xf32, #tpu.memory_space<vmem>>, vector<16xf32>,
        %swap3A_1359 = arith.constant 1 : i32
        %swap3A_1360 = arith.index_cast %swap3A_1359 : i32 to index
        %swap3A_1361 = arith.constant 0 : index
        %swap3A_1362 = tpu.vector_load %arg15[%swap3A_1360, %swap3A_1361] {strides = array<i32>} : memref<3x64xi32, #tpu.memory_space<vmem>>, vector<16xi32>,
        tpu.vector_store %arg15[%swap3A_1360, %swap3A_1361], %get3A_1342 {strides = array<i32>} : memref<3x64xi32, #tpu.memory_space<vmem>>, vector<16xi32>,
        %add3A_1363 = vector.broadcast %mul3A_0 : i32 to vector<16xi32>
        %add3A_1364 = arith.addi %get3A_1346, %add3A_1363 : vector<16xi32>
        %swap3A_1365 = arith.constant 1 : i32
        %swap3A_1366 = arith.index_cast %swap3A_1365 : i32 to index
        %swap3A_1367 = arith.constant 0 : index
        %swap3A_1368 = tpu.vector_load %arg16[%swap3A_1366, %swap3A_1367] {strides = array<i32>} : memref<3x64xi32, #tpu.memory_space<vmem>>, vector<16xi32>,
        tpu.vector_store %arg16[%swap3A_1366, %swap3A_1367], %add3A_1364 {strides = array<i32>} : memref<3x64xi32, #tpu.memory_space<vmem>>, vector<16xi32>,
        %get3A_1369 = arith.constant 1 : i32
        %get3A_1370 = arith.index_cast %get3A_1369 : i32 to index
        %get3A_1371 = arith.constant 16 : index
        %get3A_1372 = tpu.vector_load %arg14[%get3A_1370, %get3A_1371] {strides = array<i32>} : memref<3x128xi32, #tpu.memory_space<vmem>>, vector<16xi32>,
        %get3A_1373 = arith.constant 1 : i32
        %get3A_1374 = arith.index_cast %get3A_1373 : i32 to index
        %get3A_1375 = arith.constant 80 : index
        %get3A_1376 = tpu.vector_load %arg14[%get3A_1374, %get3A_1375] {strides = array<i32>} : memref<3x128xi32, #tpu.memory_space<vmem>>, vector<16xi32>,
        %gather3A_1377 = tpu.vector_load_idx %arg12[%get3A_1372] : memref<10000xf32, #tpu.memory_space<vmem>>[vector<16xi32>], vector<16xf32>,
        %gather3A_1378 = tpu.vector_load_idx %arg13[%get3A_1376] : memref<10016xf32, #tpu.memory_space<vmem>>[vector<16xi32>], vector<16xf32>,
        %add3A_1379 = arith.addf %gather3A_1377, %gather3A_1378 : vector<16xf32>
        %mul3A_1380 = arith.constant 2.000000e-01 : f32
        %mul3A_1381 = vector.broadcast %mul3A_1380 : f32 to vector<16xf32>
        %mul3A_1382 = arith.mulf %mul3A_1381, %add3A_1379 : vector<16xf32>
        %max3A_1383 = arith.maximumf %add3A_1379, %mul3A_1382 : vector<16xf32>
        %exp3A_1384 = math.exp %max3A_1383 : vector<16xf32>
        %swap3A_1385 = arith.constant 1 : i32
        %swap3A_1386 = arith.index_cast %swap3A_1385 : i32 to index
        %swap3A_1387 = arith.constant 16 : index
        %swap3A_1388 = tpu.vector_load %arg17[%swap3A_1386, %swap3A_1387] {strides = array<i32>} : memref<3x64xf32, #tpu.memory_space<vmem>>, vector<16xf32>,
        tpu.vector_store %arg17[%swap3A_1386, %swap3A_1387], %exp3A_1384 {strides = array<i32>} : memref<3x64xf32, #tpu.memory_space<vmem>>, vector<16xf32>,
        %swap3A_1389 = arith.constant 1 : i32
        %swap3A_1390 = arith.index_cast %swap3A_1389 : i32 to index
        %swap3A_1391 = arith.constant 16 : index
        %swap3A_1392 = tpu.vector_load %arg15[%swap3A_1390, %swap3A_1391] {strides = array<i32>} : memref<3x64xi32, #tpu.memory_space<vmem>>, vector<16xi32>,
        tpu.vector_store %arg15[%swap3A_1390, %swap3A_1391], %get3A_1372 {strides = array<i32>} : memref<3x64xi32, #tpu.memory_space<vmem>>, vector<16xi32>,
        %add3A_1393 = vector.broadcast %mul3A_0 : i32 to vector<16xi32>
        %add3A_1394 = arith.addi %get3A_1376, %add3A_1393 : vector<16xi32>
        %swap3A_1395 = arith.constant 1 : i32
        %swap3A_1396 = arith.index_cast %swap3A_1395 : i32 to index
        %swap3A_1397 = arith.constant 16 : index
        %swap3A_1398 = tpu.vector_load %arg16[%swap3A_1396, %swap3A_1397] {strides = array<i32>} : memref<3x64xi32, #tpu.memory_space<vmem>>, vector<16xi32>,
        tpu.vector_store %arg16[%swap3A_1396, %swap3A_1397], %add3A_1394 {strides = array<i32>} : memref<3x64xi32, #tpu.memory_space<vmem>>, vector<16xi32>,
        %get3A_1399 = arith.constant 1 : i32
        %get3A_1400 = arith.index_cast %get3A_1399 : i32 to index
        %get3A_1401 = arith.constant 32 : index
        %get3A_1402 = tpu.vector_load %arg14[%get3A_1400, %get3A_1401] {strides = array<i32>} : memref<3x128xi32, #tpu.memory_space<vmem>>, vector<16xi32>,
        %get3A_1403 = arith.constant 1 : i32
        %get3A_1404 = arith.index_cast %get3A_1403 : i32 to index
        %get3A_1405 = arith.constant 96 : index
        %get3A_1406 = tpu.vector_load %arg14[%get3A_1404, %get3A_1405] {strides = array<i32>} : memref<3x128xi32, #tpu.memory_space<vmem>>, vector<16xi32>,
        %gather3A_1407 = tpu.vector_load_idx %arg12[%get3A_1402] : memref<10000xf32, #tpu.memory_space<vmem>>[vector<16xi32>], vector<16xf32>,
        %gather3A_1408 = tpu.vector_load_idx %arg13[%get3A_1406] : memref<10016xf32, #tpu.memory_space<vmem>>[vector<16xi32>], vector<16xf32>,
        %add3A_1409 = arith.addf %gather3A_1407, %gather3A_1408 : vector<16xf32>
        %mul3A_1410 = arith.constant 2.000000e-01 : f32
        %mul3A_1411 = vector.broadcast %mul3A_1410 : f32 to vector<16xf32>
        %mul3A_1412 = arith.mulf %mul3A_1411, %add3A_1409 : vector<16xf32>
        %max3A_1413 = arith.maximumf %add3A_1409, %mul3A_1412 : vector<16xf32>
        %exp3A_1414 = math.exp %max3A_1413 : vector<16xf32>
        %swap3A_1415 = arith.constant 1 : i32
        %swap3A_1416 = arith.index_cast %swap3A_1415 : i32 to index
        %swap3A_1417 = arith.constant 32 : index
        %swap3A_1418 = tpu.vector_load %arg17[%swap3A_1416, %swap3A_1417] {strides = array<i32>} : memref<3x64xf32, #tpu.memory_space<vmem>>, vector<16xf32>,
        tpu.vector_store %arg17[%swap3A_1416, %swap3A_1417], %exp3A_1414 {strides = array<i32>} : memref<3x64xf32, #tpu.memory_space<vmem>>, vector<16xf32>,
        %swap3A_1419 = arith.constant 1 : i32
        %swap3A_1420 = arith.index_cast %swap3A_1419 : i32 to index
        %swap3A_1421 = arith.constant 32 : index
        %swap3A_1422 = tpu.vector_load %arg15[%swap3A_1420, %swap3A_1421] {strides = array<i32>} : memref<3x64xi32, #tpu.memory_space<vmem>>, vector<16xi32>,
        tpu.vector_store %arg15[%swap3A_1420, %swap3A_1421], %get3A_1402 {strides = array<i32>} : memref<3x64xi32, #tpu.memory_space<vmem>>, vector<16xi32>,
        %add3A_1423 = vector.broadcast %mul3A_0 : i32 to vector<16xi32>
        %add3A_1424 = arith.addi %get3A_1406, %add3A_1423 : vector<16xi32>
        %swap3A_1425 = arith.constant 1 : i32
        %swap3A_1426 = arith.index_cast %swap3A_1425 : i32 to index
        %swap3A_1427 = arith.constant 32 : index
        %swap3A_1428 = tpu.vector_load %arg16[%swap3A_1426, %swap3A_1427] {strides = array<i32>} : memref<3x64xi32, #tpu.memory_space<vmem>>, vector<16xi32>,
        tpu.vector_store %arg16[%swap3A_1426, %swap3A_1427], %add3A_1424 {strides = array<i32>} : memref<3x64xi32, #tpu.memory_space<vmem>>, vector<16xi32>,
        %get3A_1429 = arith.constant 1 : i32
        %get3A_1430 = arith.index_cast %get3A_1429 : i32 to index
        %get3A_1431 = arith.constant 48 : index
        %get3A_1432 = tpu.vector_load %arg14[%get3A_1430, %get3A_1431] {strides = array<i32>} : memref<3x128xi32, #tpu.memory_space<vmem>>, vector<16xi32>,
        %get3A_1433 = arith.constant 1 : i32
        %get3A_1434 = arith.index_cast %get3A_1433 : i32 to index
        %get3A_1435 = arith.constant 112 : index
        %get3A_1436 = tpu.vector_load %arg14[%get3A_1434, %get3A_1435] {strides = array<i32>} : memref<3x128xi32, #tpu.memory_space<vmem>>, vector<16xi32>,
        %gather3A_1437 = tpu.vector_load_idx %arg12[%get3A_1432] : memref<10000xf32, #tpu.memory_space<vmem>>[vector<16xi32>], vector<16xf32>,
        %gather3A_1438 = tpu.vector_load_idx %arg13[%get3A_1436] : memref<10016xf32, #tpu.memory_space<vmem>>[vector<16xi32>], vector<16xf32>,
        %add3A_1439 = arith.addf %gather3A_1437, %gather3A_1438 : vector<16xf32>
        %mul3A_1440 = arith.constant 2.000000e-01 : f32
        %mul3A_1441 = vector.broadcast %mul3A_1440 : f32 to vector<16xf32>
        %mul3A_1442 = arith.mulf %mul3A_1441, %add3A_1439 : vector<16xf32>
        %max3A_1443 = arith.maximumf %add3A_1439, %mul3A_1442 : vector<16xf32>
        %exp3A_1444 = math.exp %max3A_1443 : vector<16xf32>
        %swap3A_1445 = arith.constant 1 : i32
        %swap3A_1446 = arith.index_cast %swap3A_1445 : i32 to index
        %swap3A_1447 = arith.constant 48 : index
        %swap3A_1448 = tpu.vector_load %arg17[%swap3A_1446, %swap3A_1447] {strides = array<i32>} : memref<3x64xf32, #tpu.memory_space<vmem>>, vector<16xf32>,
        tpu.vector_store %arg17[%swap3A_1446, %swap3A_1447], %exp3A_1444 {strides = array<i32>} : memref<3x64xf32, #tpu.memory_space<vmem>>, vector<16xf32>,
        %swap3A_1449 = arith.constant 1 : i32
        %swap3A_1450 = arith.index_cast %swap3A_1449 : i32 to index
        %swap3A_1451 = arith.constant 48 : index
        %swap3A_1452 = tpu.vector_load %arg15[%swap3A_1450, %swap3A_1451] {strides = array<i32>} : memref<3x64xi32, #tpu.memory_space<vmem>>, vector<16xi32>,
        tpu.vector_store %arg15[%swap3A_1450, %swap3A_1451], %get3A_1432 {strides = array<i32>} : memref<3x64xi32, #tpu.memory_space<vmem>>, vector<16xi32>,
        %add3A_1453 = vector.broadcast %mul3A_0 : i32 to vector<16xi32>
        %add3A_1454 = arith.addi %get3A_1436, %add3A_1453 : vector<16xi32>
        %swap3A_1455 = arith.constant 1 : i32
        %swap3A_1456 = arith.index_cast %swap3A_1455 : i32 to index
        %swap3A_1457 = arith.constant 48 : index
        %swap3A_1458 = tpu.vector_load %arg16[%swap3A_1456, %swap3A_1457] {strides = array<i32>} : memref<3x64xi32, #tpu.memory_space<vmem>>, vector<16xi32>,
        tpu.vector_store %arg16[%swap3A_1456, %swap3A_1457], %add3A_1454 {strides = array<i32>} : memref<3x64xi32, #tpu.memory_space<vmem>>, vector<16xi32>,
        %dma_start3A_1459 = arith.constant 1 : i32
        %dma_start3A_1460 = arith.constant 1 : i32
        %dma_start3A_1461 = arith.constant 1 : i32
        %dma_start3A_1462 = arith.constant 0 : i32
        %dma_start3A_1463 = arith.constant 0 : i32
        %dma_start3A_1464 = tpu.memref_slice %arg18[%dma_start3A_1460, %dma_start3A_1462, %dma_start3A_1463] : memref<3x64x128xf32, #tpu.memory_space<vmem>> -> memref<1x64x128xf32, #tpu.memory_space<vmem>>
        %dma_start3A_1465 = tpu.memref_squeeze %dma_start3A_1464 : memref<1x64x128xf32, #tpu.memory_space<vmem>> -> memref<64x128xf32, #tpu.memory_space<vmem>>
        %dma_start3A_1466 = arith.constant 0 : i32
        %dma_start3A_1467 = tpu.memref_slice %arg16[%dma_start3A_1459, %dma_start3A_1466] : memref<3x64xi32, #tpu.memory_space<vmem>> -> memref<1x64xi32, #tpu.memory_space<vmem>>
        %dma_start3A_1468 = tpu.memref_squeeze %dma_start3A_1467 : memref<1x64xi32, #tpu.memory_space<vmem>> -> memref<64xi32, #tpu.memory_space<vmem>>
        %dma_start3A_1469 = arith.constant 0 : i32
        %dma_start3A_1470 = arith.constant 0 : i32
        %dma_start3A_1471 = tpu.memref_slice %arg3[%dma_start3A_1469, %dma_start3A_1470] : memref<20480x128xf32, #tpu.memory_space<hbm>> -> memref<20480x128xf32, #tpu.memory_space<hbm>>
        %dma_start3A_1472 = tpu.memref_slice %arg22[%dma_start3A_1461] : memref<3x!tpu.dma_semaphore, #tpu.memory_space<semaphore_mem>> -> memref<1x!tpu.dma_semaphore, #tpu.memory_space<semaphore_mem>>
        %dma_start3A_1473 = tpu.memref_squeeze %dma_start3A_1472 : memref<1x!tpu.dma_semaphore, #tpu.memory_space<semaphore_mem>> -> memref<!tpu.dma_semaphore, #tpu.memory_space<semaphore_mem>>
        tpu.enqueue_indirect_dma source(%dma_start3A_1471 : memref<20480x128xf32, #tpu.memory_space<hbm>>) target(%dma_start3A_1465 : memref<64x128xf32, #tpu.memory_space<vmem>>) offsets(%dma_start3A_1468 : memref<64xi32, #tpu.memory_space<vmem>>) semaphore(%dma_start3A_1473 : memref<!tpu.dma_semaphore, #tpu.memory_space<semaphore_mem>>)
        %dma_start3A_1474 = arith.constant 1 : i32
        %dma_start3A_1475 = arith.constant 1 : i32
        %dma_start3A_1476 = arith.constant 1 : i32
        %dma_start3A_1477 = arith.constant 0 : i32
        %dma_start3A_1478 = tpu.memref_slice %arg17[%dma_start3A_1474, %dma_start3A_1477] : memref<3x64xf32, #tpu.memory_space<vmem>> -> memref<1x64xf32, #tpu.memory_space<vmem>>
        %dma_start3A_1479 = tpu.memref_squeeze %dma_start3A_1478 : memref<1x64xf32, #tpu.memory_space<vmem>> -> memref<64xf32, #tpu.memory_space<vmem>>
        %dma_start3A_1480 = arith.constant 0 : i32
        %dma_start3A_1481 = tpu.memref_slice %arg15[%dma_start3A_1475, %dma_start3A_1480] : memref<3x64xi32, #tpu.memory_space<vmem>> -> memref<1x64xi32, #tpu.memory_space<vmem>>
        %dma_start3A_1482 = tpu.memref_squeeze %dma_start3A_1481 : memref<1x64xi32, #tpu.memory_space<vmem>> -> memref<64xi32, #tpu.memory_space<vmem>>
        %dma_start3A_1483 = arith.constant 0 : i32
        %dma_start3A_1484 = tpu.memref_slice %arg11[%dma_start3A_1483] : memref<10000xf32, #tpu.memory_space<vmem_shared>> -> memref<10000xf32, #tpu.memory_space<vmem_shared>>
        %dma_start3A_1485 = tpu.memref_slice %arg21[%dma_start3A_1476] : memref<3x!tpu.dma_semaphore, #tpu.memory_space<semaphore_mem>> -> memref<1x!tpu.dma_semaphore, #tpu.memory_space<semaphore_mem>>
        %dma_start3A_1486 = tpu.memref_squeeze %dma_start3A_1485 : memref<1x!tpu.dma_semaphore, #tpu.memory_space<semaphore_mem>> -> memref<!tpu.dma_semaphore, #tpu.memory_space<semaphore_mem>>
        tpu.enqueue_indirect_dma source(%dma_start3A_1479 : memref<64xf32, #tpu.memory_space<vmem>>) target(%dma_start3A_1484 : memref<10000xf32, #tpu.memory_space<vmem_shared>>) offsets(%dma_start3A_1482 : memref<64xi32, #tpu.memory_space<vmem>>) semaphore(%dma_start3A_1486 : memref<!tpu.dma_semaphore, #tpu.memory_space<semaphore_mem>>) {add = true}
      } else {
      }
      %add3A_1312 = arith.constant 2 : i32
      %add3A_1313 = arith.addi %scan3A_956, %add3A_1312 : i32
      %lt3A_1314 = arith.constant 53 : i32
      %lt3A_1315 = arith.cmpi slt, %add3A_1313, %lt3A_1314 : i32
      %convert_element_type3A_1316 = arith.extui %lt3A_1315 : i1 to i32
      %cond3A_1317 = arith.constant 0 : i32
      %cond3A_1318 = arith.cmpi ne, %convert_element_type3A_1316, %cond3A_1317 : i32
      scf.if %cond3A_1318 {
        %add3A_1320 = arith.constant 7 : i32
        %add3A_1321 = arith.addi %mul3A_959, %add3A_1320 : i32
        %mul3A_1322 = arith.constant 2 : i32
        %mul3A_1323 = arith.muli %add3A_1321, %mul3A_1322 : i32
        %mul3A_1324 = arith.constant 64 : i32
        %mul3A_1325 = arith.muli %mul3A_1323, %mul3A_1324 : i32
        %add3A_1326 = arith.addi %mul3A_509, %mul3A_1325 : i32
        %dma_start3A_1327 = arith.constant 1 : i32
        %dma_start3A_1328 = arith.constant 1 : i32
        %dma_start3A_1329 = arith.constant 0 : i32
        %dma_start3A_1330 = tpu.memref_slice %arg14[%dma_start3A_1327, %dma_start3A_1329] : memref<3x128xi32, #tpu.memory_space<vmem>> -> memref<1x128xi32, #tpu.memory_space<vmem>>
        %dma_start3A_1331 = tpu.memref_squeeze %dma_start3A_1330 : memref<1x128xi32, #tpu.memory_space<vmem>> -> memref<128xi32, #tpu.memory_space<vmem>>
        %dma_start3A_1332 = tpu.memref_slice %arg6[%add3A_1326] : memref<325632xi32, #tpu.memory_space<hbm>> -> memref<128xi32, #tpu.memory_space<hbm>>
        %dma_start3A_1333 = tpu.memref_slice %arg20[%dma_start3A_1328] : memref<3x!tpu.dma_semaphore, #tpu.memory_space<semaphore_mem>> -> memref<1x!tpu.dma_semaphore, #tpu.memory_space<semaphore_mem>>
        %dma_start3A_1334 = tpu.memref_squeeze %dma_start3A_1333 : memref<1x!tpu.dma_semaphore, #tpu.memory_space<semaphore_mem>> -> memref<!tpu.dma_semaphore, #tpu.memory_space<semaphore_mem>>
        %dma_start3A_1335 = arith.constant 0 : i32
        %dma_start3A_1336 = tpu.memref_slice %arg14[%dma_start3A_1327, %dma_start3A_1335] : memref<3x128xi32, #tpu.memory_space<vmem>> -> memref<1x128xi32, #tpu.memory_space<vmem>>
        %dma_start3A_1337 = tpu.memref_squeeze %dma_start3A_1336 : memref<1x128xi32, #tpu.memory_space<vmem>> -> memref<128xi32, #tpu.memory_space<vmem>>
        %dma_start3A_1338 = tpu.memref_slice %arg6[%add3A_1326] : memref<325632xi32, #tpu.memory_space<hbm>> -> memref<128xi32, #tpu.memory_space<hbm>>
        tpu.enqueue_dma source(%dma_start3A_1338 : memref<128xi32, #tpu.memory_space<hbm>>) target(%dma_start3A_1337 : memref<128xi32, #tpu.memory_space<vmem>>) target_semaphore(%dma_start3A_1334 : memref<!tpu.dma_semaphore, #tpu.memory_space<semaphore_mem>>)
      } else {
      }
      %scan3A_1319 = arith.constant 0 : i32
      scf.yield %scan3A_1319 : i32
    }
    %scan3A_910 = arith.constant 53 : i32
    %dma_wait3A_911 = arith.constant 2 : i32
    %dma_wait3A_912 = arith.constant 2 : i32
    %dma_wait3A_913 = arith.constant 2 : i32
    %dma_wait3A_914 = arith.constant 0 : i32
    %dma_wait3A_915 = arith.constant 0 : i32
    %dma_wait3A_916 = tpu.memref_slice %arg18[%dma_wait3A_911, %dma_wait3A_914, %dma_wait3A_915] : memref<3x64x128xf32, #tpu.memory_space<vmem>> -> memref<1x64x128xf32, #tpu.memory_space<vmem>>
    %dma_wait3A_917 = tpu.memref_squeeze %dma_wait3A_916 : memref<1x64x128xf32, #tpu.memory_space<vmem>> -> memref<64x128xf32, #tpu.memory_space<vmem>>
    %dma_wait3A_918 = arith.constant 0 : i32
    %dma_wait3A_919 = tpu.memref_slice %arg15[%dma_wait3A_912, %dma_wait3A_918] : memref<3x64xi32, #tpu.memory_space<vmem>> -> memref<1x64xi32, #tpu.memory_space<vmem>>
    %dma_wait3A_920 = tpu.memref_squeeze %dma_wait3A_919 : memref<1x64xi32, #tpu.memory_space<vmem>> -> memref<64xi32, #tpu.memory_space<vmem>>
    %dma_wait3A_921 = arith.constant 0 : i32
    %dma_wait3A_922 = arith.constant 0 : i32
    %dma_wait3A_923 = tpu.memref_slice %arg10[%dma_wait3A_921, %dma_wait3A_922] : memref<10000x128xf32, #tpu.memory_space<vmem_shared>> -> memref<10000x128xf32, #tpu.memory_space<vmem_shared>>
    %dma_wait3A_924 = tpu.memref_slice %arg23[%dma_wait3A_913] : memref<3x!tpu.dma_semaphore, #tpu.memory_space<semaphore_mem>> -> memref<1x!tpu.dma_semaphore, #tpu.memory_space<semaphore_mem>>
    %dma_wait3A_925 = tpu.memref_squeeze %dma_wait3A_924 : memref<1x!tpu.dma_semaphore, #tpu.memory_space<semaphore_mem>> -> memref<!tpu.dma_semaphore, #tpu.memory_space<semaphore_mem>>
    tpu.wait_indirect_dma semaphore(%dma_wait3A_925 : memref<!tpu.dma_semaphore, #tpu.memory_space<semaphore_mem>>) src(%dma_wait3A_917 : memref<64x128xf32, #tpu.memory_space<vmem>>) dst(%dma_wait3A_923 : memref<10000x128xf32, #tpu.memory_space<vmem_shared>>)
    %dma_wait3A_926 = arith.constant 2 : i32
    %dma_wait3A_927 = arith.constant 2 : i32
    %dma_wait3A_928 = arith.constant 2 : i32
    %dma_wait3A_929 = arith.constant 0 : i32
    %dma_wait3A_930 = tpu.memref_slice %arg17[%dma_wait3A_926, %dma_wait3A_929] : memref<3x64xf32, #tpu.memory_space<vmem>> -> memref<1x64xf32, #tpu.memory_space<vmem>>
    %dma_wait3A_931 = tpu.memref_squeeze %dma_wait3A_930 : memref<1x64xf32, #tpu.memory_space<vmem>> -> memref<64xf32, #tpu.memory_space<vmem>>
    %dma_wait3A_932 = arith.constant 0 : i32
    %dma_wait3A_933 = tpu.memref_slice %arg15[%dma_wait3A_927, %dma_wait3A_932] : memref<3x64xi32, #tpu.memory_space<vmem>> -> memref<1x64xi32, #tpu.memory_space<vmem>>
    %dma_wait3A_934 = tpu.memref_squeeze %dma_wait3A_933 : memref<1x64xi32, #tpu.memory_space<vmem>> -> memref<64xi32, #tpu.memory_space<vmem>>
    %dma_wait3A_935 = arith.constant 0 : i32
    %dma_wait3A_936 = tpu.memref_slice %arg11[%dma_wait3A_935] : memref<10000xf32, #tpu.memory_space<vmem_shared>> -> memref<10000xf32, #tpu.memory_space<vmem_shared>>
    %dma_wait3A_937 = tpu.memref_slice %arg21[%dma_wait3A_928] : memref<3x!tpu.dma_semaphore, #tpu.memory_space<semaphore_mem>> -> memref<1x!tpu.dma_semaphore, #tpu.memory_space<semaphore_mem>>
    %dma_wait3A_938 = tpu.memref_squeeze %dma_wait3A_937 : memref<1x!tpu.dma_semaphore, #tpu.memory_space<semaphore_mem>> -> memref<!tpu.dma_semaphore, #tpu.memory_space<semaphore_mem>>
    tpu.wait_indirect_dma semaphore(%dma_wait3A_938 : memref<!tpu.dma_semaphore, #tpu.memory_space<semaphore_mem>>) src(%dma_wait3A_931 : memref<64xf32, #tpu.memory_space<vmem>>) dst(%dma_wait3A_936 : memref<10000xf32, #tpu.memory_space<vmem_shared>>)
    %barrier3A_939 = arith.constant 0 : index
    tpu.barrier barrier_id(%barrier3A_939)
    %mul3A_940 = arith.constant 624 : i32
    %mul3A_941 = arith.muli %arg1, %mul3A_940 : i32
    "tpu.region"() ({
      %run_scoped3A = tpu.sem_alloc : memref<!tpu.dma_semaphore, #tpu.memory_space<semaphore_mem>>
      %dma_start3A_956 = tpu.memref_slice %arg11[%mul3A_941] : memref<10000xf32, #tpu.memory_space<vmem_shared>> -> memref<624xf32, #tpu.memory_space<vmem_shared>>
      %dma_start3A_957 = tpu.memref_slice %arg11[%mul3A_941] : memref<10000xf32, #tpu.memory_space<vmem_shared>> -> memref<624xf32, #tpu.memory_space<vmem_shared>>
      tpu.enqueue_dma source(%dma_start3A_957 : memref<624xf32, #tpu.memory_space<vmem_shared>>) target(%arg19 : memref<624xf32, #tpu.memory_space<vmem>>) target_semaphore(%run_scoped3A : memref<!tpu.dma_semaphore, #tpu.memory_space<semaphore_mem>>)
      %dma_wait3A_958 = tpu.memref_slice %arg11[%mul3A_941] : memref<10000xf32, #tpu.memory_space<vmem_shared>> -> memref<624xf32, #tpu.memory_space<vmem_shared>>
      %dma_wait3A_959 = tpu.memref_slice %arg11[%mul3A_941] : memref<10000xf32, #tpu.memory_space<vmem_shared>> -> memref<624xf32, #tpu.memory_space<vmem_shared>>
      tpu.wait_dma2 semaphore(%run_scoped3A : memref<!tpu.dma_semaphore, #tpu.memory_space<semaphore_mem>>) src(%dma_wait3A_959 : memref<624xf32, #tpu.memory_space<vmem_shared>>) dst(%arg19 : memref<624xf32, #tpu.memory_space<vmem>>)
      tpu.yield
    }) : () -> ()
    %mul3A_942 = arith.constant 10000 : i32
    %mul3A_943 = arith.muli %arg0, %mul3A_942 : i32
    %mul3A_944 = arith.constant 624 : i32
    %mul3A_945 = arith.muli %arg1, %mul3A_944 : i32
    %add3A_946 = arith.addi %mul3A_943, %mul3A_945 : i32
    "tpu.region"() ({
      %run_scoped3A = tpu.sem_alloc : memref<!tpu.dma_semaphore, #tpu.memory_space<semaphore_mem>>
      %dma_start3A_956 = tpu.memref_slice %arg9[%add3A_946] : memref<20000xf32, #tpu.memory_space<hbm>> -> memref<624xf32, #tpu.memory_space<hbm>>
      %dma_start3A_957 = tpu.memref_slice %arg9[%add3A_946] : memref<20000xf32, #tpu.memory_space<hbm>> -> memref<624xf32, #tpu.memory_space<hbm>>
      tpu.enqueue_dma source(%arg19 : memref<624xf32, #tpu.memory_space<vmem>>) target(%dma_start3A_957 : memref<624xf32, #tpu.memory_space<hbm>>) target_semaphore(%run_scoped3A : memref<!tpu.dma_semaphore, #tpu.memory_space<semaphore_mem>>)
      %dma_wait3A_958 = tpu.memref_slice %arg9[%add3A_946] : memref<20000xf32, #tpu.memory_space<hbm>> -> memref<624xf32, #tpu.memory_space<hbm>>
      %dma_wait3A_959 = tpu.memref_slice %arg9[%add3A_946] : memref<20000xf32, #tpu.memory_space<hbm>> -> memref<624xf32, #tpu.memory_space<hbm>>
      tpu.wait_dma2 semaphore(%run_scoped3A : memref<!tpu.dma_semaphore, #tpu.memory_space<semaphore_mem>>) src(%arg19 : memref<624xf32, #tpu.memory_space<vmem>>) dst(%dma_wait3A_959 : memref<624xf32, #tpu.memory_space<hbm>>)
      tpu.yield
    }) : () -> ()
    %mul3A_947 = arith.constant 624 : i32
    %mul3A_948 = arith.muli %arg1, %mul3A_947 : i32
    %mul3A_949 = arith.constant 624 : i32
    %mul3A_950 = arith.muli %arg1, %mul3A_949 : i32
    "tpu.region"() ({
      %run_scoped3A = tpu.sem_alloc : memref<!tpu.dma_semaphore, #tpu.memory_space<semaphore_mem>>
      %dma_start3A_956 = arith.constant 0 : i32
      %dma_start3A_957 = tpu.memref_slice %arg8[%arg0, %mul3A_950, %dma_start3A_956] : memref<2x10000x128xf32, #tpu.memory_space<hbm>> -> memref<1x624x128xf32, #tpu.memory_space<hbm>>
      %dma_start3A_958 = tpu.memref_squeeze %dma_start3A_957 : memref<1x624x128xf32, #tpu.memory_space<hbm>> -> memref<624x128xf32, #tpu.memory_space<hbm>>
      %dma_start3A_959 = arith.constant 0 : i32
      %dma_start3A_960 = tpu.memref_slice %arg10[%mul3A_948, %dma_start3A_959] : memref<10000x128xf32, #tpu.memory_space<vmem_shared>> -> memref<624x128xf32, #tpu.memory_space<vmem_shared>>
      tpu.enqueue_dma source(%dma_start3A_960 : memref<624x128xf32, #tpu.memory_space<vmem_shared>>) target(%dma_start3A_958 : memref<624x128xf32, #tpu.memory_space<hbm>>) target_semaphore(%run_scoped3A : memref<!tpu.dma_semaphore, #tpu.memory_space<semaphore_mem>>)
      %dma_wait3A_961 = arith.constant 0 : i32
      %dma_wait3A_962 = tpu.memref_slice %arg8[%arg0, %mul3A_950, %dma_wait3A_961] : memref<2x10000x128xf32, #tpu.memory_space<hbm>> -> memref<1x624x128xf32, #tpu.memory_space<hbm>>
      %dma_wait3A_963 = tpu.memref_squeeze %dma_wait3A_962 : memref<1x624x128xf32, #tpu.memory_space<hbm>> -> memref<624x128xf32, #tpu.memory_space<hbm>>
      %dma_wait3A_964 = arith.constant 0 : i32
      %dma_wait3A_965 = tpu.memref_slice %arg10[%mul3A_948, %dma_wait3A_964] : memref<10000x128xf32, #tpu.memory_space<vmem_shared>> -> memref<624x128xf32, #tpu.memory_space<vmem_shared>>
      tpu.wait_dma2 semaphore(%run_scoped3A : memref<!tpu.dma_semaphore, #tpu.memory_space<semaphore_mem>>) src(%dma_wait3A_965 : memref<624x128xf32, #tpu.memory_space<vmem_shared>>) dst(%dma_wait3A_963 : memref<624x128xf32, #tpu.memory_space<hbm>>)
      tpu.yield
    }) : () -> ()
    %eq3A_951 = arith.constant 0 : i32
    %eq3A_952 = arith.cmpi eq, %arg1, %eq3A_951 : i32
    %convert_element_type3A_953 = arith.extui %eq3A_952 : i1 to i32
    %cond3A_954 = arith.constant 0 : i32
    %cond3A_955 = arith.cmpi ne, %convert_element_type3A_953, %cond3A_954 : i32
    scf.if %cond3A_955 {
      "tpu.region"() ({
        %run_scoped3A = tpu.sem_alloc : memref<!tpu.dma_semaphore, #tpu.memory_space<semaphore_mem>>
        %dma_start3A_960 = arith.constant 0 : i32
        %dma_start3A_961 = tpu.memref_slice %arg19[%dma_start3A_960] : memref<624xf32, #tpu.memory_space<vmem>> -> memref<16xf32, #tpu.memory_space<vmem>>
        %dma_start3A_962 = arith.constant 9984 : i32
        %dma_start3A_963 = tpu.memref_slice %arg11[%dma_start3A_962] : memref<10000xf32, #tpu.memory_space<vmem_shared>> -> memref<16xf32, #tpu.memory_space<vmem_shared>>
        %dma_start3A_964 = arith.constant 0 : i32
        %dma_start3A_965 = tpu.memref_slice %arg19[%dma_start3A_964] : memref<624xf32, #tpu.memory_space<vmem>> -> memref<16xf32, #tpu.memory_space<vmem>>
        %dma_start3A_966 = arith.constant 9984 : i32
        %dma_start3A_967 = tpu.memref_slice %arg11[%dma_start3A_966] : memref<10000xf32, #tpu.memory_space<vmem_shared>> -> memref<16xf32, #tpu.memory_space<vmem_shared>>
        tpu.enqueue_dma source(%dma_start3A_967 : memref<16xf32, #tpu.memory_space<vmem_shared>>) target(%dma_start3A_965 : memref<16xf32, #tpu.memory_space<vmem>>) target_semaphore(%run_scoped3A : memref<!tpu.dma_semaphore, #tpu.memory_space<semaphore_mem>>)
        %dma_wait3A_968 = arith.constant 0 : i32
        %dma_wait3A_969 = tpu.memref_slice %arg19[%dma_wait3A_968] : memref<624xf32, #tpu.memory_space<vmem>> -> memref<16xf32, #tpu.memory_space<vmem>>
        %dma_wait3A_970 = arith.constant 9984 : i32
        %dma_wait3A_971 = tpu.memref_slice %arg11[%dma_wait3A_970] : memref<10000xf32, #tpu.memory_space<vmem_shared>> -> memref<16xf32, #tpu.memory_space<vmem_shared>>
        %dma_wait3A_972 = arith.constant 0 : i32
        %dma_wait3A_973 = tpu.memref_slice %arg19[%dma_wait3A_972] : memref<624xf32, #tpu.memory_space<vmem>> -> memref<16xf32, #tpu.memory_space<vmem>>
        %dma_wait3A_974 = arith.constant 9984 : i32
        %dma_wait3A_975 = tpu.memref_slice %arg11[%dma_wait3A_974] : memref<10000xf32, #tpu.memory_space<vmem_shared>> -> memref<16xf32, #tpu.memory_space<vmem_shared>>
        tpu.wait_dma2 semaphore(%run_scoped3A : memref<!tpu.dma_semaphore, #tpu.memory_space<semaphore_mem>>) src(%dma_wait3A_975 : memref<16xf32, #tpu.memory_space<vmem_shared>>) dst(%dma_wait3A_973 : memref<16xf32, #tpu.memory_space<vmem>>)
        tpu.yield
      }) : () -> ()
      %mul3A_956 = arith.constant 10000 : i32
      %mul3A_957 = arith.muli %arg0, %mul3A_956 : i32
      %add3A_958 = arith.constant 9984 : i32
      %add3A_959 = arith.addi %mul3A_957, %add3A_958 : i32
      "tpu.region"() ({
        %run_scoped3A = tpu.sem_alloc : memref<!tpu.dma_semaphore, #tpu.memory_space<semaphore_mem>>
        %dma_start3A_960 = arith.constant 0 : i32
        %dma_start3A_961 = tpu.memref_slice %arg19[%dma_start3A_960] : memref<624xf32, #tpu.memory_space<vmem>> -> memref<16xf32, #tpu.memory_space<vmem>>
        %dma_start3A_962 = tpu.memref_slice %arg9[%add3A_959] : memref<20000xf32, #tpu.memory_space<hbm>> -> memref<16xf32, #tpu.memory_space<hbm>>
        %dma_start3A_963 = tpu.memref_slice %arg9[%add3A_959] : memref<20000xf32, #tpu.memory_space<hbm>> -> memref<16xf32, #tpu.memory_space<hbm>>
        %dma_start3A_964 = arith.constant 0 : i32
        %dma_start3A_965 = tpu.memref_slice %arg19[%dma_start3A_964] : memref<624xf32, #tpu.memory_space<vmem>> -> memref<16xf32, #tpu.memory_space<vmem>>
        tpu.enqueue_dma source(%dma_start3A_965 : memref<16xf32, #tpu.memory_space<vmem>>) target(%dma_start3A_963 : memref<16xf32, #tpu.memory_space<hbm>>) target_semaphore(%run_scoped3A : memref<!tpu.dma_semaphore, #tpu.memory_space<semaphore_mem>>)
        %dma_wait3A_966 = arith.constant 0 : i32
        %dma_wait3A_967 = tpu.memref_slice %arg19[%dma_wait3A_966] : memref<624xf32, #tpu.memory_space<vmem>> -> memref<16xf32, #tpu.memory_space<vmem>>
        %dma_wait3A_968 = tpu.memref_slice %arg9[%add3A_959] : memref<20000xf32, #tpu.memory_space<hbm>> -> memref<16xf32, #tpu.memory_space<hbm>>
        %dma_wait3A_969 = tpu.memref_slice %arg9[%add3A_959] : memref<20000xf32, #tpu.memory_space<hbm>> -> memref<16xf32, #tpu.memory_space<hbm>>
        %dma_wait3A_970 = arith.constant 0 : i32
        %dma_wait3A_971 = tpu.memref_slice %arg19[%dma_wait3A_970] : memref<624xf32, #tpu.memory_space<vmem>> -> memref<16xf32, #tpu.memory_space<vmem>>
        tpu.wait_dma2 semaphore(%run_scoped3A : memref<!tpu.dma_semaphore, #tpu.memory_space<semaphore_mem>>) src(%dma_wait3A_971 : memref<16xf32, #tpu.memory_space<vmem>>) dst(%dma_wait3A_969 : memref<16xf32, #tpu.memory_space<hbm>>)
        tpu.yield
      }) : () -> ()
      "tpu.region"() ({
        %run_scoped3A = tpu.sem_alloc : memref<!tpu.dma_semaphore, #tpu.memory_space<semaphore_mem>>
        %dma_start3A_960 = arith.constant 9984 : i32
        %dma_start3A_961 = arith.constant 0 : i32
        %dma_start3A_962 = tpu.memref_slice %arg8[%arg0, %dma_start3A_960, %dma_start3A_961] : memref<2x10000x128xf32, #tpu.memory_space<hbm>> -> memref<1x16x128xf32, #tpu.memory_space<hbm>>
        %dma_start3A_963 = tpu.memref_squeeze %dma_start3A_962 : memref<1x16x128xf32, #tpu.memory_space<hbm>> -> memref<16x128xf32, #tpu.memory_space<hbm>>
        %dma_start3A_964 = arith.constant 9984 : i32
        %dma_start3A_965 = arith.constant 0 : i32
        %dma_start3A_966 = tpu.memref_slice %arg10[%dma_start3A_964, %dma_start3A_965] : memref<10000x128xf32, #tpu.memory_space<vmem_shared>> -> memref<16x128xf32, #tpu.memory_space<vmem_shared>>
        tpu.enqueue_dma source(%dma_start3A_966 : memref<16x128xf32, #tpu.memory_space<vmem_shared>>) target(%dma_start3A_963 : memref<16x128xf32, #tpu.memory_space<hbm>>) target_semaphore(%run_scoped3A : memref<!tpu.dma_semaphore, #tpu.memory_space<semaphore_mem>>)
        %dma_wait3A_967 = arith.constant 9984 : i32
        %dma_wait3A_968 = arith.constant 0 : i32
        %dma_wait3A_969 = tpu.memref_slice %arg8[%arg0, %dma_wait3A_967, %dma_wait3A_968] : memref<2x10000x128xf32, #tpu.memory_space<hbm>> -> memref<1x16x128xf32, #tpu.memory_space<hbm>>
        %dma_wait3A_970 = tpu.memref_squeeze %dma_wait3A_969 : memref<1x16x128xf32, #tpu.memory_space<hbm>> -> memref<16x128xf32, #tpu.memory_space<hbm>>
        %dma_wait3A_971 = arith.constant 9984 : i32
        %dma_wait3A_972 = arith.constant 0 : i32
        %dma_wait3A_973 = tpu.memref_slice %arg10[%dma_wait3A_971, %dma_wait3A_972] : memref<10000x128xf32, #tpu.memory_space<vmem_shared>> -> memref<16x128xf32, #tpu.memory_space<vmem_shared>>
        tpu.wait_dma2 semaphore(%run_scoped3A : memref<!tpu.dma_semaphore, #tpu.memory_space<semaphore_mem>>) src(%dma_wait3A_973 : memref<16x128xf32, #tpu.memory_space<vmem_shared>>) dst(%dma_wait3A_970 : memref<16x128xf32, #tpu.memory_space<hbm>>)
        tpu.yield
      }) : () -> ()
    } else {
    }
    return
  }
}

module attributes {stable_mosaic.version = 14 : i64} {
  func.func @_proj_body(%arg0: i32, %arg1: memref<2x1024x128xf32, #tpu.memory_space<vmem>>, %arg2: memref<128x128xf32, #tpu.memory_space<vmem>>, %arg3: memref<256x1xf32, #tpu.memory_space<vmem>>, %arg4: memref<128x128xf32, #tpu.memory_space<vmem>>, %arg5: memref<256x1xf32, #tpu.memory_space<vmem>>, %arg6: memref<2x1024x128xf32, #tpu.memory_space<vmem>>, %arg7: memref<2x1024x128xf32, #tpu.memory_space<vmem>>, %arg8: memref<2x4x10240xf32, #tpu.memory_space<vmem>>) attributes {dimension_semantics = [#tpu.dimension_semantics<arbitrary>], iteration_bounds = array<i64: 10>, scalar_prefetch = 0 : i64, scratch_operands = 0 : i64, tpu.core_type = #tpu.core_type<tc>, window_params = [{transform_indices = @transform_0, window_bounds = array<i64: 2, 1024, 128>}, {pipeline_mode = #tpu.pipeline_mode<synchronous>, transform_indices = @transform_1, window_bounds = array<i64: 128, 128>}, {pipeline_mode = #tpu.pipeline_mode<synchronous>, transform_indices = @transform_2, window_bounds = array<i64: 256, 1>}, {pipeline_mode = #tpu.pipeline_mode<synchronous>, transform_indices = @transform_3, window_bounds = array<i64: 128, 128>}, {pipeline_mode = #tpu.pipeline_mode<synchronous>, transform_indices = @transform_4, window_bounds = array<i64: 256, 1>}, {transform_indices = @transform_5, window_bounds = array<i64: 2, 1024, 128>}, {transform_indices = @transform_6, window_bounds = array<i64: 2, 1024, 128>}, {pipeline_mode = #tpu.pipeline_mode<synchronous>, transform_indices = @transform_7, window_bounds = array<i64: 2, 4, 10240>}]} {
    %get3A = arith.constant 0 : index
    %get3A_0 = arith.constant 0 : index
    %get3A_1 = arith.constant 0 : index
    %get3A_2 = vector.load %arg1[%get3A, %get3A_0, %get3A_1] : memref<2x1024x128xf32, #tpu.memory_space<vmem>>, vector<1x1024x128xf32>
    %get3A_3 = vector.shape_cast %get3A_2 : vector<1x1024x128xf32> to vector<1024x128xf32>
    %get3A_4 = arith.constant 1 : index
    %get3A_5 = arith.constant 0 : index
    %get3A_6 = arith.constant 0 : index
    %get3A_7 = vector.load %arg1[%get3A_4, %get3A_5, %get3A_6] : memref<2x1024x128xf32, #tpu.memory_space<vmem>>, vector<1x1024x128xf32>
    %get3A_8 = vector.shape_cast %get3A_7 : vector<1x1024x128xf32> to vector<1024x128xf32>
    %get3A_9 = arith.constant 0 : index
    %get3A_10 = arith.constant 0 : index
    %get3A_11 = vector.load %arg2[%get3A_9, %get3A_10] : memref<128x128xf32, #tpu.memory_space<vmem>>, vector<128x128xf32>
    %get3A_12 = arith.constant 0 : index
    %get3A_13 = arith.constant 0 : index
    %get3A_14 = vector.load %arg4[%get3A_12, %get3A_13] : memref<128x128xf32, #tpu.memory_space<vmem>>, vector<128x128xf32>
    %dot_general3A = arith.constant dense<0.000000e+00> : vector<1024x128xf32>
    %dot_general3A_15 = tpu.matmul %get3A_8, %get3A_14, %dot_general3A {dimension_numbers = #tpu.dot_dimension_numbers<[1], [0], [0], [1], [0, 0, 1, 1], [], []>, transpose_lhs_hint = false} : vector<1024x128xf32>, vector<128x128xf32>, vector<1024x128xf32> -> vector<1024x128xf32>
    %dot_general3A_16 = arith.constant dense<0.000000e+00> : vector<1024x128xf32>
    %dot_general3A_17 = tpu.matmul %get3A_3, %get3A_14, %dot_general3A_16 {dimension_numbers = #tpu.dot_dimension_numbers<[1], [0], [0], [1], [0, 0, 1, 1], [], []>, transpose_lhs_hint = false} : vector<1024x128xf32>, vector<128x128xf32>, vector<1024x128xf32> -> vector<1024x128xf32>
    %dot_general3A_18 = arith.constant dense<0.000000e+00> : vector<1024x128xf32>
    %dot_general3A_19 = tpu.matmul %get3A_3, %get3A_11, %dot_general3A_18 {dimension_numbers = #tpu.dot_dimension_numbers<[1], [0], [0], [1], [0, 0, 1, 1], [], []>, transpose_lhs_hint = false} : vector<1024x128xf32>, vector<128x128xf32>, vector<1024x128xf32> -> vector<1024x128xf32>
    %dot_general3A_20 = arith.constant dense<0.000000e+00> : vector<1024x128xf32>
    %dot_general3A_21 = tpu.matmul %get3A_8, %get3A_11, %dot_general3A_20 {dimension_numbers = #tpu.dot_dimension_numbers<[1], [0], [0], [1], [0, 0, 1, 1], [], []>, transpose_lhs_hint = false} : vector<1024x128xf32>, vector<128x128xf32>, vector<1024x128xf32> -> vector<1024x128xf32>
    %swap3A = arith.constant 0 : index
    %swap3A_22 = arith.constant 0 : index
    %swap3A_23 = arith.constant 0 : index
    %swap3A_24 = vector.load %arg6[%swap3A, %swap3A_22, %swap3A_23] : memref<2x1024x128xf32, #tpu.memory_space<vmem>>, vector<1x1024x128xf32>
    %swap3A_25 = vector.shape_cast %swap3A_24 : vector<1x1024x128xf32> to vector<1024x128xf32>
    %swap3A_26 = vector.shape_cast %dot_general3A_15 : vector<1024x128xf32> to vector<1x1024x128xf32>
    tpu.vector_store %arg6[%swap3A, %swap3A_22, %swap3A_23], %swap3A_26 {strides = array<i32>} : memref<2x1024x128xf32, #tpu.memory_space<vmem>>, vector<1x1024x128xf32>,
    %swap3A_27 = arith.constant 1 : index
    %swap3A_28 = arith.constant 0 : index
    %swap3A_29 = arith.constant 0 : index
    %swap3A_30 = vector.load %arg6[%swap3A_27, %swap3A_28, %swap3A_29] : memref<2x1024x128xf32, #tpu.memory_space<vmem>>, vector<1x1024x128xf32>
    %swap3A_31 = vector.shape_cast %swap3A_30 : vector<1x1024x128xf32> to vector<1024x128xf32>
    %swap3A_32 = vector.shape_cast %dot_general3A_19 : vector<1024x128xf32> to vector<1x1024x128xf32>
    tpu.vector_store %arg6[%swap3A_27, %swap3A_28, %swap3A_29], %swap3A_32 {strides = array<i32>} : memref<2x1024x128xf32, #tpu.memory_space<vmem>>, vector<1x1024x128xf32>,
    %swap3A_33 = arith.constant 0 : index
    %swap3A_34 = arith.constant 0 : index
    %swap3A_35 = arith.constant 0 : index
    %swap3A_36 = vector.load %arg7[%swap3A_33, %swap3A_34, %swap3A_35] : memref<2x1024x128xf32, #tpu.memory_space<vmem>>, vector<1x1024x128xf32>
    %swap3A_37 = vector.shape_cast %swap3A_36 : vector<1x1024x128xf32> to vector<1024x128xf32>
    %swap3A_38 = vector.shape_cast %dot_general3A_17 : vector<1024x128xf32> to vector<1x1024x128xf32>
    tpu.vector_store %arg7[%swap3A_33, %swap3A_34, %swap3A_35], %swap3A_38 {strides = array<i32>} : memref<2x1024x128xf32, #tpu.memory_space<vmem>>, vector<1x1024x128xf32>,
    %swap3A_39 = arith.constant 1 : index
    %swap3A_40 = arith.constant 0 : index
    %swap3A_41 = arith.constant 0 : index
    %swap3A_42 = vector.load %arg7[%swap3A_39, %swap3A_40, %swap3A_41] : memref<2x1024x128xf32, #tpu.memory_space<vmem>>, vector<1x1024x128xf32>
    %swap3A_43 = vector.shape_cast %swap3A_42 : vector<1x1024x128xf32> to vector<1024x128xf32>
    %swap3A_44 = vector.shape_cast %dot_general3A_21 : vector<1024x128xf32> to vector<1x1024x128xf32>
    tpu.vector_store %arg7[%swap3A_39, %swap3A_40, %swap3A_41], %swap3A_44 {strides = array<i32>} : memref<2x1024x128xf32, #tpu.memory_space<vmem>>, vector<1x1024x128xf32>,
    %get3A_45 = arith.constant 0 : index
    %get3A_46 = arith.constant 0 : index
    %get3A_47 = vector.load %arg5[%get3A_45, %get3A_46] : memref<256x1xf32, #tpu.memory_space<vmem>>, vector<256x1xf32>
    %get3A_48 = arith.constant 0 : index
    %get3A_49 = arith.constant 0 : index
    %get3A_50 = vector.load %arg3[%get3A_48, %get3A_49] : memref<256x1xf32, #tpu.memory_space<vmem>>, vector<256x1xf32>
    %mul3A = arith.constant 1024 : i32
    %mul3A_51 = arith.muli %arg0, %mul3A : i32
    %slice3A = vector.extract_strided_slice %get3A_47 {offsets = [0, 0], sizes = [128, 1], strides = [1, 1]} : vector<256x1xf32> to vector<128x1xf32>
    %dot_general3A_52 = arith.constant dense<0.000000e+00> : vector<1024x1xf32>
    %dot_general3A_53 = tpu.matmul %dot_general3A_15, %slice3A, %dot_general3A_52 {dimension_numbers = #tpu.dot_dimension_numbers<[1], [0], [0], [1], [0, 0, 1, 1], [], []>, transpose_lhs_hint = false} : vector<1024x128xf32>, vector<128x1xf32>, vector<1024x1xf32> -> vector<1024x1xf32>
    %squeeze3A = vector.shape_cast %dot_general3A_53 : vector<1024x1xf32> to vector<1024xf32>
    %swap3A_54 = arith.constant 0 : index
    %swap3A_55 = arith.constant 0 : index
    %swap3A_56 = arith.index_cast %mul3A_51 : i32 to index
    %swap3A_57 = vector.load %arg8[%swap3A_54, %swap3A_55, %swap3A_56] : memref<2x4x10240xf32, #tpu.memory_space<vmem>>, vector<1x1x1024xf32>
    %swap3A_58 = vector.shape_cast %swap3A_57 : vector<1x1x1024xf32> to vector<1024xf32>
    %swap3A_59 = vector.shape_cast %squeeze3A : vector<1024xf32> to vector<1x1x1024xf32>
    tpu.vector_store %arg8[%swap3A_54, %swap3A_55, %swap3A_56], %swap3A_59 {strides = array<i32>} : memref<2x4x10240xf32, #tpu.memory_space<vmem>>, vector<1x1x1024xf32>,
    %slice3A_60 = vector.extract_strided_slice %get3A_47 {offsets = [128, 0], sizes = [128, 1], strides = [1, 1]} : vector<256x1xf32> to vector<128x1xf32>
    %dot_general3A_61 = arith.constant dense<0.000000e+00> : vector<1024x1xf32>
    %dot_general3A_62 = tpu.matmul %dot_general3A_15, %slice3A_60, %dot_general3A_61 {dimension_numbers = #tpu.dot_dimension_numbers<[1], [0], [0], [1], [0, 0, 1, 1], [], []>, transpose_lhs_hint = false} : vector<1024x128xf32>, vector<128x1xf32>, vector<1024x1xf32> -> vector<1024x1xf32>
    %squeeze3A_63 = vector.shape_cast %dot_general3A_62 : vector<1024x1xf32> to vector<1024xf32>
    %swap3A_64 = arith.constant 0 : index
    %swap3A_65 = arith.constant 1 : index
    %swap3A_66 = arith.index_cast %mul3A_51 : i32 to index
    %swap3A_67 = vector.load %arg8[%swap3A_64, %swap3A_65, %swap3A_66] : memref<2x4x10240xf32, #tpu.memory_space<vmem>>, vector<1x1x1024xf32>
    %swap3A_68 = vector.shape_cast %swap3A_67 : vector<1x1x1024xf32> to vector<1024xf32>
    %swap3A_69 = vector.shape_cast %squeeze3A_63 : vector<1024xf32> to vector<1x1x1024xf32>
    tpu.vector_store %arg8[%swap3A_64, %swap3A_65, %swap3A_66], %swap3A_69 {strides = array<i32>} : memref<2x4x10240xf32, #tpu.memory_space<vmem>>, vector<1x1x1024xf32>,
    %slice3A_70 = vector.extract_strided_slice %get3A_47 {offsets = [0, 0], sizes = [128, 1], strides = [1, 1]} : vector<256x1xf32> to vector<128x1xf32>
    %dot_general3A_71 = arith.constant dense<0.000000e+00> : vector<1024x1xf32>
    %dot_general3A_72 = tpu.matmul %dot_general3A_17, %slice3A_70, %dot_general3A_71 {dimension_numbers = #tpu.dot_dimension_numbers<[1], [0], [0], [1], [0, 0, 1, 1], [], []>, transpose_lhs_hint = false} : vector<1024x128xf32>, vector<128x1xf32>, vector<1024x1xf32> -> vector<1024x1xf32>
    %squeeze3A_73 = vector.shape_cast %dot_general3A_72 : vector<1024x1xf32> to vector<1024xf32>
    %swap3A_74 = arith.constant 0 : index
    %swap3A_75 = arith.constant 2 : index
    %swap3A_76 = arith.index_cast %mul3A_51 : i32 to index
    %swap3A_77 = vector.load %arg8[%swap3A_74, %swap3A_75, %swap3A_76] : memref<2x4x10240xf32, #tpu.memory_space<vmem>>, vector<1x1x1024xf32>
    %swap3A_78 = vector.shape_cast %swap3A_77 : vector<1x1x1024xf32> to vector<1024xf32>
    %swap3A_79 = vector.shape_cast %squeeze3A_73 : vector<1024xf32> to vector<1x1x1024xf32>
    tpu.vector_store %arg8[%swap3A_74, %swap3A_75, %swap3A_76], %swap3A_79 {strides = array<i32>} : memref<2x4x10240xf32, #tpu.memory_space<vmem>>, vector<1x1x1024xf32>,
    %slice3A_80 = vector.extract_strided_slice %get3A_47 {offsets = [128, 0], sizes = [128, 1], strides = [1, 1]} : vector<256x1xf32> to vector<128x1xf32>
    %dot_general3A_81 = arith.constant dense<0.000000e+00> : vector<1024x1xf32>
    %dot_general3A_82 = tpu.matmul %dot_general3A_17, %slice3A_80, %dot_general3A_81 {dimension_numbers = #tpu.dot_dimension_numbers<[1], [0], [0], [1], [0, 0, 1, 1], [], []>, transpose_lhs_hint = false} : vector<1024x128xf32>, vector<128x1xf32>, vector<1024x1xf32> -> vector<1024x1xf32>
    %squeeze3A_83 = vector.shape_cast %dot_general3A_82 : vector<1024x1xf32> to vector<1024xf32>
    %swap3A_84 = arith.constant 0 : index
    %swap3A_85 = arith.constant 3 : index
    %swap3A_86 = arith.index_cast %mul3A_51 : i32 to index
    %swap3A_87 = vector.load %arg8[%swap3A_84, %swap3A_85, %swap3A_86] : memref<2x4x10240xf32, #tpu.memory_space<vmem>>, vector<1x1x1024xf32>
    %swap3A_88 = vector.shape_cast %swap3A_87 : vector<1x1x1024xf32> to vector<1024xf32>
    %swap3A_89 = vector.shape_cast %squeeze3A_83 : vector<1024xf32> to vector<1x1x1024xf32>
    tpu.vector_store %arg8[%swap3A_84, %swap3A_85, %swap3A_86], %swap3A_89 {strides = array<i32>} : memref<2x4x10240xf32, #tpu.memory_space<vmem>>, vector<1x1x1024xf32>,
    %slice3A_90 = vector.extract_strided_slice %get3A_50 {offsets = [0, 0], sizes = [128, 1], strides = [1, 1]} : vector<256x1xf32> to vector<128x1xf32>
    %dot_general3A_91 = arith.constant dense<0.000000e+00> : vector<1024x1xf32>
    %dot_general3A_92 = tpu.matmul %dot_general3A_19, %slice3A_90, %dot_general3A_91 {dimension_numbers = #tpu.dot_dimension_numbers<[1], [0], [0], [1], [0, 0, 1, 1], [], []>, transpose_lhs_hint = false} : vector<1024x128xf32>, vector<128x1xf32>, vector<1024x1xf32> -> vector<1024x1xf32>
    %squeeze3A_93 = vector.shape_cast %dot_general3A_92 : vector<1024x1xf32> to vector<1024xf32>
    %swap3A_94 = arith.constant 1 : index
    %swap3A_95 = arith.constant 0 : index
    %swap3A_96 = arith.index_cast %mul3A_51 : i32 to index
    %swap3A_97 = vector.load %arg8[%swap3A_94, %swap3A_95, %swap3A_96] : memref<2x4x10240xf32, #tpu.memory_space<vmem>>, vector<1x1x1024xf32>
    %swap3A_98 = vector.shape_cast %swap3A_97 : vector<1x1x1024xf32> to vector<1024xf32>
    %swap3A_99 = vector.shape_cast %squeeze3A_93 : vector<1024xf32> to vector<1x1x1024xf32>
    tpu.vector_store %arg8[%swap3A_94, %swap3A_95, %swap3A_96], %swap3A_99 {strides = array<i32>} : memref<2x4x10240xf32, #tpu.memory_space<vmem>>, vector<1x1x1024xf32>,
    %slice3A_100 = vector.extract_strided_slice %get3A_50 {offsets = [128, 0], sizes = [128, 1], strides = [1, 1]} : vector<256x1xf32> to vector<128x1xf32>
    %dot_general3A_101 = arith.constant dense<0.000000e+00> : vector<1024x1xf32>
    %dot_general3A_102 = tpu.matmul %dot_general3A_19, %slice3A_100, %dot_general3A_101 {dimension_numbers = #tpu.dot_dimension_numbers<[1], [0], [0], [1], [0, 0, 1, 1], [], []>, transpose_lhs_hint = false} : vector<1024x128xf32>, vector<128x1xf32>, vector<1024x1xf32> -> vector<1024x1xf32>
    %squeeze3A_103 = vector.shape_cast %dot_general3A_102 : vector<1024x1xf32> to vector<1024xf32>
    %swap3A_104 = arith.constant 1 : index
    %swap3A_105 = arith.constant 1 : index
    %swap3A_106 = arith.index_cast %mul3A_51 : i32 to index
    %swap3A_107 = vector.load %arg8[%swap3A_104, %swap3A_105, %swap3A_106] : memref<2x4x10240xf32, #tpu.memory_space<vmem>>, vector<1x1x1024xf32>
    %swap3A_108 = vector.shape_cast %swap3A_107 : vector<1x1x1024xf32> to vector<1024xf32>
    %swap3A_109 = vector.shape_cast %squeeze3A_103 : vector<1024xf32> to vector<1x1x1024xf32>
    tpu.vector_store %arg8[%swap3A_104, %swap3A_105, %swap3A_106], %swap3A_109 {strides = array<i32>} : memref<2x4x10240xf32, #tpu.memory_space<vmem>>, vector<1x1x1024xf32>,
    %slice3A_110 = vector.extract_strided_slice %get3A_50 {offsets = [0, 0], sizes = [128, 1], strides = [1, 1]} : vector<256x1xf32> to vector<128x1xf32>
    %dot_general3A_111 = arith.constant dense<0.000000e+00> : vector<1024x1xf32>
    %dot_general3A_112 = tpu.matmul %dot_general3A_21, %slice3A_110, %dot_general3A_111 {dimension_numbers = #tpu.dot_dimension_numbers<[1], [0], [0], [1], [0, 0, 1, 1], [], []>, transpose_lhs_hint = false} : vector<1024x128xf32>, vector<128x1xf32>, vector<1024x1xf32> -> vector<1024x1xf32>
    %squeeze3A_113 = vector.shape_cast %dot_general3A_112 : vector<1024x1xf32> to vector<1024xf32>
    %swap3A_114 = arith.constant 1 : index
    %swap3A_115 = arith.constant 2 : index
    %swap3A_116 = arith.index_cast %mul3A_51 : i32 to index
    %swap3A_117 = vector.load %arg8[%swap3A_114, %swap3A_115, %swap3A_116] : memref<2x4x10240xf32, #tpu.memory_space<vmem>>, vector<1x1x1024xf32>
    %swap3A_118 = vector.shape_cast %swap3A_117 : vector<1x1x1024xf32> to vector<1024xf32>
    %swap3A_119 = vector.shape_cast %squeeze3A_113 : vector<1024xf32> to vector<1x1x1024xf32>
    tpu.vector_store %arg8[%swap3A_114, %swap3A_115, %swap3A_116], %swap3A_119 {strides = array<i32>} : memref<2x4x10240xf32, #tpu.memory_space<vmem>>, vector<1x1x1024xf32>,
    %slice3A_120 = vector.extract_strided_slice %get3A_50 {offsets = [128, 0], sizes = [128, 1], strides = [1, 1]} : vector<256x1xf32> to vector<128x1xf32>
    %dot_general3A_121 = arith.constant dense<0.000000e+00> : vector<1024x1xf32>
    %dot_general3A_122 = tpu.matmul %dot_general3A_21, %slice3A_120, %dot_general3A_121 {dimension_numbers = #tpu.dot_dimension_numbers<[1], [0], [0], [1], [0, 0, 1, 1], [], []>, transpose_lhs_hint = false} : vector<1024x128xf32>, vector<128x1xf32>, vector<1024x1xf32> -> vector<1024x1xf32>
    %squeeze3A_123 = vector.shape_cast %dot_general3A_122 : vector<1024x1xf32> to vector<1024xf32>
    %swap3A_124 = arith.constant 1 : index
    %swap3A_125 = arith.constant 3 : index
    %swap3A_126 = arith.index_cast %mul3A_51 : i32 to index
    %swap3A_127 = vector.load %arg8[%swap3A_124, %swap3A_125, %swap3A_126] : memref<2x4x10240xf32, #tpu.memory_space<vmem>>, vector<1x1x1024xf32>
    %swap3A_128 = vector.shape_cast %swap3A_127 : vector<1x1x1024xf32> to vector<1024xf32>
    %swap3A_129 = vector.shape_cast %squeeze3A_123 : vector<1024xf32> to vector<1x1x1024xf32>
    tpu.vector_store %arg8[%swap3A_124, %swap3A_125, %swap3A_126], %swap3A_129 {strides = array<i32>} : memref<2x4x10240xf32, #tpu.memory_space<vmem>>, vector<1x1x1024xf32>,
    return
  }
  func.func @transform_0(%arg0: i32) -> (i32, i32, i32) {
    %c0_i32 = arith.constant 0 : i32
    %c0_i32_0 = arith.constant 0 : i32
    %c0_i32_1 = arith.constant 0 : i32
    return %c0_i32, %arg0, %c0_i32_0 : i32, i32, i32
  }
  func.func @transform_1(%arg0: i32) -> (i32, i32) {
    %c0_i32 = arith.constant 0 : i32
    %c0_i32_0 = arith.constant 0 : i32
    %c0_i32_1 = arith.constant 0 : i32
    return %c0_i32, %c0_i32_0 : i32, i32
  }
  func.func @transform_2(%arg0: i32) -> (i32, i32) {
    %c0_i32 = arith.constant 0 : i32
    %c0_i32_0 = arith.constant 0 : i32
    %c0_i32_1 = arith.constant 0 : i32
    return %c0_i32, %c0_i32_0 : i32, i32
  }
  func.func @transform_3(%arg0: i32) -> (i32, i32) {
    %c0_i32 = arith.constant 0 : i32
    %c0_i32_0 = arith.constant 0 : i32
    %c0_i32_1 = arith.constant 0 : i32
    return %c0_i32, %c0_i32_0 : i32, i32
  }
  func.func @transform_4(%arg0: i32) -> (i32, i32) {
    %c0_i32 = arith.constant 0 : i32
    %c0_i32_0 = arith.constant 0 : i32
    %c0_i32_1 = arith.constant 0 : i32
    return %c0_i32, %c0_i32_0 : i32, i32
  }
  func.func @transform_5(%arg0: i32) -> (i32, i32, i32) {
    %c0_i32 = arith.constant 0 : i32
    %c0_i32_0 = arith.constant 0 : i32
    %c0_i32_1 = arith.constant 0 : i32
    return %c0_i32, %arg0, %c0_i32_0 : i32, i32, i32
  }
  func.func @transform_6(%arg0: i32) -> (i32, i32, i32) {
    %c0_i32 = arith.constant 0 : i32
    %c0_i32_0 = arith.constant 0 : i32
    %c0_i32_1 = arith.constant 0 : i32
    return %c0_i32, %arg0, %c0_i32_0 : i32, i32, i32
  }
  func.func @transform_7(%arg0: i32) -> (i32, i32, i32) {
    %c0_i32 = arith.constant 0 : i32
    %c0_i32_0 = arith.constant 0 : i32
    %c0_i32_1 = arith.constant 0 : i32
    %c0_i32_2 = arith.constant 0 : i32
    return %c0_i32, %c0_i32_0, %c0_i32_1 : i32, i32, i32
  }
}

module attributes {stable_mosaic.version = 14 : i64} {
  func.func @_fin_body(%arg0: memref<2x10000x128xf32, #tpu.memory_space<vmem>>, %arg1: memref<2x10000xf32, #tpu.memory_space<vmem>>, %arg2: memref<10000x128xf32, #tpu.memory_space<vmem>>, %arg3: memref<10000x128xf32, #tpu.memory_space<vmem>>) attributes {dimension_semantics = [], scalar_prefetch = 0 : i64, scratch_operands = 0 : i64, tpu.core_type = #tpu.core_type<tc>} {
    %get3A = arith.constant 0 : index
    %get3A_0 = arith.constant 0 : index
    %get3A_1 = vector.load %arg1[%get3A, %get3A_0] : memref<2x10000xf32, #tpu.memory_space<vmem>>, vector<1x10000xf32>
    %get3A_2 = vector.shape_cast %get3A_1 : vector<1x10000xf32> to vector<10000xf32>
    %add3A = arith.constant 1.000000e-16 : f32
    %add3A_3 = vector.broadcast %add3A : f32 to vector<10000xf32>
    %add3A_4 = arith.addf %get3A_2, %add3A_3 : vector<10000xf32>
    %get3A_5 = arith.constant 1 : index
    %get3A_6 = arith.constant 0 : index
    %get3A_7 = vector.load %arg1[%get3A_5, %get3A_6] : memref<2x10000xf32, #tpu.memory_space<vmem>>, vector<1x10000xf32>
    %get3A_8 = vector.shape_cast %get3A_7 : vector<1x10000xf32> to vector<10000xf32>
    %add3A_9 = arith.constant 1.000000e-16 : f32
    %add3A_10 = vector.broadcast %add3A_9 : f32 to vector<10000xf32>
    %add3A_11 = arith.addf %get3A_8, %add3A_10 : vector<10000xf32>
    %get3A_12 = arith.constant 0 : index
    %get3A_13 = arith.constant 0 : index
    %get3A_14 = arith.constant 0 : index
    %get3A_15 = vector.load %arg0[%get3A_12, %get3A_13, %get3A_14] : memref<2x10000x128xf32, #tpu.memory_space<vmem>>, vector<1x10000x128xf32>
    %get3A_16 = vector.shape_cast %get3A_15 : vector<1x10000x128xf32> to vector<10000x128xf32>
    %broadcast_in_dim3A = vector.shape_cast %add3A_4 : vector<10000xf32> to vector<10000x1xf32>
    %div3A = vector.broadcast %broadcast_in_dim3A : vector<10000x1xf32> to vector<10000x128xf32>
    %div3A_17 = arith.divf %get3A_16, %div3A : vector<10000x128xf32>
    %swap3A = arith.constant 0 : index
    %swap3A_18 = arith.constant 0 : index
    %swap3A_19 = vector.load %arg3[%swap3A, %swap3A_18] : memref<10000x128xf32, #tpu.memory_space<vmem>>, vector<10000x128xf32>
    tpu.vector_store %arg3[%swap3A, %swap3A_18], %div3A_17 {strides = array<i32>} : memref<10000x128xf32, #tpu.memory_space<vmem>>, vector<10000x128xf32>,
    %get3A_20 = arith.constant 1 : index
    %get3A_21 = arith.constant 0 : index
    %get3A_22 = arith.constant 0 : index
    %get3A_23 = vector.load %arg0[%get3A_20, %get3A_21, %get3A_22] : memref<2x10000x128xf32, #tpu.memory_space<vmem>>, vector<1x10000x128xf32>
    %get3A_24 = vector.shape_cast %get3A_23 : vector<1x10000x128xf32> to vector<10000x128xf32>
    %broadcast_in_dim3A_25 = vector.shape_cast %add3A_11 : vector<10000xf32> to vector<10000x1xf32>
    %div3A_26 = vector.broadcast %broadcast_in_dim3A_25 : vector<10000x1xf32> to vector<10000x128xf32>
    %div3A_27 = arith.divf %get3A_24, %div3A_26 : vector<10000x128xf32>
    %swap3A_28 = arith.constant 0 : index
    %swap3A_29 = arith.constant 0 : index
    %swap3A_30 = vector.load %arg2[%swap3A_28, %swap3A_29] : memref<10000x128xf32, #tpu.memory_space<vmem>>, vector<10000x128xf32>
    tpu.vector_store %arg2[%swap3A_28, %swap3A_29], %div3A_27 {strides = array<i32>} : memref<10000x128xf32, #tpu.memory_space<vmem>>, vector<10000x128xf32>,
    return
  }
}

</mosaic_0001>

<sc_bundles>
// kernel: kernel.5.cloned.1.call-start
scs
__scs_entry_jumppad:
0x0: {  	(pc) =	sbr.rel $0x88, $3  }
0x1: {  	(tag) =	ssettag $0x0;
	lr =	simm.s32 $0x1  }
0x2: {  	[smem:$0x3F99] =	sst lr;
	_ =	strace $0xD0000000  }
0x3: {  	_ = 	snop  }
0x4: {  	_ = 	snop  }
0x5: {  	_ = 	snop  }
0x6: {  	_ = 	snop  }
0x7: {  	_ = 	snop  }
__scs_overlays_trampoline_lowered:
0x8: {  	[smem:$0x3FA8] =	sst s0  }
0x9: {  	[smem:$0x3FA9] =	sst s1  }
0xa: {  	[smem:$0x3FAA] =	sst s2  }
0xb: {  	[smem:$0x3FAB] =	sst s3  }
0xc: {  	[smem:$0x3FAC] =	sst s4  }
0xd: {  	[smem:$0x3FAD] =	sst s5  }
0xe: {  	[smem:$0x3FAE] =	sst s6  }
0xf: {  	[smem:$0x3FAF] =	sst s7  }
0x10: {  	[smem:$0x3FB0] =	sst s8  }
0x11: {  	[smem:$0x3FB1] =	sst s9;
	s0 =	simm.s32 @!p0 $0x0  }
0x12: {  	s1 =	sld [smem:$0x3F97];
	s0 =	simm.s32 @p0 $0x1  }
0x13: {  	[smem:$0x3FB2] =	sst s0;
	s0 =	simm.s32 @!p1 $0x0  }
0x14: {  	s2 =	sld [smem:$0x3F96];
	s0 =	simm.s32 @p1 $0x1  }
0x15: {  	[smem:$0x3FB3] =	sst s0;
	s0 =	simm.s32 @!p2 $0x0  }
0x16: {  	s3 =	sld [smem:$0x3FDB];
	s0 =	simm.s32 @p2 $0x1  }
0x17: {  	s4 =	simm.s32 $0x1BF5;
	[smem:$0x3FB5] =	sst s0  }
0x18: {  	s0 =	sld [smem:$0x3F98];
	_ =	swait.ge [sflag:s4], $0x0  }
0x19: {  	s7 =	sld [smem:$0x3F99]  }
0x1a: {  	s8 =	sadd.s32 $0xFFFFE003, lr  }
0x1b: {  	s9 =	sadd.s32 $0xFFFFFEF7, lr;
	s5 =	simm.s32 $0xFFFFFFFF;
	p2 =	slt.u32 s8, $0xFFFFF086  }
0x1c: {  	p1 =	slt.u32 s9, $0xF7A;
	s5 =	simm.s32 @!p2 $0x0  }
0x1d: {  	s5 =	simm.s32 @p1 $0x1;
	p0 =	seq.s32 s7, s2  }
0x1e: {  	s7 =	smul.u32 @!p0 $0xF7A, s2;
	p2 =	seq.s32 @!p0 s5, $0x0  }
0x1f: {  	s9 =	smul.u32 $0xF7A, s1;
	s8 =	simm.s32 @!p0 $0x1BF5;
	p2 =	por !p2, p0  }
0x20: {  	[sflag:s8] =	ssyncset.s32 @!p0 $0xFFFFF086;
	s6 =	sadd.s32 @!p0 s3, s7;
	s7 =	simm.s32 @!p0 $0x108  }
0x21: {  	s3 =	sadd.s32 s3, s9;
	s6 =	sadd.s32 @!p0 $0x88, s6;
	s7 =	simm.s32 @p2 $0x1082  }
0x22: {  	[simem:s7], [sflag:s8] =	dma.local @!p0 [hbm:s6], $0xF7A  }
0x23: {  	s9 =	sor.u32 $0xD0000000, s2;
	s6 =	simm.s32 $0x108;
	_ =	swait.ge @!p0 [sflag:s8], $0x0  }
0x24: {  	s3 =	sadd.s32 $0x88, s3;
	s6 =	simm.s32 @!p1 $0x1082;
	[sflag:s4] =	ssyncset.s32 $0xFFFFF086  }
0x25: {  	[simem:s6], [sflag:s4] =	dma.local [hbm:s3], $0xF7A  }
0x26: {  	[smem:$0x3F99] =	sst s1;
	(tag) =	ssettag s2;
	_ =	strace s9  }
0x27: {  	s1 =	sld [smem:$0x3FA9]  }
0x28: {  	s2 =	sld [smem:$0x3FAA]  }
0x29: {  	s4 =	sld [smem:$0x3FAC]  }
0x2a: {  	p0 =	seq.s32 s5, $0x0;
	s5 =	sld [smem:$0x3FAD]  }
0x2b: {  	s6 =	sld [smem:$0x3FAE]  }
0x2c: {  	s7 =	sld [smem:$0x3FAF]  }
0x2d: {  	s3 =	simm.s32 $0x108;
	s8 =	sld [smem:$0x3FB0]  }
0x2e: {  	s3 =	simm.s32 @!p0 $0x1082;
	s9 =	sld [smem:$0x3FB1]  }
0x2f: {  	lr =	sadd.s32 s0, s3;
	s0 =	sld [smem:$0x3FA8]  }
0x30: {  	s3 =	sld [smem:$0x3FAB]  }
0x31: {  	[smem:$0x3FB4] =	sst s10  }
0x32: {  	s10 =	sld [smem:$0x3FB2];
	_ =	sdelay $0x3  }
0x33: {  	p0 =	seq.s32 s10, $0x1;
	s10 =	sld [smem:$0x3FB4];
	_ =	sdelay $0x3  }
0x34: {  	[smem:$0x3FB4] =	sst s10  }
0x35: {  	s10 =	sld [smem:$0x3FB3];
	_ =	sdelay $0x3  }
0x36: {  	p1 =	seq.s32 s10, $0x1;
	s10 =	sld [smem:$0x3FB4];
	_ =	sdelay $0x3  }
0x37: {  	[smem:$0x3FB4] =	sst s10  }
0x38: {  	s10 =	sld [smem:$0x3FB5]  }
0x39: {  	_ = 	snop;
	(pc) =	sbr.ind lr, $3  }
0x3a: {  	_ = 	snop  }
0x3b: {  	_ = 	snop  }
0x3c: {  	p2 =	seq.s32 s10, $0x1;
	s10 =	sld [smem:$0x3FB4]  }
0x3d: {  	_ =	shalt  }
0x3e: {  	_ =	shalt  }
0x3f: {  	_ =	shalt  }
0x40: {  	_ =	shalt  }
0x41: {  	_ =	shalt  }
0x42: {  	_ =	shalt  }
0x43: {  	_ =	shalt  }
0x44: {  	_ =	shalt  }
0x45: {  	_ =	shalt  }
0x46: {  	_ =	shalt  }
0x47: {  	_ =	shalt  }
0x48: {  	_ =	shalt  }
0x49: {  	_ =	shalt  }
0x4a: {  	_ =	shalt  }
0x4b: {  	_ =	shalt  }
0x4c: {  	_ =	shalt  }
0x4d: {  	_ =	shalt  }
0x4e: {  	_ =	shalt  }
0x4f: {  	_ =	shalt  }
0x50: {  	_ =	shalt  }
0x51: {  	_ =	shalt  }
0x52: {  	_ =	shalt  }
0x53: {  	_ =	shalt  }
0x54: {  	_ =	shalt  }
0x55: {  	_ =	shalt  }
0x56: {  	_ =	shalt  }
0x57: {  	_ =	shalt  }
0x58: {  	_ =	shalt  }
0x59: {  	_ =	shalt  }
0x5a: {  	_ =	shalt  }
0x5b: {  	_ =	shalt  }
0x5c: {  	_ =	shalt  }
0x5d: {  	_ =	shalt  }
0x5e: {  	_ =	shalt  }
0x5f: {  	_ =	shalt  }
0x60: {  	_ =	shalt  }
0x61: {  	_ =	shalt  }
0x62: {  	_ =	shalt  }
0x63: {  	_ =	shalt  }
0x64: {  	_ =	shalt  }
0x65: {  	_ =	shalt  }
0x66: {  	_ =	shalt  }
0x67: {  	_ =	shalt  }
0x68: {  	_ =	shalt  }
0x69: {  	_ =	shalt  }
0x6a: {  	_ =	shalt  }
0x6b: {  	_ =	shalt  }
0x6c: {  	_ =	shalt  }
0x6d: {  	_ =	shalt  }
0x6e: {  	_ =	shalt  }
0x6f: {  	_ =	shalt  }
0x70: {  	_ =	shalt  }
0x71: {  	_ =	shalt  }
0x72: {  	_ =	shalt  }
0x73: {  	_ =	shalt  }
0x74: {  	_ =	shalt  }
0x75: {  	_ =	shalt  }
0x76: {  	_ =	shalt  }
0x77: {  	_ =	shalt  }
0x78: {  	_ =	shalt  }
0x79: {  	_ =	shalt  }
0x7a: {  	_ =	shalt  }
0x7b: {  	_ =	shalt  }
0x7c: {  	_ =	shalt  }
0x7d: {  	_ =	shalt  }
0x7e: {  	_ =	shalt  }
0x7f: {  	_ =	shalt  }
0x80: {  	_ =	shalt  }
0x81: {  	_ =	shalt  }
0x82: {  	_ =	shalt  }
0x83: {  	_ =	shalt  }
0x84: {  	_ =	shalt  }
0x85: {  	_ =	shalt  }
0x86: {  	_ =	shalt  }
0x87: {  	_ =	shalt  }
.Lfunc_end0:
.L_simem_size_0:
called_computation_lowered:
.L_overlay_start_0:
0x88: {  	s2 =	sld [smem:$0x3FD9]  }
0x89: {  	s3 =	sld [smem:$0x3FFE];
	_ =	sdelay $0x1  }
0x8a: {  	s1 =	srdreg.scid  }
0x8b: {  	s0 =	sand.u32 $0x1, s1  }
0x8c: {  	s14 =	sshll.u32 s0, $0xA;
	s2 =	sadd.s32 s3, s2  }
0x8d: {  	s2 =	sadd.s32 s2, s14  }
0x8e: {  	[smem:$0x3FC0] =	sst s2  }
0x8f: {  	_ = 	snop  }
0x90: {  	s2 =	sld [smem:$0x3FD0];
	_ =	sdelay $0x2  }
0x91: {  	s15 =	simm.s32 $0xA;
	s4 =	simm.s32 $0x10  }
0x92: {  	[smem:s4], [sflag:s15] =	dma.local [hbm:s2], $0x1  }
0x93: {  	_ =	swait.eq [sflag:s15], $0x1  }
0x94: {  	[sflag:s15] =	ssyncset.done $0x0  }
0x95: {  	s16 =	sld [smem:$0x10];
	[sflag:s15] =	ssyncadd.s32 $0xFFFFFFFF  }
0x96: {  	s17 =	sld [smem:$0x11];
	(tm) =	ssettm $0x1  }
0x97: {  	s18 =	sld [smem:$0x3FFB];
	_ =	sdelay $0x3  }
0x98: {  	_ =	strace s18  }
0x99: {  	s4 =	sld [smem:$0x3FFC];
	_ =	sdelay $0x3  }
0x9a: {  	_ =	strace s4  }
0x9b: {  	s4 =	sld [smem:$0x3FFD];
	_ =	sdelay $0x3  }
0x9c: {  	_ =	strace s4  }
0x9d: {  	_ =	strace $0x8FFFFFFF  }
0x9e: {  	s19 =	sld [smem:$0x3FDB];
	_ =	sdelay $0x1  }
0x9f: {  	s5 =	simm.s32 $_scs_section_size  }
0xa0: {  	s6 =	simm.s32 $_size__tile_overlayer_lowered;
	s7 =	simm.s32 $_tile_overlayer_lowered  }
0xa1: {  	s22 =	simm.s32 $0x1BFF;
	s21 =	sshll.u32 s7, $0x1;
	s4 =	sadd.s32 s5, s19  }
0xa2: {  	s8 =	simm.s32 $0x0;
	s20 =	sshll.u32 s6, $0x1;
	s6 =	sadd.s32 s21, s4  }
0xa3: {  	[timem:s8], [sflag:s22] =	dma.local [hbm:s6], s20  }
0xa4: {  	_ =	swait.ge [sflag:s22], s20  }
0xa5: {  	s5 =	ssub.s32 $0x0, s20;
	[sflag:s22] =	ssyncset.done $0x0  }
0xa6: {  	[sflag:s22] =	ssyncadd.s32 s5;
	_ =	sdelay $0x1  }
0xa7: {  	s23 =	simm.s32 $0x1B8B  }
0xa8: {  	_ =	swait.ge [sflag:s23], $0x1  }
0xa9: {  	[sflag:s23] =	ssyncset.done $0x0  }
0xaa: {  	s25 =	simm.s32 $0x1B8E;
	s24 =	sld [smem:$0x3FFE];
	[sflag:s23] =	ssyncadd.s32 $0xFFFFFFFF  }
0xab: {  	s26 =	simm.s32 $execute0_lowered;
	[smem:$0x3FD2] =	sst s25  }
0xac: {  	s6 =	sshll.u32 s26, $0x1;
	_ =	strace $0x80000046;
	[dreg:$0x1] =	wrdreg $0xFFFFFFFF  }
0xad: {  	s28 =	simm.s32 $_size_execute0_lowered;
	s4 =	sadd.s32 s4, s6;
	[dreg:$0x0] =	wrdreg $0x0  }
0xae: {  	s6 =	sshll.u32 s28, $0x1;
	[dreg:$0x2] =	wrdreg s4  }
0xaf: {  	[dreg:$0x3] =	wrdreg s6  }
0xb0: {  	[dreg:$0x4] =	wrdreg $0xC0  }
0xb1: {  	_ =	task [dreg:s8], $0x5FFFF  }
0xb2: {  	[dreg:$0x1] =	wrdreg $0xFFFFFFFF  }
0xb3: {  	[dreg:$0x0] =	wrdreg $0x60  }
0xb4: {  	[dreg:$0x2] =	wrdreg s24  }
0xb5: {  	[dreg:$0x3] =	wrdreg s16  }
0xb6: {  	[dreg:$0x4] =	wrdreg s17  }
0xb7: {  	[dreg:$0x5] =	wrdreg $0x0  }
0xb8: {  	[dreg:$0x6] =	wrdreg $0x138800  }
0xb9: {  	[dreg:$0x7] =	wrdreg $0x9  }
0xba: {  	_ =	task.clear_ibuf [dreg:s8], $0x8FFFF;
	_ =	strace $0x90000046  }
0xbb: {  	s29 =	simm.s32 $0x9;
	_ =	strace $0x80000048  }
0xbc: {  	_ =	swait.ge [sflag:s29], $0x1  }
0xbd: {  	[sflag:s29] =	ssyncadd.s32 $0xFFFFFFFF  }
0xbe: {  	_ =	strace $0x90000048  }
0xbf: {  	_ =	sfence  }
0xc0: {  	s30 =	sld [smem:$0x0];
	_ =	sdelay $0x2  }
0xc1: {  	s31 =	sshll.u32 s1, $0xD;
	s1 =	sshrl.u32 s1, $0x2  }
0xc2: {  	s3 =	sand.u32 $0x4000, s31;
	s1 =	sadd.s32 s1, s30  }
0xc3: {  	s0 =	sor.u32 s3, s0;
	s1 =	sshll.u32 s1, $0x11  }
0xc4: {  	s0 =	sor.u32 s1, s0  }
0xc5: {  	s0 =	sadd.s32 $0x8F2B, s0  }
0xc6: {  	[sflag:s0] =	ssyncadd.remote.s32 $0x1  }
0xc7: {  	_ =	sfence.sel $0xFFFF  }
0xc8: {  	[dreg:$0x0] =	wrdreg $0xFFFFFFFF;
	(pc) =	sbr.abs _section_cstart, $3  }
0xc9: {  	[dreg:$0x1] =	wrdreg $0xFFFFFFFF  }
0xca: {  	_ =	task.clear_ibuf [dreg:s8], $0x2FFFF;
	_ =	strace $0x9FFFFFFF  }
0xcb: {  	(tm) =	ssettm $0x7FFFFFFF  }
tec
execute0_lowered:
.L_overlay_start_1:
0x0: {  	(tag) =	ssettag $0x1  }
0x1: {  	s1 =	rddreg [dreg:$0x0]  }
0x2: {  	s18 =	rddreg [dreg:$0x1]  }
0x3: {  	s4 =	rddreg [dreg:$0x2]  }
0x4: {  	s2 =	rddreg [dreg:$0x3]  }
0x5: {  	s3 =	rddreg [dreg:$0x4];
	s24 =	simm.s32 $0x0;
	s19 =	stileid.u32  }
0x6: {  	s0 =	srdreg.scid;
	s28 =	simm.s32 $0x13AF8;
	s10 =	smul.u32 $0x270, s19  }
0x7: {  	s29 =	simm.s32 $0x16278;
	s30 =	simm.s32 $0x3;
	s12 =	smul.u32 $0x4E000, s19  }
0x8: {  	s31 =	simm.s32 $0x1D1F8;
	[smem:$0x7FF] =	sst s24;
	s15 =	smul.u32 $0x13800, s19  }
0x9: {  	s6 =	sand.u32 $0x1, s0;
	s5 =	sadd.s32 $0x1800, s1;
	s17 =	smul.u32 $0x5400, s19  }
0xa: {  	s7 =	sadd.s32 $0x51800, s1;
	s9 =	sadd.s32 $0xA1800, s1;
	s0 =	smul.u32 $0x2800, s6  }
0xb: {  	s8 =	sadd.s32 $0xA4000, s1;
	s13 =	sadd.s32 $0xAEA00, s1;
	s23 =	smul.u32 $0x1400, s6  }
0xc: {  	s1 =	sadd.s32 $0xAE000, s1;
	p0 =	sne.s32 s19, $0x0;
	s16 =	smul.u32 $0xA000, s6  }
0xd: {  	_ =	strace $0x80000047;
	s11 =	ssub.s32 $0x2, s6;
	s20 =	smul.u32 $0x2710, s6  }
0xe: {  	s6 =	smul.u32 $0x138800, s6;
	s26 =	sadd.s32 s10, s3;
	s12 =	sshrl.u32 s12, $0x2  }
0xf: {  	s14 =	sshrl.u32 s11, $0x1;
	s12 =	sadd.s32 s12, s2;
	[dreg:$0x6] =	wrdreg s26  }
0x10: {  	s25 =	sshrl.u32 s15, $0x3;
	s21 =	sadd.s32 s9, s23;
	[dreg:$0x7] =	wrdreg s12  }
0x11: {  	s16 =	sshrl.u32 s16, $0x3;
	s23 =	sor.u32 $0x280, s17;
	[dreg:$0xa] =	wrdreg s21  }
0x12: {  	s10 =	sadd.s32 s10, s20;
	s12 =	sadd.s32 s4, s25;
	[dreg:$0xc] =	wrdreg s23  }
0x13: {  	s4 =	sadd.s32 $0x27000, s4;
	s25 =	sshrl.u32 s10, $0x3;
	[dreg:$0x8] =	wrdreg s12  }
0x14: {  	[dreg:$0x9] =	wrdreg s4;
	s4 =	sadd.s32 s9, s16;
	s9 =	sadd.s32 s1, s25  }
0x15: {  	s22 =	sshrl.u32 s17, $0x3;
	s16 =	sor.u32 $0x300, s17;
	[dreg:$0xd] =	wrdreg s9  }
0x16: {  	s12 =	sadd.s32 s18, s22;
	s18 =	sor.u32 $0x380, s17;
	[dreg:$0xf] =	wrdreg s16  }
0x17: {  	s11 =	ssub.s32 s11, s14;
	s14 =	sshrl.u32 s20, $0x3;
	[dreg:$0x10] =	wrdreg s18  }
0x18: {  	s10 =	sadd.s32 s15, s6;
	s20 =	sadd.s32 $0x500, s4;
	[dreg:$0xb] =	wrdreg s12  }
0x19: {  	s15 =	smul.u32 $0x4F80, s19;
	s21 =	sadd.s32 $0xA00, s4;
	[dreg:$0x11] =	wrdreg s20  }
0x1a: {  	s6 =	sshrl.u32 s6, $0x3;
	s4 =	sadd.s32 $0xF00, s4;
	[dreg:$0x12] =	wrdreg s21  }
0x1b: {  	s1 =	sadd.s32 s1, s14;
	s23 =	sadd.s32 $0x280, s15;
	[dreg:$0x13] =	wrdreg s4  }
0x1c: {  	s6 =	sadd.s32 s13, s6;
	s25 =	sadd.s32 $0x300, s15;
	[dreg:$0x15] =	wrdreg s23  }
0x1d: {  	s9 =	sshrl.u32 s10, $0x3;
	s1 =	sadd.s32 $0x4E0, s1;
	[dreg:$0x16] =	wrdreg s25  }
0x1e: {  	s22 =	sshrl.u32 s15, $0x3;
	s14 =	sadd.s32 $0x27000, s6;
	[dreg:$0x18] =	wrdreg s1  }
0x1f: {  	s16 =	sadd.s32 $0x138000, s2;
	s17 =	sadd.s32 $0x10, s12;
	[dreg:$0x19] =	wrdreg s14  }
0x20: {  	s18 =	sadd.s32 $0x20, s12;
	s19 =	sadd.s32 $0x30, s12;
	[dreg:$0x1c] =	wrdreg s16  }
0x21: {  	s6 =	simm.s32 $0x1;
	s10 =	simm.s32 $0x40;
	[dreg:$0x1d] =	wrdreg s17  }
0x22: {  	s9 =	sadd.s32 s13, s9;
	s4 =	sadd.s32 s8, s22;
	[dreg:$0x1e] =	wrdreg s18  }
0x23: {  	s13 =	sadd.s32 $0x380, s15;
	s15 =	smax.u32 s11, $0x1;
	[dreg:$0x1f] =	wrdreg s19  }
0x24: {  	s14 =	sadd.s32 $0x2700, s3;
	s20 =	sadd.s32 $0x40, s12;
	[dreg:$0xe] =	wrdreg s9  }
0x25: {  	s1 =	simm.s32 $0x1F1F8;
	s12 =	simm.s32 $0xD;
	[dreg:$0x17] =	wrdreg s13  }
0x26: {  	s16 =	simm.s32 $0x18FF8;
	s17 =	simm.s32 $0x2;
	[dreg:$0x1a] =	wrdreg s15  }
0x27: {  	s18 =	simm.s32 $0x8;
	s11 =	simm.s32 $0x4;
	[smem:$0x7F9] =	sst s20  }
0x28: {  	s19 =	simm.s32 $0x5;
	s21 =	sadd.s32 $0x10, s4;
	[dreg:$0x14] =	wrdreg s4  }
0x29: {  	s22 =	sadd.s32 $0x20, s4;
	s23 =	sadd.s32 $0x30, s4;
	[dreg:$0x1b] =	wrdreg s14  }
.Ltmp0:
0x2a: {  	s25 =	sadd.s32 $0x40, s4;
	[smem:$0x7FA] =	sst s21;
	(pc) =	sbr.rel .LBB2_1-.Ltmp0, $4  }
0x2b: {  	s9 =	simm.s32 $0x7;
	s4 =	simm.s32 $0x18CF8;
	[smem:$0x7FB] =	sst s22  }
0x2c: {  	s20 =	simm.s32 $0x9;
	s15 =	simm.s32 $0xB;
	[smem:$0x7FC] =	sst s23  }
0x2d: {  	s13 =	simm.s32 $0x0;
	[smem:$0x7FD] =	sst s25;
	s23 =	simm.s32 $0x18C78  }
0x2e: {  	v1 =	vimm.f32 $0.0e+00;
	v2 =	vimm.f32 $-1.000000020e+30;
	v0 =	vmov s0;
	s21 =	simm.s32 $0x19078;
	s22 =	simm.s32 $0x190F8;
	s25 =	simm.s32 $0xA  }
.LBB2_25:
0x2f: {  	s0 =	simm.s32 $0xC  }
0x30: {  	_ =	swait.ge [sflag:s0], $0x2000  }
0x31: {  	[sflag:s0] =	ssyncset.done $0x0  }
0x32: {  	s14 =	simm.s32 $0x6;
	[sflag:s0] =	ssyncadd.s32 $0xFFFFE000  }
0x33: {  	_ =	swait.ge [sflag:s14], $0x40  }
0x34: {  	[sflag:s14] =	ssyncset.done $0x0  }
0x35: {  	[sflag:s14] =	ssyncadd.s32 $0xFFFFFFC0  }
0x36: {  	[bflag:$0x0] =	sbarrier.arrive $0xFFFF  }
0x37: {  	s1 =	simm.s32 $0x1F1F8;
	s12 =	simm.s32 $0xD;
	s26 =	rddreg [dreg:$0x6]  }
0x38: {  	[tilespmem:s1], [sflag:$0xD] =	stream.linear.gather [spmem:s26], $0x270, $0x38;
	[tilespmem:$0x1F478] =	vst v63  }
0x39: {  	_ =	swait.ge [sflag:s12], $0x270  }
0x3a: {  	[sflag:s12] =	ssyncset.done $0x0  }
0x3b: {  	s24 =	simm.s32 $0x0;
	s23 =	rddreg [dreg:$0xd];
	[sflag:s12] =	ssyncadd.s32 $0xFFFFFD90  }
0x3c: {  	[hbm4b:s23+s24] =	stream.linear.scatter [tilespmem:s1], [sflag:$0xD], $0x270, $0x38;
	[tilespmem:$0x1F478] =	vst v63  }
0x3d: {  	_ =	swait.ge [sflag:s12], $0x270  }
0x3e: {  	s23 =	sld [smem:$0x7F7]  }
0x3f: {  	s14 =	sld [smem:$0x7F6]  }
0x40: {  	[sflag:s12] =	ssyncset.done $0x0  }
0x41: {  	s13 =	rddreg [dreg:$0xe];
	[sflag:s12] =	ssyncadd.s32 $0xFFFFFD90  }
0x42: {  	[hbm:s13], [sflag:s23] =	dma.local [spmem:s14], $0x2700  }
0x43: {  	_ =	swait.ge [sflag:s12], $0x2700  }
0x44: {  	s0 =	simm.s32 @!p0 $0x1F1F8;
	[sflag:s12] =	ssyncset.done $0x0  }
0x45: {  	s1 =	simm.s32 @!p0 $0xD;
	s14 =	rddreg [dreg:$0x1b];
	[sflag:s12] =	ssyncadd.s32 $0xFFFFD900  }
0x46: {  	[tilespmem:s0], [sflag:$0xD] =	stream.linear.gather @!p0 [spmem:s14], $0x10, $0x38;
	[tilespmem:$0x1F478] =	vst v63  }
0x47: {  	_ =	swait.ge @!p0 [sflag:s1], $0x10  }
0x48: {  	[sflag:s1] =	ssyncset.done @!p0 $0x0  }
0x49: {  	s12 =	simm.s32 @!p0 $0x0;
	s13 =	rddreg [dreg:$0x18];
	[sflag:s1] =	ssyncadd.s32 @!p0 $0xFFFFFFF0  }
0x4a: {  	[hbm4b:s13+s12] =	stream.linear.scatter @!p0 [tilespmem:s0], [sflag:$0xD], $0x10, $0x38;
	[tilespmem:$0x1F478] =	vst v63  }
0x4b: {  	_ =	swait.ge @!p0 [sflag:s1], $0x10  }
0x4c: {  	s13 =	sld [smem:$0x7F8]  }
0x4d: {  	[sflag:s1] =	ssyncset.done @!p0 $0x0  }
0x4e: {  	s0 =	rddreg [dreg:$0x19];
	[sflag:s1] =	ssyncadd.s32 @!p0 $0xFFFFFFF0  }
0x4f: {  	[hbm:s0], [sflag:s23] =	dma.local @!p0 [spmem:s13], $0x100  }
0x50: {  	_ =	swait.ge @!p0 [sflag:s1], $0x100  }
0x51: {  	s0 =	sld [smem:$0x7F5];
	_ =	sdelay $0x2  }
0x52: {  	s13 =	sadd.s32 $0x1, s0;
	s0 =	rddreg [dreg:$0x1a]  }
0x53: {  	p1 =	sne.s32 s13, s0  }
.Ltmp1:
0x54: {  	_ = 	snop;
	(pc) =	sbr.rel @!p1 .LBB2_26-.Ltmp1, $3  }
0x55: {  	_ =	sdelay $0x1  }
0x56: {  	s12 =	simm.s32 $0xD;
	[sflag:s1] =	ssyncset.done @!p0 $0x0  }
0x57: {  	s23 =	simm.s32 $0x18C78;
	[sflag:s1] =	ssyncadd.s32 @!p0 $0xFFFFFF00;
	s1 =	simm.s32 $0x1F1F8  }
.LBB2_1:
0x58: {  	[tilespmem:$0x1F1F8] =	vst v1  }
0x59: {  	[tilespmem:$0x1F208] =	vst v1  }
0x5a: {  	[tilespmem:$0x1F218] =	vst v1  }
0x5b: {  	[tilespmem:$0x1F228] =	vst v1  }
0x5c: {  	[tilespmem:$0x1F238] =	vst v1  }
0x5d: {  	[tilespmem:$0x1F248] =	vst v1  }
0x5e: {  	[tilespmem:$0x1F258] =	vst v1  }
0x5f: {  	[tilespmem:$0x1F268] =	vst v1  }
0x60: {  	[tilespmem:$0x1F278] =	vst v1  }
0x61: {  	[tilespmem:$0x1F288] =	vst v1  }
0x62: {  	[tilespmem:$0x1F298] =	vst v1  }
0x63: {  	[tilespmem:$0x1F2A8] =	vst v1  }
0x64: {  	[tilespmem:$0x1F2B8] =	vst v1  }
0x65: {  	[tilespmem:$0x1F2C8] =	vst v1  }
0x66: {  	[tilespmem:$0x1F2D8] =	vst v1  }
0x67: {  	[tilespmem:$0x1F2E8] =	vst v1  }
0x68: {  	[tilespmem:$0x1F2F8] =	vst v1  }
0x69: {  	[tilespmem:$0x1F308] =	vst v1  }
0x6a: {  	[tilespmem:$0x1F318] =	vst v1  }
0x6b: {  	[tilespmem:$0x1F328] =	vst v1  }
0x6c: {  	[tilespmem:$0x1F338] =	vst v1  }
0x6d: {  	[tilespmem:$0x1F348] =	vst v1  }
0x6e: {  	[tilespmem:$0x1F358] =	vst v1  }
0x6f: {  	[tilespmem:$0x1F368] =	vst v1  }
0x70: {  	[tilespmem:$0x1F378] =	vst v1  }
0x71: {  	[tilespmem:$0x1F388] =	vst v1  }
0x72: {  	[tilespmem:$0x1F398] =	vst v1  }
0x73: {  	[tilespmem:$0x1F3A8] =	vst v1  }
0x74: {  	[tilespmem:$0x1F3B8] =	vst v1  }
0x75: {  	[tilespmem:$0x1F3C8] =	vst v1  }
0x76: {  	[tilespmem:$0x1F3D8] =	vst v1  }
0x77: {  	[tilespmem:$0x1F3E8] =	vst v1  }
0x78: {  	[tilespmem:$0x1F3F8] =	vst v1  }
0x79: {  	[tilespmem:$0x1F408] =	vst v1  }
0x7a: {  	[tilespmem:$0x1F418] =	vst v1  }
0x7b: {  	[tilespmem:$0x1F428] =	vst v1  }
0x7c: {  	[tilespmem:$0x1F438] =	vst v1  }
0x7d: {  	[tilespmem:$0x1F448] =	vst v1  }
0x7e: {  	[smem:$0x7F5] =	sst s13;
	[tilespmem:$0x1F458] =	vst v1;
	s0 =	stileid.u32  }
0x7f: {  	[spmem:s26] =	stream.linear.scatter [tilespmem:s1], [sflag:$0xD], $0x270, $0x38;
	[tilespmem:$0x1F478] =	vst v63  }
0x80: {  	s0 =	sshll.u32 s0, $0x6;
	_ =	swait.ge [sflag:s12], $0x270  }
0x81: {  	s13 =	sor.u32 $0x1C0D, s0;
	s26 =	rddreg [dreg:$0x7]  }
0x82: {  	[sflag:s12] =	ssyncset.done $0x0;
	s0 =	sshrl.u32 s26, $0x3;
	s26 =	rddreg [dreg:$0x8]  }
0x83: {  	[sflag:s12] =	ssyncadd.s32 $0xFFFFFD90;
	[smem:$0x7F6] =	sst s0  }
0x84: {  	[spmem:s0], [sflag:s13] =	dma.local [hbm:s26], $0x2700  }
0x85: {  	_ =	swait.ge [sflag:s12], $0x2700  }
0x86: {  	[sflag:s12] =	ssyncset.done $0x0  }
0x87: {  	s0 =	simm.s32 @!p0 $0x1F1F8;
	[sflag:s12] =	ssyncadd.s32 $0xFFFFD900  }
0x88: {  	[spmem:s14] =	stream.linear.scatter @!p0 [tilespmem:s0], [sflag:$0xD], $0x10, $0x38;
	[tilespmem:$0x1F478] =	vst v63  }
0x89: {  	s0 =	simm.s32 @!p0 $0xD  }
0x8a: {  	_ =	swait.ge @!p0 [sflag:s0], $0x10  }
0x8b: {  	s1 =	rddreg [dreg:$0x1c]  }
0x8c: {  	[smem:$0x7F7] =	sst s13  }
0x8d: {  	[sflag:s0] =	ssyncset.done @!p0 $0x0;
	s14 =	sshrl.u32 @!p0 s1, $0x3;
	s1 =	rddreg [dreg:$0x9]  }
0x8e: {  	[sflag:s0] =	ssyncadd.s32 @!p0 $0xFFFFFFF0;
	[smem:$0x7F8] =	sst s14  }
0x8f: {  	[spmem:s14], [sflag:s13] =	dma.local @!p0 [hbm:s1], $0x100  }
0x90: {  	_ =	swait.ge @!p0 [sflag:s0], $0x100  }
0x91: {  	[sflag:s0] =	ssyncset.done @!p0 $0x0  }
0x92: {  	[sflag:s0] =	ssyncadd.s32 @!p0 $0xFFFFFF00  }
0x93: {  	[bflag:$0x0] =	sbarrier.arrive $0xFFFF  }
0x94: {  	s26 =	rddreg [dreg:$0xa]  }
0x95: {  	[tilespmem:s28], [sflag:$0xD] =	stream.linear.gather [hbm4b:s26+s24], $0x2710, $0x38;
	[tilespmem:$0x1F478] =	vst v63  }
0x96: {  	_ =	swait.ge [sflag:s12], $0x2710  }
0x97: {  	[sflag:s12] =	ssyncset.done $0x0  }
0x98: {  	s1 =	rddreg [dreg:$0x11];
	[sflag:s12] =	ssyncadd.s32 $0xFFFFD8F0  }
0x99: {  	[tilespmem:s29], [sflag:$0xD] =	stream.linear.gather [hbm4b:s1+s24], $0x2710, $0x38;
	[tilespmem:$0x1F478] =	vst v63  }
0x9a: {  	_ =	swait.ge [sflag:s12], $0x2710  }
0x9b: {  	[sflag:s12] =	ssyncset.done $0x0  }
0x9c: {  	[sflag:s12] =	ssyncadd.s32 $0xFFFFD8F0  }
0x9d: {  	s1 =	simm.s32 $0x189F8;
	s12 =	rddreg [dreg:$0xb];
	[tilespmem:$0x18988] =	vst v2  }
0x9e: {  	[tilespmem:s1], [sflag:$0x1] =	stream.linear.gather [hbm4b:s12+s24], $0x80, $0x38;
	[tilespmem:$0x1F478] =	vst v63  }
0x9f: {  	s13 =	rddreg [dreg:$0x1d];
	s12 =	simm.s32 $0x18A78  }
0xa0: {  	[tilespmem:s12], [sflag:$0x2] =	stream.linear.gather [hbm4b:s13+s24], $0x80, $0x38;
	[tilespmem:$0x1F478] =	vst v63  }
0xa1: {  	s26 =	simm.s32 $0x18AF8;
	s14 =	rddreg [dreg:$0x1e]  }
0xa2: {  	[tilespmem:s26], [sflag:$0x3] =	stream.linear.gather [hbm4b:s14+s24], $0x80, $0x38;
	[tilespmem:$0x1F478] =	vst v63  }
0xa3: {  	_ =	swait.ge [sflag:s6], $0x80  }
0xa4: {  	[sflag:s6] =	ssyncset.done $0x0  }
0xa5: {  	[sflag:s6] =	ssyncadd.s32 $0xFFFFFF80  }
0xa6: {  	v3 =	vld [tilespmem:$0x189F8]  }
0xa7: {  	v4 =	vld [tilespmem:$0x18A38];
	_ =	sdelay $0x6  }
0xa8: {  	v5 =	vld.idx.msk [tilespmem:v3+s28+$0x0], $0xffff  }
0xa9: {  	v6 =	vld.idx.msk [tilespmem:v4+s29+$0x0], $0xffff;
	_ =	sdelay $0x4  }
0xaa: {  	v5 =	vadd.f32 v6, v5;
	_ =	sdelay $0x1  }
0xab: {  	v6 =	vmul.f32 $2.000000030e-01, v5;
	_ =	sdelay $0x1  }
0xac: {  	v5 =	vmax.f32 v5, v6  }
0xad: {  	v5 =	vmul.f32 $1.442695020e+00, v5;
	_ =	sdelay $0x1  }
0xae: {  	(erf) = vpow2.f32 v5;
	_ =	sdelay $0x2  }
0xaf: {  	v38 =	vld [tilespmem:$0x18A08]  }
0xb0: {  	v39 =	vld [tilespmem:$0x18A48];
	_ =	sdelay $0x3  }
0xb1: {  	[tilespmem:$0x18BF8] =	vst v3;
	v3 =	vadd.s32 v0, v4  }
0xb2: {  	[tilespmem:$0x18DF8] =	vst v3;
	v7 =	vpop (erf)  }
0xb3: {  	[tilespmem:$0x18FF8] =	vst v7  }
0xb4: {  	v3 =	vld.idx.msk [tilespmem:v38+s28+$0x0], $0xffff  }
0xb5: {  	v40 =	vld.idx.msk [tilespmem:v39+s29+$0x0], $0xffff;
	_ =	sdelay $0x4  }
0xb6: {  	v3 =	vadd.f32 v40, v3;
	_ =	sdelay $0x1  }
0xb7: {  	v4 =	vmul.f32 $2.000000030e-01, v3;
	_ =	sdelay $0x1  }
0xb8: {  	v3 =	vmax.f32 v3, v4  }
0xb9: {  	v3 =	vmul.f32 $1.442695020e+00, v3;
	_ =	sdelay $0x1  }
0xba: {  	(erf) = vpow2.f32 v3;
	_ =	sdelay $0x2  }
0xbb: {  	v3 =	vld [tilespmem:$0x18A18]  }
0xbc: {  	v41 =	vld [tilespmem:$0x18A58];
	_ =	sdelay $0x3  }
0xbd: {  	v43 =	vadd.s32 v0, v39;
	[tilespmem:$0x18C08] =	vst v38  }
0xbe: {  	[tilespmem:$0x18E08] =	vst v43;
	v42 =	vpop (erf)  }
0xbf: {  	[tilespmem:$0x19008] =	vst v42  }
0xc0: {  	v5 =	vld.idx.msk [tilespmem:v3+s28+$0x0], $0xffff  }
0xc1: {  	v44 =	vld.idx.msk [tilespmem:v41+s29+$0x0], $0xffff;
	_ =	sdelay $0x4  }
0xc2: {  	v5 =	vadd.f32 v44, v5;
	_ =	sdelay $0x1  }
0xc3: {  	v6 =	vmul.f32 $2.000000030e-01, v5;
	_ =	sdelay $0x1  }
0xc4: {  	v5 =	vmax.f32 v5, v6  }
0xc5: {  	v5 =	vmul.f32 $1.442695020e+00, v5;
	_ =	sdelay $0x1  }
0xc6: {  	(erf) = vpow2.f32 v5;
	_ =	sdelay $0x2  }
0xc7: {  	v45 =	vld [tilespmem:$0x18A28]  }
0xc8: {  	v46 =	vld [tilespmem:$0x18A68];
	_ =	sdelay $0x3  }
0xc9: {  	[tilespmem:$0x18C18] =	vst v3;
	v3 =	vadd.s32 v0, v41  }
0xca: {  	[tilespmem:$0x18E18] =	vst v3;
	v47 =	vpop (erf)  }
0xcb: {  	[tilespmem:$0x19018] =	vst v47  }
0xcc: {  	v3 =	vld.idx.msk [tilespmem:v45+s28+$0x0], $0xffff  }
0xcd: {  	v48 =	vld.idx.msk [tilespmem:v46+s29+$0x0], $0xffff;
	_ =	sdelay $0x4  }
0xce: {  	v3 =	vadd.f32 v48, v3;
	_ =	sdelay $0x1  }
0xcf: {  	v4 =	vmul.f32 $2.000000030e-01, v3;
	_ =	sdelay $0x1  }
0xd0: {  	v3 =	vmax.f32 v3, v4  }
0xd1: {  	v3 =	vmul.f32 $1.442695020e+00, v3;
	_ =	sdelay $0x1  }
0xd2: {  	(erf) = vpow2.f32 v3;
	_ =	sdelay $0x8  }
0xd3: {  	[tilespmem:$0x18C28] =	vst v45;
	v3 =	vpop (erf)  }
0xd4: {  	[tilespmem:$0x19028] =	vst v3;
	v3 =	vadd.s32 v0, v46  }
0xd5: {  	s14 =	simm.s32 $0x18DF8;
	s26 =	simm.s32 $0x191F8;
	[tilespmem:$0x18E28] =	vst v3  }
0xd6: {  	[tilespmem:s26], [sflag:$0x7] =	stream.indirect.gather [hbm4b:s5+s10], $0x80, s14, s10, $0xb8;
	[tilespmem:$0x1F478] =	vst v63  }
0xd7: {  	s14 =	simm.s32 $0x18BF8  }
0xd8: {  	[spmem:s3] =	stream.indirect.scatter.add.f32 [tilespmem:s16], [sflag:$0x4], $0x1, s14, s10, $0xb8;
	[tilespmem:$0x1F478] =	vst v63  }
0xd9: {  	s26 =	rddreg [dreg:$0x1f]  }
0xda: {  	[tilespmem:s1], [sflag:$0x1] =	stream.linear.gather [hbm4b:s26+s24], $0x80, $0x38;
	[tilespmem:$0x1F478] =	vst v63  }
0xdb: {  	_ =	swait.ge [sflag:s17], $0x80  }
0xdc: {  	[sflag:s17] =	ssyncset.done $0x0  }
0xdd: {  	[sflag:s17] =	ssyncadd.s32 $0xFFFFFF80  }
0xde: {  	v3 =	vld [tilespmem:$0x18A78]  }
0xdf: {  	v49 =	vld [tilespmem:$0x18AB8];
	_ =	sdelay $0x6  }
0xe0: {  	v50 =	vld.idx.msk [tilespmem:v3+s28+$0x0], $0xffff  }
0xe1: {  	v51 =	vld.idx.msk [tilespmem:v49+s29+$0x0], $0xffff;
	_ =	sdelay $0x4  }
0xe2: {  	v5 =	vadd.f32 v51, v50;
	_ =	sdelay $0x1  }
0xe3: {  	v6 =	vmul.f32 $2.000000030e-01, v5;
	_ =	sdelay $0x1  }
0xe4: {  	v5 =	vmax.f32 v5, v6  }
0xe5: {  	v5 =	vmul.f32 $1.442695020e+00, v5;
	_ =	sdelay $0x1  }
0xe6: {  	(erf) = vpow2.f32 v5;
	_ =	sdelay $0x2  }
0xe7: {  	v52 =	vld [tilespmem:$0x18A88]  }
0xe8: {  	v53 =	vld [tilespmem:$0x18AC8];
	_ =	sdelay $0x3  }
0xe9: {  	[tilespmem:$0x18C78] =	vst v3;
	v3 =	vadd.s32 v0, v49  }
0xea: {  	[tilespmem:$0x18E78] =	vst v3;
	v54 =	vpop (erf)  }
0xeb: {  	[tilespmem:$0x19078] =	vst v54  }
0xec: {  	v3 =	vld.idx.msk [tilespmem:v52+s28+$0x0], $0xffff  }
0xed: {  	v55 =	vld.idx.msk [tilespmem:v53+s29+$0x0], $0xffff;
	_ =	sdelay $0x4  }
0xee: {  	v3 =	vadd.f32 v55, v3;
	_ =	sdelay $0x1  }
0xef: {  	v4 =	vmul.f32 $2.000000030e-01, v3;
	_ =	sdelay $0x1  }
0xf0: {  	v3 =	vmax.f32 v3, v4  }
0xf1: {  	v3 =	vmul.f32 $1.442695020e+00, v3;
	_ =	sdelay $0x1  }
0xf2: {  	(erf) = vpow2.f32 v3;
	_ =	sdelay $0x2  }
0xf3: {  	v3 =	vld [tilespmem:$0x18A98]  }
0xf4: {  	v56 =	vld [tilespmem:$0x18AD8];
	_ =	sdelay $0x3  }
0xf5: {  	v58 =	vadd.s32 v0, v53;
	[tilespmem:$0x18C88] =	vst v52  }
0xf6: {  	[tilespmem:$0x18E88] =	vst v58;
	v57 =	vpop (erf)  }
0xf7: {  	[tilespmem:$0x19088] =	vst v57  }
0xf8: {  	v5 =	vld.idx.msk [tilespmem:v3+s28+$0x0], $0xffff  }
0xf9: {  	v59 =	vld.idx.msk [tilespmem:v56+s29+$0x0], $0xffff;
	_ =	sdelay $0x4  }
0xfa: {  	v5 =	vadd.f32 v59, v5;
	_ =	sdelay $0x1  }
0xfb: {  	v6 =	vmul.f32 $2.000000030e-01, v5;
	_ =	sdelay $0x1  }
0xfc: {  	v5 =	vmax.f32 v5, v6  }
0xfd: {  	v5 =	vmul.f32 $1.442695020e+00, v5;
	_ =	sdelay $0x1  }
0xfe: {  	(erf) = vpow2.f32 v5;
	_ =	sdelay $0x2  }
0xff: {  	v60 =	vld [tilespmem:$0x18AA8]  }
0x100: {  	v61 =	vld [tilespmem:$0x18AE8];
	_ =	sdelay $0x3  }
0x101: {  	[tilespmem:$0x18C98] =	vst v3;
	v3 =	vadd.s32 v0, v56  }
0x102: {  	[tilespmem:$0x18E98] =	vst v3;
	v62 =	vpop (erf)  }
0x103: {  	[tilespmem:$0x19098] =	vst v62  }
0x104: {  	v3 =	vld.idx.msk [tilespmem:v60+s28+$0x0], $0xffff  }
0x105: {  	v63 =	vld.idx.msk [tilespmem:v61+s29+$0x0], $0xffff;
	_ =	sdelay $0x4  }
0x106: {  	v3 =	vadd.f32 v63, v3;
	_ =	sdelay $0x1  }
0x107: {  	v4 =	vmul.f32 $2.000000030e-01, v3;
	_ =	sdelay $0x1  }
0x108: {  	v3 =	vmax.f32 v3, v4  }
0x109: {  	v3 =	vmul.f32 $1.442695020e+00, v3;
	_ =	sdelay $0x1  }
0x10a: {  	(erf) = vpow2.f32 v3;
	_ =	sdelay $0x8  }
0x10b: {  	[tilespmem:$0x18CA8] =	vst v60;
	v3 =	vpop (erf)  }
0x10c: {  	[tilespmem:$0x190A8] =	vst v3;
	v3 =	vadd.s32 v0, v61  }
0x10d: {  	s13 =	simm.s32 $0x18E78;
	s14 =	simm.s32 $0x1B1F8;
	[tilespmem:$0x18EA8] =	vst v3  }
0x10e: {  	[tilespmem:s14], [sflag:$0x8] =	stream.indirect.gather [hbm4b:s5+s10], $0x80, s13, s10, $0xb8;
	[tilespmem:$0x1F478] =	vst v63  }
.Ltmp2:
0x10f: {  	s26 =	sld [smem:$0x7F9];
	(pc) =	sbr.rel .LBB2_2-.Ltmp2, $4  }
0x110: {  	[spmem:s3] =	stream.indirect.scatter.add.f32 [tilespmem:s21], [sflag:$0x5], $0x1, s23, s10, $0xb8;
	[tilespmem:$0x1F478] =	vst v63  }
0x111: {  	_ = 	snop  }
0x112: {  	[tilespmem:s12], [sflag:$0x2] =	stream.linear.gather [hbm4b:s26+s24], $0x80, $0x38;
	[tilespmem:$0x1F478] =	vst v63  }
0x113: {  	s26 =	simm.s32 $0x0  }
.LBB2_12:
0x114: {  	s0 =	smul.u32 @p2 $0x180, s24;
	p1 =	sne.s32 s26, $0x38  }
.Ltmp3:
0x115: {  	s1 =	rddreg [dreg:$0x10];
	(pc) =	sbr.rel @!p1 .LBB2_13-.Ltmp3, $4  }
0x116: {  	s0 =	sadd.s32 @p2 s0, s1  }
0x117: {  	s1 =	rddreg [dreg:$0x1];
	s0 =	sshrl.u32 @p2 s0, $0x3  }
0x118: {  	s12 =	simm.s32 @p2 $0x18A78;
	s0 =	sadd.s32 @p2 s1, s0;
	s1 =	simm.s32 @p2 $0x0  }
0x119: {  	[tilespmem:s12], [sflag:$0x2] =	stream.linear.gather @p2 [hbm4b:s0+s1], $0x80, $0x38;
	[tilespmem:$0x1F478] =	vst v63  }
.LBB2_2:
0x11a: {  	s0 =	simm.s32 $0x0  }
0x11b: {  	v3 =	vmov s0  }
0x11c: {  	v3 =	vand.u32 $0xFFFFFFFE, v3  }
0x11d: {  	v3 =	vbroadcast v3, $0x0;
	_ =	sdelay $0x1  }
0x11e: {  	_ =	swait.ge [sflag:s9], $0x2000  }
0x11f: {  	[sflag:s9] =	ssyncset.done $0x0  }
0x120: {  	s0 =	simm.s32 $0x19278;
	[sflag:s9] =	ssyncadd.s32 $0xFFFFE000  }
0x121: {  	v5 =	vld [tilespmem:s0+$0xFFFFFF80]  }
0x122: {  	v4 =	vld.idx.msk [tilespmem:v3+s16+$0x0], $0xffff  }
0x123: {  	v3 =	vld [tilespmem:s0+$0xFFFFFFF0]  }
0x124: {  	s1 =	simm.s32 $0x1;
	v8 =	vld [tilespmem:s0+$0xFFFFFF90]  }
0x125: {  	v9 =	vmov s1;
	v10 =	vld [tilespmem:s0+$0xFFFFFFA0]  }
0x126: {  	v13 =	vld [tilespmem:s0+$0xFFFFFFB0]  }
0x127: {  	v7 =	vld [tilespmem:s0+$0xFFFFFFC0]  }
0x128: {  	v6 =	vld [tilespmem:s0+$0xFFFFFFD0];
	v11 =	vmul.f32 v3, v4  }
0x129: {  	v12 =	vmul.f32 v5, v4;
	v5 =	vld [tilespmem:s0+$0xFFFFFFE0]  }
0x12a: {  	v3 =	vld.idx.msk [tilespmem:v9+s16+$0x0], $0xffff;
	v8 =	vmul.f32 v8, v4;
	[tilespmem:s0+$0xFFFFFFF0] =	vst v11  }
0x12b: {  	s12 =	simm.s32 $0x2;
	v9 =	vld [tilespmem:s0+$0x0];
	[tilespmem:s0+$0xFFFFFF80] =	vst v12;
	v11 =	vmul.f32 v10, v4  }
0x12c: {  	s24 =	smov.u32 s26;
	s26 =	simm.s32 $0x4;
	s1 =	simm.s32 $0x19278;
	v12 =	vmov s12;
	[tilespmem:s0+$0xFFFFFF90] =	vst v8;
	v10 =	vmul.f32 v13, v4;
	v8 =	vld [tilespmem:s0+$0x10]  }
.LBB2_3:
0x12d: {  	p1 =	slt.u32 s26, $0x3E;
	v12 =	vand.u32 $0xFFFFFFFE, v12;
	s13 =	sadd.s32 $0x1, s12;
	[tilespmem:s0+$0xFFFFFFA0] =	vst v11;
	v7 =	vmul.f32 v7, v4;
	v11 =	vld [tilespmem:s0+$0x20];
	s12 =	smov.u32 s26  }
0x12e: {  	v12 =	vbroadcast v12, $0x0;
	v13 =	vmov s13;
	[tilespmem:s0+$0xFFFFFFB0] =	vst v10;
	v6 =	vmul.f32 v6, v4;
	v10 =	vld [tilespmem:s0+$0x30]  }
0x12f: {  	[tilespmem:s0+$0xFFFFFFC0] =	vst v7;
	v4 =	vmul.f32 v5, v4;
	v5 =	vld [tilespmem:s0+$0x40]  }
0x130: {  	[tilespmem:s0+$0xFFFFFFD0] =	vst v6;
	v6 =	vmul.f32 v9, v3;
	v7 =	vld [tilespmem:s0+$0x50]  }
0x131: {  	[tilespmem:s0+$0xFFFFFFE0] =	vst v4;
	v4 =	vmul.f32 v8, v3;
	v8 =	vld [tilespmem:s0+$0x60]  }
0x132: {  	[tilespmem:s0+$0x0] =	vst v6;
	v6 =	vmul.f32 v11, v3;
	v9 =	vld [tilespmem:s0+$0x70]  }
0x133: {  	v11 =	vld.idx.msk [tilespmem:v13+s16+$0x0], $0xffff;
	[tilespmem:s0+$0x10] =	vst v4;
	v10 =	vmul.f32 v10, v3  }
0x134: {  	s0 =	sadd.s32 $0x100, s0;
	v4 =	vld.idx.msk [tilespmem:v12+s16+$0x0], $0xffff;
	[tilespmem:s1+$0x20] =	vst v6;
	v5 =	vmul.f32 v5, v3  }
0x135: {  	v6 =	vld [tilespmem:s0+$0xFFFFFFF0];
	[tilespmem:s1+$0x30] =	vst v10;
	v7 =	vmul.f32 v7, v3  }
0x136: {  	v10 =	vld [tilespmem:s0+$0xFFFFFF80];
	[tilespmem:s1+$0x40] =	vst v5;
	v5 =	vmul.f32 v8, v3  }
0x137: {  	v8 =	vld [tilespmem:s0+$0xFFFFFF90];
	[tilespmem:s1+$0x50] =	vst v7;
	v7 =	vmul.f32 v9, v3  }
0x138: {  	v9 =	vld [tilespmem:s0+$0xFFFFFFA0];
	[tilespmem:s1+$0x60] =	vst v5  }
0x139: {  	v3 =	vmov v11;
	v13 =	vld [tilespmem:s0+$0xFFFFFFB0];
	[tilespmem:s1+$0x70] =	vst v7;
	s1 =	smov.u32 s0  }
.Ltmp4:
0x13a: {  	v7 =	vld [tilespmem:s0+$0xFFFFFFC0];
	v11 =	vmul.f32 v6, v4;
	(pc) =	sbr.rel @p1 .LBB2_3-.Ltmp4, $4  }
0x13b: {  	v10 =	vmul.f32 v10, v4;
	v6 =	vld [tilespmem:s0+$0xFFFFFFD0]  }
0x13c: {  	v8 =	vmul.f32 v8, v4;
	v5 =	vld [tilespmem:s0+$0xFFFFFFE0];
	[tilespmem:s0+$0xFFFFFFF0] =	vst v11  }
0x13d: {  	[tilespmem:s0+$0xFFFFFF80] =	vst v10;
	v11 =	vmul.f32 v9, v4;
	v9 =	vld [tilespmem:s0+$0x0]  }
0x13e: {  	s26 =	sadd.s32 $0x2, s26;
	v12 =	vmov s12;
	[tilespmem:s0+$0xFFFFFF90] =	vst v8;
	v10 =	vmul.f32 v13, v4;
	v8 =	vld [tilespmem:s0+$0x10]  }
0x13f: {  	v13 =	vld [tilespmem:s0+$0x20]  }
0x140: {  	v12 =	vand.u32 $0xFFFFFFFE, v12;
	s12 =	sadd.s32 $0x1, s12;
	v14 =	vld [tilespmem:s0+$0x30]  }
0x141: {  	v16 =	vld [tilespmem:s0+$0x40];
	[tilespmem:s0+$0xFFFFFFA0] =	vst v11;
	v7 =	vmul.f32 v7, v4;
	v12 =	vbroadcast v12, $0x0;
	v15 =	vmov s12  }
0x142: {  	v11 =	vld [tilespmem:s0+$0x50];
	[tilespmem:s0+$0xFFFFFFB0] =	vst v10;
	v6 =	vmul.f32 v6, v4  }
0x143: {  	v10 =	vld [tilespmem:s0+$0x60];
	[tilespmem:s0+$0xFFFFFFC0] =	vst v7;
	v9 =	vmul.f32 v9, v3  }
0x144: {  	s26 =	sadd.s32 $0x100, s0;
	v4 =	vmul.f32 v5, v4;
	v5 =	vld [tilespmem:s0+$0x70];
	[tilespmem:s0+$0xFFFFFFD0] =	vst v6  }
0x145: {  	v6 =	vmul.f32 v8, v3;
	[tilespmem:s0+$0x0] =	vst v9;
	v9 =	vld [tilespmem:s26+$0xFFFFFFF0]  }
0x146: {  	[tilespmem:s0+$0xFFFFFFE0] =	vst v4;
	v4 =	vmul.f32 v13, v3;
	v7 =	vld.idx.msk [tilespmem:v15+s16+$0x0], $0xffff  }
0x147: {  	[tilespmem:s0+$0x10] =	vst v6;
	v6 =	vmul.f32 v14, v3;
	v8 =	vld.idx.msk [tilespmem:v12+s16+$0x0], $0xffff  }
0x148: {  	[tilespmem:s1+$0x20] =	vst v4;
	v4 =	vmul.f32 v16, v3;
	v12 =	vld [tilespmem:s26+$0xFFFFFF80]  }
0x149: {  	[tilespmem:s1+$0x30] =	vst v6;
	v6 =	vmul.f32 v11, v3;
	v11 =	vld [tilespmem:s26+$0xFFFFFF90]  }
0x14a: {  	[tilespmem:s1+$0x40] =	vst v4;
	v4 =	vmul.f32 v10, v3;
	v10 =	vld [tilespmem:s26+$0xFFFFFFA0]  }
0x14b: {  	v3 =	vmul.f32 v5, v3;
	v5 =	vld [tilespmem:s26+$0xFFFFFFB0];
	[tilespmem:s1+$0x50] =	vst v6  }
0x14c: {  	[tilespmem:s1+$0x60] =	vst v4;
	v4 =	vld [tilespmem:s26+$0xFFFFFFC0];
	v6 =	vmul.f32 v9, v8  }
0x14d: {  	[tilespmem:s1+$0x70] =	vst v3;
	v3 =	vmul.f32 v12, v8;
	v9 =	vld [tilespmem:s26+$0xFFFFFFD0]  }
0x14e: {  	v12 =	vld [tilespmem:s26+$0xFFFFFFE0];
	v11 =	vmul.f32 v11, v8;
	[tilespmem:s26+$0xFFFFFFF0] =	vst v6  }
0x14f: {  	[tilespmem:s26+$0xFFFFFF80] =	vst v3;
	v3 =	vmul.f32 v10, v8;
	v6 =	vld [tilespmem:s26+$0x0]  }
0x150: {  	v5 =	vmul.f32 v5, v8;
	v10 =	vld [tilespmem:s26+$0x10];
	[tilespmem:s26+$0xFFFFFF90] =	vst v11  }
0x151: {  	[tilespmem:s26+$0xFFFFFFA0] =	vst v3;
	v3 =	vmul.f32 v4, v8;
	v4 =	vld [tilespmem:s26+$0x20]  }
0x152: {  	[tilespmem:s26+$0xFFFFFFB0] =	vst v5;
	v5 =	vmul.f32 v9, v8;
	v9 =	vld [tilespmem:s26+$0x30]  }
0x153: {  	[tilespmem:s26+$0xFFFFFFC0] =	vst v3;
	v3 =	vmul.f32 v12, v8;
	v8 =	vld [tilespmem:s26+$0x40]  }
0x154: {  	[tilespmem:s26+$0xFFFFFFD0] =	vst v5;
	v5 =	vmul.f32 v6, v7;
	v6 =	vld [tilespmem:s26+$0x50]  }
0x155: {  	[tilespmem:s26+$0xFFFFFFE0] =	vst v3;
	v3 =	vmul.f32 v10, v7;
	v10 =	vld [tilespmem:s26+$0x60]  }
0x156: {  	[tilespmem:s26+$0x0] =	vst v5;
	v4 =	vmul.f32 v4, v7;
	v5 =	vld [tilespmem:s26+$0x70]  }
0x157: {  	[tilespmem:s26+$0x10] =	vst v3;
	v3 =	vmul.f32 v9, v7  }
0x158: {  	[tilespmem:s26+$0x20] =	vst v4;
	v4 =	vmul.f32 v8, v7  }
0x159: {  	[tilespmem:s26+$0x30] =	vst v3;
	v3 =	vmul.f32 v6, v7  }
0x15a: {  	[tilespmem:s26+$0x40] =	vst v4;
	v4 =	vmul.f32 v10, v7  }
0x15b: {  	[tilespmem:s26+$0x50] =	vst v3;
	v3 =	vmul.f32 v5, v7  }
0x15c: {  	p1 =	seq.s32 s24, $0x0;
	[tilespmem:s26+$0x60] =	vst v4  }
0x15d: {  	s12 =	simm.s32 $0x18BF8;
	s0 =	simm.s32 @!p1 $0xC;
	s1 =	simm.s32 $0x191F8;
	[tilespmem:s26+$0x70] =	vst v3  }
0x15e: {  	[spmem:s2] =	stream.indirect.scatter.add.f32 [tilespmem:s1], [sflag:$0xA], $0x80, s12, s10, $0xb8;
	[tilespmem:$0x1F478] =	vst v63  }
0x15f: {  	_ =	swait.ge @!p1 [sflag:s0], $0x2000  }
0x160: {  	[sflag:s0] =	ssyncset.done @!p1 $0x0  }
0x161: {  	[sflag:s0] =	ssyncadd.s32 @!p1 $0xFFFFE000;
	s0 =	simm.s32 @!p1 $0x6  }
0x162: {  	_ =	swait.ge @!p1 [sflag:s0], $0x40  }
0x163: {  	[sflag:s0] =	ssyncset.done @!p1 $0x0  }
0x164: {  	[sflag:s0] =	ssyncadd.s32 @!p1 $0xFFFFFFC0  }
0x165: {  	_ =	swait.ge [sflag:s30], $0x80  }
0x166: {  	[sflag:s30] =	ssyncset.done $0x0  }
0x167: {  	[sflag:s30] =	ssyncadd.s32 $0xFFFFFF80  }
0x168: {  	v3 =	vld [tilespmem:$0x18AF8]  }
0x169: {  	v4 =	vld [tilespmem:$0x18B38];
	_ =	sdelay $0x6  }
0x16a: {  	v5 =	vld.idx.msk [tilespmem:v3+s28+$0x0], $0xffff  }
0x16b: {  	v6 =	vld.idx.msk [tilespmem:v4+s29+$0x0], $0xffff;
	_ =	sdelay $0x4  }
0x16c: {  	v5 =	vadd.f32 v6, v5;
	_ =	sdelay $0x1  }
0x16d: {  	v6 =	vmul.f32 $2.000000030e-01, v5;
	_ =	sdelay $0x1  }
0x16e: {  	v5 =	vmax.f32 v5, v6  }
0x16f: {  	v5 =	vmul.f32 $1.442695020e+00, v5;
	_ =	sdelay $0x1  }
0x170: {  	(erf) = vpow2.f32 v5;
	_ =	sdelay $0x2  }
0x171: {  	v5 =	vld [tilespmem:$0x18B08]  }
0x172: {  	v6 =	vld [tilespmem:$0x18B48];
	_ =	sdelay $0x3  }
0x173: {  	[tilespmem:$0x18CF8] =	vst v3;
	v3 =	vadd.s32 v0, v4  }
0x174: {  	[tilespmem:$0x18EF8] =	vst v3;
	v7 =	vpop (erf)  }
0x175: {  	[tilespmem:$0x190F8] =	vst v7  }
0x176: {  	v3 =	vld.idx.msk [tilespmem:v5+s28+$0x0], $0xffff  }
0x177: {  	v4 =	vld.idx.msk [tilespmem:v6+s29+$0x0], $0xffff;
	_ =	sdelay $0x4  }
0x178: {  	v3 =	vadd.f32 v4, v3;
	_ =	sdelay $0x1  }
0x179: {  	v4 =	vmul.f32 $2.000000030e-01, v3;
	_ =	sdelay $0x1  }
0x17a: {  	v3 =	vmax.f32 v3, v4  }
0x17b: {  	v3 =	vmul.f32 $1.442695020e+00, v3;
	_ =	sdelay $0x1  }
0x17c: {  	(erf) = vpow2.f32 v3;
	_ =	sdelay $0x2  }
0x17d: {  	v3 =	vld [tilespmem:$0x18B18]  }
0x17e: {  	v4 =	vld [tilespmem:$0x18B58];
	_ =	sdelay $0x3  }
0x17f: {  	[tilespmem:$0x18D08] =	vst v5;
	v5 =	vadd.s32 v0, v6  }
0x180: {  	[tilespmem:$0x18F08] =	vst v5;
	v7 =	vpop (erf)  }
0x181: {  	[tilespmem:$0x19108] =	vst v7  }
0x182: {  	v5 =	vld.idx.msk [tilespmem:v3+s28+$0x0], $0xffff  }
0x183: {  	v6 =	vld.idx.msk [tilespmem:v4+s29+$0x0], $0xffff;
	_ =	sdelay $0x4  }
0x184: {  	v5 =	vadd.f32 v6, v5;
	_ =	sdelay $0x1  }
0x185: {  	v6 =	vmul.f32 $2.000000030e-01, v5;
	_ =	sdelay $0x1  }
0x186: {  	v5 =	vmax.f32 v5, v6  }
0x187: {  	v5 =	vmul.f32 $1.442695020e+00, v5;
	_ =	sdelay $0x1  }
0x188: {  	(erf) = vpow2.f32 v5;
	_ =	sdelay $0x2  }
0x189: {  	v5 =	vld [tilespmem:$0x18B28]  }
0x18a: {  	v6 =	vld [tilespmem:$0x18B68];
	_ =	sdelay $0x3  }
0x18b: {  	[tilespmem:$0x18D18] =	vst v3;
	v3 =	vadd.s32 v0, v4  }
0x18c: {  	[tilespmem:$0x18F18] =	vst v3;
	v7 =	vpop (erf)  }
0x18d: {  	[tilespmem:$0x19118] =	vst v7  }
0x18e: {  	v3 =	vld.idx.msk [tilespmem:v5+s28+$0x0], $0xffff  }
0x18f: {  	v4 =	vld.idx.msk [tilespmem:v6+s29+$0x0], $0xffff;
	_ =	sdelay $0x4  }
0x190: {  	v3 =	vadd.f32 v4, v3;
	_ =	sdelay $0x1  }
0x191: {  	v4 =	vmul.f32 $2.000000030e-01, v3;
	_ =	sdelay $0x1  }
0x192: {  	v3 =	vmax.f32 v3, v4  }
0x193: {  	v3 =	vmul.f32 $1.442695020e+00, v3;
	_ =	sdelay $0x1  }
0x194: {  	(erf) = vpow2.f32 v3;
	_ =	sdelay $0x7  }
0x195: {  	p1 =	seq.s32 s24, $0x37  }
0x196: {  	s0 =	smul.u32 @!p1 $0x180, s24;
	[tilespmem:$0x18D28] =	vst v5;
	v3 =	vpop (erf)  }
0x197: {  	s1 =	rddreg [dreg:$0xc];
	[tilespmem:$0x19128] =	vst v3;
	v3 =	vadd.s32 v0, v6  }
0x198: {  	s13 =	simm.s32 $0x18EF8;
	s14 =	simm.s32 $0x0;
	s0 =	sadd.s32 @!p1 s0, s1;
	[tilespmem:$0x18F28] =	vst v3  }
0x199: {  	v3 =	vmov s14;
	[tilespmem:s31], [sflag:$0x9] =	stream.indirect.gather [hbm4b:s5+s10], $0x80, s13, s10, $0xb8;
	[tilespmem:$0x1F478] =	vst v63  }
0x19a: {  	s0 =	sshrl.u32 @!p1 s0, $0x3;
	s1 =	rddreg [dreg:$0x1];
	v3 =	vand.u32 $0xFFFFFFFE, v3  }
0x19b: {  	v3 =	vbroadcast v3, $0x0;
	[spmem:s3] =	stream.indirect.scatter.add.f32 [tilespmem:s22], [sflag:$0x6], $0x1, s4, s10, $0xb8;
	[tilespmem:$0x1F478] =	vst v63  }
0x19c: {  	s12 =	simm.s32 @!p1 $0x18AF8;
	s0 =	sadd.s32 @!p1 s1, s0;
	s1 =	simm.s32 @!p1 $0x0  }
0x19d: {  	[tilespmem:s12], [sflag:$0x3] =	stream.linear.gather @!p1 [hbm4b:s0+s1], $0x80, $0x38;
	[tilespmem:$0x1F478] =	vst v63  }
0x19e: {  	_ =	swait.ge [sflag:s18], $0x2000  }
0x19f: {  	[sflag:s18] =	ssyncset.done $0x0  }
0x1a0: {  	[sflag:s18] =	ssyncadd.s32 $0xFFFFE000  }
0x1a1: {  	s0 =	simm.s32 $0x1B2E8;
	v4 =	vld.idx.msk [tilespmem:v3+s21+$0x0], $0xffff  }
0x1a2: {  	v3 =	vld [tilespmem:s0+$0xFFFFFF80]  }
0x1a3: {  	v5 =	vld [tilespmem:s0+$0xFFFFFF10]  }
0x1a4: {  	s26 =	simm.s32 $0x1;
	v8 =	vld [tilespmem:s0+$0xFFFFFF20]  }
0x1a5: {  	v9 =	vmov s26;
	v10 =	vld [tilespmem:s0+$0xFFFFFF30]  }
0x1a6: {  	v13 =	vld [tilespmem:s0+$0xFFFFFF40]  }
0x1a7: {  	v7 =	vld [tilespmem:s0+$0xFFFFFF50]  }
0x1a8: {  	v6 =	vld [tilespmem:s0+$0xFFFFFF60];
	v11 =	vmul.f32 v3, v4  }
0x1a9: {  	v12 =	vmul.f32 v5, v4;
	v5 =	vld [tilespmem:s0+$0xFFFFFF70]  }
0x1aa: {  	v3 =	vld.idx.msk [tilespmem:v9+s21+$0x0], $0xffff;
	v8 =	vmul.f32 v8, v4;
	[tilespmem:s0+$0xFFFFFF80] =	vst v11  }
0x1ab: {  	s12 =	simm.s32 $0x2;
	v9 =	vld [tilespmem:s0+$0xFFFFFF90];
	[tilespmem:s0+$0xFFFFFF10] =	vst v12;
	v11 =	vmul.f32 v10, v4  }
0x1ac: {  	s26 =	sadd.s32 $0x1, s24;
	s13 =	simm.s32 $0x4;
	s1 =	simm.s32 $0x1B2E8;
	v12 =	vmov s12;
	[tilespmem:s0+$0xFFFFFF20] =	vst v8;
	v10 =	vmul.f32 v13, v4;
	v8 =	vld [tilespmem:s0+$0xFFFFFFA0]  }
.LBB2_5:
0x1ad: {  	p2 =	slt.u32 s13, $0x3E;
	v12 =	vand.u32 $0xFFFFFFFE, v12;
	s14 =	sadd.s32 $0x1, s12;
	[tilespmem:s0+$0xFFFFFF30] =	vst v11;
	v7 =	vmul.f32 v7, v4;
	v11 =	vld [tilespmem:s0+$0xFFFFFFB0];
	s12 =	smov.u32 s13  }
0x1ae: {  	v12 =	vbroadcast v12, $0x0;
	v13 =	vmov s14;
	[tilespmem:s0+$0xFFFFFF40] =	vst v10;
	v6 =	vmul.f32 v6, v4;
	v10 =	vld [tilespmem:s0+$0xFFFFFFC0]  }
0x1af: {  	[tilespmem:s0+$0xFFFFFF50] =	vst v7;
	v4 =	vmul.f32 v5, v4;
	v5 =	vld [tilespmem:s0+$0xFFFFFFD0]  }
0x1b0: {  	[tilespmem:s0+$0xFFFFFF60] =	vst v6;
	v6 =	vmul.f32 v9, v3;
	v7 =	vld [tilespmem:s0+$0xFFFFFFE0]  }
0x1b1: {  	[tilespmem:s0+$0xFFFFFF70] =	vst v4;
	v4 =	vmul.f32 v8, v3;
	v8 =	vld [tilespmem:s0+$0xFFFFFFF0]  }
0x1b2: {  	[tilespmem:s0+$0xFFFFFF90] =	vst v6;
	v6 =	vmul.f32 v11, v3;
	v9 =	vld [tilespmem:s0+$0x0]  }
0x1b3: {  	v11 =	vld.idx.msk [tilespmem:v13+s21+$0x0], $0xffff;
	[tilespmem:s0+$0xFFFFFFA0] =	vst v4;
	v10 =	vmul.f32 v10, v3  }
0x1b4: {  	s0 =	sadd.s32 $0x100, s0;
	v4 =	vld.idx.msk [tilespmem:v12+s21+$0x0], $0xffff;
	[tilespmem:s1+$0xFFFFFFB0] =	vst v6;
	v5 =	vmul.f32 v5, v3  }
0x1b5: {  	v6 =	vld [tilespmem:s0+$0xFFFFFF80];
	[tilespmem:s1+$0xFFFFFFC0] =	vst v10;
	v7 =	vmul.f32 v7, v3  }
0x1b6: {  	v10 =	vld [tilespmem:s0+$0xFFFFFF10];
	[tilespmem:s1+$0xFFFFFFD0] =	vst v5;
	v5 =	vmul.f32 v8, v3  }
0x1b7: {  	v8 =	vld [tilespmem:s0+$0xFFFFFF20];
	[tilespmem:s1+$0xFFFFFFE0] =	vst v7;
	v7 =	vmul.f32 v9, v3  }
0x1b8: {  	v9 =	vld [tilespmem:s0+$0xFFFFFF30];
	[tilespmem:s1+$0xFFFFFFF0] =	vst v5  }
0x1b9: {  	v3 =	vmov v11;
	v13 =	vld [tilespmem:s0+$0xFFFFFF40];
	[tilespmem:s1+$0x0] =	vst v7;
	s1 =	smov.u32 s0  }
.Ltmp5:
0x1ba: {  	v7 =	vld [tilespmem:s0+$0xFFFFFF50];
	v11 =	vmul.f32 v6, v4;
	(pc) =	sbr.rel @p2 .LBB2_5-.Ltmp5, $4  }
0x1bb: {  	v10 =	vmul.f32 v10, v4;
	v6 =	vld [tilespmem:s0+$0xFFFFFF60]  }
0x1bc: {  	v8 =	vmul.f32 v8, v4;
	v5 =	vld [tilespmem:s0+$0xFFFFFF70];
	[tilespmem:s0+$0xFFFFFF80] =	vst v11  }
0x1bd: {  	[tilespmem:s0+$0xFFFFFF10] =	vst v10;
	v11 =	vmul.f32 v9, v4;
	v9 =	vld [tilespmem:s0+$0xFFFFFF90]  }
0x1be: {  	s13 =	sadd.s32 $0x2, s13;
	v12 =	vmov s12;
	[tilespmem:s0+$0xFFFFFF20] =	vst v8;
	v10 =	vmul.f32 v13, v4;
	v8 =	vld [tilespmem:s0+$0xFFFFFFA0]  }
0x1bf: {  	v13 =	vld [tilespmem:s0+$0xFFFFFFB0]  }
0x1c0: {  	v14 =	vld [tilespmem:s0+$0xFFFFFFC0]  }
0x1c1: {  	v12 =	vand.u32 $0xFFFFFFFE, v12;
	s12 =	sadd.s32 $0x1, s12;
	v16 =	vld [tilespmem:s0+$0xFFFFFFD0];
	[tilespmem:s0+$0xFFFFFF30] =	vst v11;
	v7 =	vmul.f32 v7, v4  }
0x1c2: {  	v31 =	vld [tilespmem:s0+$0xFFFFFFE0];
	v12 =	vbroadcast v12, $0x0;
	v15 =	vmov s12;
	[tilespmem:s0+$0xFFFFFF40] =	vst v10;
	v6 =	vmul.f32 v6, v4  }
0x1c3: {  	v32 =	vld [tilespmem:s0+$0xFFFFFFF0];
	[tilespmem:s0+$0xFFFFFF50] =	vst v7;
	v33 =	vmul.f32 v5, v4  }
0x1c4: {  	v34 =	vld [tilespmem:s0+$0x0];
	s13 =	sadd.s32 $0x100, s0;
	v9 =	vmul.f32 v9, v3;
	[tilespmem:s0+$0xFFFFFF60] =	vst v6  }
0x1c5: {  	v42 =	vld [tilespmem:s13+$0xFFFFFF10];
	v35 =	vmul.f32 v8, v3;
	[tilespmem:s0+$0xFFFFFF70] =	vst v33  }
0x1c6: {  	v52 =	vld [tilespmem:s13+$0xFFFFFF90];
	[tilespmem:s0+$0xFFFFFF90] =	vst v9;
	v37 =	vmul.f32 v13, v3  }
0x1c7: {  	v39 =	vmul.f32 v14, v3;
	v36 =	vld.idx.msk [tilespmem:v15+s21+$0x0], $0xffff;
	[tilespmem:s0+$0xFFFFFFA0] =	vst v35  }
0x1c8: {  	v41 =	vmul.f32 v16, v3;
	v38 =	vld.idx.msk [tilespmem:v12+s21+$0x0], $0xffff;
	[tilespmem:s1+$0xFFFFFFB0] =	vst v37  }
0x1c9: {  	v54 =	vld [tilespmem:s13+$0xFFFFFFB0];
	v43 =	vmul.f32 v31, v3;
	[tilespmem:s1+$0xFFFFFFC0] =	vst v39  }
0x1ca: {  	v46 =	vld [tilespmem:s13+$0xFFFFFF30];
	v45 =	vmul.f32 v32, v3;
	[tilespmem:s1+$0xFFFFFFD0] =	vst v41  }
0x1cb: {  	v57 =	vld [tilespmem:s13+$0xFFFFFFD0];
	v3 =	vmul.f32 v34, v3;
	[tilespmem:s1+$0xFFFFFFE0] =	vst v43  }
0x1cc: {  	v48 =	vld [tilespmem:s13+$0xFFFFFF50];
	[tilespmem:s1+$0xFFFFFFF0] =	vst v45;
	v58 =	vmul.f32 v52, v36  }
0x1cd: {  	v60 =	vld [tilespmem:s13+$0xFFFFFFF0];
	[tilespmem:s1+$0x0] =	vst v3;
	v3 =	vmul.f32 v42, v38  }
0x1ce: {  	v51 =	vld [tilespmem:s13+$0xFFFFFF70];
	v4 =	vmul.f32 v54, v36;
	[tilespmem:s13+$0xFFFFFF90] =	vst v58  }
0x1cf: {  	v40 =	vld [tilespmem:s13+$0xFFFFFF80];
	[tilespmem:s13+$0xFFFFFF10] =	vst v3;
	v3 =	vmul.f32 v46, v38  }
0x1d0: {  	v53 =	vld [tilespmem:s13+$0xFFFFFFA0];
	v62 =	vmul.f32 v57, v36;
	[tilespmem:s13+$0xFFFFFFB0] =	vst v4  }
0x1d1: {  	v44 =	vld [tilespmem:s13+$0xFFFFFF20];
	[tilespmem:s13+$0xFFFFFF30] =	vst v3;
	v3 =	vmul.f32 v48, v38  }
0x1d2: {  	v56 =	vld [tilespmem:s13+$0xFFFFFFC0];
	v63 =	vmul.f32 v60, v36;
	[tilespmem:s13+$0xFFFFFFD0] =	vst v62  }
0x1d3: {  	v47 =	vld [tilespmem:s13+$0xFFFFFF40];
	[tilespmem:s13+$0xFFFFFF50] =	vst v3;
	v3 =	vmul.f32 v51, v38  }
0x1d4: {  	v59 =	vld [tilespmem:s13+$0xFFFFFFE0];
	v49 =	vmul.f32 v40, v38;
	[tilespmem:s13+$0xFFFFFFF0] =	vst v63  }
0x1d5: {  	v50 =	vld [tilespmem:s13+$0xFFFFFF60];
	[tilespmem:s13+$0xFFFFFF70] =	vst v3;
	v3 =	vmul.f32 v53, v36  }
0x1d6: {  	v61 =	vld [tilespmem:s13+$0x0];
	v11 =	vmul.f32 v44, v38;
	[tilespmem:s13+$0xFFFFFF80] =	vst v49  }
0x1d7: {  	[tilespmem:s13+$0xFFFFFFA0] =	vst v3;
	v3 =	vmul.f32 v56, v36  }
0x1d8: {  	v5 =	vmul.f32 v47, v38;
	[tilespmem:s13+$0xFFFFFF20] =	vst v11  }
0x1d9: {  	[tilespmem:s13+$0xFFFFFFC0] =	vst v3;
	v3 =	vmul.f32 v59, v36  }
0x1da: {  	v55 =	vmul.f32 v50, v38;
	[tilespmem:s13+$0xFFFFFF40] =	vst v5  }
0x1db: {  	[tilespmem:s13+$0xFFFFFFE0] =	vst v3;
	v3 =	vmul.f32 v61, v36  }
0x1dc: {  	[tilespmem:s13+$0xFFFFFF60] =	vst v55  }
0x1dd: {  	s14 =	simm.s32 $0x1B1F8;
	[tilespmem:s13+$0x0] =	vst v3  }
0x1de: {  	[spmem:s2] =	stream.indirect.scatter.add.f32 [tilespmem:s14], [sflag:$0xB], $0x80, s23, s10, $0xb8;
	[tilespmem:$0x1F478] =	vst v63  }
0x1df: {  	_ =	swait.ge [sflag:s25], $0x2000  }
.Ltmp6:
0x1e0: {  	[sflag:s25] =	ssyncset.done $0x0;
	(pc) =	sbr.rel @p1 .LBB2_8-.Ltmp6, $4  }
0x1e1: {  	[sflag:s25] =	ssyncadd.s32 $0xFFFFE000  }
0x1e2: {  	_ =	swait.ge [sflag:s11], $0x40  }
0x1e3: {  	[sflag:s11] =	ssyncset.done $0x0  }
0x1e4: {  	p2 =	por $0x0, $0x0;
	[sflag:s11] =	ssyncadd.s32 $0xFFFFFFC0  }
0x1e5: {  	_ =	swait.ge [sflag:s6], $0x80  }
0x1e6: {  	[sflag:s6] =	ssyncset.done $0x0  }
0x1e7: {  	[sflag:s6] =	ssyncadd.s32 $0xFFFFFF80  }
0x1e8: {  	v3 =	vld [tilespmem:$0x189F8]  }
0x1e9: {  	v4 =	vld [tilespmem:$0x18A38];
	_ =	sdelay $0x6  }
0x1ea: {  	v5 =	vld.idx.msk [tilespmem:v3+s28+$0x0], $0xffff  }
0x1eb: {  	v6 =	vld.idx.msk [tilespmem:v4+s29+$0x0], $0xffff;
	_ =	sdelay $0x4  }
0x1ec: {  	v5 =	vadd.f32 v6, v5;
	_ =	sdelay $0x1  }
0x1ed: {  	v6 =	vmul.f32 $2.000000030e-01, v5;
	_ =	sdelay $0x1  }
0x1ee: {  	v5 =	vmax.f32 v5, v6  }
0x1ef: {  	v5 =	vmul.f32 $1.442695020e+00, v5;
	_ =	sdelay $0x1  }
0x1f0: {  	(erf) = vpow2.f32 v5;
	_ =	sdelay $0x2  }
0x1f1: {  	v53 =	vld [tilespmem:$0x18A08]  }
0x1f2: {  	v54 =	vld [tilespmem:$0x18A48];
	_ =	sdelay $0x3  }
0x1f3: {  	[tilespmem:$0x18BF8] =	vst v3;
	v3 =	vadd.s32 v0, v4  }
0x1f4: {  	[tilespmem:$0x18DF8] =	vst v3;
	v7 =	vpop (erf)  }
0x1f5: {  	[tilespmem:$0x18FF8] =	vst v7  }
0x1f6: {  	v3 =	vld.idx.msk [tilespmem:v53+s28+$0x0], $0xffff  }
0x1f7: {  	v55 =	vld.idx.msk [tilespmem:v54+s29+$0x0], $0xffff;
	_ =	sdelay $0x4  }
0x1f8: {  	v3 =	vadd.f32 v55, v3;
	_ =	sdelay $0x1  }
0x1f9: {  	v4 =	vmul.f32 $2.000000030e-01, v3;
	_ =	sdelay $0x1  }
0x1fa: {  	v3 =	vmax.f32 v3, v4  }
0x1fb: {  	v3 =	vmul.f32 $1.442695020e+00, v3;
	_ =	sdelay $0x1  }
0x1fc: {  	(erf) = vpow2.f32 v3;
	_ =	sdelay $0x2  }
0x1fd: {  	v3 =	vld [tilespmem:$0x18A18]  }
0x1fe: {  	v56 =	vld [tilespmem:$0x18A58];
	_ =	sdelay $0x3  }
0x1ff: {  	v58 =	vadd.s32 v0, v54;
	[tilespmem:$0x18C08] =	vst v53  }
0x200: {  	[tilespmem:$0x18E08] =	vst v58;
	v57 =	vpop (erf)  }
0x201: {  	[tilespmem:$0x19008] =	vst v57  }
0x202: {  	v5 =	vld.idx.msk [tilespmem:v3+s28+$0x0], $0xffff  }
0x203: {  	v59 =	vld.idx.msk [tilespmem:v56+s29+$0x0], $0xffff;
	_ =	sdelay $0x4  }
0x204: {  	v5 =	vadd.f32 v59, v5;
	_ =	sdelay $0x1  }
0x205: {  	v6 =	vmul.f32 $2.000000030e-01, v5;
	_ =	sdelay $0x1  }
0x206: {  	v5 =	vmax.f32 v5, v6  }
0x207: {  	v5 =	vmul.f32 $1.442695020e+00, v5;
	_ =	sdelay $0x1  }
0x208: {  	(erf) = vpow2.f32 v5;
	_ =	sdelay $0x2  }
0x209: {  	v60 =	vld [tilespmem:$0x18A28]  }
0x20a: {  	v61 =	vld [tilespmem:$0x18A68];
	_ =	sdelay $0x3  }
0x20b: {  	[tilespmem:$0x18C18] =	vst v3;
	v3 =	vadd.s32 v0, v56  }
0x20c: {  	[tilespmem:$0x18E18] =	vst v3;
	v62 =	vpop (erf)  }
0x20d: {  	[tilespmem:$0x19018] =	vst v62  }
0x20e: {  	v3 =	vld.idx.msk [tilespmem:v60+s28+$0x0], $0xffff  }
0x20f: {  	v63 =	vld.idx.msk [tilespmem:v61+s29+$0x0], $0xffff;
	_ =	sdelay $0x4  }
0x210: {  	v3 =	vadd.f32 v63, v3;
	_ =	sdelay $0x1  }
0x211: {  	v4 =	vmul.f32 $2.000000030e-01, v3;
	_ =	sdelay $0x1  }
0x212: {  	v3 =	vmax.f32 v3, v4  }
0x213: {  	v3 =	vmul.f32 $1.442695020e+00, v3;
	_ =	sdelay $0x1  }
0x214: {  	(erf) = vpow2.f32 v3;
	_ =	sdelay $0x8  }
0x215: {  	[tilespmem:$0x18C28] =	vst v60;
	v3 =	vpop (erf)  }
0x216: {  	[tilespmem:$0x19028] =	vst v3;
	v3 =	vadd.s32 v0, v61  }
0x217: {  	s0 =	simm.s32 $0x18DF8;
	s1 =	simm.s32 $0x191F8;
	p3 =	sgt.u32 s24, $0x35;
	[tilespmem:$0x18E28] =	vst v3  }
0x218: {  	[tilespmem:s1], [sflag:$0x7] =	stream.indirect.gather [hbm4b:s5+s10], $0x80, s0, s10, $0xb8;
	[tilespmem:$0x1F478] =	vst v63  }
0x219: {  	s14 =	simm.s32 $0x18BF8;
	s0 =	smul.u32 @!p3 $0x180, s24;
	s1 =	rddreg [dreg:$0xf]  }
0x21a: {  	[spmem:s3] =	stream.indirect.scatter.add.f32 [tilespmem:s16], [sflag:$0x4], $0x1, s14, s10, $0xb8;
	[tilespmem:$0x1F478] =	vst v63  }
0x21b: {  	p2 =	por $0x0, $0x0;
	s12 =	simm.s32 @!p3 $0x189F8;
	s0 =	sadd.s32 @!p3 s0, s1  }
0x21c: {  	p4 =	por @!p3 $0x1, $0x1;
	s1 =	rddreg [dreg:$0x1];
	s0 =	sshrl.u32 @!p3 s0, $0x3  }
0x21d: {  	p2 =	por @!p3 p4, p4;
	s0 =	sadd.s32 @!p3 s1, s0;
	s1 =	simm.s32 @!p3 $0x0  }
0x21e: {  	[tilespmem:s12], [sflag:$0x1] =	stream.linear.gather @!p3 [hbm4b:s0+s1], $0x80, $0x38;
	[tilespmem:$0x1F478] =	vst v63  }
.LBB2_8:
0x21f: {  	s0 =	simm.s32 $0x0  }
0x220: {  	v3 =	vmov s0  }
0x221: {  	v3 =	vand.u32 $0xFFFFFFFE, v3  }
0x222: {  	v3 =	vbroadcast v3, $0x0;
	_ =	sdelay $0x1  }
0x223: {  	_ =	swait.ge [sflag:s20], $0x2000  }
0x224: {  	[sflag:s20] =	ssyncset.done $0x0  }
0x225: {  	s0 =	simm.s32 $0x1D2E8;
	[sflag:s20] =	ssyncadd.s32 $0xFFFFE000  }
0x226: {  	v5 =	vld [tilespmem:s0+$0xFFFFFF10]  }
0x227: {  	v4 =	vld.idx.msk [tilespmem:v3+s22+$0x0], $0xffff  }
0x228: {  	v3 =	vld [tilespmem:s0+$0xFFFFFF80]  }
0x229: {  	s1 =	simm.s32 $0x1;
	v8 =	vld [tilespmem:s0+$0xFFFFFF20]  }
0x22a: {  	v9 =	vmov s1;
	v10 =	vld [tilespmem:s0+$0xFFFFFF30]  }
0x22b: {  	v13 =	vld [tilespmem:s0+$0xFFFFFF40]  }
0x22c: {  	v7 =	vld [tilespmem:s0+$0xFFFFFF50]  }
0x22d: {  	v6 =	vld [tilespmem:s0+$0xFFFFFF60];
	v11 =	vmul.f32 v3, v4  }
0x22e: {  	v12 =	vmul.f32 v5, v4;
	v5 =	vld [tilespmem:s0+$0xFFFFFF70]  }
0x22f: {  	v3 =	vld.idx.msk [tilespmem:v9+s22+$0x0], $0xffff;
	v8 =	vmul.f32 v8, v4;
	[tilespmem:s0+$0xFFFFFF80] =	vst v11  }
0x230: {  	s12 =	simm.s32 $0x2;
	v9 =	vld [tilespmem:s0+$0xFFFFFF90];
	[tilespmem:s0+$0xFFFFFF10] =	vst v12;
	v11 =	vmul.f32 v10, v4  }
0x231: {  	s13 =	simm.s32 $0x4;
	s1 =	simm.s32 $0x1D2E8;
	v12 =	vmov s12;
	[tilespmem:s0+$0xFFFFFF20] =	vst v8;
	v10 =	vmul.f32 v13, v4;
	v8 =	vld [tilespmem:s0+$0xFFFFFFA0]  }
.LBB2_9:
0x232: {  	p3 =	slt.u32 s13, $0x3E;
	v12 =	vand.u32 $0xFFFFFFFE, v12;
	s14 =	sadd.s32 $0x1, s12;
	[tilespmem:s0+$0xFFFFFF30] =	vst v11;
	v7 =	vmul.f32 v7, v4;
	v11 =	vld [tilespmem:s0+$0xFFFFFFB0];
	s12 =	smov.u32 s13  }
0x233: {  	v12 =	vbroadcast v12, $0x0;
	v13 =	vmov s14;
	[tilespmem:s0+$0xFFFFFF40] =	vst v10;
	v6 =	vmul.f32 v6, v4;
	v10 =	vld [tilespmem:s0+$0xFFFFFFC0]  }
0x234: {  	[tilespmem:s0+$0xFFFFFF50] =	vst v7;
	v4 =	vmul.f32 v5, v4;
	v5 =	vld [tilespmem:s0+$0xFFFFFFD0]  }
0x235: {  	[tilespmem:s0+$0xFFFFFF60] =	vst v6;
	v6 =	vmul.f32 v9, v3;
	v7 =	vld [tilespmem:s0+$0xFFFFFFE0]  }
0x236: {  	[tilespmem:s0+$0xFFFFFF70] =	vst v4;
	v4 =	vmul.f32 v8, v3;
	v8 =	vld [tilespmem:s0+$0xFFFFFFF0]  }
0x237: {  	[tilespmem:s0+$0xFFFFFF90] =	vst v6;
	v6 =	vmul.f32 v11, v3;
	v9 =	vld [tilespmem:s0+$0x0]  }
0x238: {  	v11 =	vld.idx.msk [tilespmem:v13+s22+$0x0], $0xffff;
	[tilespmem:s0+$0xFFFFFFA0] =	vst v4;
	v10 =	vmul.f32 v10, v3  }
0x239: {  	s0 =	sadd.s32 $0x100, s0;
	v4 =	vld.idx.msk [tilespmem:v12+s22+$0x0], $0xffff;
	[tilespmem:s1+$0xFFFFFFB0] =	vst v6;
	v5 =	vmul.f32 v5, v3  }
0x23a: {  	v6 =	vld [tilespmem:s0+$0xFFFFFF80];
	[tilespmem:s1+$0xFFFFFFC0] =	vst v10;
	v7 =	vmul.f32 v7, v3  }
0x23b: {  	v10 =	vld [tilespmem:s0+$0xFFFFFF10];
	[tilespmem:s1+$0xFFFFFFD0] =	vst v5;
	v5 =	vmul.f32 v8, v3  }
0x23c: {  	v8 =	vld [tilespmem:s0+$0xFFFFFF20];
	[tilespmem:s1+$0xFFFFFFE0] =	vst v7;
	v7 =	vmul.f32 v9, v3  }
0x23d: {  	v9 =	vld [tilespmem:s0+$0xFFFFFF30];
	[tilespmem:s1+$0xFFFFFFF0] =	vst v5  }
0x23e: {  	v3 =	vmov v11;
	v13 =	vld [tilespmem:s0+$0xFFFFFF40];
	[tilespmem:s1+$0x0] =	vst v7;
	s1 =	smov.u32 s0  }
.Ltmp7:
0x23f: {  	v7 =	vld [tilespmem:s0+$0xFFFFFF50];
	v11 =	vmul.f32 v6, v4;
	(pc) =	sbr.rel @p3 .LBB2_9-.Ltmp7, $4  }
0x240: {  	v10 =	vmul.f32 v10, v4;
	v6 =	vld [tilespmem:s0+$0xFFFFFF60]  }
0x241: {  	v8 =	vmul.f32 v8, v4;
	v5 =	vld [tilespmem:s0+$0xFFFFFF70];
	[tilespmem:s0+$0xFFFFFF80] =	vst v11  }
0x242: {  	[tilespmem:s0+$0xFFFFFF10] =	vst v10;
	v11 =	vmul.f32 v9, v4;
	v9 =	vld [tilespmem:s0+$0xFFFFFF90]  }
0x243: {  	s13 =	sadd.s32 $0x2, s13;
	v12 =	vmov s12;
	[tilespmem:s0+$0xFFFFFF20] =	vst v8;
	v10 =	vmul.f32 v13, v4;
	v8 =	vld [tilespmem:s0+$0xFFFFFFA0]  }
0x244: {  	v13 =	vld [tilespmem:s0+$0xFFFFFFB0]  }
0x245: {  	v14 =	vld [tilespmem:s0+$0xFFFFFFC0]  }
0x246: {  	v12 =	vand.u32 $0xFFFFFFFE, v12;
	s12 =	sadd.s32 $0x1, s12;
	v16 =	vld [tilespmem:s0+$0xFFFFFFD0];
	[tilespmem:s0+$0xFFFFFF30] =	vst v11;
	v7 =	vmul.f32 v7, v4  }
0x247: {  	v31 =	vld [tilespmem:s0+$0xFFFFFFE0];
	v12 =	vbroadcast v12, $0x0;
	v15 =	vmov s12;
	[tilespmem:s0+$0xFFFFFF40] =	vst v10;
	v6 =	vmul.f32 v6, v4  }
0x248: {  	v32 =	vld [tilespmem:s0+$0xFFFFFFF0];
	[tilespmem:s0+$0xFFFFFF50] =	vst v7;
	v33 =	vmul.f32 v5, v4  }
0x249: {  	v34 =	vld [tilespmem:s0+$0x0];
	s14 =	sadd.s32 $0x100, s0;
	v9 =	vmul.f32 v9, v3;
	[tilespmem:s0+$0xFFFFFF60] =	vst v6  }
0x24a: {  	v42 =	vld [tilespmem:s14+$0xFFFFFF10];
	v35 =	vmul.f32 v8, v3;
	[tilespmem:s0+$0xFFFFFF70] =	vst v33  }
0x24b: {  	v52 =	vld [tilespmem:s14+$0xFFFFFF90];
	[tilespmem:s0+$0xFFFFFF90] =	vst v9;
	v37 =	vmul.f32 v13, v3  }
0x24c: {  	v39 =	vmul.f32 v14, v3;
	v36 =	vld.idx.msk [tilespmem:v15+s22+$0x0], $0xffff;
	[tilespmem:s0+$0xFFFFFFA0] =	vst v35  }
0x24d: {  	v41 =	vmul.f32 v16, v3;
	v38 =	vld.idx.msk [tilespmem:v12+s22+$0x0], $0xffff;
	[tilespmem:s1+$0xFFFFFFB0] =	vst v37  }
0x24e: {  	v54 =	vld [tilespmem:s14+$0xFFFFFFB0];
	v43 =	vmul.f32 v31, v3;
	[tilespmem:s1+$0xFFFFFFC0] =	vst v39  }
0x24f: {  	v46 =	vld [tilespmem:s14+$0xFFFFFF30];
	v45 =	vmul.f32 v32, v3;
	[tilespmem:s1+$0xFFFFFFD0] =	vst v41  }
0x250: {  	v57 =	vld [tilespmem:s14+$0xFFFFFFD0];
	v3 =	vmul.f32 v34, v3;
	[tilespmem:s1+$0xFFFFFFE0] =	vst v43  }
0x251: {  	v48 =	vld [tilespmem:s14+$0xFFFFFF50];
	[tilespmem:s1+$0xFFFFFFF0] =	vst v45;
	v58 =	vmul.f32 v52, v36  }
0x252: {  	v60 =	vld [tilespmem:s14+$0xFFFFFFF0];
	[tilespmem:s1+$0x0] =	vst v3;
	v3 =	vmul.f32 v42, v38  }
0x253: {  	v51 =	vld [tilespmem:s14+$0xFFFFFF70];
	v4 =	vmul.f32 v54, v36;
	[tilespmem:s14+$0xFFFFFF90] =	vst v58  }
0x254: {  	v40 =	vld [tilespmem:s14+$0xFFFFFF80];
	[tilespmem:s14+$0xFFFFFF10] =	vst v3;
	v3 =	vmul.f32 v46, v38  }
0x255: {  	v53 =	vld [tilespmem:s14+$0xFFFFFFA0];
	v62 =	vmul.f32 v57, v36;
	[tilespmem:s14+$0xFFFFFFB0] =	vst v4  }
0x256: {  	v44 =	vld [tilespmem:s14+$0xFFFFFF20];
	[tilespmem:s14+$0xFFFFFF30] =	vst v3;
	v3 =	vmul.f32 v48, v38  }
0x257: {  	v56 =	vld [tilespmem:s14+$0xFFFFFFC0];
	v63 =	vmul.f32 v60, v36;
	[tilespmem:s14+$0xFFFFFFD0] =	vst v62  }
0x258: {  	v47 =	vld [tilespmem:s14+$0xFFFFFF40];
	[tilespmem:s14+$0xFFFFFF50] =	vst v3;
	v3 =	vmul.f32 v51, v38  }
0x259: {  	v59 =	vld [tilespmem:s14+$0xFFFFFFE0];
	v49 =	vmul.f32 v40, v38;
	[tilespmem:s14+$0xFFFFFFF0] =	vst v63  }
0x25a: {  	v50 =	vld [tilespmem:s14+$0xFFFFFF60];
	[tilespmem:s14+$0xFFFFFF70] =	vst v3;
	v3 =	vmul.f32 v53, v36  }
0x25b: {  	v61 =	vld [tilespmem:s14+$0x0];
	v11 =	vmul.f32 v44, v38;
	[tilespmem:s14+$0xFFFFFF80] =	vst v49  }
0x25c: {  	[tilespmem:s14+$0xFFFFFFA0] =	vst v3;
	v3 =	vmul.f32 v56, v36  }
0x25d: {  	v5 =	vmul.f32 v47, v38;
	[tilespmem:s14+$0xFFFFFF20] =	vst v11  }
0x25e: {  	[tilespmem:s14+$0xFFFFFFC0] =	vst v3;
	v3 =	vmul.f32 v59, v36  }
0x25f: {  	v55 =	vmul.f32 v50, v38;
	[tilespmem:s14+$0xFFFFFF40] =	vst v5  }
0x260: {  	[tilespmem:s14+$0xFFFFFFE0] =	vst v3;
	v3 =	vmul.f32 v61, v36  }
0x261: {  	[tilespmem:s14+$0xFFFFFF60] =	vst v55  }
0x262: {  	[tilespmem:s14+$0x0] =	vst v3  }
0x263: {  	[spmem:s2] =	stream.indirect.scatter.add.f32 [tilespmem:s31], [sflag:$0xC], $0x80, s4, s10, $0xb8;
	[tilespmem:$0x1F478] =	vst v63  }
0x264: {  	_ =	swait.ge [sflag:s15], $0x2000  }
.Ltmp8:
0x265: {  	[sflag:s15] =	ssyncset.done $0x0;
	(pc) =	sbr.rel @p1 .LBB2_12-.Ltmp8, $4  }
0x266: {  	[sflag:s15] =	ssyncadd.s32 $0xFFFFE000  }
0x267: {  	_ =	swait.ge [sflag:s19], $0x40  }
0x268: {  	[sflag:s19] =	ssyncset.done $0x0  }
0x269: {  	[sflag:s19] =	ssyncadd.s32 $0xFFFFFFC0  }
0x26a: {  	_ =	swait.ge [sflag:s17], $0x80  }
0x26b: {  	[sflag:s17] =	ssyncset.done $0x0  }
0x26c: {  	[sflag:s17] =	ssyncadd.s32 $0xFFFFFF80  }
0x26d: {  	v3 =	vld [tilespmem:$0x18A78]  }
0x26e: {  	v4 =	vld [tilespmem:$0x18AB8];
	_ =	sdelay $0x6  }
0x26f: {  	v5 =	vld.idx.msk [tilespmem:v3+s28+$0x0], $0xffff  }
0x270: {  	v6 =	vld.idx.msk [tilespmem:v4+s29+$0x0], $0xffff;
	_ =	sdelay $0x4  }
0x271: {  	v5 =	vadd.f32 v6, v5;
	_ =	sdelay $0x1  }
0x272: {  	v6 =	vmul.f32 $2.000000030e-01, v5;
	_ =	sdelay $0x1  }
0x273: {  	v5 =	vmax.f32 v5, v6  }
0x274: {  	v5 =	vmul.f32 $1.442695020e+00, v5;
	_ =	sdelay $0x1  }
0x275: {  	(erf) = vpow2.f32 v5;
	_ =	sdelay $0x2  }
0x276: {  	v53 =	vld [tilespmem:$0x18A88]  }
0x277: {  	v54 =	vld [tilespmem:$0x18AC8];
	_ =	sdelay $0x3  }
0x278: {  	[tilespmem:$0x18C78] =	vst v3;
	v3 =	vadd.s32 v0, v4  }
0x279: {  	[tilespmem:$0x18E78] =	vst v3;
	v7 =	vpop (erf)  }
0x27a: {  	[tilespmem:$0x19078] =	vst v7  }
0x27b: {  	v3 =	vld.idx.msk [tilespmem:v53+s28+$0x0], $0xffff  }
0x27c: {  	v55 =	vld.idx.msk [tilespmem:v54+s29+$0x0], $0xffff;
	_ =	sdelay $0x4  }
0x27d: {  	v3 =	vadd.f32 v55, v3;
	_ =	sdelay $0x1  }
0x27e: {  	v4 =	vmul.f32 $2.000000030e-01, v3;
	_ =	sdelay $0x1  }
0x27f: {  	v3 =	vmax.f32 v3, v4  }
0x280: {  	v3 =	vmul.f32 $1.442695020e+00, v3;
	_ =	sdelay $0x1  }
0x281: {  	(erf) = vpow2.f32 v3;
	_ =	sdelay $0x2  }
0x282: {  	v3 =	vld [tilespmem:$0x18A98]  }
0x283: {  	v56 =	vld [tilespmem:$0x18AD8];
	_ =	sdelay $0x3  }
0x284: {  	v58 =	vadd.s32 v0, v54;
	[tilespmem:$0x18C88] =	vst v53  }
0x285: {  	[tilespmem:$0x18E88] =	vst v58;
	v57 =	vpop (erf)  }
0x286: {  	[tilespmem:$0x19088] =	vst v57  }
0x287: {  	v5 =	vld.idx.msk [tilespmem:v3+s28+$0x0], $0xffff  }
0x288: {  	v59 =	vld.idx.msk [tilespmem:v56+s29+$0x0], $0xffff;
	_ =	sdelay $0x4  }
0x289: {  	v5 =	vadd.f32 v59, v5;
	_ =	sdelay $0x1  }
0x28a: {  	v6 =	vmul.f32 $2.000000030e-01, v5;
	_ =	sdelay $0x1  }
0x28b: {  	v5 =	vmax.f32 v5, v6  }
0x28c: {  	v5 =	vmul.f32 $1.442695020e+00, v5;
	_ =	sdelay $0x1  }
0x28d: {  	(erf) = vpow2.f32 v5;
	_ =	sdelay $0x2  }
0x28e: {  	v60 =	vld [tilespmem:$0x18AA8]  }
0x28f: {  	v61 =	vld [tilespmem:$0x18AE8];
	_ =	sdelay $0x3  }
0x290: {  	[tilespmem:$0x18C98] =	vst v3;
	v3 =	vadd.s32 v0, v56  }
0x291: {  	[tilespmem:$0x18E98] =	vst v3;
	v62 =	vpop (erf)  }
0x292: {  	[tilespmem:$0x19098] =	vst v62  }
0x293: {  	v3 =	vld.idx.msk [tilespmem:v60+s28+$0x0], $0xffff  }
0x294: {  	v63 =	vld.idx.msk [tilespmem:v61+s29+$0x0], $0xffff;
	_ =	sdelay $0x4  }
0x295: {  	v3 =	vadd.f32 v63, v3;
	_ =	sdelay $0x1  }
0x296: {  	v4 =	vmul.f32 $2.000000030e-01, v3;
	_ =	sdelay $0x1  }
0x297: {  	v3 =	vmax.f32 v3, v4  }
0x298: {  	v3 =	vmul.f32 $1.442695020e+00, v3;
	_ =	sdelay $0x1  }
0x299: {  	(erf) = vpow2.f32 v3;
	_ =	sdelay $0x8  }
0x29a: {  	[tilespmem:$0x18CA8] =	vst v60;
	v3 =	vpop (erf)  }
.Ltmp9:
0x29b: {  	[tilespmem:$0x190A8] =	vst v3;
	v3 =	vadd.s32 v0, v61;
	(pc) =	sbr.rel .LBB2_12-.Ltmp9, $4  }
0x29c: {  	s0 =	simm.s32 $0x18E78;
	s1 =	simm.s32 $0x1B1F8;
	[tilespmem:$0x18EA8] =	vst v3  }
0x29d: {  	[tilespmem:s1], [sflag:$0x8] =	stream.indirect.gather [hbm4b:s5+s10], $0x80, s0, s10, $0xb8;
	[tilespmem:$0x1F478] =	vst v63  }
0x29e: {  	_ = 	snop  }
0x29f: {  	[spmem:s3] =	stream.indirect.scatter.add.f32 [tilespmem:s21], [sflag:$0x5], $0x1, s23, s10, $0xb8;
	[tilespmem:$0x1F478] =	vst v63  }
.LBB2_13:
0x2a0: {  	s0 =	simm.s32 $0xC  }
0x2a1: {  	_ =	swait.ge [sflag:s0], $0x2000  }
0x2a2: {  	[sflag:s0] =	ssyncset.done $0x0  }
0x2a3: {  	s26 =	simm.s32 $0x6;
	[sflag:s0] =	ssyncadd.s32 $0xFFFFE000  }
0x2a4: {  	_ =	swait.ge [sflag:s26], $0x40  }
0x2a5: {  	[sflag:s26] =	ssyncset.done $0x0  }
0x2a6: {  	s14 =	simm.s32 $0x0;
	s1 =	rddreg [dreg:$0x12];
	[sflag:s26] =	ssyncadd.s32 $0xFFFFFFC0  }
0x2a7: {  	[tilespmem:s28], [sflag:$0xD] =	stream.linear.gather [hbm4b:s1+s14], $0x2710, $0x38;
	[tilespmem:$0x1F478] =	vst v63  }
0x2a8: {  	s1 =	simm.s32 $0xD  }
0x2a9: {  	_ =	swait.ge [sflag:s1], $0x2710  }
0x2aa: {  	[sflag:s1] =	ssyncset.done $0x0  }
0x2ab: {  	s12 =	rddreg [dreg:$0x13];
	[sflag:s1] =	ssyncadd.s32 $0xFFFFD8F0  }
0x2ac: {  	[tilespmem:s29], [sflag:$0xD] =	stream.linear.gather [hbm4b:s12+s14], $0x2710, $0x38;
	[tilespmem:$0x1F478] =	vst v63  }
0x2ad: {  	_ =	swait.ge [sflag:s1], $0x2710  }
0x2ae: {  	[sflag:s1] =	ssyncset.done $0x0  }
0x2af: {  	s13 =	rddreg [dreg:$0x14];
	[sflag:s1] =	ssyncadd.s32 $0xFFFFD8F0  }
0x2b0: {  	s24 =	sld [smem:$0x7FA];
	s1 =	simm.s32 $0x189F8;
	[tilespmem:$0x18988] =	vst v2  }
0x2b1: {  	[tilespmem:s1], [sflag:$0x1] =	stream.linear.gather [hbm4b:s13+s14], $0x80, $0x38;
	[tilespmem:$0x1F478] =	vst v63  }
0x2b2: {  	s12 =	simm.s32 $0x18A78;
	s26 =	sld [smem:$0x7FB]  }
0x2b3: {  	[tilespmem:s12], [sflag:$0x2] =	stream.linear.gather [hbm4b:s24+s14], $0x80, $0x38;
	[tilespmem:$0x1F478] =	vst v63  }
0x2b4: {  	s13 =	simm.s32 $0x18AF8  }
0x2b5: {  	[tilespmem:s13], [sflag:$0x3] =	stream.linear.gather [hbm4b:s26+s14], $0x80, $0x38;
	[tilespmem:$0x1F478] =	vst v63  }
0x2b6: {  	_ =	swait.ge [sflag:s6], $0x80  }
0x2b7: {  	[sflag:s6] =	ssyncset.done $0x0  }
0x2b8: {  	[sflag:s6] =	ssyncadd.s32 $0xFFFFFF80  }
0x2b9: {  	v3 =	vld [tilespmem:$0x189F8]  }
0x2ba: {  	v4 =	vld [tilespmem:$0x18A38];
	_ =	sdelay $0x6  }
0x2bb: {  	v5 =	vld.idx.msk [tilespmem:v3+s28+$0x0], $0xffff  }
0x2bc: {  	v6 =	vld.idx.msk [tilespmem:v4+s29+$0x0], $0xffff;
	_ =	sdelay $0x4  }
0x2bd: {  	v5 =	vadd.f32 v6, v5;
	_ =	sdelay $0x1  }
0x2be: {  	v6 =	vmul.f32 $2.000000030e-01, v5;
	_ =	sdelay $0x1  }
0x2bf: {  	v5 =	vmax.f32 v5, v6  }
0x2c0: {  	v5 =	vmul.f32 $1.442695020e+00, v5;
	_ =	sdelay $0x1  }
0x2c1: {  	(erf) = vpow2.f32 v5;
	_ =	sdelay $0x2  }
0x2c2: {  	v38 =	vld [tilespmem:$0x18A08]  }
0x2c3: {  	v39 =	vld [tilespmem:$0x18A48];
	_ =	sdelay $0x3  }
0x2c4: {  	[tilespmem:$0x18BF8] =	vst v3;
	v3 =	vadd.s32 v0, v4  }
0x2c5: {  	[tilespmem:$0x18DF8] =	vst v3;
	v7 =	vpop (erf)  }
0x2c6: {  	[tilespmem:$0x18FF8] =	vst v7  }
0x2c7: {  	v3 =	vld.idx.msk [tilespmem:v38+s28+$0x0], $0xffff  }
0x2c8: {  	v40 =	vld.idx.msk [tilespmem:v39+s29+$0x0], $0xffff;
	_ =	sdelay $0x4  }
0x2c9: {  	v3 =	vadd.f32 v40, v3;
	_ =	sdelay $0x1  }
0x2ca: {  	v4 =	vmul.f32 $2.000000030e-01, v3;
	_ =	sdelay $0x1  }
0x2cb: {  	v3 =	vmax.f32 v3, v4  }
0x2cc: {  	v3 =	vmul.f32 $1.442695020e+00, v3;
	_ =	sdelay $0x1  }
0x2cd: {  	(erf) = vpow2.f32 v3;
	_ =	sdelay $0x2  }
0x2ce: {  	v3 =	vld [tilespmem:$0x18A18]  }
0x2cf: {  	v41 =	vld [tilespmem:$0x18A58];
	_ =	sdelay $0x3  }
0x2d0: {  	v43 =	vadd.s32 v0, v39;
	[tilespmem:$0x18C08] =	vst v38  }
0x2d1: {  	[tilespmem:$0x18E08] =	vst v43;
	v42 =	vpop (erf)  }
0x2d2: {  	[tilespmem:$0x19008] =	vst v42  }
0x2d3: {  	v5 =	vld.idx.msk [tilespmem:v3+s28+$0x0], $0xffff  }
0x2d4: {  	v44 =	vld.idx.msk [tilespmem:v41+s29+$0x0], $0xffff;
	_ =	sdelay $0x4  }
0x2d5: {  	v5 =	vadd.f32 v44, v5;
	_ =	sdelay $0x1  }
0x2d6: {  	v6 =	vmul.f32 $2.000000030e-01, v5;
	_ =	sdelay $0x1  }
0x2d7: {  	v5 =	vmax.f32 v5, v6  }
0x2d8: {  	v5 =	vmul.f32 $1.442695020e+00, v5;
	_ =	sdelay $0x1  }
0x2d9: {  	(erf) = vpow2.f32 v5;
	_ =	sdelay $0x2  }
0x2da: {  	v45 =	vld [tilespmem:$0x18A28]  }
0x2db: {  	v46 =	vld [tilespmem:$0x18A68];
	_ =	sdelay $0x3  }
0x2dc: {  	[tilespmem:$0x18C18] =	vst v3;
	v3 =	vadd.s32 v0, v41  }
0x2dd: {  	[tilespmem:$0x18E18] =	vst v3;
	v47 =	vpop (erf)  }
0x2de: {  	[tilespmem:$0x19018] =	vst v47  }
0x2df: {  	v3 =	vld.idx.msk [tilespmem:v45+s28+$0x0], $0xffff  }
0x2e0: {  	v48 =	vld.idx.msk [tilespmem:v46+s29+$0x0], $0xffff;
	_ =	sdelay $0x4  }
0x2e1: {  	v3 =	vadd.f32 v48, v3;
	_ =	sdelay $0x1  }
0x2e2: {  	v4 =	vmul.f32 $2.000000030e-01, v3;
	_ =	sdelay $0x1  }
0x2e3: {  	v3 =	vmax.f32 v3, v4  }
0x2e4: {  	v3 =	vmul.f32 $1.442695020e+00, v3;
	_ =	sdelay $0x1  }
0x2e5: {  	(erf) = vpow2.f32 v3;
	_ =	sdelay $0x8  }
0x2e6: {  	[tilespmem:$0x18C28] =	vst v45;
	v3 =	vpop (erf)  }
0x2e7: {  	[tilespmem:$0x19028] =	vst v3;
	v3 =	vadd.s32 v0, v46  }
0x2e8: {  	s24 =	simm.s32 $0x18DF8;
	s26 =	simm.s32 $0x191F8;
	[tilespmem:$0x18E28] =	vst v3  }
0x2e9: {  	[tilespmem:s26], [sflag:$0x7] =	stream.indirect.gather [hbm4b:s7+s10], $0x80, s24, s10, $0xb8;
	[tilespmem:$0x1F478] =	vst v63  }
0x2ea: {  	s24 =	simm.s32 $0x18BF8;
	s26 =	sld [smem:$0x7FC]  }
0x2eb: {  	[spmem:s3] =	stream.indirect.scatter.add.f32 [tilespmem:s16], [sflag:$0x4], $0x1, s24, s10, $0xb8;
	[tilespmem:$0x1F478] =	vst v63  }
0x2ec: {  	_ = 	snop  }
0x2ed: {  	[tilespmem:s1], [sflag:$0x1] =	stream.linear.gather [hbm4b:s26+s14], $0x80, $0x38;
	[tilespmem:$0x1F478] =	vst v63  }
0x2ee: {  	_ =	swait.ge [sflag:s17], $0x80  }
0x2ef: {  	[sflag:s17] =	ssyncset.done $0x0  }
0x2f0: {  	[sflag:s17] =	ssyncadd.s32 $0xFFFFFF80  }
0x2f1: {  	v3 =	vld [tilespmem:$0x18A78]  }
0x2f2: {  	v49 =	vld [tilespmem:$0x18AB8];
	_ =	sdelay $0x6  }
0x2f3: {  	v50 =	vld.idx.msk [tilespmem:v3+s28+$0x0], $0xffff  }
0x2f4: {  	v51 =	vld.idx.msk [tilespmem:v49+s29+$0x0], $0xffff;
	_ =	sdelay $0x4  }
0x2f5: {  	v5 =	vadd.f32 v51, v50;
	_ =	sdelay $0x1  }
0x2f6: {  	v6 =	vmul.f32 $2.000000030e-01, v5;
	_ =	sdelay $0x1  }
0x2f7: {  	v5 =	vmax.f32 v5, v6  }
0x2f8: {  	v5 =	vmul.f32 $1.442695020e+00, v5;
	_ =	sdelay $0x1  }
0x2f9: {  	(erf) = vpow2.f32 v5;
	_ =	sdelay $0x2  }
0x2fa: {  	v52 =	vld [tilespmem:$0x18A88]  }
0x2fb: {  	v53 =	vld [tilespmem:$0x18AC8];
	_ =	sdelay $0x3  }
0x2fc: {  	[tilespmem:$0x18C78] =	vst v3;
	v3 =	vadd.s32 v0, v49  }
0x2fd: {  	[tilespmem:$0x18E78] =	vst v3;
	v54 =	vpop (erf)  }
0x2fe: {  	[tilespmem:$0x19078] =	vst v54  }
0x2ff: {  	v3 =	vld.idx.msk [tilespmem:v52+s28+$0x0], $0xffff  }
0x300: {  	v55 =	vld.idx.msk [tilespmem:v53+s29+$0x0], $0xffff;
	_ =	sdelay $0x4  }
0x301: {  	v3 =	vadd.f32 v55, v3;
	_ =	sdelay $0x1  }
0x302: {  	v4 =	vmul.f32 $2.000000030e-01, v3;
	_ =	sdelay $0x1  }
0x303: {  	v3 =	vmax.f32 v3, v4  }
0x304: {  	v3 =	vmul.f32 $1.442695020e+00, v3;
	_ =	sdelay $0x1  }
0x305: {  	(erf) = vpow2.f32 v3;
	_ =	sdelay $0x2  }
0x306: {  	v3 =	vld [tilespmem:$0x18A98]  }
0x307: {  	v56 =	vld [tilespmem:$0x18AD8];
	_ =	sdelay $0x3  }
0x308: {  	v58 =	vadd.s32 v0, v53;
	[tilespmem:$0x18C88] =	vst v52  }
0x309: {  	[tilespmem:$0x18E88] =	vst v58;
	v57 =	vpop (erf)  }
0x30a: {  	[tilespmem:$0x19088] =	vst v57  }
0x30b: {  	v5 =	vld.idx.msk [tilespmem:v3+s28+$0x0], $0xffff  }
0x30c: {  	v59 =	vld.idx.msk [tilespmem:v56+s29+$0x0], $0xffff;
	_ =	sdelay $0x4  }
0x30d: {  	v5 =	vadd.f32 v59, v5;
	_ =	sdelay $0x1  }
0x30e: {  	v6 =	vmul.f32 $2.000000030e-01, v5;
	_ =	sdelay $0x1  }
0x30f: {  	v5 =	vmax.f32 v5, v6  }
0x310: {  	v5 =	vmul.f32 $1.442695020e+00, v5;
	_ =	sdelay $0x1  }
0x311: {  	(erf) = vpow2.f32 v5;
	_ =	sdelay $0x2  }
0x312: {  	v60 =	vld [tilespmem:$0x18AA8]  }
0x313: {  	v61 =	vld [tilespmem:$0x18AE8];
	_ =	sdelay $0x3  }
0x314: {  	[tilespmem:$0x18C98] =	vst v3;
	v3 =	vadd.s32 v0, v56  }
0x315: {  	[tilespmem:$0x18E98] =	vst v3;
	v62 =	vpop (erf)  }
0x316: {  	[tilespmem:$0x19098] =	vst v62  }
0x317: {  	v3 =	vld.idx.msk [tilespmem:v60+s28+$0x0], $0xffff  }
0x318: {  	v63 =	vld.idx.msk [tilespmem:v61+s29+$0x0], $0xffff;
	_ =	sdelay $0x4  }
0x319: {  	v3 =	vadd.f32 v63, v3;
	_ =	sdelay $0x1  }
0x31a: {  	v4 =	vmul.f32 $2.000000030e-01, v3;
	_ =	sdelay $0x1  }
0x31b: {  	v3 =	vmax.f32 v3, v4  }
0x31c: {  	v3 =	vmul.f32 $1.442695020e+00, v3;
	_ =	sdelay $0x1  }
0x31d: {  	(erf) = vpow2.f32 v3;
	_ =	sdelay $0x8  }
0x31e: {  	[tilespmem:$0x18CA8] =	vst v60;
	v3 =	vpop (erf)  }
0x31f: {  	[tilespmem:$0x190A8] =	vst v3;
	v3 =	vadd.s32 v0, v61  }
0x320: {  	s13 =	simm.s32 $0x18E78;
	s24 =	simm.s32 $0x1B1F8;
	[tilespmem:$0x18EA8] =	vst v3  }
0x321: {  	[tilespmem:s24], [sflag:$0x8] =	stream.indirect.gather [hbm4b:s7+s10], $0x80, s13, s10, $0xb8;
	[tilespmem:$0x1F478] =	vst v63  }
.Ltmp10:
0x322: {  	_ = 	snop;
	(pc) =	sbr.rel .LBB2_14-.Ltmp10, $4  }
0x323: {  	s26 =	sld [smem:$0x7FD]  }
0x324: {  	[spmem:s3] =	stream.indirect.scatter.add.f32 [tilespmem:s21], [sflag:$0x5], $0x1, s23, s10, $0xb8;
	[tilespmem:$0x1F478] =	vst v63  }
0x325: {  	s0 =	simm.s32 $0x0  }
0x326: {  	[tilespmem:s12], [sflag:$0x2] =	stream.linear.gather [hbm4b:s26+s14], $0x80, $0x38;
	[tilespmem:$0x1F478] =	vst v63  }
.LBB2_24:
0x327: {  	s1 =	smul.u32 @p2 $0x180, s26;
	p1 =	sne.s32 s0, $0x35  }
.Ltmp11:
0x328: {  	s12 =	rddreg [dreg:$0x17];
	(pc) =	sbr.rel @!p1 .LBB2_25-.Ltmp11, $4  }
0x329: {  	s1 =	sadd.s32 @p2 s1, s12  }
0x32a: {  	s1 =	sshrl.u32 @p2 s1, $0x3  }
0x32b: {  	s13 =	simm.s32 @p2 $0x18A78;
	s12 =	simm.s32 @p2 $0x0;
	s1 =	sadd.s32 @p2 s8, s1  }
0x32c: {  	[tilespmem:s13], [sflag:$0x2] =	stream.linear.gather @p2 [hbm4b:s1+s12], $0x80, $0x38;
	[tilespmem:$0x1F478] =	vst v63  }
.LBB2_14:
0x32d: {  	s1 =	simm.s32 $0x0  }
0x32e: {  	v3 =	vmov s1  }
0x32f: {  	v3 =	vand.u32 $0xFFFFFFFE, v3  }
0x330: {  	v3 =	vbroadcast v3, $0x0;
	_ =	sdelay $0x1  }
0x331: {  	_ =	swait.ge [sflag:s9], $0x2000  }
0x332: {  	[sflag:s9] =	ssyncset.done $0x0  }
0x333: {  	s1 =	simm.s32 $0x19278;
	[sflag:s9] =	ssyncadd.s32 $0xFFFFE000  }
0x334: {  	v5 =	vld [tilespmem:s1+$0xFFFFFF80]  }
0x335: {  	v4 =	vld.idx.msk [tilespmem:v3+s16+$0x0], $0xffff  }
0x336: {  	v3 =	vld [tilespmem:s1+$0xFFFFFFF0]  }
0x337: {  	s12 =	simm.s32 $0x1;
	v8 =	vld [tilespmem:s1+$0xFFFFFF90]  }
0x338: {  	v9 =	vmov s12;
	v10 =	vld [tilespmem:s1+$0xFFFFFFA0]  }
0x339: {  	v13 =	vld [tilespmem:s1+$0xFFFFFFB0]  }
0x33a: {  	v7 =	vld [tilespmem:s1+$0xFFFFFFC0]  }
0x33b: {  	v6 =	vld [tilespmem:s1+$0xFFFFFFD0];
	v11 =	vmul.f32 v3, v4  }
0x33c: {  	v12 =	vmul.f32 v5, v4;
	v5 =	vld [tilespmem:s1+$0xFFFFFFE0]  }
0x33d: {  	v3 =	vld.idx.msk [tilespmem:v9+s16+$0x0], $0xffff;
	v8 =	vmul.f32 v8, v4;
	[tilespmem:s1+$0xFFFFFFF0] =	vst v11  }
0x33e: {  	s12 =	simm.s32 $0x2;
	v9 =	vld [tilespmem:s1+$0x0];
	[tilespmem:s1+$0xFFFFFF80] =	vst v12;
	v11 =	vmul.f32 v10, v4  }
0x33f: {  	s26 =	smov.u32 s0;
	s13 =	simm.s32 $0x4;
	s0 =	simm.s32 $0x19278;
	v12 =	vmov s12;
	[tilespmem:s1+$0xFFFFFF90] =	vst v8;
	v10 =	vmul.f32 v13, v4;
	v8 =	vld [tilespmem:s1+$0x10]  }
.LBB2_15:
0x340: {  	p1 =	slt.u32 s13, $0x3E;
	v12 =	vand.u32 $0xFFFFFFFE, v12;
	s14 =	sadd.s32 $0x1, s12;
	[tilespmem:s1+$0xFFFFFFA0] =	vst v11;
	v7 =	vmul.f32 v7, v4;
	v11 =	vld [tilespmem:s1+$0x20];
	s12 =	smov.u32 s13  }
0x341: {  	v12 =	vbroadcast v12, $0x0;
	v13 =	vmov s14;
	[tilespmem:s1+$0xFFFFFFB0] =	vst v10;
	v6 =	vmul.f32 v6, v4;
	v10 =	vld [tilespmem:s1+$0x30]  }
0x342: {  	[tilespmem:s1+$0xFFFFFFC0] =	vst v7;
	v4 =	vmul.f32 v5, v4;
	v5 =	vld [tilespmem:s1+$0x40]  }
0x343: {  	[tilespmem:s1+$0xFFFFFFD0] =	vst v6;
	v6 =	vmul.f32 v9, v3;
	v7 =	vld [tilespmem:s1+$0x50]  }
0x344: {  	[tilespmem:s1+$0xFFFFFFE0] =	vst v4;
	v4 =	vmul.f32 v8, v3;
	v8 =	vld [tilespmem:s1+$0x60]  }
0x345: {  	[tilespmem:s1+$0x0] =	vst v6;
	v6 =	vmul.f32 v11, v3;
	v9 =	vld [tilespmem:s1+$0x70]  }
0x346: {  	v11 =	vld.idx.msk [tilespmem:v13+s16+$0x0], $0xffff;
	[tilespmem:s1+$0x10] =	vst v4;
	v10 =	vmul.f32 v10, v3  }
0x347: {  	s1 =	sadd.s32 $0x100, s1;
	v4 =	vld.idx.msk [tilespmem:v12+s16+$0x0], $0xffff;
	[tilespmem:s0+$0x20] =	vst v6;
	v5 =	vmul.f32 v5, v3  }
0x348: {  	v6 =	vld [tilespmem:s1+$0xFFFFFFF0];
	[tilespmem:s0+$0x30] =	vst v10;
	v7 =	vmul.f32 v7, v3  }
0x349: {  	v10 =	vld [tilespmem:s1+$0xFFFFFF80];
	[tilespmem:s0+$0x40] =	vst v5;
	v5 =	vmul.f32 v8, v3  }
0x34a: {  	v8 =	vld [tilespmem:s1+$0xFFFFFF90];
	[tilespmem:s0+$0x50] =	vst v7;
	v7 =	vmul.f32 v9, v3  }
0x34b: {  	v9 =	vld [tilespmem:s1+$0xFFFFFFA0];
	[tilespmem:s0+$0x60] =	vst v5  }
0x34c: {  	v3 =	vmov v11;
	v13 =	vld [tilespmem:s1+$0xFFFFFFB0];
	[tilespmem:s0+$0x70] =	vst v7;
	s0 =	smov.u32 s1  }
.Ltmp12:
0x34d: {  	v7 =	vld [tilespmem:s1+$0xFFFFFFC0];
	v11 =	vmul.f32 v6, v4;
	(pc) =	sbr.rel @p1 .LBB2_15-.Ltmp12, $4  }
0x34e: {  	v10 =	vmul.f32 v10, v4;
	v6 =	vld [tilespmem:s1+$0xFFFFFFD0]  }
0x34f: {  	v8 =	vmul.f32 v8, v4;
	v5 =	vld [tilespmem:s1+$0xFFFFFFE0];
	[tilespmem:s1+$0xFFFFFFF0] =	vst v11  }
0x350: {  	[tilespmem:s1+$0xFFFFFF80] =	vst v10;
	v11 =	vmul.f32 v9, v4;
	v9 =	vld [tilespmem:s1+$0x0]  }
0x351: {  	s13 =	sadd.s32 $0x2, s13;
	v12 =	vmov s12;
	[tilespmem:s1+$0xFFFFFF90] =	vst v8;
	v10 =	vmul.f32 v13, v4;
	v8 =	vld [tilespmem:s1+$0x10]  }
0x352: {  	v13 =	vld [tilespmem:s1+$0x20]  }
0x353: {  	v12 =	vand.u32 $0xFFFFFFFE, v12;
	s12 =	sadd.s32 $0x1, s12;
	v14 =	vld [tilespmem:s1+$0x30]  }
0x354: {  	v16 =	vld [tilespmem:s1+$0x40];
	[tilespmem:s1+$0xFFFFFFA0] =	vst v11;
	v7 =	vmul.f32 v7, v4;
	v12 =	vbroadcast v12, $0x0;
	v15 =	vmov s12  }
0x355: {  	v11 =	vld [tilespmem:s1+$0x50];
	[tilespmem:s1+$0xFFFFFFB0] =	vst v10;
	v6 =	vmul.f32 v6, v4  }
0x356: {  	v10 =	vld [tilespmem:s1+$0x60];
	[tilespmem:s1+$0xFFFFFFC0] =	vst v7;
	v9 =	vmul.f32 v9, v3  }
0x357: {  	s24 =	sadd.s32 $0x100, s1;
	v4 =	vmul.f32 v5, v4;
	v5 =	vld [tilespmem:s1+$0x70];
	[tilespmem:s1+$0xFFFFFFD0] =	vst v6  }
0x358: {  	v6 =	vmul.f32 v8, v3;
	[tilespmem:s1+$0x0] =	vst v9;
	v9 =	vld [tilespmem:s24+$0xFFFFFFF0]  }
0x359: {  	[tilespmem:s1+$0xFFFFFFE0] =	vst v4;
	v4 =	vmul.f32 v13, v3;
	v7 =	vld.idx.msk [tilespmem:v15+s16+$0x0], $0xffff  }
0x35a: {  	[tilespmem:s1+$0x10] =	vst v6;
	v6 =	vmul.f32 v14, v3;
	v8 =	vld.idx.msk [tilespmem:v12+s16+$0x0], $0xffff  }
0x35b: {  	[tilespmem:s0+$0x20] =	vst v4;
	v4 =	vmul.f32 v16, v3;
	v12 =	vld [tilespmem:s24+$0xFFFFFF80]  }
0x35c: {  	[tilespmem:s0+$0x30] =	vst v6;
	v6 =	vmul.f32 v11, v3;
	v11 =	vld [tilespmem:s24+$0xFFFFFF90]  }
0x35d: {  	[tilespmem:s0+$0x40] =	vst v4;
	v4 =	vmul.f32 v10, v3;
	v10 =	vld [tilespmem:s24+$0xFFFFFFA0]  }
0x35e: {  	v3 =	vmul.f32 v5, v3;
	v5 =	vld [tilespmem:s24+$0xFFFFFFB0];
	[tilespmem:s0+$0x50] =	vst v6  }
0x35f: {  	[tilespmem:s0+$0x60] =	vst v4;
	v4 =	vld [tilespmem:s24+$0xFFFFFFC0];
	v6 =	vmul.f32 v9, v8  }
0x360: {  	[tilespmem:s0+$0x70] =	vst v3;
	v3 =	vmul.f32 v12, v8;
	v9 =	vld [tilespmem:s24+$0xFFFFFFD0]  }
0x361: {  	v12 =	vld [tilespmem:s24+$0xFFFFFFE0];
	v11 =	vmul.f32 v11, v8;
	[tilespmem:s24+$0xFFFFFFF0] =	vst v6  }
0x362: {  	[tilespmem:s24+$0xFFFFFF80] =	vst v3;
	v3 =	vmul.f32 v10, v8;
	v6 =	vld [tilespmem:s24+$0x0]  }
0x363: {  	v5 =	vmul.f32 v5, v8;
	v10 =	vld [tilespmem:s24+$0x10];
	[tilespmem:s24+$0xFFFFFF90] =	vst v11  }
0x364: {  	[tilespmem:s24+$0xFFFFFFA0] =	vst v3;
	v3 =	vmul.f32 v4, v8;
	v4 =	vld [tilespmem:s24+$0x20]  }
0x365: {  	[tilespmem:s24+$0xFFFFFFB0] =	vst v5;
	v5 =	vmul.f32 v9, v8;
	v9 =	vld [tilespmem:s24+$0x30]  }
0x366: {  	[tilespmem:s24+$0xFFFFFFC0] =	vst v3;
	v3 =	vmul.f32 v12, v8;
	v8 =	vld [tilespmem:s24+$0x40]  }
0x367: {  	[tilespmem:s24+$0xFFFFFFD0] =	vst v5;
	v5 =	vmul.f32 v6, v7;
	v6 =	vld [tilespmem:s24+$0x50]  }
0x368: {  	[tilespmem:s24+$0xFFFFFFE0] =	vst v3;
	v3 =	vmul.f32 v10, v7;
	v10 =	vld [tilespmem:s24+$0x60]  }
0x369: {  	[tilespmem:s24+$0x0] =	vst v5;
	v4 =	vmul.f32 v4, v7;
	v5 =	vld [tilespmem:s24+$0x70]  }
0x36a: {  	[tilespmem:s24+$0x10] =	vst v3;
	v3 =	vmul.f32 v9, v7  }
0x36b: {  	[tilespmem:s24+$0x20] =	vst v4;
	v4 =	vmul.f32 v8, v7  }
0x36c: {  	[tilespmem:s24+$0x30] =	vst v3;
	v3 =	vmul.f32 v6, v7  }
0x36d: {  	[tilespmem:s24+$0x40] =	vst v4;
	v4 =	vmul.f32 v10, v7  }
0x36e: {  	[tilespmem:s24+$0x50] =	vst v3;
	v3 =	vmul.f32 v5, v7  }
0x36f: {  	p1 =	seq.s32 s26, $0x0;
	[tilespmem:s24+$0x60] =	vst v4  }
0x370: {  	s12 =	simm.s32 $0x18BF8;
	s1 =	simm.s32 $0x191F8;
	s0 =	simm.s32 @!p1 $0xC;
	[tilespmem:s24+$0x70] =	vst v3  }
0x371: {  	[spmem:s2] =	stream.indirect.scatter.add.f32 [tilespmem:s1], [sflag:$0xA], $0x80, s12, s10, $0xb8;
	[tilespmem:$0x1F478] =	vst v63  }
0x372: {  	_ =	swait.ge @!p1 [sflag:s0], $0x2000  }
0x373: {  	[sflag:s0] =	ssyncset.done @!p1 $0x0  }
0x374: {  	[sflag:s0] =	ssyncadd.s32 @!p1 $0xFFFFE000;
	s0 =	simm.s32 @!p1 $0x6  }
0x375: {  	_ =	swait.ge @!p1 [sflag:s0], $0x40  }
0x376: {  	[sflag:s0] =	ssyncset.done @!p1 $0x0  }
0x377: {  	[sflag:s0] =	ssyncadd.s32 @!p1 $0xFFFFFFC0  }
0x378: {  	_ =	swait.ge [sflag:s30], $0x80  }
0x379: {  	[sflag:s30] =	ssyncset.done $0x0  }
0x37a: {  	[sflag:s30] =	ssyncadd.s32 $0xFFFFFF80  }
0x37b: {  	v3 =	vld [tilespmem:$0x18AF8]  }
0x37c: {  	v4 =	vld [tilespmem:$0x18B38];
	_ =	sdelay $0x6  }
0x37d: {  	v5 =	vld.idx.msk [tilespmem:v3+s28+$0x0], $0xffff  }
0x37e: {  	v6 =	vld.idx.msk [tilespmem:v4+s29+$0x0], $0xffff;
	_ =	sdelay $0x4  }
0x37f: {  	v5 =	vadd.f32 v6, v5;
	_ =	sdelay $0x1  }
0x380: {  	v6 =	vmul.f32 $2.000000030e-01, v5;
	_ =	sdelay $0x1  }
0x381: {  	v5 =	vmax.f32 v5, v6  }
0x382: {  	v5 =	vmul.f32 $1.442695020e+00, v5;
	_ =	sdelay $0x1  }
0x383: {  	(erf) = vpow2.f32 v5;
	_ =	sdelay $0x2  }
0x384: {  	v5 =	vld [tilespmem:$0x18B08]  }
0x385: {  	v6 =	vld [tilespmem:$0x18B48];
	_ =	sdelay $0x3  }
0x386: {  	[tilespmem:$0x18CF8] =	vst v3;
	v3 =	vadd.s32 v0, v4  }
0x387: {  	[tilespmem:$0x18EF8] =	vst v3;
	v7 =	vpop (erf)  }
0x388: {  	[tilespmem:$0x190F8] =	vst v7  }
0x389: {  	v3 =	vld.idx.msk [tilespmem:v5+s28+$0x0], $0xffff  }
0x38a: {  	v4 =	vld.idx.msk [tilespmem:v6+s29+$0x0], $0xffff;
	_ =	sdelay $0x4  }
0x38b: {  	v3 =	vadd.f32 v4, v3;
	_ =	sdelay $0x1  }
0x38c: {  	v4 =	vmul.f32 $2.000000030e-01, v3;
	_ =	sdelay $0x1  }
0x38d: {  	v3 =	vmax.f32 v3, v4  }
0x38e: {  	v3 =	vmul.f32 $1.442695020e+00, v3;
	_ =	sdelay $0x1  }
0x38f: {  	(erf) = vpow2.f32 v3;
	_ =	sdelay $0x2  }
0x390: {  	v3 =	vld [tilespmem:$0x18B18]  }
0x391: {  	v4 =	vld [tilespmem:$0x18B58];
	_ =	sdelay $0x3  }
0x392: {  	[tilespmem:$0x18D08] =	vst v5;
	v5 =	vadd.s32 v0, v6  }
0x393: {  	[tilespmem:$0x18F08] =	vst v5;
	v7 =	vpop (erf)  }
0x394: {  	[tilespmem:$0x19108] =	vst v7  }
0x395: {  	v5 =	vld.idx.msk [tilespmem:v3+s28+$0x0], $0xffff  }
0x396: {  	v6 =	vld.idx.msk [tilespmem:v4+s29+$0x0], $0xffff;
	_ =	sdelay $0x4  }
0x397: {  	v5 =	vadd.f32 v6, v5;
	_ =	sdelay $0x1  }
0x398: {  	v6 =	vmul.f32 $2.000000030e-01, v5;
	_ =	sdelay $0x1  }
0x399: {  	v5 =	vmax.f32 v5, v6  }
0x39a: {  	v5 =	vmul.f32 $1.442695020e+00, v5;
	_ =	sdelay $0x1  }
0x39b: {  	(erf) = vpow2.f32 v5;
	_ =	sdelay $0x2  }
0x39c: {  	v5 =	vld [tilespmem:$0x18B28]  }
0x39d: {  	v6 =	vld [tilespmem:$0x18B68];
	_ =	sdelay $0x3  }
0x39e: {  	[tilespmem:$0x18D18] =	vst v3;
	v3 =	vadd.s32 v0, v4  }
0x39f: {  	[tilespmem:$0x18F18] =	vst v3;
	v7 =	vpop (erf)  }
0x3a0: {  	[tilespmem:$0x19118] =	vst v7  }
0x3a1: {  	v3 =	vld.idx.msk [tilespmem:v5+s28+$0x0], $0xffff  }
0x3a2: {  	v4 =	vld.idx.msk [tilespmem:v6+s29+$0x0], $0xffff;
	_ =	sdelay $0x4  }
0x3a3: {  	v3 =	vadd.f32 v4, v3;
	_ =	sdelay $0x1  }
0x3a4: {  	v4 =	vmul.f32 $2.000000030e-01, v3;
	_ =	sdelay $0x1  }
0x3a5: {  	v3 =	vmax.f32 v3, v4  }
0x3a6: {  	v3 =	vmul.f32 $1.442695020e+00, v3;
	_ =	sdelay $0x1  }
0x3a7: {  	(erf) = vpow2.f32 v3;
	_ =	sdelay $0x7  }
0x3a8: {  	p1 =	seq.s32 s26, $0x34  }
0x3a9: {  	s0 =	smul.u32 @!p1 $0x180, s26;
	[tilespmem:$0x18D28] =	vst v5;
	v3 =	vpop (erf)  }
0x3aa: {  	s1 =	rddreg [dreg:$0x15];
	[tilespmem:$0x19128] =	vst v3;
	v3 =	vadd.s32 v0, v6  }
0x3ab: {  	s13 =	simm.s32 $0x18EF8;
	s14 =	simm.s32 $0x0;
	s0 =	sadd.s32 @!p1 s0, s1;
	[tilespmem:$0x18F28] =	vst v3  }
0x3ac: {  	v3 =	vmov s14;
	[tilespmem:s31], [sflag:$0x9] =	stream.indirect.gather [hbm4b:s7+s10], $0x80, s13, s10, $0xb8;
	[tilespmem:$0x1F478] =	vst v63  }
0x3ad: {  	s0 =	sshrl.u32 @!p1 s0, $0x3;
	v3 =	vand.u32 $0xFFFFFFFE, v3  }
0x3ae: {  	v3 =	vbroadcast v3, $0x0;
	[spmem:s3] =	stream.indirect.scatter.add.f32 [tilespmem:s22], [sflag:$0x6], $0x1, s4, s10, $0xb8;
	[tilespmem:$0x1F478] =	vst v63  }
0x3af: {  	s12 =	simm.s32 @!p1 $0x18AF8;
	s1 =	simm.s32 @!p1 $0x0;
	s0 =	sadd.s32 @!p1 s8, s0  }
0x3b0: {  	[tilespmem:s12], [sflag:$0x3] =	stream.linear.gather @!p1 [hbm4b:s0+s1], $0x80, $0x38;
	[tilespmem:$0x1F478] =	vst v63  }
0x3b1: {  	_ =	swait.ge [sflag:s18], $0x2000  }
0x3b2: {  	[sflag:s18] =	ssyncset.done $0x0  }
0x3b3: {  	[sflag:s18] =	ssyncadd.s32 $0xFFFFE000  }
0x3b4: {  	s1 =	simm.s32 $0x1B2E8;
	v4 =	vld.idx.msk [tilespmem:v3+s21+$0x0], $0xffff  }
0x3b5: {  	v3 =	vld [tilespmem:s1+$0xFFFFFF80]  }
0x3b6: {  	v5 =	vld [tilespmem:s1+$0xFFFFFF10]  }
0x3b7: {  	s24 =	simm.s32 $0x1;
	v8 =	vld [tilespmem:s1+$0xFFFFFF20]  }
0x3b8: {  	v9 =	vmov s24;
	v10 =	vld [tilespmem:s1+$0xFFFFFF30]  }
0x3b9: {  	v13 =	vld [tilespmem:s1+$0xFFFFFF40]  }
0x3ba: {  	v7 =	vld [tilespmem:s1+$0xFFFFFF50]  }
0x3bb: {  	v6 =	vld [tilespmem:s1+$0xFFFFFF60];
	v11 =	vmul.f32 v3, v4  }
0x3bc: {  	v12 =	vmul.f32 v5, v4;
	v5 =	vld [tilespmem:s1+$0xFFFFFF70]  }
0x3bd: {  	v3 =	vld.idx.msk [tilespmem:v9+s21+$0x0], $0xffff;
	v8 =	vmul.f32 v8, v4;
	[tilespmem:s1+$0xFFFFFF80] =	vst v11  }
0x3be: {  	s12 =	simm.s32 $0x2;
	v9 =	vld [tilespmem:s1+$0xFFFFFF90];
	[tilespmem:s1+$0xFFFFFF10] =	vst v12;
	v11 =	vmul.f32 v10, v4  }
0x3bf: {  	s24 =	simm.s32 $0x1B2E8;
	s13 =	simm.s32 $0x4;
	s0 =	sadd.s32 $0x1, s26;
	v12 =	vmov s12;
	[tilespmem:s1+$0xFFFFFF20] =	vst v8;
	v10 =	vmul.f32 v13, v4;
	v8 =	vld [tilespmem:s1+$0xFFFFFFA0]  }
.LBB2_17:
0x3c0: {  	p2 =	slt.u32 s13, $0x3E;
	v12 =	vand.u32 $0xFFFFFFFE, v12;
	s14 =	sadd.s32 $0x1, s12;
	[tilespmem:s1+$0xFFFFFF30] =	vst v11;
	v7 =	vmul.f32 v7, v4;
	v11 =	vld [tilespmem:s1+$0xFFFFFFB0];
	s12 =	smov.u32 s13  }
0x3c1: {  	v12 =	vbroadcast v12, $0x0;
	v13 =	vmov s14;
	[tilespmem:s1+$0xFFFFFF40] =	vst v10;
	v6 =	vmul.f32 v6, v4;
	v10 =	vld [tilespmem:s1+$0xFFFFFFC0]  }
0x3c2: {  	[tilespmem:s1+$0xFFFFFF50] =	vst v7;
	v4 =	vmul.f32 v5, v4;
	v5 =	vld [tilespmem:s1+$0xFFFFFFD0]  }
0x3c3: {  	[tilespmem:s1+$0xFFFFFF60] =	vst v6;
	v6 =	vmul.f32 v9, v3;
	v7 =	vld [tilespmem:s1+$0xFFFFFFE0]  }
0x3c4: {  	[tilespmem:s1+$0xFFFFFF70] =	vst v4;
	v4 =	vmul.f32 v8, v3;
	v8 =	vld [tilespmem:s1+$0xFFFFFFF0]  }
0x3c5: {  	[tilespmem:s1+$0xFFFFFF90] =	vst v6;
	v6 =	vmul.f32 v11, v3;
	v9 =	vld [tilespmem:s1+$0x0]  }
0x3c6: {  	v11 =	vld.idx.msk [tilespmem:v13+s21+$0x0], $0xffff;
	[tilespmem:s1+$0xFFFFFFA0] =	vst v4;
	v10 =	vmul.f32 v10, v3  }
0x3c7: {  	s1 =	sadd.s32 $0x100, s1;
	v4 =	vld.idx.msk [tilespmem:v12+s21+$0x0], $0xffff;
	[tilespmem:s24+$0xFFFFFFB0] =	vst v6;
	v5 =	vmul.f32 v5, v3  }
0x3c8: {  	v6 =	vld [tilespmem:s1+$0xFFFFFF80];
	[tilespmem:s24+$0xFFFFFFC0] =	vst v10;
	v7 =	vmul.f32 v7, v3  }
0x3c9: {  	v10 =	vld [tilespmem:s1+$0xFFFFFF10];
	[tilespmem:s24+$0xFFFFFFD0] =	vst v5;
	v5 =	vmul.f32 v8, v3  }
0x3ca: {  	v8 =	vld [tilespmem:s1+$0xFFFFFF20];
	[tilespmem:s24+$0xFFFFFFE0] =	vst v7;
	v7 =	vmul.f32 v9, v3  }
0x3cb: {  	v9 =	vld [tilespmem:s1+$0xFFFFFF30];
	[tilespmem:s24+$0xFFFFFFF0] =	vst v5  }
0x3cc: {  	v3 =	vmov v11;
	v13 =	vld [tilespmem:s1+$0xFFFFFF40];
	[tilespmem:s24+$0x0] =	vst v7;
	s24 =	smov.u32 s1  }
.Ltmp13:
0x3cd: {  	v7 =	vld [tilespmem:s1+$0xFFFFFF50];
	v11 =	vmul.f32 v6, v4;
	(pc) =	sbr.rel @p2 .LBB2_17-.Ltmp13, $4  }
0x3ce: {  	v10 =	vmul.f32 v10, v4;
	v6 =	vld [tilespmem:s1+$0xFFFFFF60]  }
0x3cf: {  	v8 =	vmul.f32 v8, v4;
	v5 =	vld [tilespmem:s1+$0xFFFFFF70];
	[tilespmem:s1+$0xFFFFFF80] =	vst v11  }
0x3d0: {  	[tilespmem:s1+$0xFFFFFF10] =	vst v10;
	v11 =	vmul.f32 v9, v4;
	v9 =	vld [tilespmem:s1+$0xFFFFFF90]  }
0x3d1: {  	s13 =	sadd.s32 $0x2, s13;
	v12 =	vmov s12;
	[tilespmem:s1+$0xFFFFFF20] =	vst v8;
	v10 =	vmul.f32 v13, v4;
	v8 =	vld [tilespmem:s1+$0xFFFFFFA0]  }
0x3d2: {  	v13 =	vld [tilespmem:s1+$0xFFFFFFB0]  }
0x3d3: {  	v14 =	vld [tilespmem:s1+$0xFFFFFFC0]  }
0x3d4: {  	v12 =	vand.u32 $0xFFFFFFFE, v12;
	s12 =	sadd.s32 $0x1, s12;
	v16 =	vld [tilespmem:s1+$0xFFFFFFD0];
	[tilespmem:s1+$0xFFFFFF30] =	vst v11;
	v7 =	vmul.f32 v7, v4  }
0x3d5: {  	v31 =	vld [tilespmem:s1+$0xFFFFFFE0];
	v12 =	vbroadcast v12, $0x0;
	v15 =	vmov s12;
	[tilespmem:s1+$0xFFFFFF40] =	vst v10;
	v6 =	vmul.f32 v6, v4  }
0x3d6: {  	v32 =	vld [tilespmem:s1+$0xFFFFFFF0];
	[tilespmem:s1+$0xFFFFFF50] =	vst v7;
	v33 =	vmul.f32 v5, v4  }
0x3d7: {  	v34 =	vld [tilespmem:s1+$0x0];
	s14 =	sadd.s32 $0x100, s1;
	v9 =	vmul.f32 v9, v3;
	[tilespmem:s1+$0xFFFFFF60] =	vst v6  }
0x3d8: {  	v42 =	vld [tilespmem:s14+$0xFFFFFF10];
	v35 =	vmul.f32 v8, v3;
	[tilespmem:s1+$0xFFFFFF70] =	vst v33  }
0x3d9: {  	v52 =	vld [tilespmem:s14+$0xFFFFFF90];
	[tilespmem:s1+$0xFFFFFF90] =	vst v9;
	v37 =	vmul.f32 v13, v3  }
0x3da: {  	v39 =	vmul.f32 v14, v3;
	v36 =	vld.idx.msk [tilespmem:v15+s21+$0x0], $0xffff;
	[tilespmem:s1+$0xFFFFFFA0] =	vst v35  }
0x3db: {  	v41 =	vmul.f32 v16, v3;
	v38 =	vld.idx.msk [tilespmem:v12+s21+$0x0], $0xffff;
	[tilespmem:s24+$0xFFFFFFB0] =	vst v37  }
0x3dc: {  	v54 =	vld [tilespmem:s14+$0xFFFFFFB0];
	v43 =	vmul.f32 v31, v3;
	[tilespmem:s24+$0xFFFFFFC0] =	vst v39  }
0x3dd: {  	v46 =	vld [tilespmem:s14+$0xFFFFFF30];
	v45 =	vmul.f32 v32, v3;
	[tilespmem:s24+$0xFFFFFFD0] =	vst v41  }
0x3de: {  	v57 =	vld [tilespmem:s14+$0xFFFFFFD0];
	v3 =	vmul.f32 v34, v3;
	[tilespmem:s24+$0xFFFFFFE0] =	vst v43  }
0x3df: {  	v48 =	vld [tilespmem:s14+$0xFFFFFF50];
	[tilespmem:s24+$0xFFFFFFF0] =	vst v45;
	v58 =	vmul.f32 v52, v36  }
0x3e0: {  	v60 =	vld [tilespmem:s14+$0xFFFFFFF0];
	[tilespmem:s24+$0x0] =	vst v3;
	v3 =	vmul.f32 v42, v38  }
0x3e1: {  	v51 =	vld [tilespmem:s14+$0xFFFFFF70];
	v4 =	vmul.f32 v54, v36;
	[tilespmem:s14+$0xFFFFFF90] =	vst v58  }
0x3e2: {  	v40 =	vld [tilespmem:s14+$0xFFFFFF80];
	[tilespmem:s14+$0xFFFFFF10] =	vst v3;
	v3 =	vmul.f32 v46, v38  }
0x3e3: {  	v53 =	vld [tilespmem:s14+$0xFFFFFFA0];
	v62 =	vmul.f32 v57, v36;
	[tilespmem:s14+$0xFFFFFFB0] =	vst v4  }
0x3e4: {  	v44 =	vld [tilespmem:s14+$0xFFFFFF20];
	[tilespmem:s14+$0xFFFFFF30] =	vst v3;
	v3 =	vmul.f32 v48, v38  }
0x3e5: {  	v56 =	vld [tilespmem:s14+$0xFFFFFFC0];
	v63 =	vmul.f32 v60, v36;
	[tilespmem:s14+$0xFFFFFFD0] =	vst v62  }
0x3e6: {  	v47 =	vld [tilespmem:s14+$0xFFFFFF40];
	[tilespmem:s14+$0xFFFFFF50] =	vst v3;
	v3 =	vmul.f32 v51, v38  }
0x3e7: {  	v59 =	vld [tilespmem:s14+$0xFFFFFFE0];
	v49 =	vmul.f32 v40, v38;
	[tilespmem:s14+$0xFFFFFFF0] =	vst v63  }
0x3e8: {  	v50 =	vld [tilespmem:s14+$0xFFFFFF60];
	[tilespmem:s14+$0xFFFFFF70] =	vst v3;
	v3 =	vmul.f32 v53, v36  }
0x3e9: {  	v61 =	vld [tilespmem:s14+$0x0];
	v11 =	vmul.f32 v44, v38;
	[tilespmem:s14+$0xFFFFFF80] =	vst v49  }
0x3ea: {  	[tilespmem:s14+$0xFFFFFFA0] =	vst v3;
	v3 =	vmul.f32 v56, v36  }
0x3eb: {  	v5 =	vmul.f32 v47, v38;
	[tilespmem:s14+$0xFFFFFF20] =	vst v11  }
0x3ec: {  	[tilespmem:s14+$0xFFFFFFC0] =	vst v3;
	v3 =	vmul.f32 v59, v36  }
0x3ed: {  	v55 =	vmul.f32 v50, v38;
	[tilespmem:s14+$0xFFFFFF40] =	vst v5  }
0x3ee: {  	[tilespmem:s14+$0xFFFFFFE0] =	vst v3;
	v3 =	vmul.f32 v61, v36  }
0x3ef: {  	[tilespmem:s14+$0xFFFFFF60] =	vst v55  }
0x3f0: {  	s24 =	simm.s32 $0x1B1F8;
	[tilespmem:s14+$0x0] =	vst v3  }
0x3f1: {  	[spmem:s2] =	stream.indirect.scatter.add.f32 [tilespmem:s24], [sflag:$0xB], $0x80, s23, s10, $0xb8;
	[tilespmem:$0x1F478] =	vst v63  }
0x3f2: {  	_ =	swait.ge [sflag:s25], $0x2000  }
.Ltmp14:
0x3f3: {  	[sflag:s25] =	ssyncset.done $0x0;
	(pc) =	sbr.rel @p1 .LBB2_20-.Ltmp14, $4  }
0x3f4: {  	[sflag:s25] =	ssyncadd.s32 $0xFFFFE000  }
0x3f5: {  	_ =	swait.ge [sflag:s11], $0x40  }
0x3f6: {  	[sflag:s11] =	ssyncset.done $0x0  }
0x3f7: {  	p2 =	por $0x0, $0x0;
	[sflag:s11] =	ssyncadd.s32 $0xFFFFFFC0  }
0x3f8: {  	_ =	swait.ge [sflag:s6], $0x80  }
0x3f9: {  	[sflag:s6] =	ssyncset.done $0x0  }
0x3fa: {  	[sflag:s6] =	ssyncadd.s32 $0xFFFFFF80  }
0x3fb: {  	v3 =	vld [tilespmem:$0x189F8]  }
0x3fc: {  	v4 =	vld [tilespmem:$0x18A38];
	_ =	sdelay $0x6  }
0x3fd: {  	v5 =	vld.idx.msk [tilespmem:v3+s28+$0x0], $0xffff  }
0x3fe: {  	v6 =	vld.idx.msk [tilespmem:v4+s29+$0x0], $0xffff;
	_ =	sdelay $0x4  }
0x3ff: {  	v5 =	vadd.f32 v6, v5;
	_ =	sdelay $0x1  }
0x400: {  	v6 =	vmul.f32 $2.000000030e-01, v5;
	_ =	sdelay $0x1  }
0x401: {  	v5 =	vmax.f32 v5, v6  }
0x402: {  	v5 =	vmul.f32 $1.442695020e+00, v5;
	_ =	sdelay $0x1  }
0x403: {  	(erf) = vpow2.f32 v5;
	_ =	sdelay $0x2  }
0x404: {  	v53 =	vld [tilespmem:$0x18A08]  }
0x405: {  	v54 =	vld [tilespmem:$0x18A48];
	_ =	sdelay $0x3  }
0x406: {  	[tilespmem:$0x18BF8] =	vst v3;
	v3 =	vadd.s32 v0, v4  }
0x407: {  	[tilespmem:$0x18DF8] =	vst v3;
	v7 =	vpop (erf)  }
0x408: {  	[tilespmem:$0x18FF8] =	vst v7  }
0x409: {  	v3 =	vld.idx.msk [tilespmem:v53+s28+$0x0], $0xffff  }
0x40a: {  	v55 =	vld.idx.msk [tilespmem:v54+s29+$0x0], $0xffff;
	_ =	sdelay $0x4  }
0x40b: {  	v3 =	vadd.f32 v55, v3;
	_ =	sdelay $0x1  }
0x40c: {  	v4 =	vmul.f32 $2.000000030e-01, v3;
	_ =	sdelay $0x1  }
0x40d: {  	v3 =	vmax.f32 v3, v4  }
0x40e: {  	v3 =	vmul.f32 $1.442695020e+00, v3;
	_ =	sdelay $0x1  }
0x40f: {  	(erf) = vpow2.f32 v3;
	_ =	sdelay $0x2  }
0x410: {  	v3 =	vld [tilespmem:$0x18A18]  }
0x411: {  	v56 =	vld [tilespmem:$0x18A58];
	_ =	sdelay $0x3  }
0x412: {  	v58 =	vadd.s32 v0, v54;
	[tilespmem:$0x18C08] =	vst v53  }
0x413: {  	[tilespmem:$0x18E08] =	vst v58;
	v57 =	vpop (erf)  }
0x414: {  	[tilespmem:$0x19008] =	vst v57  }
0x415: {  	v5 =	vld.idx.msk [tilespmem:v3+s28+$0x0], $0xffff  }
0x416: {  	v59 =	vld.idx.msk [tilespmem:v56+s29+$0x0], $0xffff;
	_ =	sdelay $0x4  }
0x417: {  	v5 =	vadd.f32 v59, v5;
	_ =	sdelay $0x1  }
0x418: {  	v6 =	vmul.f32 $2.000000030e-01, v5;
	_ =	sdelay $0x1  }
0x419: {  	v5 =	vmax.f32 v5, v6  }
0x41a: {  	v5 =	vmul.f32 $1.442695020e+00, v5;
	_ =	sdelay $0x1  }
0x41b: {  	(erf) = vpow2.f32 v5;
	_ =	sdelay $0x2  }
0x41c: {  	v60 =	vld [tilespmem:$0x18A28]  }
0x41d: {  	v61 =	vld [tilespmem:$0x18A68];
	_ =	sdelay $0x3  }
0x41e: {  	[tilespmem:$0x18C18] =	vst v3;
	v3 =	vadd.s32 v0, v56  }
0x41f: {  	[tilespmem:$0x18E18] =	vst v3;
	v62 =	vpop (erf)  }
0x420: {  	[tilespmem:$0x19018] =	vst v62  }
0x421: {  	v3 =	vld.idx.msk [tilespmem:v60+s28+$0x0], $0xffff  }
0x422: {  	v63 =	vld.idx.msk [tilespmem:v61+s29+$0x0], $0xffff;
	_ =	sdelay $0x4  }
0x423: {  	v3 =	vadd.f32 v63, v3;
	_ =	sdelay $0x1  }
0x424: {  	v4 =	vmul.f32 $2.000000030e-01, v3;
	_ =	sdelay $0x1  }
0x425: {  	v3 =	vmax.f32 v3, v4  }
0x426: {  	v3 =	vmul.f32 $1.442695020e+00, v3;
	_ =	sdelay $0x1  }
0x427: {  	(erf) = vpow2.f32 v3;
	_ =	sdelay $0x8  }
0x428: {  	[tilespmem:$0x18C28] =	vst v60;
	v3 =	vpop (erf)  }
0x429: {  	[tilespmem:$0x19028] =	vst v3;
	v3 =	vadd.s32 v0, v61  }
0x42a: {  	s1 =	simm.s32 $0x18DF8;
	s12 =	simm.s32 $0x191F8;
	p3 =	sgt.u32 s26, $0x32;
	[tilespmem:$0x18E28] =	vst v3  }
0x42b: {  	[tilespmem:s12], [sflag:$0x7] =	stream.indirect.gather [hbm4b:s7+s10], $0x80, s1, s10, $0xb8;
	[tilespmem:$0x1F478] =	vst v63  }
0x42c: {  	s24 =	simm.s32 $0x18BF8;
	s1 =	smul.u32 @!p3 $0x180, s26;
	s12 =	rddreg [dreg:$0x16]  }
0x42d: {  	[spmem:s3] =	stream.indirect.scatter.add.f32 [tilespmem:s16], [sflag:$0x4], $0x1, s24, s10, $0xb8;
	[tilespmem:$0x1F478] =	vst v63  }
0x42e: {  	p2 =	por $0x0, $0x0;
	s1 =	sadd.s32 @!p3 s1, s12  }
0x42f: {  	s13 =	simm.s32 @!p3 $0x189F8;
	p4 =	por @!p3 $0x1, $0x1;
	s1 =	sshrl.u32 @!p3 s1, $0x3  }
0x430: {  	p2 =	por @!p3 p4, p4;
	s12 =	simm.s32 @!p3 $0x0;
	s1 =	sadd.s32 @!p3 s8, s1  }
0x431: {  	[tilespmem:s13], [sflag:$0x1] =	stream.linear.gather @!p3 [hbm4b:s1+s12], $0x80, $0x38;
	[tilespmem:$0x1F478] =	vst v63  }
.LBB2_20:
0x432: {  	s1 =	simm.s32 $0x0  }
0x433: {  	v3 =	vmov s1  }
0x434: {  	v3 =	vand.u32 $0xFFFFFFFE, v3  }
0x435: {  	v3 =	vbroadcast v3, $0x0;
	_ =	sdelay $0x1  }
0x436: {  	_ =	swait.ge [sflag:s20], $0x2000  }
0x437: {  	[sflag:s20] =	ssyncset.done $0x0  }
0x438: {  	s1 =	simm.s32 $0x1D2E8;
	[sflag:s20] =	ssyncadd.s32 $0xFFFFE000  }
0x439: {  	v5 =	vld [tilespmem:s1+$0xFFFFFF10]  }
0x43a: {  	v4 =	vld.idx.msk [tilespmem:v3+s22+$0x0], $0xffff  }
0x43b: {  	v3 =	vld [tilespmem:s1+$0xFFFFFF80]  }
0x43c: {  	s12 =	simm.s32 $0x1;
	v8 =	vld [tilespmem:s1+$0xFFFFFF20]  }
0x43d: {  	v9 =	vmov s12;
	v10 =	vld [tilespmem:s1+$0xFFFFFF30]  }
0x43e: {  	v13 =	vld [tilespmem:s1+$0xFFFFFF40]  }
0x43f: {  	v7 =	vld [tilespmem:s1+$0xFFFFFF50]  }
0x440: {  	v6 =	vld [tilespmem:s1+$0xFFFFFF60];
	v11 =	vmul.f32 v3, v4  }
0x441: {  	v12 =	vmul.f32 v5, v4;
	v5 =	vld [tilespmem:s1+$0xFFFFFF70]  }
0x442: {  	v3 =	vld.idx.msk [tilespmem:v9+s22+$0x0], $0xffff;
	v8 =	vmul.f32 v8, v4;
	[tilespmem:s1+$0xFFFFFF80] =	vst v11  }
0x443: {  	s12 =	simm.s32 $0x2;
	v9 =	vld [tilespmem:s1+$0xFFFFFF90];
	[tilespmem:s1+$0xFFFFFF10] =	vst v12;
	v11 =	vmul.f32 v10, v4  }
0x444: {  	s13 =	simm.s32 $0x4;
	s24 =	simm.s32 $0x1D2E8;
	v12 =	vmov s12;
	[tilespmem:s1+$0xFFFFFF20] =	vst v8;
	v10 =	vmul.f32 v13, v4;
	v8 =	vld [tilespmem:s1+$0xFFFFFFA0]  }
.LBB2_21:
0x445: {  	p3 =	slt.u32 s13, $0x3E;
	v12 =	vand.u32 $0xFFFFFFFE, v12;
	s14 =	sadd.s32 $0x1, s12;
	[tilespmem:s1+$0xFFFFFF30] =	vst v11;
	v7 =	vmul.f32 v7, v4;
	v11 =	vld [tilespmem:s1+$0xFFFFFFB0];
	s12 =	smov.u32 s13  }
0x446: {  	v12 =	vbroadcast v12, $0x0;
	v13 =	vmov s14;
	[tilespmem:s1+$0xFFFFFF40] =	vst v10;
	v6 =	vmul.f32 v6, v4;
	v10 =	vld [tilespmem:s1+$0xFFFFFFC0]  }
0x447: {  	[tilespmem:s1+$0xFFFFFF50] =	vst v7;
	v4 =	vmul.f32 v5, v4;
	v5 =	vld [tilespmem:s1+$0xFFFFFFD0]  }
0x448: {  	[tilespmem:s1+$0xFFFFFF60] =	vst v6;
	v6 =	vmul.f32 v9, v3;
	v7 =	vld [tilespmem:s1+$0xFFFFFFE0]  }
0x449: {  	[tilespmem:s1+$0xFFFFFF70] =	vst v4;
	v4 =	vmul.f32 v8, v3;
	v8 =	vld [tilespmem:s1+$0xFFFFFFF0]  }
0x44a: {  	[tilespmem:s1+$0xFFFFFF90] =	vst v6;
	v6 =	vmul.f32 v11, v3;
	v9 =	vld [tilespmem:s1+$0x0]  }
0x44b: {  	v11 =	vld.idx.msk [tilespmem:v13+s22+$0x0], $0xffff;
	[tilespmem:s1+$0xFFFFFFA0] =	vst v4;
	v10 =	vmul.f32 v10, v3  }
0x44c: {  	s1 =	sadd.s32 $0x100, s1;
	v4 =	vld.idx.msk [tilespmem:v12+s22+$0x0], $0xffff;
	[tilespmem:s24+$0xFFFFFFB0] =	vst v6;
	v5 =	vmul.f32 v5, v3  }
0x44d: {  	v6 =	vld [tilespmem:s1+$0xFFFFFF80];
	[tilespmem:s24+$0xFFFFFFC0] =	vst v10;
	v7 =	vmul.f32 v7, v3  }
0x44e: {  	v10 =	vld [tilespmem:s1+$0xFFFFFF10];
	[tilespmem:s24+$0xFFFFFFD0] =	vst v5;
	v5 =	vmul.f32 v8, v3  }
0x44f: {  	v8 =	vld [tilespmem:s1+$0xFFFFFF20];
	[tilespmem:s24+$0xFFFFFFE0] =	vst v7;
	v7 =	vmul.f32 v9, v3  }
0x450: {  	v9 =	vld [tilespmem:s1+$0xFFFFFF30];
	[tilespmem:s24+$0xFFFFFFF0] =	vst v5  }
0x451: {  	v3 =	vmov v11;
	v13 =	vld [tilespmem:s1+$0xFFFFFF40];
	[tilespmem:s24+$0x0] =	vst v7;
	s24 =	smov.u32 s1  }
.Ltmp15:
0x452: {  	v7 =	vld [tilespmem:s1+$0xFFFFFF50];
	v11 =	vmul.f32 v6, v4;
	(pc) =	sbr.rel @p3 .LBB2_21-.Ltmp15, $4  }
0x453: {  	v10 =	vmul.f32 v10, v4;
	v6 =	vld [tilespmem:s1+$0xFFFFFF60]  }
0x454: {  	v8 =	vmul.f32 v8, v4;
	v5 =	vld [tilespmem:s1+$0xFFFFFF70];
	[tilespmem:s1+$0xFFFFFF80] =	vst v11  }
0x455: {  	[tilespmem:s1+$0xFFFFFF10] =	vst v10;
	v11 =	vmul.f32 v9, v4;
	v9 =	vld [tilespmem:s1+$0xFFFFFF90]  }
0x456: {  	s13 =	sadd.s32 $0x2, s13;
	v12 =	vmov s12;
	[tilespmem:s1+$0xFFFFFF20] =	vst v8;
	v10 =	vmul.f32 v13, v4;
	v8 =	vld [tilespmem:s1+$0xFFFFFFA0]  }
0x457: {  	v13 =	vld [tilespmem:s1+$0xFFFFFFB0]  }
0x458: {  	v14 =	vld [tilespmem:s1+$0xFFFFFFC0]  }
0x459: {  	v12 =	vand.u32 $0xFFFFFFFE, v12;
	s12 =	sadd.s32 $0x1, s12;
	v16 =	vld [tilespmem:s1+$0xFFFFFFD0];
	[tilespmem:s1+$0xFFFFFF30] =	vst v11;
	v7 =	vmul.f32 v7, v4  }
0x45a: {  	v31 =	vld [tilespmem:s1+$0xFFFFFFE0];
	v12 =	vbroadcast v12, $0x0;
	v15 =	vmov s12;
	[tilespmem:s1+$0xFFFFFF40] =	vst v10;
	v6 =	vmul.f32 v6, v4  }
0x45b: {  	v32 =	vld [tilespmem:s1+$0xFFFFFFF0];
	[tilespmem:s1+$0xFFFFFF50] =	vst v7;
	v33 =	vmul.f32 v5, v4  }
0x45c: {  	v34 =	vld [tilespmem:s1+$0x0];
	s14 =	sadd.s32 $0x100, s1;
	v9 =	vmul.f32 v9, v3;
	[tilespmem:s1+$0xFFFFFF60] =	vst v6  }
0x45d: {  	v42 =	vld [tilespmem:s14+$0xFFFFFF10];
	v35 =	vmul.f32 v8, v3;
	[tilespmem:s1+$0xFFFFFF70] =	vst v33  }
0x45e: {  	v52 =	vld [tilespmem:s14+$0xFFFFFF90];
	[tilespmem:s1+$0xFFFFFF90] =	vst v9;
	v37 =	vmul.f32 v13, v3  }
0x45f: {  	v39 =	vmul.f32 v14, v3;
	v36 =	vld.idx.msk [tilespmem:v15+s22+$0x0], $0xffff;
	[tilespmem:s1+$0xFFFFFFA0] =	vst v35  }
0x460: {  	v41 =	vmul.f32 v16, v3;
	v38 =	vld.idx.msk [tilespmem:v12+s22+$0x0], $0xffff;
	[tilespmem:s24+$0xFFFFFFB0] =	vst v37  }
0x461: {  	v54 =	vld [tilespmem:s14+$0xFFFFFFB0];
	v43 =	vmul.f32 v31, v3;
	[tilespmem:s24+$0xFFFFFFC0] =	vst v39  }
0x462: {  	v46 =	vld [tilespmem:s14+$0xFFFFFF30];
	v45 =	vmul.f32 v32, v3;
	[tilespmem:s24+$0xFFFFFFD0] =	vst v41  }
0x463: {  	v57 =	vld [tilespmem:s14+$0xFFFFFFD0];
	v3 =	vmul.f32 v34, v3;
	[tilespmem:s24+$0xFFFFFFE0] =	vst v43  }
0x464: {  	v48 =	vld [tilespmem:s14+$0xFFFFFF50];
	[tilespmem:s24+$0xFFFFFFF0] =	vst v45;
	v58 =	vmul.f32 v52, v36  }
0x465: {  	v60 =	vld [tilespmem:s14+$0xFFFFFFF0];
	[tilespmem:s24+$0x0] =	vst v3;
	v3 =	vmul.f32 v42, v38  }
0x466: {  	v51 =	vld [tilespmem:s14+$0xFFFFFF70];
	v4 =	vmul.f32 v54, v36;
	[tilespmem:s14+$0xFFFFFF90] =	vst v58  }
0x467: {  	v40 =	vld [tilespmem:s14+$0xFFFFFF80];
	[tilespmem:s14+$0xFFFFFF10] =	vst v3;
	v3 =	vmul.f32 v46, v38  }
0x468: {  	v53 =	vld [tilespmem:s14+$0xFFFFFFA0];
	v62 =	vmul.f32 v57, v36;
	[tilespmem:s14+$0xFFFFFFB0] =	vst v4  }
0x469: {  	v44 =	vld [tilespmem:s14+$0xFFFFFF20];
	[tilespmem:s14+$0xFFFFFF30] =	vst v3;
	v3 =	vmul.f32 v48, v38  }
0x46a: {  	v56 =	vld [tilespmem:s14+$0xFFFFFFC0];
	v63 =	vmul.f32 v60, v36;
	[tilespmem:s14+$0xFFFFFFD0] =	vst v62  }
0x46b: {  	v47 =	vld [tilespmem:s14+$0xFFFFFF40];
	[tilespmem:s14+$0xFFFFFF50] =	vst v3;
	v3 =	vmul.f32 v51, v38  }
0x46c: {  	v59 =	vld [tilespmem:s14+$0xFFFFFFE0];
	v49 =	vmul.f32 v40, v38;
	[tilespmem:s14+$0xFFFFFFF0] =	vst v63  }
0x46d: {  	v50 =	vld [tilespmem:s14+$0xFFFFFF60];
	[tilespmem:s14+$0xFFFFFF70] =	vst v3;
	v3 =	vmul.f32 v53, v36  }
0x46e: {  	v61 =	vld [tilespmem:s14+$0x0];
	v11 =	vmul.f32 v44, v38;
	[tilespmem:s14+$0xFFFFFF80] =	vst v49  }
0x46f: {  	[tilespmem:s14+$0xFFFFFFA0] =	vst v3;
	v3 =	vmul.f32 v56, v36  }
0x470: {  	v5 =	vmul.f32 v47, v38;
	[tilespmem:s14+$0xFFFFFF20] =	vst v11  }
0x471: {  	[tilespmem:s14+$0xFFFFFFC0] =	vst v3;
	v3 =	vmul.f32 v59, v36  }
0x472: {  	v55 =	vmul.f32 v50, v38;
	[tilespmem:s14+$0xFFFFFF40] =	vst v5  }
0x473: {  	[tilespmem:s14+$0xFFFFFFE0] =	vst v3;
	v3 =	vmul.f32 v61, v36  }
0x474: {  	[tilespmem:s14+$0xFFFFFF60] =	vst v55  }
0x475: {  	[tilespmem:s14+$0x0] =	vst v3  }
0x476: {  	[spmem:s2] =	stream.indirect.scatter.add.f32 [tilespmem:s31], [sflag:$0xC], $0x80, s4, s10, $0xb8;
	[tilespmem:$0x1F478] =	vst v63  }
0x477: {  	_ =	swait.ge [sflag:s15], $0x2000  }
.Ltmp16:
0x478: {  	[sflag:s15] =	ssyncset.done $0x0;
	(pc) =	sbr.rel @p1 .LBB2_24-.Ltmp16, $4  }
0x479: {  	[sflag:s15] =	ssyncadd.s32 $0xFFFFE000  }
0x47a: {  	_ =	swait.ge [sflag:s19], $0x40  }
0x47b: {  	[sflag:s19] =	ssyncset.done $0x0  }
0x47c: {  	[sflag:s19] =	ssyncadd.s32 $0xFFFFFFC0  }
0x47d: {  	_ =	swait.ge [sflag:s17], $0x80  }
0x47e: {  	[sflag:s17] =	ssyncset.done $0x0  }
0x47f: {  	[sflag:s17] =	ssyncadd.s32 $0xFFFFFF80  }
0x480: {  	v3 =	vld [tilespmem:$0x18A78]  }
0x481: {  	v4 =	vld [tilespmem:$0x18AB8];
	_ =	sdelay $0x6  }
0x482: {  	v5 =	vld.idx.msk [tilespmem:v3+s28+$0x0], $0xffff  }
0x483: {  	v6 =	vld.idx.msk [tilespmem:v4+s29+$0x0], $0xffff;
	_ =	sdelay $0x4  }
0x484: {  	v5 =	vadd.f32 v6, v5;
	_ =	sdelay $0x1  }
0x485: {  	v6 =	vmul.f32 $2.000000030e-01, v5;
	_ =	sdelay $0x1  }
0x486: {  	v5 =	vmax.f32 v5, v6  }
0x487: {  	v5 =	vmul.f32 $1.442695020e+00, v5;
	_ =	sdelay $0x1  }
0x488: {  	(erf) = vpow2.f32 v5;
	_ =	sdelay $0x2  }
0x489: {  	v53 =	vld [tilespmem:$0x18A88]  }
0x48a: {  	v54 =	vld [tilespmem:$0x18AC8];
	_ =	sdelay $0x3  }
0x48b: {  	[tilespmem:$0x18C78] =	vst v3;
	v3 =	vadd.s32 v0, v4  }
0x48c: {  	[tilespmem:$0x18E78] =	vst v3;
	v7 =	vpop (erf)  }
0x48d: {  	[tilespmem:$0x19078] =	vst v7  }
0x48e: {  	v3 =	vld.idx.msk [tilespmem:v53+s28+$0x0], $0xffff  }
0x48f: {  	v55 =	vld.idx.msk [tilespmem:v54+s29+$0x0], $0xffff;
	_ =	sdelay $0x4  }
0x490: {  	v3 =	vadd.f32 v55, v3;
	_ =	sdelay $0x1  }
0x491: {  	v4 =	vmul.f32 $2.000000030e-01, v3;
	_ =	sdelay $0x1  }
0x492: {  	v3 =	vmax.f32 v3, v4  }
0x493: {  	v3 =	vmul.f32 $1.442695020e+00, v3;
	_ =	sdelay $0x1  }
0x494: {  	(erf) = vpow2.f32 v3;
	_ =	sdelay $0x2  }
0x495: {  	v3 =	vld [tilespmem:$0x18A98]  }
0x496: {  	v56 =	vld [tilespmem:$0x18AD8];
	_ =	sdelay $0x3  }
0x497: {  	v58 =	vadd.s32 v0, v54;
	[tilespmem:$0x18C88] =	vst v53  }
0x498: {  	[tilespmem:$0x18E88] =	vst v58;
	v57 =	vpop (erf)  }
0x499: {  	[tilespmem:$0x19088] =	vst v57  }
0x49a: {  	v5 =	vld.idx.msk [tilespmem:v3+s28+$0x0], $0xffff  }
0x49b: {  	v59 =	vld.idx.msk [tilespmem:v56+s29+$0x0], $0xffff;
	_ =	sdelay $0x4  }
0x49c: {  	v5 =	vadd.f32 v59, v5;
	_ =	sdelay $0x1  }
0x49d: {  	v6 =	vmul.f32 $2.000000030e-01, v5;
	_ =	sdelay $0x1  }
0x49e: {  	v5 =	vmax.f32 v5, v6  }
0x49f: {  	v5 =	vmul.f32 $1.442695020e+00, v5;
	_ =	sdelay $0x1  }
0x4a0: {  	(erf) = vpow2.f32 v5;
	_ =	sdelay $0x2  }
0x4a1: {  	v60 =	vld [tilespmem:$0x18AA8]  }
0x4a2: {  	v61 =	vld [tilespmem:$0x18AE8];
	_ =	sdelay $0x3  }
0x4a3: {  	[tilespmem:$0x18C98] =	vst v3;
	v3 =	vadd.s32 v0, v56  }
0x4a4: {  	[tilespmem:$0x18E98] =	vst v3;
	v62 =	vpop (erf)  }
0x4a5: {  	[tilespmem:$0x19098] =	vst v62  }
0x4a6: {  	v3 =	vld.idx.msk [tilespmem:v60+s28+$0x0], $0xffff  }
0x4a7: {  	v63 =	vld.idx.msk [tilespmem:v61+s29+$0x0], $0xffff;
	_ =	sdelay $0x4  }
0x4a8: {  	v3 =	vadd.f32 v63, v3;
	_ =	sdelay $0x1  }
0x4a9: {  	v4 =	vmul.f32 $2.000000030e-01, v3;
	_ =	sdelay $0x1  }
0x4aa: {  	v3 =	vmax.f32 v3, v4  }
0x4ab: {  	v3 =	vmul.f32 $1.442695020e+00, v3;
	_ =	sdelay $0x1  }
0x4ac: {  	(erf) = vpow2.f32 v3;
	_ =	sdelay $0x8  }
0x4ad: {  	[tilespmem:$0x18CA8] =	vst v60;
	v3 =	vpop (erf)  }
.Ltmp17:
0x4ae: {  	[tilespmem:$0x190A8] =	vst v3;
	v3 =	vadd.s32 v0, v61;
	(pc) =	sbr.rel .LBB2_24-.Ltmp17, $4  }
0x4af: {  	s1 =	simm.s32 $0x18E78;
	s12 =	simm.s32 $0x1B1F8;
	[tilespmem:$0x18EA8] =	vst v3  }
0x4b0: {  	[tilespmem:s12], [sflag:$0x8] =	stream.indirect.gather [hbm4b:s7+s10], $0x80, s1, s10, $0xb8;
	[tilespmem:$0x1F478] =	vst v63  }
0x4b1: {  	_ = 	snop  }
0x4b2: {  	[spmem:s3] =	stream.indirect.scatter.add.f32 [tilespmem:s21], [sflag:$0x5], $0x1, s23, s10, $0xb8;
	[tilespmem:$0x1F478] =	vst v63  }
.LBB2_26:
0x4b3: {  	_ =	sfence.sel $0x180000  }
0x4b4: {  	[bflag:$0x0] =	sbarrier.arrive $0xFFFF  }
0x4b5: {  	_ =	strace $0x90000047  }
0x4b6: {  	[bflag:$0x2] =	sbarrier.arrive $0xFFFF  }
0x4b7: {  	s0 =	rddreg [dreg:$0x5]  }
0x4b8: {  	s0 =	sadd.s32 @!p0 $0x100000, s0  }
0x4b9: {  	[sflag:s0] =	ssyncadd.tile.s32 @!p0 $0x1;
	_ =	shalt  }
.Lfunc_end2:
_tile_overlayer_lowered:
.L_overlay_start_2:
0x4ba: {  	(tag) =	ssettag $0x2  }
0x4bb: {  	s0 =	rddreg [dreg:$0x0];
	s2 =	stileid.u32  }
0x4bc: {  	s1 =	rddreg [dreg:$0x1];
	p0 =	sne.s32 s2, $0x0  }
0x4bd: {  	s3 =	rddreg [dreg:$0x2];
	[bflag:$0x3] =	sbarrier.arrive $0xFFFF;
	s2 =	simm.s32 @!p0 $0x1C0D  }
0x4be: {  	[timem:s3], [sflag:s2] =	dma.local @!p0 [hbm:s0], s1  }
0x4bf: {  	s0 =	simm.s32 @!p0 $0xD  }
0x4c0: {  	_ =	swait.ge @!p0 [sflag:s0], s1  }
0x4c1: {  	s1 =	ssub.s32 @!p0 $0x0, s1;
	[sflag:s0] =	ssyncset.done @!p0 $0x0  }
0x4c2: {  	[sflag:s0] =	ssyncadd.s32 @!p0 s1  }
0x4c3: {  	[bflag:$0x3] =	sbarrier.arrive $0xFFFF  }
0x4c4: {  	_ =	shalt  }

</sc_bundles>
